<compile_context>
chip_gen: v7x
topology: tpu7x:2x2x1
jax: 0.10.2.dev20260603
libtpu: 0.0.44.dev20260713+nightly
codegen_flags: <defaults>
</compile_context>

<pallas_src>
import functools

import jax
import jax.numpy as jnp
from jax import lax
from jax.experimental import pallas as pl
from jax.experimental.pallas import tpu as pltpu
from jax.experimental.pallas import tpu_sc as plsc

N = 2048
NT = 4
E = 32768
QR = 256
NQ = N // QR
NSC = 2
NTILE = 16
EPT = E // NTILE
PANEL = QR * N
SLICE = PANEL // NTILE

W_IN = 256
W_OUT = 128
NCH = 2
NCLS = 4
NTGT = 1024
KB = 256
NKB = N // KB



def _adj_body(idx_hbm, val_hbm, o0, o1, o2, o3,
              re, ce, ve, idxb, valb, zbuf, acc, dsem):
    outs = (o0, o1, o2, o3)
    cid = lax.axis_index("c")
    sid = lax.axis_index("s")

    def zb(i, carry):
        zbuf[pl.ds(i * 16, 16)] = jnp.zeros((16,), jnp.float32)
        return carry

    lax.fori_loop(0, SLICE // 16, zb, 0)

    rounds_per_type = NQ // NSC
    prev = None
    for rd in range(NT * rounds_per_type):
        t = rd // rounds_per_type
        q = NSC * (rd % rounds_per_type) + cid
        lo = q * QR

        if rd % rounds_per_type == 0:
            esl = pl.ds(sid * EPT, EPT)
            pltpu.sync_copy(idx_hbm.at[t, 0, esl], re)
            pltpu.sync_copy(idx_hbm.at[t, 1, esl], ce)
            pltpu.sync_copy(val_hbm.at[t, esl], ve)

        def body(i, carry):
            sl = pl.ds(i * 16, 16)
            r = re[sl]
            c = ce[sl]
            v = ve[sl]
            inq = (r >= lo) & (r < lo + QR)
            idxb[sl] = ((c >> 7) << 15) + ((r & (QR - 1)) << 7) + (c & 127)
            valb[sl] = jnp.where(inq, v, jnp.zeros_like(v))
            return carry

        lax.fori_loop(0, EPT // 16, body, 0)

        if prev is not None:
            prev.wait()
        pltpu.sync_copy(zbuf, acc.at[pl.ds(sid * SLICE, SLICE)])

        plsc.subcore_barrier()
        pltpu.sync_copy(valb, acc.at[idxb], add=True)
        plsc.subcore_barrier()

        base = q * PANEL + sid * SLICE
        prev = pltpu.async_copy(acc.at[pl.ds(sid * SLICE, SLICE)],
                                outs[t].at[pl.ds(base, SLICE)], dsem)
    prev.wait()


@functools.cache
def _build_adjacency_call():
    mesh = plsc.VectorSubcoreMesh(core_axis_name="c", subcore_axis_name="s",
                                  num_cores=NSC, num_subcores=NTILE)
    return pl.kernel(
        _adj_body,
        out_type=tuple(jax.ShapeDtypeStruct((N * N,), jnp.float32)
                       for _ in range(NT)),
        mesh=mesh,
        scratch_types=[
            pltpu.VMEM((EPT,), jnp.int32),
            pltpu.VMEM((EPT,), jnp.int32),
            pltpu.VMEM((EPT,), jnp.float32),
            pltpu.VMEM((EPT,), jnp.int32),
            pltpu.VMEM((EPT,), jnp.float32),
            pltpu.VMEM((SLICE,), jnp.float32),
            pltpu.VMEM_SHARED((PANEL,), jnp.float32),
            pltpu.SemaphoreType.DMA,
        ],
    )



def _xw_body(x_ref, w_ref, out_ref):
    xw = jnp.dot(x_ref[...], w_ref[...], preferred_element_type=jnp.float32)
    out_ref[:, 0:W_OUT] = xw
    i = lax.broadcasted_iota(jnp.int32, (N, 128), 1)
    out_ref[:, W_OUT:W_OUT + 128] = jnp.where(i == 0, 1.0, 0.0)


_xw_call = pl.pallas_call(
    _xw_body,
    out_shape=jax.ShapeDtypeStruct((N, 256), jnp.float32),
)



def _chain_body(filt_ref, a0, a1, a2, a3, xw_ref, out_ref, buf0, buf1, mscr):
    s = pl.program_id(0)
    q = pl.program_id(1)
    arefs = (a0, a1, a2, a3)
    rows = pl.ds(pl.multiple_of(q * QR, QR), QR)

    def stage(si, in_at, store):
        for c in range(NCH):
            m = None
            for e in range(NT):
                term = arefs[e][...] * filt_ref[si, c, e]
                m = term if m is None else m + term
            mscr[...] = m
            acc = None
            for ch in range(N // 128):
                mm = mscr[ch * QR:(ch + 1) * QR, :]
                p = jnp.dot(mm, in_at(c, ch),
                            preferred_element_type=jnp.float32)
                acc = p if acc is None else acc + p
            store(c, acc)

    @pl.when(s == 0)
    def _():
        def store(c, val):
            buf0[c, rows, :] = val
        stage(0, lambda c, ch: xw_ref[ch * 128:(ch + 1) * 128, :], store)

    @pl.when(s == 1)
    def _():
        def store(c, val):
            buf1[c, rows, :] = val
        stage(1, lambda c, ch: buf0[c, ch * 128:(ch + 1) * 128, :], store)

    @pl.when(s == 2)
    def _():
        def store(c, val):
            out_ref[c, rows, :] = val
        stage(2, lambda c, ch: buf1[c, ch * 128:(ch + 1) * 128, :], store)


_a_spec = pl.BlockSpec((N // 128 * QR, 128), lambda s, q: (q, 0))

_chain_call = pl.pallas_call(
    _chain_body,
    grid=(3, NQ),
    in_specs=[
        pl.BlockSpec(memory_space=pltpu.SMEM),
        _a_spec, _a_spec, _a_spec, _a_spec,
        pl.BlockSpec((N, 256), lambda s, q: (0, 0)),
    ],
    out_specs=pl.BlockSpec((NCH, N, 256), lambda s, q: (0, 0, 0)),
    out_shape=jax.ShapeDtypeStruct((NCH, N, 256), jnp.float32),
    scratch_shapes=[
        pltpu.VMEM((NCH, N, 256), jnp.float32),
        pltpu.VMEM((NCH, N, 256), jnp.float32),
        pltpu.VMEM((N // 128 * QR, 128), jnp.float32),
    ],
    compiler_params=pltpu.CompilerParams(
        dimension_semantics=("arbitrary", "arbitrary")),
)



def _fin_body(v_ref, bias_ref, lw_ref, lb_ref, tgt_ref, out_ref):
    logits = None
    for c in range(NCH):
        vc = v_ref[c]
        deg = vc[:, W_OUT:W_OUT + 1]
        winv = jnp.where(deg == 0.0, 0.0, 1.0 / deg)
        xc = jnp.maximum(vc[:, 0:W_OUT] * winv + bias_ref[...], 0.0)
        lc = jnp.dot(xc, lw_ref[c * W_OUT:(c + 1) * W_OUT, :],
                     preferred_element_type=jnp.float32)
        logits = lc if logits is None else logits + lc
    tgt = tgt_ref[...]
    oh = (tgt == lax.broadcasted_iota(jnp.int32, (NTGT, N), 1))
    y = jnp.dot(oh.astype(jnp.float32), logits,
                preferred_element_type=jnp.float32)
    out_ref[...] = y + lb_ref[...]


_fin_call = pl.pallas_call(
    _fin_body,
    out_shape=jax.ShapeDtypeStruct((NTGT, NCLS), jnp.float32),
)


def kernel(A_edge_indices, A_edge_values, X, target_x, target, conv_weights,
           gcn_weight, gcn_bias, lin_weight, lin_bias):
    a_parts = _build_adjacency_call()(A_edge_indices.astype(jnp.int32),
                                      A_edge_values.astype(jnp.float32))
    a_mats = [p.reshape(NQ * (N // 128) * QR, 128) for p in a_parts]

    filt = jax.nn.softmax(
        jnp.stack([conv_weights[2], conv_weights[1], conv_weights[0]]), axis=-1)

    xw_aug = _xw_call(X, gcn_weight)
    v = _chain_call(filt, *a_mats, xw_aug)
    y = _fin_call(v, gcn_bias.reshape(1, W_OUT), lin_weight,
                  lin_bias.reshape(1, NCLS),
                  target_x.astype(jnp.int32).reshape(NTGT, 1))
    return y

# --- scband reference (transcript-rebuilt; emitter-appended) ---
"""Pipeline reference for scband-gtn-54838142435461 (READ-ONLY COPY).

The authoritative reference and input builder live on the scoring server;
editing this copy changes nothing except your own understanding.
"""

import jax, jax.numpy as jnp
import numpy as np

NUM_EDGE = 4
NUM_CHANNELS = 2
NUM_LAYERS = 2
NUM_NODES = 2048
W_IN = 256
W_OUT = 128
NUM_CLASS = 4
E_PER = 32768
N_TARGET = 1024


def setup_inputs(seed: int = 0):
    key = jax.random.key(seed)
    ks = jax.random.split(key, 10)
    A_edge_indices = jax.random.randint(ks[0], (NUM_EDGE, 2, E_PER), 0, NUM_NODES)
    A_edge_values = jax.random.uniform(ks[1], (NUM_EDGE, E_PER), dtype=jnp.float32)
    X = jax.random.normal(ks[2], (NUM_NODES, W_IN), dtype=jnp.float32)
    target_x = jax.random.randint(ks[3], (N_TARGET,), 0, NUM_NODES)
    target = jax.random.randint(ks[4], (N_TARGET,), 0, NUM_CLASS)
    # GTConv weights: layer0 has conv1+conv2, each later layer has one conv -> NUM_LAYERS+1 filters
    conv_weights = 0.01 * jax.random.normal(ks[5], (NUM_LAYERS + 1, NUM_CHANNELS, NUM_EDGE), dtype=jnp.float32)
    gcn_weight = jax.random.normal(ks[6], (W_IN, W_OUT), dtype=jnp.float32) * (1.0 / np.sqrt(W_IN))
    gcn_bias = jnp.zeros((W_OUT,), dtype=jnp.float32)
    lin_weight = jax.random.normal(ks[7], (W_OUT * NUM_CHANNELS, NUM_CLASS), dtype=jnp.float32) * (1.0 / np.sqrt(W_OUT * NUM_CHANNELS))
    lin_bias = jnp.zeros((NUM_CLASS,), dtype=jnp.float32)
    return {"A_edge_indices": A_edge_indices, "A_edge_values": A_edge_values, "X": X,
            "target_x": target_x, "target": target, "conv_weights": conv_weights,
            "gcn_weight": gcn_weight, "gcn_bias": gcn_bias,
            "lin_weight": lin_weight, "lin_bias": lin_bias}


def _dense_adj(edge_indices, edge_values):
    # COO -> dense with duplicate coalescing via scatter-add (== torch_sparse.coalesce op='add')
    def one(idx, val):
        return jnp.zeros((NUM_NODES, NUM_NODES), dtype=jnp.float32).at[idx[0], idx[1]].add(val)
    return jax.vmap(one)(edge_indices, edge_values)


def _row_normalize(H):
    # GTN.norm: deg = scatter_add over rows; deg^-1 with inf->0; value scaled by deg_inv[row]
    deg = H.sum(axis=-1)
    deg_inv = jnp.where(deg == 0.0, 0.0, 1.0 / deg)
    return H * deg_inv[..., None]


def reference(A_edge_indices, A_edge_values, X, target_x, target, conv_weights, gcn_weight, gcn_bias, lin_weight, lin_bias):
    A = _dense_adj(A_edge_indices, A_edge_values)
    # GTLayer 0 (first=True): two GTConvs, H = conv1(A) @ conv2(A) per channel
    filt1 = jax.nn.softmax(conv_weights[0], axis=1)
    filt2 = jax.nn.softmax(conv_weights[1], axis=1)
    A1 = jnp.einsum('cj,jnm->cnm', filt1, A)
    A2 = jnp.einsum('cj,jnm->cnm', filt2, A)
    H = jnp.einsum('cnk,ckm->cnm', A1, A2)
    H = _row_normalize(H)
    # subsequent GTLayers (first=False): H = H_prev @ conv1(A)
    for l in range(1, NUM_LAYERS):
        filt = jax.nn.softmax(conv_weights[l + 1], axis=1)
        B = jnp.einsum('cj,jnm->cnm', filt, A)
        H = jnp.einsum('cnk,ckm->cnm', H, B)
        H = _row_normalize(H)
    # shared GCNConv applied per channel: propagate(H_c, X @ W) + bias, relu, concat on features
    XW = X @ gcn_weight
    Xc = jax.nn.relu(jnp.einsum('cnm,md->cnd', H, XW) + gcn_bias)
    X_ = jnp.transpose(Xc, (1, 0, 2)).reshape(NUM_NODES, NUM_CHANNELS * W_OUT)
    y = X_[target_x] @ lin_weight + lin_bias
    return y

if __name__ == "__main__":
    import jax
    _d = setup_inputs()
    print(jax.jit(kernel)(*tuple(_d.values())))

</pallas_src>

<mosaic_0001>
#map = affine_map<(d0, d1) -> (0, 0, 0)>
#map1 = affine_map<(d0, d1) -> (0, 0)>
#map2 = affine_map<(d0, d1) -> (0)>
module attributes {stable_mosaic.version = 14 : i64} {
  func.func @_adj_body(%arg0: i32, %arg1: i32, %arg2: memref<4x2x32768xi32, #tpu.memory_space<hbm>>, %arg3: memref<4x32768xf32, #tpu.memory_space<hbm>>, %arg4: memref<4194304xf32, #tpu.memory_space<hbm>>, %arg5: memref<4194304xf32, #tpu.memory_space<hbm>>, %arg6: memref<4194304xf32, #tpu.memory_space<hbm>>, %arg7: memref<4194304xf32, #tpu.memory_space<hbm>>, %arg8: memref<2048xi32, #tpu.memory_space<vmem>>, %arg9: memref<2048xi32, #tpu.memory_space<vmem>>, %arg10: memref<2048xf32, #tpu.memory_space<vmem>>, %arg11: memref<2048xi32, #tpu.memory_space<vmem>>, %arg12: memref<2048xf32, #tpu.memory_space<vmem>>, %arg13: memref<32768xf32, #tpu.memory_space<vmem>>, %arg14: memref<524288xf32, #tpu.memory_space<vmem_shared>>, %arg15: memref<!tpu.dma_semaphore, #tpu.memory_space<semaphore_mem>>) attributes {dimension_semantics = [#tpu.dimension_semantics<core_parallel>, #tpu.dimension_semantics<subcore_parallel>], iteration_bounds = array<i64: 2, 16>, scalar_prefetch = 0 : i64, scratch_operands = 8 : i64, tpu.core_type = #tpu.core_type<sc_vector_subcore>, window_params = [{transform_indices = #map}, {transform_indices = #map1}, {transform_indices = #map2}, {transform_indices = #map2}, {transform_indices = #map2}, {transform_indices = #map2}]} {
    %scan3A = arith.constant 0 : i32
    %scan3A_0 = arith.constant 0 : i32
    %scan3A_1 = arith.constant 2048 : i32
    %scan3A_2 = arith.addi %scan3A_0, %scan3A_1 : i32
    %scan3A_3 = arith.constant 1 : i32
    scf.for %scan3A_427 = %scan3A_0 to %scan3A_2 step %scan3A_3  : i32 {
      %broadcast_in_dim3A = arith.constant 0.000000e+00 : f32
      %broadcast_in_dim3A_428 = vector.broadcast %broadcast_in_dim3A : f32 to vector<16xf32>
      %mul3A_429 = arith.constant 16 : i32
      %mul3A_430 = arith.muli %scan3A_427, %mul3A_429 : i32
      %swap3A = arith.index_cast %mul3A_430 : i32 to index
      %swap3A_431 = tpu.vector_load %arg13[%swap3A] {strides = array<i32>} : memref<32768xf32, #tpu.memory_space<vmem>>, vector<16xf32>,
      %swap3A_432 = vector.shape_cast %swap3A_431 : vector<16xf32> to vector<16xf32>
      %swap3A_433 = vector.shape_cast %broadcast_in_dim3A_428 : vector<16xf32> to vector<16xf32>
      tpu.vector_store %arg13[%swap3A], %swap3A_433 {strides = array<i32>} : memref<32768xf32, #tpu.memory_space<vmem>>, vector<16xf32>,
    }
    %scan3A_4 = arith.constant 2048 : i32
    %add3A = arith.constant 0 : i32
    %add3A_5 = arith.addi %add3A, %arg0 : i32
    %mul3A = arith.constant 256 : i32
    %mul3A_6 = arith.muli %add3A_5, %mul3A : i32
    %mul3A_7 = arith.constant 2048 : i32
    %mul3A_8 = arith.muli %arg1, %mul3A_7 : i32
    %run_scoped3A = arith.constant 0 : i32
    %run_scoped3A_9 = arith.constant 0 : i32
    "tpu.region"() ({
      %run_scoped3A_427 = tpu.sem_alloc : memref<!tpu.dma_semaphore, #tpu.memory_space<semaphore_mem>>
      %dma_start3A_428 = tpu.memref_slice %arg2[%run_scoped3A, %run_scoped3A_9, %mul3A_8] : memref<4x2x32768xi32, #tpu.memory_space<hbm>> -> memref<1x1x2048xi32, #tpu.memory_space<hbm>>
      %dma_start3A_429 = tpu.memref_squeeze %dma_start3A_428 : memref<1x1x2048xi32, #tpu.memory_space<hbm>> -> memref<2048xi32, #tpu.memory_space<hbm>>
      %dma_start3A_430 = tpu.memref_slice %arg2[%run_scoped3A, %run_scoped3A_9, %mul3A_8] : memref<4x2x32768xi32, #tpu.memory_space<hbm>> -> memref<1x1x2048xi32, #tpu.memory_space<hbm>>
      %dma_start3A_431 = tpu.memref_squeeze %dma_start3A_430 : memref<1x1x2048xi32, #tpu.memory_space<hbm>> -> memref<2048xi32, #tpu.memory_space<hbm>>
      tpu.enqueue_dma source(%dma_start3A_431 : memref<2048xi32, #tpu.memory_space<hbm>>) target(%arg8 : memref<2048xi32, #tpu.memory_space<vmem>>) target_semaphore(%run_scoped3A_427 : memref<!tpu.dma_semaphore, #tpu.memory_space<semaphore_mem>>)
      %dma_wait3A_432 = tpu.memref_slice %arg2[%run_scoped3A, %run_scoped3A_9, %mul3A_8] : memref<4x2x32768xi32, #tpu.memory_space<hbm>> -> memref<1x1x2048xi32, #tpu.memory_space<hbm>>
      %dma_wait3A_433 = tpu.memref_squeeze %dma_wait3A_432 : memref<1x1x2048xi32, #tpu.memory_space<hbm>> -> memref<2048xi32, #tpu.memory_space<hbm>>
      %dma_wait3A_434 = tpu.memref_slice %arg2[%run_scoped3A, %run_scoped3A_9, %mul3A_8] : memref<4x2x32768xi32, #tpu.memory_space<hbm>> -> memref<1x1x2048xi32, #tpu.memory_space<hbm>>
      %dma_wait3A_435 = tpu.memref_squeeze %dma_wait3A_434 : memref<1x1x2048xi32, #tpu.memory_space<hbm>> -> memref<2048xi32, #tpu.memory_space<hbm>>
      tpu.wait_dma2 semaphore(%run_scoped3A_427 : memref<!tpu.dma_semaphore, #tpu.memory_space<semaphore_mem>>) src(%dma_wait3A_435 : memref<2048xi32, #tpu.memory_space<hbm>>) dst(%arg8 : memref<2048xi32, #tpu.memory_space<vmem>>)
      tpu.yield
    }) : () -> ()
    %run_scoped3A_10 = arith.constant 0 : i32
    %run_scoped3A_11 = arith.constant 1 : i32
    "tpu.region"() ({
      %run_scoped3A_427 = tpu.sem_alloc : memref<!tpu.dma_semaphore, #tpu.memory_space<semaphore_mem>>
      %dma_start3A_428 = tpu.memref_slice %arg2[%run_scoped3A_10, %run_scoped3A_11, %mul3A_8] : memref<4x2x32768xi32, #tpu.memory_space<hbm>> -> memref<1x1x2048xi32, #tpu.memory_space<hbm>>
      %dma_start3A_429 = tpu.memref_squeeze %dma_start3A_428 : memref<1x1x2048xi32, #tpu.memory_space<hbm>> -> memref<2048xi32, #tpu.memory_space<hbm>>
      %dma_start3A_430 = tpu.memref_slice %arg2[%run_scoped3A_10, %run_scoped3A_11, %mul3A_8] : memref<4x2x32768xi32, #tpu.memory_space<hbm>> -> memref<1x1x2048xi32, #tpu.memory_space<hbm>>
      %dma_start3A_431 = tpu.memref_squeeze %dma_start3A_430 : memref<1x1x2048xi32, #tpu.memory_space<hbm>> -> memref<2048xi32, #tpu.memory_space<hbm>>
      tpu.enqueue_dma source(%dma_start3A_431 : memref<2048xi32, #tpu.memory_space<hbm>>) target(%arg9 : memref<2048xi32, #tpu.memory_space<vmem>>) target_semaphore(%run_scoped3A_427 : memref<!tpu.dma_semaphore, #tpu.memory_space<semaphore_mem>>)
      %dma_wait3A_432 = tpu.memref_slice %arg2[%run_scoped3A_10, %run_scoped3A_11, %mul3A_8] : memref<4x2x32768xi32, #tpu.memory_space<hbm>> -> memref<1x1x2048xi32, #tpu.memory_space<hbm>>
      %dma_wait3A_433 = tpu.memref_squeeze %dma_wait3A_432 : memref<1x1x2048xi32, #tpu.memory_space<hbm>> -> memref<2048xi32, #tpu.memory_space<hbm>>
      %dma_wait3A_434 = tpu.memref_slice %arg2[%run_scoped3A_10, %run_scoped3A_11, %mul3A_8] : memref<4x2x32768xi32, #tpu.memory_space<hbm>> -> memref<1x1x2048xi32, #tpu.memory_space<hbm>>
      %dma_wait3A_435 = tpu.memref_squeeze %dma_wait3A_434 : memref<1x1x2048xi32, #tpu.memory_space<hbm>> -> memref<2048xi32, #tpu.memory_space<hbm>>
      tpu.wait_dma2 semaphore(%run_scoped3A_427 : memref<!tpu.dma_semaphore, #tpu.memory_space<semaphore_mem>>) src(%dma_wait3A_435 : memref<2048xi32, #tpu.memory_space<hbm>>) dst(%arg9 : memref<2048xi32, #tpu.memory_space<vmem>>)
      tpu.yield
    }) : () -> ()
    %run_scoped3A_12 = arith.constant 0 : i32
    "tpu.region"() ({
      %run_scoped3A_427 = tpu.sem_alloc : memref<!tpu.dma_semaphore, #tpu.memory_space<semaphore_mem>>
      %dma_start3A_428 = tpu.memref_slice %arg3[%run_scoped3A_12, %mul3A_8] : memref<4x32768xf32, #tpu.memory_space<hbm>> -> memref<1x2048xf32, #tpu.memory_space<hbm>>
      %dma_start3A_429 = tpu.memref_squeeze %dma_start3A_428 : memref<1x2048xf32, #tpu.memory_space<hbm>> -> memref<2048xf32, #tpu.memory_space<hbm>>
      %dma_start3A_430 = tpu.memref_slice %arg3[%run_scoped3A_12, %mul3A_8] : memref<4x32768xf32, #tpu.memory_space<hbm>> -> memref<1x2048xf32, #tpu.memory_space<hbm>>
      %dma_start3A_431 = tpu.memref_squeeze %dma_start3A_430 : memref<1x2048xf32, #tpu.memory_space<hbm>> -> memref<2048xf32, #tpu.memory_space<hbm>>
      tpu.enqueue_dma source(%dma_start3A_431 : memref<2048xf32, #tpu.memory_space<hbm>>) target(%arg10 : memref<2048xf32, #tpu.memory_space<vmem>>) target_semaphore(%run_scoped3A_427 : memref<!tpu.dma_semaphore, #tpu.memory_space<semaphore_mem>>)
      %dma_wait3A_432 = tpu.memref_slice %arg3[%run_scoped3A_12, %mul3A_8] : memref<4x32768xf32, #tpu.memory_space<hbm>> -> memref<1x2048xf32, #tpu.memory_space<hbm>>
      %dma_wait3A_433 = tpu.memref_squeeze %dma_wait3A_432 : memref<1x2048xf32, #tpu.memory_space<hbm>> -> memref<2048xf32, #tpu.memory_space<hbm>>
      %dma_wait3A_434 = tpu.memref_slice %arg3[%run_scoped3A_12, %mul3A_8] : memref<4x32768xf32, #tpu.memory_space<hbm>> -> memref<1x2048xf32, #tpu.memory_space<hbm>>
      %dma_wait3A_435 = tpu.memref_squeeze %dma_wait3A_434 : memref<1x2048xf32, #tpu.memory_space<hbm>> -> memref<2048xf32, #tpu.memory_space<hbm>>
      tpu.wait_dma2 semaphore(%run_scoped3A_427 : memref<!tpu.dma_semaphore, #tpu.memory_space<semaphore_mem>>) src(%dma_wait3A_435 : memref<2048xf32, #tpu.memory_space<hbm>>) dst(%arg10 : memref<2048xf32, #tpu.memory_space<vmem>>)
      tpu.yield
    }) : () -> ()
    %scan3A_13 = arith.constant 0 : i32
    %scan3A_14 = arith.constant 0 : i32
    %scan3A_15 = arith.constant 128 : i32
    %scan3A_16 = arith.addi %scan3A_14, %scan3A_15 : i32
    %scan3A_17 = arith.constant 1 : i32
    scf.for %scan3A_427 = %scan3A_14 to %scan3A_16 step %scan3A_17  : i32 {
      %mul3A_428 = arith.constant 16 : i32
      %mul3A_429 = arith.muli %scan3A_427, %mul3A_428 : i32
      %get3A = arith.index_cast %mul3A_429 : i32 to index
      %get3A_430 = tpu.vector_load %arg8[%get3A] {strides = array<i32>} : memref<2048xi32, #tpu.memory_space<vmem>>, vector<16xi32>,
      %get3A_431 = vector.shape_cast %get3A_430 : vector<16xi32> to vector<16xi32>
      %get3A_432 = arith.index_cast %mul3A_429 : i32 to index
      %get3A_433 = tpu.vector_load %arg9[%get3A_432] {strides = array<i32>} : memref<2048xi32, #tpu.memory_space<vmem>>, vector<16xi32>,
      %get3A_434 = vector.shape_cast %get3A_433 : vector<16xi32> to vector<16xi32>
      %get3A_435 = arith.index_cast %mul3A_429 : i32 to index
      %get3A_436 = tpu.vector_load %arg10[%get3A_435] {strides = array<i32>} : memref<2048xf32, #tpu.memory_space<vmem>>, vector<16xf32>,
      %get3A_437 = vector.shape_cast %get3A_436 : vector<16xf32> to vector<16xf32>
      %ge3A = vector.broadcast %mul3A_6 : i32 to vector<16xi32>
      %ge3A_438 = arith.cmpi sge, %get3A_431, %ge3A : vector<16xi32>
      %add3A_439 = arith.constant 256 : i32
      %add3A_440 = arith.addi %mul3A_6, %add3A_439 : i32
      %lt3A = vector.broadcast %add3A_440 : i32 to vector<16xi32>
      %lt3A_441 = arith.cmpi slt, %get3A_431, %lt3A : vector<16xi32>
      %and3A = arith.andi %ge3A_438, %lt3A_441 : vector<16xi1>
      %shift_right_arithmetic3A = arith.constant 7 : i32
      %shift_right_arithmetic3A_442 = vector.broadcast %shift_right_arithmetic3A : i32 to vector<16xi32>
      %shift_right_arithmetic3A_443 = arith.shrsi %get3A_434, %shift_right_arithmetic3A_442 : vector<16xi32>
      %shift_left3A = arith.constant 15 : i32
      %shift_left3A_444 = vector.broadcast %shift_left3A : i32 to vector<16xi32>
      %shift_left3A_445 = arith.shli %shift_right_arithmetic3A_443, %shift_left3A_444 : vector<16xi32>
      %and3A_446 = arith.constant 255 : i32
      %and3A_447 = vector.broadcast %and3A_446 : i32 to vector<16xi32>
      %and3A_448 = arith.andi %get3A_431, %and3A_447 : vector<16xi32>
      %shift_left3A_449 = arith.constant 7 : i32
      %shift_left3A_450 = vector.broadcast %shift_left3A_449 : i32 to vector<16xi32>
      %shift_left3A_451 = arith.shli %and3A_448, %shift_left3A_450 : vector<16xi32>
      %add3A_452 = arith.addi %shift_left3A_445, %shift_left3A_451 : vector<16xi32>
      %and3A_453 = arith.constant 127 : i32
      %and3A_454 = vector.broadcast %and3A_453 : i32 to vector<16xi32>
      %and3A_455 = arith.andi %get3A_434, %and3A_454 : vector<16xi32>
      %add3A_456 = arith.addi %add3A_452, %and3A_455 : vector<16xi32>
      %swap3A = arith.index_cast %mul3A_429 : i32 to index
      %swap3A_457 = tpu.vector_load %arg11[%swap3A] {strides = array<i32>} : memref<2048xi32, #tpu.memory_space<vmem>>, vector<16xi32>,
      %swap3A_458 = vector.shape_cast %swap3A_457 : vector<16xi32> to vector<16xi32>
      %swap3A_459 = vector.shape_cast %add3A_456 : vector<16xi32> to vector<16xi32>
      tpu.vector_store %arg11[%swap3A], %swap3A_459 {strides = array<i32>} : memref<2048xi32, #tpu.memory_space<vmem>>, vector<16xi32>,
      %broadcast_in_dim3A = arith.constant 0.000000e+00 : f32
      %broadcast_in_dim3A_460 = vector.broadcast %broadcast_in_dim3A : f32 to vector<16xf32>
      %select_n3A = arith.select %and3A, %get3A_437, %broadcast_in_dim3A_460 : vector<16xi1>, vector<16xf32>
      %swap3A_461 = arith.index_cast %mul3A_429 : i32 to index
      %swap3A_462 = tpu.vector_load %arg12[%swap3A_461] {strides = array<i32>} : memref<2048xf32, #tpu.memory_space<vmem>>, vector<16xf32>,
      %swap3A_463 = vector.shape_cast %swap3A_462 : vector<16xf32> to vector<16xf32>
      %swap3A_464 = vector.shape_cast %select_n3A : vector<16xf32> to vector<16xf32>
      tpu.vector_store %arg12[%swap3A_461], %swap3A_464 {strides = array<i32>} : memref<2048xf32, #tpu.memory_space<vmem>>, vector<16xf32>,
    }
    %scan3A_18 = arith.constant 128 : i32
    %mul3A_19 = arith.constant 32768 : i32
    %mul3A_20 = arith.muli %arg1, %mul3A_19 : i32
    "tpu.region"() ({
      %run_scoped3A_427 = tpu.sem_alloc : memref<!tpu.dma_semaphore, #tpu.memory_space<semaphore_mem>>
      %dma_start3A_428 = tpu.memref_slice %arg14[%mul3A_20] : memref<524288xf32, #tpu.memory_space<vmem_shared>> -> memref<32768xf32, #tpu.memory_space<vmem_shared>>
      %dma_start3A_429 = tpu.memref_slice %arg14[%mul3A_20] : memref<524288xf32, #tpu.memory_space<vmem_shared>> -> memref<32768xf32, #tpu.memory_space<vmem_shared>>
      tpu.enqueue_dma source(%arg13 : memref<32768xf32, #tpu.memory_space<vmem>>) target(%dma_start3A_429 : memref<32768xf32, #tpu.memory_space<vmem_shared>>) target_semaphore(%run_scoped3A_427 : memref<!tpu.dma_semaphore, #tpu.memory_space<semaphore_mem>>)
      %dma_wait3A_430 = tpu.memref_slice %arg14[%mul3A_20] : memref<524288xf32, #tpu.memory_space<vmem_shared>> -> memref<32768xf32, #tpu.memory_space<vmem_shared>>
      %dma_wait3A_431 = tpu.memref_slice %arg14[%mul3A_20] : memref<524288xf32, #tpu.memory_space<vmem_shared>> -> memref<32768xf32, #tpu.memory_space<vmem_shared>>
      tpu.wait_dma2 semaphore(%run_scoped3A_427 : memref<!tpu.dma_semaphore, #tpu.memory_space<semaphore_mem>>) src(%arg13 : memref<32768xf32, #tpu.memory_space<vmem>>) dst(%dma_wait3A_431 : memref<32768xf32, #tpu.memory_space<vmem_shared>>)
      tpu.yield
    }) : () -> ()
    %barrier3A = arith.constant 0 : index
    tpu.barrier barrier_id(%barrier3A)
    "tpu.region"() ({
      %run_scoped3A_427 = tpu.sem_alloc : memref<!tpu.dma_semaphore, #tpu.memory_space<semaphore_mem>>
      %dma_start3A_428 = arith.constant 0 : i32
      %dma_start3A_429 = tpu.memref_slice %arg14[%dma_start3A_428] : memref<524288xf32, #tpu.memory_space<vmem_shared>> -> memref<524288xf32, #tpu.memory_space<vmem_shared>>
      tpu.enqueue_indirect_dma source(%arg12 : memref<2048xf32, #tpu.memory_space<vmem>>) target(%dma_start3A_429 : memref<524288xf32, #tpu.memory_space<vmem_shared>>) offsets(%arg11 : memref<2048xi32, #tpu.memory_space<vmem>>) semaphore(%run_scoped3A_427 : memref<!tpu.dma_semaphore, #tpu.memory_space<semaphore_mem>>) {add = true}
      %dma_wait3A_430 = arith.constant 0 : i32
      %dma_wait3A_431 = tpu.memref_slice %arg14[%dma_wait3A_430] : memref<524288xf32, #tpu.memory_space<vmem_shared>> -> memref<524288xf32, #tpu.memory_space<vmem_shared>>
      tpu.wait_indirect_dma semaphore(%run_scoped3A_427 : memref<!tpu.dma_semaphore, #tpu.memory_space<semaphore_mem>>) src(%arg12 : memref<2048xf32, #tpu.memory_space<vmem>>) dst(%dma_wait3A_431 : memref<524288xf32, #tpu.memory_space<vmem_shared>>)
      tpu.yield
    }) : () -> ()
    %barrier3A_21 = arith.constant 0 : index
    tpu.barrier barrier_id(%barrier3A_21)
    %mul3A_22 = arith.constant 524288 : i32
    %mul3A_23 = arith.muli %add3A_5, %mul3A_22 : i32
    %mul3A_24 = arith.constant 32768 : i32
    %mul3A_25 = arith.muli %arg1, %mul3A_24 : i32
    %add3A_26 = arith.addi %mul3A_23, %mul3A_25 : i32
    %mul3A_27 = arith.constant 32768 : i32
    %mul3A_28 = arith.muli %arg1, %mul3A_27 : i32
    %dma_start3A = tpu.memref_slice %arg4[%add3A_26] : memref<4194304xf32, #tpu.memory_space<hbm>> -> memref<32768xf32, #tpu.memory_space<hbm>>
    %dma_start3A_29 = tpu.memref_slice %arg14[%mul3A_28] : memref<524288xf32, #tpu.memory_space<vmem_shared>> -> memref<32768xf32, #tpu.memory_space<vmem_shared>>
    tpu.enqueue_dma source(%dma_start3A_29 : memref<32768xf32, #tpu.memory_space<vmem_shared>>) target(%dma_start3A : memref<32768xf32, #tpu.memory_space<hbm>>) target_semaphore(%arg15 : memref<!tpu.dma_semaphore, #tpu.memory_space<semaphore_mem>>)
    %add3A_30 = arith.constant 2 : i32
    %add3A_31 = arith.addi %add3A_30, %arg0 : i32
    %mul3A_32 = arith.constant 256 : i32
    %mul3A_33 = arith.muli %add3A_31, %mul3A_32 : i32
    %scan3A_34 = arith.constant 0 : i32
    %scan3A_35 = arith.constant 0 : i32
    %scan3A_36 = arith.constant 128 : i32
    %scan3A_37 = arith.addi %scan3A_35, %scan3A_36 : i32
    %scan3A_38 = arith.constant 1 : i32
    scf.for %scan3A_427 = %scan3A_35 to %scan3A_37 step %scan3A_38  : i32 {
      %mul3A_428 = arith.constant 16 : i32
      %mul3A_429 = arith.muli %scan3A_427, %mul3A_428 : i32
      %get3A = arith.index_cast %mul3A_429 : i32 to index
      %get3A_430 = tpu.vector_load %arg8[%get3A] {strides = array<i32>} : memref<2048xi32, #tpu.memory_space<vmem>>, vector<16xi32>,
      %get3A_431 = vector.shape_cast %get3A_430 : vector<16xi32> to vector<16xi32>
      %get3A_432 = arith.index_cast %mul3A_429 : i32 to index
      %get3A_433 = tpu.vector_load %arg9[%get3A_432] {strides = array<i32>} : memref<2048xi32, #tpu.memory_space<vmem>>, vector<16xi32>,
      %get3A_434 = vector.shape_cast %get3A_433 : vector<16xi32> to vector<16xi32>
      %get3A_435 = arith.index_cast %mul3A_429 : i32 to index
      %get3A_436 = tpu.vector_load %arg10[%get3A_435] {strides = array<i32>} : memref<2048xf32, #tpu.memory_space<vmem>>, vector<16xf32>,
      %get3A_437 = vector.shape_cast %get3A_436 : vector<16xf32> to vector<16xf32>
      %ge3A = vector.broadcast %mul3A_33 : i32 to vector<16xi32>
      %ge3A_438 = arith.cmpi sge, %get3A_431, %ge3A : vector<16xi32>
      %add3A_439 = arith.constant 256 : i32
      %add3A_440 = arith.addi %mul3A_33, %add3A_439 : i32
      %lt3A = vector.broadcast %add3A_440 : i32 to vector<16xi32>
      %lt3A_441 = arith.cmpi slt, %get3A_431, %lt3A : vector<16xi32>
      %and3A = arith.andi %ge3A_438, %lt3A_441 : vector<16xi1>
      %shift_right_arithmetic3A = arith.constant 7 : i32
      %shift_right_arithmetic3A_442 = vector.broadcast %shift_right_arithmetic3A : i32 to vector<16xi32>
      %shift_right_arithmetic3A_443 = arith.shrsi %get3A_434, %shift_right_arithmetic3A_442 : vector<16xi32>
      %shift_left3A = arith.constant 15 : i32
      %shift_left3A_444 = vector.broadcast %shift_left3A : i32 to vector<16xi32>
      %shift_left3A_445 = arith.shli %shift_right_arithmetic3A_443, %shift_left3A_444 : vector<16xi32>
      %and3A_446 = arith.constant 255 : i32
      %and3A_447 = vector.broadcast %and3A_446 : i32 to vector<16xi32>
      %and3A_448 = arith.andi %get3A_431, %and3A_447 : vector<16xi32>
      %shift_left3A_449 = arith.constant 7 : i32
      %shift_left3A_450 = vector.broadcast %shift_left3A_449 : i32 to vector<16xi32>
      %shift_left3A_451 = arith.shli %and3A_448, %shift_left3A_450 : vector<16xi32>
      %add3A_452 = arith.addi %shift_left3A_445, %shift_left3A_451 : vector<16xi32>
      %and3A_453 = arith.constant 127 : i32
      %and3A_454 = vector.broadcast %and3A_453 : i32 to vector<16xi32>
      %and3A_455 = arith.andi %get3A_434, %and3A_454 : vector<16xi32>
      %add3A_456 = arith.addi %add3A_452, %and3A_455 : vector<16xi32>
      %swap3A = arith.index_cast %mul3A_429 : i32 to index
      %swap3A_457 = tpu.vector_load %arg11[%swap3A] {strides = array<i32>} : memref<2048xi32, #tpu.memory_space<vmem>>, vector<16xi32>,
      %swap3A_458 = vector.shape_cast %swap3A_457 : vector<16xi32> to vector<16xi32>
      %swap3A_459 = vector.shape_cast %add3A_456 : vector<16xi32> to vector<16xi32>
      tpu.vector_store %arg11[%swap3A], %swap3A_459 {strides = array<i32>} : memref<2048xi32, #tpu.memory_space<vmem>>, vector<16xi32>,
      %broadcast_in_dim3A = arith.constant 0.000000e+00 : f32
      %broadcast_in_dim3A_460 = vector.broadcast %broadcast_in_dim3A : f32 to vector<16xf32>
      %select_n3A = arith.select %and3A, %get3A_437, %broadcast_in_dim3A_460 : vector<16xi1>, vector<16xf32>
      %swap3A_461 = arith.index_cast %mul3A_429 : i32 to index
      %swap3A_462 = tpu.vector_load %arg12[%swap3A_461] {strides = array<i32>} : memref<2048xf32, #tpu.memory_space<vmem>>, vector<16xf32>,
      %swap3A_463 = vector.shape_cast %swap3A_462 : vector<16xf32> to vector<16xf32>
      %swap3A_464 = vector.shape_cast %select_n3A : vector<16xf32> to vector<16xf32>
      tpu.vector_store %arg12[%swap3A_461], %swap3A_464 {strides = array<i32>} : memref<2048xf32, #tpu.memory_space<vmem>>, vector<16xf32>,
    }
    %scan3A_39 = arith.constant 128 : i32
    %dma_wait3A = tpu.memref_slice %arg4[%add3A_26] : memref<4194304xf32, #tpu.memory_space<hbm>> -> memref<32768xf32, #tpu.memory_space<hbm>>
    %dma_wait3A_40 = tpu.memref_slice %arg14[%mul3A_28] : memref<524288xf32, #tpu.memory_space<vmem_shared>> -> memref<32768xf32, #tpu.memory_space<vmem_shared>>
    tpu.wait_dma2 semaphore(%arg15 : memref<!tpu.dma_semaphore, #tpu.memory_space<semaphore_mem>>) src(%dma_wait3A_40 : memref<32768xf32, #tpu.memory_space<vmem_shared>>) dst(%dma_wait3A : memref<32768xf32, #tpu.memory_space<hbm>>)
    %mul3A_41 = arith.constant 32768 : i32
    %mul3A_42 = arith.muli %arg1, %mul3A_41 : i32
    "tpu.region"() ({
      %run_scoped3A_427 = tpu.sem_alloc : memref<!tpu.dma_semaphore, #tpu.memory_space<semaphore_mem>>
      %dma_start3A_428 = tpu.memref_slice %arg14[%mul3A_42] : memref<524288xf32, #tpu.memory_space<vmem_shared>> -> memref<32768xf32, #tpu.memory_space<vmem_shared>>
      %dma_start3A_429 = tpu.memref_slice %arg14[%mul3A_42] : memref<524288xf32, #tpu.memory_space<vmem_shared>> -> memref<32768xf32, #tpu.memory_space<vmem_shared>>
      tpu.enqueue_dma source(%arg13 : memref<32768xf32, #tpu.memory_space<vmem>>) target(%dma_start3A_429 : memref<32768xf32, #tpu.memory_space<vmem_shared>>) target_semaphore(%run_scoped3A_427 : memref<!tpu.dma_semaphore, #tpu.memory_space<semaphore_mem>>)
      %dma_wait3A_430 = tpu.memref_slice %arg14[%mul3A_42] : memref<524288xf32, #tpu.memory_space<vmem_shared>> -> memref<32768xf32, #tpu.memory_space<vmem_shared>>
      %dma_wait3A_431 = tpu.memref_slice %arg14[%mul3A_42] : memref<524288xf32, #tpu.memory_space<vmem_shared>> -> memref<32768xf32, #tpu.memory_space<vmem_shared>>
      tpu.wait_dma2 semaphore(%run_scoped3A_427 : memref<!tpu.dma_semaphore, #tpu.memory_space<semaphore_mem>>) src(%arg13 : memref<32768xf32, #tpu.memory_space<vmem>>) dst(%dma_wait3A_431 : memref<32768xf32, #tpu.memory_space<vmem_shared>>)
      tpu.yield
    }) : () -> ()
    %barrier3A_43 = arith.constant 0 : index
    tpu.barrier barrier_id(%barrier3A_43)
    "tpu.region"() ({
      %run_scoped3A_427 = tpu.sem_alloc : memref<!tpu.dma_semaphore, #tpu.memory_space<semaphore_mem>>
      %dma_start3A_428 = arith.constant 0 : i32
      %dma_start3A_429 = tpu.memref_slice %arg14[%dma_start3A_428] : memref<524288xf32, #tpu.memory_space<vmem_shared>> -> memref<524288xf32, #tpu.memory_space<vmem_shared>>
      tpu.enqueue_indirect_dma source(%arg12 : memref<2048xf32, #tpu.memory_space<vmem>>) target(%dma_start3A_429 : memref<524288xf32, #tpu.memory_space<vmem_shared>>) offsets(%arg11 : memref<2048xi32, #tpu.memory_space<vmem>>) semaphore(%run_scoped3A_427 : memref<!tpu.dma_semaphore, #tpu.memory_space<semaphore_mem>>) {add = true}
      %dma_wait3A_430 = arith.constant 0 : i32
      %dma_wait3A_431 = tpu.memref_slice %arg14[%dma_wait3A_430] : memref<524288xf32, #tpu.memory_space<vmem_shared>> -> memref<524288xf32, #tpu.memory_space<vmem_shared>>
      tpu.wait_indirect_dma semaphore(%run_scoped3A_427 : memref<!tpu.dma_semaphore, #tpu.memory_space<semaphore_mem>>) src(%arg12 : memref<2048xf32, #tpu.memory_space<vmem>>) dst(%dma_wait3A_431 : memref<524288xf32, #tpu.memory_space<vmem_shared>>)
      tpu.yield
    }) : () -> ()
    %barrier3A_44 = arith.constant 0 : index
    tpu.barrier barrier_id(%barrier3A_44)
    %mul3A_45 = arith.constant 524288 : i32
    %mul3A_46 = arith.muli %add3A_31, %mul3A_45 : i32
    %mul3A_47 = arith.constant 32768 : i32
    %mul3A_48 = arith.muli %arg1, %mul3A_47 : i32
    %add3A_49 = arith.addi %mul3A_46, %mul3A_48 : i32
    %mul3A_50 = arith.constant 32768 : i32
    %mul3A_51 = arith.muli %arg1, %mul3A_50 : i32
    %dma_start3A_52 = tpu.memref_slice %arg4[%add3A_49] : memref<4194304xf32, #tpu.memory_space<hbm>> -> memref<32768xf32, #tpu.memory_space<hbm>>
    %dma_start3A_53 = tpu.memref_slice %arg14[%mul3A_51] : memref<524288xf32, #tpu.memory_space<vmem_shared>> -> memref<32768xf32, #tpu.memory_space<vmem_shared>>
    tpu.enqueue_dma source(%dma_start3A_53 : memref<32768xf32, #tpu.memory_space<vmem_shared>>) target(%dma_start3A_52 : memref<32768xf32, #tpu.memory_space<hbm>>) target_semaphore(%arg15 : memref<!tpu.dma_semaphore, #tpu.memory_space<semaphore_mem>>)
    %add3A_54 = arith.constant 4 : i32
    %add3A_55 = arith.addi %add3A_54, %arg0 : i32
    %mul3A_56 = arith.constant 256 : i32
    %mul3A_57 = arith.muli %add3A_55, %mul3A_56 : i32
    %scan3A_58 = arith.constant 0 : i32
    %scan3A_59 = arith.constant 0 : i32
    %scan3A_60 = arith.constant 128 : i32
    %scan3A_61 = arith.addi %scan3A_59, %scan3A_60 : i32
    %scan3A_62 = arith.constant 1 : i32
    scf.for %scan3A_427 = %scan3A_59 to %scan3A_61 step %scan3A_62  : i32 {
      %mul3A_428 = arith.constant 16 : i32
      %mul3A_429 = arith.muli %scan3A_427, %mul3A_428 : i32
      %get3A = arith.index_cast %mul3A_429 : i32 to index
      %get3A_430 = tpu.vector_load %arg8[%get3A] {strides = array<i32>} : memref<2048xi32, #tpu.memory_space<vmem>>, vector<16xi32>,
      %get3A_431 = vector.shape_cast %get3A_430 : vector<16xi32> to vector<16xi32>
      %get3A_432 = arith.index_cast %mul3A_429 : i32 to index
      %get3A_433 = tpu.vector_load %arg9[%get3A_432] {strides = array<i32>} : memref<2048xi32, #tpu.memory_space<vmem>>, vector<16xi32>,
      %get3A_434 = vector.shape_cast %get3A_433 : vector<16xi32> to vector<16xi32>
      %get3A_435 = arith.index_cast %mul3A_429 : i32 to index
      %get3A_436 = tpu.vector_load %arg10[%get3A_435] {strides = array<i32>} : memref<2048xf32, #tpu.memory_space<vmem>>, vector<16xf32>,
      %get3A_437 = vector.shape_cast %get3A_436 : vector<16xf32> to vector<16xf32>
      %ge3A = vector.broadcast %mul3A_57 : i32 to vector<16xi32>
      %ge3A_438 = arith.cmpi sge, %get3A_431, %ge3A : vector<16xi32>
      %add3A_439 = arith.constant 256 : i32
      %add3A_440 = arith.addi %mul3A_57, %add3A_439 : i32
      %lt3A = vector.broadcast %add3A_440 : i32 to vector<16xi32>
      %lt3A_441 = arith.cmpi slt, %get3A_431, %lt3A : vector<16xi32>
      %and3A = arith.andi %ge3A_438, %lt3A_441 : vector<16xi1>
      %shift_right_arithmetic3A = arith.constant 7 : i32
      %shift_right_arithmetic3A_442 = vector.broadcast %shift_right_arithmetic3A : i32 to vector<16xi32>
      %shift_right_arithmetic3A_443 = arith.shrsi %get3A_434, %shift_right_arithmetic3A_442 : vector<16xi32>
      %shift_left3A = arith.constant 15 : i32
      %shift_left3A_444 = vector.broadcast %shift_left3A : i32 to vector<16xi32>
      %shift_left3A_445 = arith.shli %shift_right_arithmetic3A_443, %shift_left3A_444 : vector<16xi32>
      %and3A_446 = arith.constant 255 : i32
      %and3A_447 = vector.broadcast %and3A_446 : i32 to vector<16xi32>
      %and3A_448 = arith.andi %get3A_431, %and3A_447 : vector<16xi32>
      %shift_left3A_449 = arith.constant 7 : i32
      %shift_left3A_450 = vector.broadcast %shift_left3A_449 : i32 to vector<16xi32>
      %shift_left3A_451 = arith.shli %and3A_448, %shift_left3A_450 : vector<16xi32>
      %add3A_452 = arith.addi %shift_left3A_445, %shift_left3A_451 : vector<16xi32>
      %and3A_453 = arith.constant 127 : i32
      %and3A_454 = vector.broadcast %and3A_453 : i32 to vector<16xi32>
      %and3A_455 = arith.andi %get3A_434, %and3A_454 : vector<16xi32>
      %add3A_456 = arith.addi %add3A_452, %and3A_455 : vector<16xi32>
      %swap3A = arith.index_cast %mul3A_429 : i32 to index
      %swap3A_457 = tpu.vector_load %arg11[%swap3A] {strides = array<i32>} : memref<2048xi32, #tpu.memory_space<vmem>>, vector<16xi32>,
      %swap3A_458 = vector.shape_cast %swap3A_457 : vector<16xi32> to vector<16xi32>
      %swap3A_459 = vector.shape_cast %add3A_456 : vector<16xi32> to vector<16xi32>
      tpu.vector_store %arg11[%swap3A], %swap3A_459 {strides = array<i32>} : memref<2048xi32, #tpu.memory_space<vmem>>, vector<16xi32>,
      %broadcast_in_dim3A = arith.constant 0.000000e+00 : f32
      %broadcast_in_dim3A_460 = vector.broadcast %broadcast_in_dim3A : f32 to vector<16xf32>
      %select_n3A = arith.select %and3A, %get3A_437, %broadcast_in_dim3A_460 : vector<16xi1>, vector<16xf32>
      %swap3A_461 = arith.index_cast %mul3A_429 : i32 to index
      %swap3A_462 = tpu.vector_load %arg12[%swap3A_461] {strides = array<i32>} : memref<2048xf32, #tpu.memory_space<vmem>>, vector<16xf32>,
      %swap3A_463 = vector.shape_cast %swap3A_462 : vector<16xf32> to vector<16xf32>
      %swap3A_464 = vector.shape_cast %select_n3A : vector<16xf32> to vector<16xf32>
      tpu.vector_store %arg12[%swap3A_461], %swap3A_464 {strides = array<i32>} : memref<2048xf32, #tpu.memory_space<vmem>>, vector<16xf32>,
    }
    %scan3A_63 = arith.constant 128 : i32
    %dma_wait3A_64 = tpu.memref_slice %arg4[%add3A_49] : memref<4194304xf32, #tpu.memory_space<hbm>> -> memref<32768xf32, #tpu.memory_space<hbm>>
    %dma_wait3A_65 = tpu.memref_slice %arg14[%mul3A_51] : memref<524288xf32, #tpu.memory_space<vmem_shared>> -> memref<32768xf32, #tpu.memory_space<vmem_shared>>
    tpu.wait_dma2 semaphore(%arg15 : memref<!tpu.dma_semaphore, #tpu.memory_space<semaphore_mem>>) src(%dma_wait3A_65 : memref<32768xf32, #tpu.memory_space<vmem_shared>>) dst(%dma_wait3A_64 : memref<32768xf32, #tpu.memory_space<hbm>>)
    %mul3A_66 = arith.constant 32768 : i32
    %mul3A_67 = arith.muli %arg1, %mul3A_66 : i32
    "tpu.region"() ({
      %run_scoped3A_427 = tpu.sem_alloc : memref<!tpu.dma_semaphore, #tpu.memory_space<semaphore_mem>>
      %dma_start3A_428 = tpu.memref_slice %arg14[%mul3A_67] : memref<524288xf32, #tpu.memory_space<vmem_shared>> -> memref<32768xf32, #tpu.memory_space<vmem_shared>>
      %dma_start3A_429 = tpu.memref_slice %arg14[%mul3A_67] : memref<524288xf32, #tpu.memory_space<vmem_shared>> -> memref<32768xf32, #tpu.memory_space<vmem_shared>>
      tpu.enqueue_dma source(%arg13 : memref<32768xf32, #tpu.memory_space<vmem>>) target(%dma_start3A_429 : memref<32768xf32, #tpu.memory_space<vmem_shared>>) target_semaphore(%run_scoped3A_427 : memref<!tpu.dma_semaphore, #tpu.memory_space<semaphore_mem>>)
      %dma_wait3A_430 = tpu.memref_slice %arg14[%mul3A_67] : memref<524288xf32, #tpu.memory_space<vmem_shared>> -> memref<32768xf32, #tpu.memory_space<vmem_shared>>
      %dma_wait3A_431 = tpu.memref_slice %arg14[%mul3A_67] : memref<524288xf32, #tpu.memory_space<vmem_shared>> -> memref<32768xf32, #tpu.memory_space<vmem_shared>>
      tpu.wait_dma2 semaphore(%run_scoped3A_427 : memref<!tpu.dma_semaphore, #tpu.memory_space<semaphore_mem>>) src(%arg13 : memref<32768xf32, #tpu.memory_space<vmem>>) dst(%dma_wait3A_431 : memref<32768xf32, #tpu.memory_space<vmem_shared>>)
      tpu.yield
    }) : () -> ()
    %barrier3A_68 = arith.constant 0 : index
    tpu.barrier barrier_id(%barrier3A_68)
    "tpu.region"() ({
      %run_scoped3A_427 = tpu.sem_alloc : memref<!tpu.dma_semaphore, #tpu.memory_space<semaphore_mem>>
      %dma_start3A_428 = arith.constant 0 : i32
      %dma_start3A_429 = tpu.memref_slice %arg14[%dma_start3A_428] : memref<524288xf32, #tpu.memory_space<vmem_shared>> -> memref<524288xf32, #tpu.memory_space<vmem_shared>>
      tpu.enqueue_indirect_dma source(%arg12 : memref<2048xf32, #tpu.memory_space<vmem>>) target(%dma_start3A_429 : memref<524288xf32, #tpu.memory_space<vmem_shared>>) offsets(%arg11 : memref<2048xi32, #tpu.memory_space<vmem>>) semaphore(%run_scoped3A_427 : memref<!tpu.dma_semaphore, #tpu.memory_space<semaphore_mem>>) {add = true}
      %dma_wait3A_430 = arith.constant 0 : i32
      %dma_wait3A_431 = tpu.memref_slice %arg14[%dma_wait3A_430] : memref<524288xf32, #tpu.memory_space<vmem_shared>> -> memref<524288xf32, #tpu.memory_space<vmem_shared>>
      tpu.wait_indirect_dma semaphore(%run_scoped3A_427 : memref<!tpu.dma_semaphore, #tpu.memory_space<semaphore_mem>>) src(%arg12 : memref<2048xf32, #tpu.memory_space<vmem>>) dst(%dma_wait3A_431 : memref<524288xf32, #tpu.memory_space<vmem_shared>>)
      tpu.yield
    }) : () -> ()
    %barrier3A_69 = arith.constant 0 : index
    tpu.barrier barrier_id(%barrier3A_69)
    %mul3A_70 = arith.constant 524288 : i32
    %mul3A_71 = arith.muli %add3A_55, %mul3A_70 : i32
    %mul3A_72 = arith.constant 32768 : i32
    %mul3A_73 = arith.muli %arg1, %mul3A_72 : i32
    %add3A_74 = arith.addi %mul3A_71, %mul3A_73 : i32
    %mul3A_75 = arith.constant 32768 : i32
    %mul3A_76 = arith.muli %arg1, %mul3A_75 : i32
    %dma_start3A_77 = tpu.memref_slice %arg4[%add3A_74] : memref<4194304xf32, #tpu.memory_space<hbm>> -> memref<32768xf32, #tpu.memory_space<hbm>>
    %dma_start3A_78 = tpu.memref_slice %arg14[%mul3A_76] : memref<524288xf32, #tpu.memory_space<vmem_shared>> -> memref<32768xf32, #tpu.memory_space<vmem_shared>>
    tpu.enqueue_dma source(%dma_start3A_78 : memref<32768xf32, #tpu.memory_space<vmem_shared>>) target(%dma_start3A_77 : memref<32768xf32, #tpu.memory_space<hbm>>) target_semaphore(%arg15 : memref<!tpu.dma_semaphore, #tpu.memory_space<semaphore_mem>>)
    %add3A_79 = arith.constant 6 : i32
    %add3A_80 = arith.addi %add3A_79, %arg0 : i32
    %mul3A_81 = arith.constant 256 : i32
    %mul3A_82 = arith.muli %add3A_80, %mul3A_81 : i32
    %scan3A_83 = arith.constant 0 : i32
    %scan3A_84 = arith.constant 0 : i32
    %scan3A_85 = arith.constant 128 : i32
    %scan3A_86 = arith.addi %scan3A_84, %scan3A_85 : i32
    %scan3A_87 = arith.constant 1 : i32
    scf.for %scan3A_427 = %scan3A_84 to %scan3A_86 step %scan3A_87  : i32 {
      %mul3A_428 = arith.constant 16 : i32
      %mul3A_429 = arith.muli %scan3A_427, %mul3A_428 : i32
      %get3A = arith.index_cast %mul3A_429 : i32 to index
      %get3A_430 = tpu.vector_load %arg8[%get3A] {strides = array<i32>} : memref<2048xi32, #tpu.memory_space<vmem>>, vector<16xi32>,
      %get3A_431 = vector.shape_cast %get3A_430 : vector<16xi32> to vector<16xi32>
      %get3A_432 = arith.index_cast %mul3A_429 : i32 to index
      %get3A_433 = tpu.vector_load %arg9[%get3A_432] {strides = array<i32>} : memref<2048xi32, #tpu.memory_space<vmem>>, vector<16xi32>,
      %get3A_434 = vector.shape_cast %get3A_433 : vector<16xi32> to vector<16xi32>
      %get3A_435 = arith.index_cast %mul3A_429 : i32 to index
      %get3A_436 = tpu.vector_load %arg10[%get3A_435] {strides = array<i32>} : memref<2048xf32, #tpu.memory_space<vmem>>, vector<16xf32>,
      %get3A_437 = vector.shape_cast %get3A_436 : vector<16xf32> to vector<16xf32>
      %ge3A = vector.broadcast %mul3A_82 : i32 to vector<16xi32>
      %ge3A_438 = arith.cmpi sge, %get3A_431, %ge3A : vector<16xi32>
      %add3A_439 = arith.constant 256 : i32
      %add3A_440 = arith.addi %mul3A_82, %add3A_439 : i32
      %lt3A = vector.broadcast %add3A_440 : i32 to vector<16xi32>
      %lt3A_441 = arith.cmpi slt, %get3A_431, %lt3A : vector<16xi32>
      %and3A = arith.andi %ge3A_438, %lt3A_441 : vector<16xi1>
      %shift_right_arithmetic3A = arith.constant 7 : i32
      %shift_right_arithmetic3A_442 = vector.broadcast %shift_right_arithmetic3A : i32 to vector<16xi32>
      %shift_right_arithmetic3A_443 = arith.shrsi %get3A_434, %shift_right_arithmetic3A_442 : vector<16xi32>
      %shift_left3A = arith.constant 15 : i32
      %shift_left3A_444 = vector.broadcast %shift_left3A : i32 to vector<16xi32>
      %shift_left3A_445 = arith.shli %shift_right_arithmetic3A_443, %shift_left3A_444 : vector<16xi32>
      %and3A_446 = arith.constant 255 : i32
      %and3A_447 = vector.broadcast %and3A_446 : i32 to vector<16xi32>
      %and3A_448 = arith.andi %get3A_431, %and3A_447 : vector<16xi32>
      %shift_left3A_449 = arith.constant 7 : i32
      %shift_left3A_450 = vector.broadcast %shift_left3A_449 : i32 to vector<16xi32>
      %shift_left3A_451 = arith.shli %and3A_448, %shift_left3A_450 : vector<16xi32>
      %add3A_452 = arith.addi %shift_left3A_445, %shift_left3A_451 : vector<16xi32>
      %and3A_453 = arith.constant 127 : i32
      %and3A_454 = vector.broadcast %and3A_453 : i32 to vector<16xi32>
      %and3A_455 = arith.andi %get3A_434, %and3A_454 : vector<16xi32>
      %add3A_456 = arith.addi %add3A_452, %and3A_455 : vector<16xi32>
      %swap3A = arith.index_cast %mul3A_429 : i32 to index
      %swap3A_457 = tpu.vector_load %arg11[%swap3A] {strides = array<i32>} : memref<2048xi32, #tpu.memory_space<vmem>>, vector<16xi32>,
      %swap3A_458 = vector.shape_cast %swap3A_457 : vector<16xi32> to vector<16xi32>
      %swap3A_459 = vector.shape_cast %add3A_456 : vector<16xi32> to vector<16xi32>
      tpu.vector_store %arg11[%swap3A], %swap3A_459 {strides = array<i32>} : memref<2048xi32, #tpu.memory_space<vmem>>, vector<16xi32>,
      %broadcast_in_dim3A = arith.constant 0.000000e+00 : f32
      %broadcast_in_dim3A_460 = vector.broadcast %broadcast_in_dim3A : f32 to vector<16xf32>
      %select_n3A = arith.select %and3A, %get3A_437, %broadcast_in_dim3A_460 : vector<16xi1>, vector<16xf32>
      %swap3A_461 = arith.index_cast %mul3A_429 : i32 to index
      %swap3A_462 = tpu.vector_load %arg12[%swap3A_461] {strides = array<i32>} : memref<2048xf32, #tpu.memory_space<vmem>>, vector<16xf32>,
      %swap3A_463 = vector.shape_cast %swap3A_462 : vector<16xf32> to vector<16xf32>
      %swap3A_464 = vector.shape_cast %select_n3A : vector<16xf32> to vector<16xf32>
      tpu.vector_store %arg12[%swap3A_461], %swap3A_464 {strides = array<i32>} : memref<2048xf32, #tpu.memory_space<vmem>>, vector<16xf32>,
    }
    %scan3A_88 = arith.constant 128 : i32
    %dma_wait3A_89 = tpu.memref_slice %arg4[%add3A_74] : memref<4194304xf32, #tpu.memory_space<hbm>> -> memref<32768xf32, #tpu.memory_space<hbm>>
    %dma_wait3A_90 = tpu.memref_slice %arg14[%mul3A_76] : memref<524288xf32, #tpu.memory_space<vmem_shared>> -> memref<32768xf32, #tpu.memory_space<vmem_shared>>
    tpu.wait_dma2 semaphore(%arg15 : memref<!tpu.dma_semaphore, #tpu.memory_space<semaphore_mem>>) src(%dma_wait3A_90 : memref<32768xf32, #tpu.memory_space<vmem_shared>>) dst(%dma_wait3A_89 : memref<32768xf32, #tpu.memory_space<hbm>>)
    %mul3A_91 = arith.constant 32768 : i32
    %mul3A_92 = arith.muli %arg1, %mul3A_91 : i32
    "tpu.region"() ({
      %run_scoped3A_427 = tpu.sem_alloc : memref<!tpu.dma_semaphore, #tpu.memory_space<semaphore_mem>>
      %dma_start3A_428 = tpu.memref_slice %arg14[%mul3A_92] : memref<524288xf32, #tpu.memory_space<vmem_shared>> -> memref<32768xf32, #tpu.memory_space<vmem_shared>>
      %dma_start3A_429 = tpu.memref_slice %arg14[%mul3A_92] : memref<524288xf32, #tpu.memory_space<vmem_shared>> -> memref<32768xf32, #tpu.memory_space<vmem_shared>>
      tpu.enqueue_dma source(%arg13 : memref<32768xf32, #tpu.memory_space<vmem>>) target(%dma_start3A_429 : memref<32768xf32, #tpu.memory_space<vmem_shared>>) target_semaphore(%run_scoped3A_427 : memref<!tpu.dma_semaphore, #tpu.memory_space<semaphore_mem>>)
      %dma_wait3A_430 = tpu.memref_slice %arg14[%mul3A_92] : memref<524288xf32, #tpu.memory_space<vmem_shared>> -> memref<32768xf32, #tpu.memory_space<vmem_shared>>
      %dma_wait3A_431 = tpu.memref_slice %arg14[%mul3A_92] : memref<524288xf32, #tpu.memory_space<vmem_shared>> -> memref<32768xf32, #tpu.memory_space<vmem_shared>>
      tpu.wait_dma2 semaphore(%run_scoped3A_427 : memref<!tpu.dma_semaphore, #tpu.memory_space<semaphore_mem>>) src(%arg13 : memref<32768xf32, #tpu.memory_space<vmem>>) dst(%dma_wait3A_431 : memref<32768xf32, #tpu.memory_space<vmem_shared>>)
      tpu.yield
    }) : () -> ()
    %barrier3A_93 = arith.constant 0 : index
    tpu.barrier barrier_id(%barrier3A_93)
    "tpu.region"() ({
      %run_scoped3A_427 = tpu.sem_alloc : memref<!tpu.dma_semaphore, #tpu.memory_space<semaphore_mem>>
      %dma_start3A_428 = arith.constant 0 : i32
      %dma_start3A_429 = tpu.memref_slice %arg14[%dma_start3A_428] : memref<524288xf32, #tpu.memory_space<vmem_shared>> -> memref<524288xf32, #tpu.memory_space<vmem_shared>>
      tpu.enqueue_indirect_dma source(%arg12 : memref<2048xf32, #tpu.memory_space<vmem>>) target(%dma_start3A_429 : memref<524288xf32, #tpu.memory_space<vmem_shared>>) offsets(%arg11 : memref<2048xi32, #tpu.memory_space<vmem>>) semaphore(%run_scoped3A_427 : memref<!tpu.dma_semaphore, #tpu.memory_space<semaphore_mem>>) {add = true}
      %dma_wait3A_430 = arith.constant 0 : i32
      %dma_wait3A_431 = tpu.memref_slice %arg14[%dma_wait3A_430] : memref<524288xf32, #tpu.memory_space<vmem_shared>> -> memref<524288xf32, #tpu.memory_space<vmem_shared>>
      tpu.wait_indirect_dma semaphore(%run_scoped3A_427 : memref<!tpu.dma_semaphore, #tpu.memory_space<semaphore_mem>>) src(%arg12 : memref<2048xf32, #tpu.memory_space<vmem>>) dst(%dma_wait3A_431 : memref<524288xf32, #tpu.memory_space<vmem_shared>>)
      tpu.yield
    }) : () -> ()
    %barrier3A_94 = arith.constant 0 : index
    tpu.barrier barrier_id(%barrier3A_94)
    %mul3A_95 = arith.constant 524288 : i32
    %mul3A_96 = arith.muli %add3A_80, %mul3A_95 : i32
    %mul3A_97 = arith.constant 32768 : i32
    %mul3A_98 = arith.muli %arg1, %mul3A_97 : i32
    %add3A_99 = arith.addi %mul3A_96, %mul3A_98 : i32
    %mul3A_100 = arith.constant 32768 : i32
    %mul3A_101 = arith.muli %arg1, %mul3A_100 : i32
    %dma_start3A_102 = tpu.memref_slice %arg4[%add3A_99] : memref<4194304xf32, #tpu.memory_space<hbm>> -> memref<32768xf32, #tpu.memory_space<hbm>>
    %dma_start3A_103 = tpu.memref_slice %arg14[%mul3A_101] : memref<524288xf32, #tpu.memory_space<vmem_shared>> -> memref<32768xf32, #tpu.memory_space<vmem_shared>>
    tpu.enqueue_dma source(%dma_start3A_103 : memref<32768xf32, #tpu.memory_space<vmem_shared>>) target(%dma_start3A_102 : memref<32768xf32, #tpu.memory_space<hbm>>) target_semaphore(%arg15 : memref<!tpu.dma_semaphore, #tpu.memory_space<semaphore_mem>>)
    %add3A_104 = arith.constant 0 : i32
    %add3A_105 = arith.addi %add3A_104, %arg0 : i32
    %mul3A_106 = arith.constant 256 : i32
    %mul3A_107 = arith.muli %add3A_105, %mul3A_106 : i32
    %mul3A_108 = arith.constant 2048 : i32
    %mul3A_109 = arith.muli %arg1, %mul3A_108 : i32
    %run_scoped3A_110 = arith.constant 1 : i32
    %run_scoped3A_111 = arith.constant 0 : i32
    "tpu.region"() ({
      %run_scoped3A_427 = tpu.sem_alloc : memref<!tpu.dma_semaphore, #tpu.memory_space<semaphore_mem>>
      %dma_start3A_428 = tpu.memref_slice %arg2[%run_scoped3A_110, %run_scoped3A_111, %mul3A_109] : memref<4x2x32768xi32, #tpu.memory_space<hbm>> -> memref<1x1x2048xi32, #tpu.memory_space<hbm>>
      %dma_start3A_429 = tpu.memref_squeeze %dma_start3A_428 : memref<1x1x2048xi32, #tpu.memory_space<hbm>> -> memref<2048xi32, #tpu.memory_space<hbm>>
      %dma_start3A_430 = tpu.memref_slice %arg2[%run_scoped3A_110, %run_scoped3A_111, %mul3A_109] : memref<4x2x32768xi32, #tpu.memory_space<hbm>> -> memref<1x1x2048xi32, #tpu.memory_space<hbm>>
      %dma_start3A_431 = tpu.memref_squeeze %dma_start3A_430 : memref<1x1x2048xi32, #tpu.memory_space<hbm>> -> memref<2048xi32, #tpu.memory_space<hbm>>
      tpu.enqueue_dma source(%dma_start3A_431 : memref<2048xi32, #tpu.memory_space<hbm>>) target(%arg8 : memref<2048xi32, #tpu.memory_space<vmem>>) target_semaphore(%run_scoped3A_427 : memref<!tpu.dma_semaphore, #tpu.memory_space<semaphore_mem>>)
      %dma_wait3A_432 = tpu.memref_slice %arg2[%run_scoped3A_110, %run_scoped3A_111, %mul3A_109] : memref<4x2x32768xi32, #tpu.memory_space<hbm>> -> memref<1x1x2048xi32, #tpu.memory_space<hbm>>
      %dma_wait3A_433 = tpu.memref_squeeze %dma_wait3A_432 : memref<1x1x2048xi32, #tpu.memory_space<hbm>> -> memref<2048xi32, #tpu.memory_space<hbm>>
      %dma_wait3A_434 = tpu.memref_slice %arg2[%run_scoped3A_110, %run_scoped3A_111, %mul3A_109] : memref<4x2x32768xi32, #tpu.memory_space<hbm>> -> memref<1x1x2048xi32, #tpu.memory_space<hbm>>
      %dma_wait3A_435 = tpu.memref_squeeze %dma_wait3A_434 : memref<1x1x2048xi32, #tpu.memory_space<hbm>> -> memref<2048xi32, #tpu.memory_space<hbm>>
      tpu.wait_dma2 semaphore(%run_scoped3A_427 : memref<!tpu.dma_semaphore, #tpu.memory_space<semaphore_mem>>) src(%dma_wait3A_435 : memref<2048xi32, #tpu.memory_space<hbm>>) dst(%arg8 : memref<2048xi32, #tpu.memory_space<vmem>>)
      tpu.yield
    }) : () -> ()
    %run_scoped3A_112 = arith.constant 1 : i32
    %run_scoped3A_113 = arith.constant 1 : i32
    "tpu.region"() ({
      %run_scoped3A_427 = tpu.sem_alloc : memref<!tpu.dma_semaphore, #tpu.memory_space<semaphore_mem>>
      %dma_start3A_428 = tpu.memref_slice %arg2[%run_scoped3A_112, %run_scoped3A_113, %mul3A_109] : memref<4x2x32768xi32, #tpu.memory_space<hbm>> -> memref<1x1x2048xi32, #tpu.memory_space<hbm>>
      %dma_start3A_429 = tpu.memref_squeeze %dma_start3A_428 : memref<1x1x2048xi32, #tpu.memory_space<hbm>> -> memref<2048xi32, #tpu.memory_space<hbm>>
      %dma_start3A_430 = tpu.memref_slice %arg2[%run_scoped3A_112, %run_scoped3A_113, %mul3A_109] : memref<4x2x32768xi32, #tpu.memory_space<hbm>> -> memref<1x1x2048xi32, #tpu.memory_space<hbm>>
      %dma_start3A_431 = tpu.memref_squeeze %dma_start3A_430 : memref<1x1x2048xi32, #tpu.memory_space<hbm>> -> memref<2048xi32, #tpu.memory_space<hbm>>
      tpu.enqueue_dma source(%dma_start3A_431 : memref<2048xi32, #tpu.memory_space<hbm>>) target(%arg9 : memref<2048xi32, #tpu.memory_space<vmem>>) target_semaphore(%run_scoped3A_427 : memref<!tpu.dma_semaphore, #tpu.memory_space<semaphore_mem>>)
      %dma_wait3A_432 = tpu.memref_slice %arg2[%run_scoped3A_112, %run_scoped3A_113, %mul3A_109] : memref<4x2x32768xi32, #tpu.memory_space<hbm>> -> memref<1x1x2048xi32, #tpu.memory_space<hbm>>
      %dma_wait3A_433 = tpu.memref_squeeze %dma_wait3A_432 : memref<1x1x2048xi32, #tpu.memory_space<hbm>> -> memref<2048xi32, #tpu.memory_space<hbm>>
      %dma_wait3A_434 = tpu.memref_slice %arg2[%run_scoped3A_112, %run_scoped3A_113, %mul3A_109] : memref<4x2x32768xi32, #tpu.memory_space<hbm>> -> memref<1x1x2048xi32, #tpu.memory_space<hbm>>
      %dma_wait3A_435 = tpu.memref_squeeze %dma_wait3A_434 : memref<1x1x2048xi32, #tpu.memory_space<hbm>> -> memref<2048xi32, #tpu.memory_space<hbm>>
      tpu.wait_dma2 semaphore(%run_scoped3A_427 : memref<!tpu.dma_semaphore, #tpu.memory_space<semaphore_mem>>) src(%dma_wait3A_435 : memref<2048xi32, #tpu.memory_space<hbm>>) dst(%arg9 : memref<2048xi32, #tpu.memory_space<vmem>>)
      tpu.yield
    }) : () -> ()
    %run_scoped3A_114 = arith.constant 1 : i32
    "tpu.region"() ({
      %run_scoped3A_427 = tpu.sem_alloc : memref<!tpu.dma_semaphore, #tpu.memory_space<semaphore_mem>>
      %dma_start3A_428 = tpu.memref_slice %arg3[%run_scoped3A_114, %mul3A_109] : memref<4x32768xf32, #tpu.memory_space<hbm>> -> memref<1x2048xf32, #tpu.memory_space<hbm>>
      %dma_start3A_429 = tpu.memref_squeeze %dma_start3A_428 : memref<1x2048xf32, #tpu.memory_space<hbm>> -> memref<2048xf32, #tpu.memory_space<hbm>>
      %dma_start3A_430 = tpu.memref_slice %arg3[%run_scoped3A_114, %mul3A_109] : memref<4x32768xf32, #tpu.memory_space<hbm>> -> memref<1x2048xf32, #tpu.memory_space<hbm>>
      %dma_start3A_431 = tpu.memref_squeeze %dma_start3A_430 : memref<1x2048xf32, #tpu.memory_space<hbm>> -> memref<2048xf32, #tpu.memory_space<hbm>>
      tpu.enqueue_dma source(%dma_start3A_431 : memref<2048xf32, #tpu.memory_space<hbm>>) target(%arg10 : memref<2048xf32, #tpu.memory_space<vmem>>) target_semaphore(%run_scoped3A_427 : memref<!tpu.dma_semaphore, #tpu.memory_space<semaphore_mem>>)
      %dma_wait3A_432 = tpu.memref_slice %arg3[%run_scoped3A_114, %mul3A_109] : memref<4x32768xf32, #tpu.memory_space<hbm>> -> memref<1x2048xf32, #tpu.memory_space<hbm>>
      %dma_wait3A_433 = tpu.memref_squeeze %dma_wait3A_432 : memref<1x2048xf32, #tpu.memory_space<hbm>> -> memref<2048xf32, #tpu.memory_space<hbm>>
      %dma_wait3A_434 = tpu.memref_slice %arg3[%run_scoped3A_114, %mul3A_109] : memref<4x32768xf32, #tpu.memory_space<hbm>> -> memref<1x2048xf32, #tpu.memory_space<hbm>>
      %dma_wait3A_435 = tpu.memref_squeeze %dma_wait3A_434 : memref<1x2048xf32, #tpu.memory_space<hbm>> -> memref<2048xf32, #tpu.memory_space<hbm>>
      tpu.wait_dma2 semaphore(%run_scoped3A_427 : memref<!tpu.dma_semaphore, #tpu.memory_space<semaphore_mem>>) src(%dma_wait3A_435 : memref<2048xf32, #tpu.memory_space<hbm>>) dst(%arg10 : memref<2048xf32, #tpu.memory_space<vmem>>)
      tpu.yield
    }) : () -> ()
    %scan3A_115 = arith.constant 0 : i32
    %scan3A_116 = arith.constant 0 : i32
    %scan3A_117 = arith.constant 128 : i32
    %scan3A_118 = arith.addi %scan3A_116, %scan3A_117 : i32
    %scan3A_119 = arith.constant 1 : i32
    scf.for %scan3A_427 = %scan3A_116 to %scan3A_118 step %scan3A_119  : i32 {
      %mul3A_428 = arith.constant 16 : i32
      %mul3A_429 = arith.muli %scan3A_427, %mul3A_428 : i32
      %get3A = arith.index_cast %mul3A_429 : i32 to index
      %get3A_430 = tpu.vector_load %arg8[%get3A] {strides = array<i32>} : memref<2048xi32, #tpu.memory_space<vmem>>, vector<16xi32>,
      %get3A_431 = vector.shape_cast %get3A_430 : vector<16xi32> to vector<16xi32>
      %get3A_432 = arith.index_cast %mul3A_429 : i32 to index
      %get3A_433 = tpu.vector_load %arg9[%get3A_432] {strides = array<i32>} : memref<2048xi32, #tpu.memory_space<vmem>>, vector<16xi32>,
      %get3A_434 = vector.shape_cast %get3A_433 : vector<16xi32> to vector<16xi32>
      %get3A_435 = arith.index_cast %mul3A_429 : i32 to index
      %get3A_436 = tpu.vector_load %arg10[%get3A_435] {strides = array<i32>} : memref<2048xf32, #tpu.memory_space<vmem>>, vector<16xf32>,
      %get3A_437 = vector.shape_cast %get3A_436 : vector<16xf32> to vector<16xf32>
      %ge3A = vector.broadcast %mul3A_107 : i32 to vector<16xi32>
      %ge3A_438 = arith.cmpi sge, %get3A_431, %ge3A : vector<16xi32>
      %add3A_439 = arith.constant 256 : i32
      %add3A_440 = arith.addi %mul3A_107, %add3A_439 : i32
      %lt3A = vector.broadcast %add3A_440 : i32 to vector<16xi32>
      %lt3A_441 = arith.cmpi slt, %get3A_431, %lt3A : vector<16xi32>
      %and3A = arith.andi %ge3A_438, %lt3A_441 : vector<16xi1>
      %shift_right_arithmetic3A = arith.constant 7 : i32
      %shift_right_arithmetic3A_442 = vector.broadcast %shift_right_arithmetic3A : i32 to vector<16xi32>
      %shift_right_arithmetic3A_443 = arith.shrsi %get3A_434, %shift_right_arithmetic3A_442 : vector<16xi32>
      %shift_left3A = arith.constant 15 : i32
      %shift_left3A_444 = vector.broadcast %shift_left3A : i32 to vector<16xi32>
      %shift_left3A_445 = arith.shli %shift_right_arithmetic3A_443, %shift_left3A_444 : vector<16xi32>
      %and3A_446 = arith.constant 255 : i32
      %and3A_447 = vector.broadcast %and3A_446 : i32 to vector<16xi32>
      %and3A_448 = arith.andi %get3A_431, %and3A_447 : vector<16xi32>
      %shift_left3A_449 = arith.constant 7 : i32
      %shift_left3A_450 = vector.broadcast %shift_left3A_449 : i32 to vector<16xi32>
      %shift_left3A_451 = arith.shli %and3A_448, %shift_left3A_450 : vector<16xi32>
      %add3A_452 = arith.addi %shift_left3A_445, %shift_left3A_451 : vector<16xi32>
      %and3A_453 = arith.constant 127 : i32
      %and3A_454 = vector.broadcast %and3A_453 : i32 to vector<16xi32>
      %and3A_455 = arith.andi %get3A_434, %and3A_454 : vector<16xi32>
      %add3A_456 = arith.addi %add3A_452, %and3A_455 : vector<16xi32>
      %swap3A = arith.index_cast %mul3A_429 : i32 to index
      %swap3A_457 = tpu.vector_load %arg11[%swap3A] {strides = array<i32>} : memref<2048xi32, #tpu.memory_space<vmem>>, vector<16xi32>,
      %swap3A_458 = vector.shape_cast %swap3A_457 : vector<16xi32> to vector<16xi32>
      %swap3A_459 = vector.shape_cast %add3A_456 : vector<16xi32> to vector<16xi32>
      tpu.vector_store %arg11[%swap3A], %swap3A_459 {strides = array<i32>} : memref<2048xi32, #tpu.memory_space<vmem>>, vector<16xi32>,
      %broadcast_in_dim3A = arith.constant 0.000000e+00 : f32
      %broadcast_in_dim3A_460 = vector.broadcast %broadcast_in_dim3A : f32 to vector<16xf32>
      %select_n3A = arith.select %and3A, %get3A_437, %broadcast_in_dim3A_460 : vector<16xi1>, vector<16xf32>
      %swap3A_461 = arith.index_cast %mul3A_429 : i32 to index
      %swap3A_462 = tpu.vector_load %arg12[%swap3A_461] {strides = array<i32>} : memref<2048xf32, #tpu.memory_space<vmem>>, vector<16xf32>,
      %swap3A_463 = vector.shape_cast %swap3A_462 : vector<16xf32> to vector<16xf32>
      %swap3A_464 = vector.shape_cast %select_n3A : vector<16xf32> to vector<16xf32>
      tpu.vector_store %arg12[%swap3A_461], %swap3A_464 {strides = array<i32>} : memref<2048xf32, #tpu.memory_space<vmem>>, vector<16xf32>,
    }
    %scan3A_120 = arith.constant 128 : i32
    %dma_wait3A_121 = tpu.memref_slice %arg4[%add3A_99] : memref<4194304xf32, #tpu.memory_space<hbm>> -> memref<32768xf32, #tpu.memory_space<hbm>>
    %dma_wait3A_122 = tpu.memref_slice %arg14[%mul3A_101] : memref<524288xf32, #tpu.memory_space<vmem_shared>> -> memref<32768xf32, #tpu.memory_space<vmem_shared>>
    tpu.wait_dma2 semaphore(%arg15 : memref<!tpu.dma_semaphore, #tpu.memory_space<semaphore_mem>>) src(%dma_wait3A_122 : memref<32768xf32, #tpu.memory_space<vmem_shared>>) dst(%dma_wait3A_121 : memref<32768xf32, #tpu.memory_space<hbm>>)
    %mul3A_123 = arith.constant 32768 : i32
    %mul3A_124 = arith.muli %arg1, %mul3A_123 : i32
    "tpu.region"() ({
      %run_scoped3A_427 = tpu.sem_alloc : memref<!tpu.dma_semaphore, #tpu.memory_space<semaphore_mem>>
      %dma_start3A_428 = tpu.memref_slice %arg14[%mul3A_124] : memref<524288xf32, #tpu.memory_space<vmem_shared>> -> memref<32768xf32, #tpu.memory_space<vmem_shared>>
      %dma_start3A_429 = tpu.memref_slice %arg14[%mul3A_124] : memref<524288xf32, #tpu.memory_space<vmem_shared>> -> memref<32768xf32, #tpu.memory_space<vmem_shared>>
      tpu.enqueue_dma source(%arg13 : memref<32768xf32, #tpu.memory_space<vmem>>) target(%dma_start3A_429 : memref<32768xf32, #tpu.memory_space<vmem_shared>>) target_semaphore(%run_scoped3A_427 : memref<!tpu.dma_semaphore, #tpu.memory_space<semaphore_mem>>)
      %dma_wait3A_430 = tpu.memref_slice %arg14[%mul3A_124] : memref<524288xf32, #tpu.memory_space<vmem_shared>> -> memref<32768xf32, #tpu.memory_space<vmem_shared>>
      %dma_wait3A_431 = tpu.memref_slice %arg14[%mul3A_124] : memref<524288xf32, #tpu.memory_space<vmem_shared>> -> memref<32768xf32, #tpu.memory_space<vmem_shared>>
      tpu.wait_dma2 semaphore(%run_scoped3A_427 : memref<!tpu.dma_semaphore, #tpu.memory_space<semaphore_mem>>) src(%arg13 : memref<32768xf32, #tpu.memory_space<vmem>>) dst(%dma_wait3A_431 : memref<32768xf32, #tpu.memory_space<vmem_shared>>)
      tpu.yield
    }) : () -> ()
    %barrier3A_125 = arith.constant 0 : index
    tpu.barrier barrier_id(%barrier3A_125)
    "tpu.region"() ({
      %run_scoped3A_427 = tpu.sem_alloc : memref<!tpu.dma_semaphore, #tpu.memory_space<semaphore_mem>>
      %dma_start3A_428 = arith.constant 0 : i32
      %dma_start3A_429 = tpu.memref_slice %arg14[%dma_start3A_428] : memref<524288xf32, #tpu.memory_space<vmem_shared>> -> memref<524288xf32, #tpu.memory_space<vmem_shared>>
      tpu.enqueue_indirect_dma source(%arg12 : memref<2048xf32, #tpu.memory_space<vmem>>) target(%dma_start3A_429 : memref<524288xf32, #tpu.memory_space<vmem_shared>>) offsets(%arg11 : memref<2048xi32, #tpu.memory_space<vmem>>) semaphore(%run_scoped3A_427 : memref<!tpu.dma_semaphore, #tpu.memory_space<semaphore_mem>>) {add = true}
      %dma_wait3A_430 = arith.constant 0 : i32
      %dma_wait3A_431 = tpu.memref_slice %arg14[%dma_wait3A_430] : memref<524288xf32, #tpu.memory_space<vmem_shared>> -> memref<524288xf32, #tpu.memory_space<vmem_shared>>
      tpu.wait_indirect_dma semaphore(%run_scoped3A_427 : memref<!tpu.dma_semaphore, #tpu.memory_space<semaphore_mem>>) src(%arg12 : memref<2048xf32, #tpu.memory_space<vmem>>) dst(%dma_wait3A_431 : memref<524288xf32, #tpu.memory_space<vmem_shared>>)
      tpu.yield
    }) : () -> ()
    %barrier3A_126 = arith.constant 0 : index
    tpu.barrier barrier_id(%barrier3A_126)
    %mul3A_127 = arith.constant 524288 : i32
    %mul3A_128 = arith.muli %add3A_105, %mul3A_127 : i32
    %mul3A_129 = arith.constant 32768 : i32
    %mul3A_130 = arith.muli %arg1, %mul3A_129 : i32
    %add3A_131 = arith.addi %mul3A_128, %mul3A_130 : i32
    %mul3A_132 = arith.constant 32768 : i32
    %mul3A_133 = arith.muli %arg1, %mul3A_132 : i32
    %dma_start3A_134 = tpu.memref_slice %arg5[%add3A_131] : memref<4194304xf32, #tpu.memory_space<hbm>> -> memref<32768xf32, #tpu.memory_space<hbm>>
    %dma_start3A_135 = tpu.memref_slice %arg14[%mul3A_133] : memref<524288xf32, #tpu.memory_space<vmem_shared>> -> memref<32768xf32, #tpu.memory_space<vmem_shared>>
    tpu.enqueue_dma source(%dma_start3A_135 : memref<32768xf32, #tpu.memory_space<vmem_shared>>) target(%dma_start3A_134 : memref<32768xf32, #tpu.memory_space<hbm>>) target_semaphore(%arg15 : memref<!tpu.dma_semaphore, #tpu.memory_space<semaphore_mem>>)
    %add3A_136 = arith.constant 2 : i32
    %add3A_137 = arith.addi %add3A_136, %arg0 : i32
    %mul3A_138 = arith.constant 256 : i32
    %mul3A_139 = arith.muli %add3A_137, %mul3A_138 : i32
    %scan3A_140 = arith.constant 0 : i32
    %scan3A_141 = arith.constant 0 : i32
    %scan3A_142 = arith.constant 128 : i32
    %scan3A_143 = arith.addi %scan3A_141, %scan3A_142 : i32
    %scan3A_144 = arith.constant 1 : i32
    scf.for %scan3A_427 = %scan3A_141 to %scan3A_143 step %scan3A_144  : i32 {
      %mul3A_428 = arith.constant 16 : i32
      %mul3A_429 = arith.muli %scan3A_427, %mul3A_428 : i32
      %get3A = arith.index_cast %mul3A_429 : i32 to index
      %get3A_430 = tpu.vector_load %arg8[%get3A] {strides = array<i32>} : memref<2048xi32, #tpu.memory_space<vmem>>, vector<16xi32>,
      %get3A_431 = vector.shape_cast %get3A_430 : vector<16xi32> to vector<16xi32>
      %get3A_432 = arith.index_cast %mul3A_429 : i32 to index
      %get3A_433 = tpu.vector_load %arg9[%get3A_432] {strides = array<i32>} : memref<2048xi32, #tpu.memory_space<vmem>>, vector<16xi32>,
      %get3A_434 = vector.shape_cast %get3A_433 : vector<16xi32> to vector<16xi32>
      %get3A_435 = arith.index_cast %mul3A_429 : i32 to index
      %get3A_436 = tpu.vector_load %arg10[%get3A_435] {strides = array<i32>} : memref<2048xf32, #tpu.memory_space<vmem>>, vector<16xf32>,
      %get3A_437 = vector.shape_cast %get3A_436 : vector<16xf32> to vector<16xf32>
      %ge3A = vector.broadcast %mul3A_139 : i32 to vector<16xi32>
      %ge3A_438 = arith.cmpi sge, %get3A_431, %ge3A : vector<16xi32>
      %add3A_439 = arith.constant 256 : i32
      %add3A_440 = arith.addi %mul3A_139, %add3A_439 : i32
      %lt3A = vector.broadcast %add3A_440 : i32 to vector<16xi32>
      %lt3A_441 = arith.cmpi slt, %get3A_431, %lt3A : vector<16xi32>
      %and3A = arith.andi %ge3A_438, %lt3A_441 : vector<16xi1>
      %shift_right_arithmetic3A = arith.constant 7 : i32
      %shift_right_arithmetic3A_442 = vector.broadcast %shift_right_arithmetic3A : i32 to vector<16xi32>
      %shift_right_arithmetic3A_443 = arith.shrsi %get3A_434, %shift_right_arithmetic3A_442 : vector<16xi32>
      %shift_left3A = arith.constant 15 : i32
      %shift_left3A_444 = vector.broadcast %shift_left3A : i32 to vector<16xi32>
      %shift_left3A_445 = arith.shli %shift_right_arithmetic3A_443, %shift_left3A_444 : vector<16xi32>
      %and3A_446 = arith.constant 255 : i32
      %and3A_447 = vector.broadcast %and3A_446 : i32 to vector<16xi32>
      %and3A_448 = arith.andi %get3A_431, %and3A_447 : vector<16xi32>
      %shift_left3A_449 = arith.constant 7 : i32
      %shift_left3A_450 = vector.broadcast %shift_left3A_449 : i32 to vector<16xi32>
      %shift_left3A_451 = arith.shli %and3A_448, %shift_left3A_450 : vector<16xi32>
      %add3A_452 = arith.addi %shift_left3A_445, %shift_left3A_451 : vector<16xi32>
      %and3A_453 = arith.constant 127 : i32
      %and3A_454 = vector.broadcast %and3A_453 : i32 to vector<16xi32>
      %and3A_455 = arith.andi %get3A_434, %and3A_454 : vector<16xi32>
      %add3A_456 = arith.addi %add3A_452, %and3A_455 : vector<16xi32>
      %swap3A = arith.index_cast %mul3A_429 : i32 to index
      %swap3A_457 = tpu.vector_load %arg11[%swap3A] {strides = array<i32>} : memref<2048xi32, #tpu.memory_space<vmem>>, vector<16xi32>,
      %swap3A_458 = vector.shape_cast %swap3A_457 : vector<16xi32> to vector<16xi32>
      %swap3A_459 = vector.shape_cast %add3A_456 : vector<16xi32> to vector<16xi32>
      tpu.vector_store %arg11[%swap3A], %swap3A_459 {strides = array<i32>} : memref<2048xi32, #tpu.memory_space<vmem>>, vector<16xi32>,
      %broadcast_in_dim3A = arith.constant 0.000000e+00 : f32
      %broadcast_in_dim3A_460 = vector.broadcast %broadcast_in_dim3A : f32 to vector<16xf32>
      %select_n3A = arith.select %and3A, %get3A_437, %broadcast_in_dim3A_460 : vector<16xi1>, vector<16xf32>
      %swap3A_461 = arith.index_cast %mul3A_429 : i32 to index
      %swap3A_462 = tpu.vector_load %arg12[%swap3A_461] {strides = array<i32>} : memref<2048xf32, #tpu.memory_space<vmem>>, vector<16xf32>,
      %swap3A_463 = vector.shape_cast %swap3A_462 : vector<16xf32> to vector<16xf32>
      %swap3A_464 = vector.shape_cast %select_n3A : vector<16xf32> to vector<16xf32>
      tpu.vector_store %arg12[%swap3A_461], %swap3A_464 {strides = array<i32>} : memref<2048xf32, #tpu.memory_space<vmem>>, vector<16xf32>,
    }
    %scan3A_145 = arith.constant 128 : i32
    %dma_wait3A_146 = tpu.memref_slice %arg5[%add3A_131] : memref<4194304xf32, #tpu.memory_space<hbm>> -> memref<32768xf32, #tpu.memory_space<hbm>>
    %dma_wait3A_147 = tpu.memref_slice %arg14[%mul3A_133] : memref<524288xf32, #tpu.memory_space<vmem_shared>> -> memref<32768xf32, #tpu.memory_space<vmem_shared>>
    tpu.wait_dma2 semaphore(%arg15 : memref<!tpu.dma_semaphore, #tpu.memory_space<semaphore_mem>>) src(%dma_wait3A_147 : memref<32768xf32, #tpu.memory_space<vmem_shared>>) dst(%dma_wait3A_146 : memref<32768xf32, #tpu.memory_space<hbm>>)
    %mul3A_148 = arith.constant 32768 : i32
    %mul3A_149 = arith.muli %arg1, %mul3A_148 : i32
    "tpu.region"() ({
      %run_scoped3A_427 = tpu.sem_alloc : memref<!tpu.dma_semaphore, #tpu.memory_space<semaphore_mem>>
      %dma_start3A_428 = tpu.memref_slice %arg14[%mul3A_149] : memref<524288xf32, #tpu.memory_space<vmem_shared>> -> memref<32768xf32, #tpu.memory_space<vmem_shared>>
      %dma_start3A_429 = tpu.memref_slice %arg14[%mul3A_149] : memref<524288xf32, #tpu.memory_space<vmem_shared>> -> memref<32768xf32, #tpu.memory_space<vmem_shared>>
      tpu.enqueue_dma source(%arg13 : memref<32768xf32, #tpu.memory_space<vmem>>) target(%dma_start3A_429 : memref<32768xf32, #tpu.memory_space<vmem_shared>>) target_semaphore(%run_scoped3A_427 : memref<!tpu.dma_semaphore, #tpu.memory_space<semaphore_mem>>)
      %dma_wait3A_430 = tpu.memref_slice %arg14[%mul3A_149] : memref<524288xf32, #tpu.memory_space<vmem_shared>> -> memref<32768xf32, #tpu.memory_space<vmem_shared>>
      %dma_wait3A_431 = tpu.memref_slice %arg14[%mul3A_149] : memref<524288xf32, #tpu.memory_space<vmem_shared>> -> memref<32768xf32, #tpu.memory_space<vmem_shared>>
      tpu.wait_dma2 semaphore(%run_scoped3A_427 : memref<!tpu.dma_semaphore, #tpu.memory_space<semaphore_mem>>) src(%arg13 : memref<32768xf32, #tpu.memory_space<vmem>>) dst(%dma_wait3A_431 : memref<32768xf32, #tpu.memory_space<vmem_shared>>)
      tpu.yield
    }) : () -> ()
    %barrier3A_150 = arith.constant 0 : index
    tpu.barrier barrier_id(%barrier3A_150)
    "tpu.region"() ({
      %run_scoped3A_427 = tpu.sem_alloc : memref<!tpu.dma_semaphore, #tpu.memory_space<semaphore_mem>>
      %dma_start3A_428 = arith.constant 0 : i32
      %dma_start3A_429 = tpu.memref_slice %arg14[%dma_start3A_428] : memref<524288xf32, #tpu.memory_space<vmem_shared>> -> memref<524288xf32, #tpu.memory_space<vmem_shared>>
      tpu.enqueue_indirect_dma source(%arg12 : memref<2048xf32, #tpu.memory_space<vmem>>) target(%dma_start3A_429 : memref<524288xf32, #tpu.memory_space<vmem_shared>>) offsets(%arg11 : memref<2048xi32, #tpu.memory_space<vmem>>) semaphore(%run_scoped3A_427 : memref<!tpu.dma_semaphore, #tpu.memory_space<semaphore_mem>>) {add = true}
      %dma_wait3A_430 = arith.constant 0 : i32
      %dma_wait3A_431 = tpu.memref_slice %arg14[%dma_wait3A_430] : memref<524288xf32, #tpu.memory_space<vmem_shared>> -> memref<524288xf32, #tpu.memory_space<vmem_shared>>
      tpu.wait_indirect_dma semaphore(%run_scoped3A_427 : memref<!tpu.dma_semaphore, #tpu.memory_space<semaphore_mem>>) src(%arg12 : memref<2048xf32, #tpu.memory_space<vmem>>) dst(%dma_wait3A_431 : memref<524288xf32, #tpu.memory_space<vmem_shared>>)
      tpu.yield
    }) : () -> ()
    %barrier3A_151 = arith.constant 0 : index
    tpu.barrier barrier_id(%barrier3A_151)
    %mul3A_152 = arith.constant 524288 : i32
    %mul3A_153 = arith.muli %add3A_137, %mul3A_152 : i32
    %mul3A_154 = arith.constant 32768 : i32
    %mul3A_155 = arith.muli %arg1, %mul3A_154 : i32
    %add3A_156 = arith.addi %mul3A_153, %mul3A_155 : i32
    %mul3A_157 = arith.constant 32768 : i32
    %mul3A_158 = arith.muli %arg1, %mul3A_157 : i32
    %dma_start3A_159 = tpu.memref_slice %arg5[%add3A_156] : memref<4194304xf32, #tpu.memory_space<hbm>> -> memref<32768xf32, #tpu.memory_space<hbm>>
    %dma_start3A_160 = tpu.memref_slice %arg14[%mul3A_158] : memref<524288xf32, #tpu.memory_space<vmem_shared>> -> memref<32768xf32, #tpu.memory_space<vmem_shared>>
    tpu.enqueue_dma source(%dma_start3A_160 : memref<32768xf32, #tpu.memory_space<vmem_shared>>) target(%dma_start3A_159 : memref<32768xf32, #tpu.memory_space<hbm>>) target_semaphore(%arg15 : memref<!tpu.dma_semaphore, #tpu.memory_space<semaphore_mem>>)
    %add3A_161 = arith.constant 4 : i32
    %add3A_162 = arith.addi %add3A_161, %arg0 : i32
    %mul3A_163 = arith.constant 256 : i32
    %mul3A_164 = arith.muli %add3A_162, %mul3A_163 : i32
    %scan3A_165 = arith.constant 0 : i32
    %scan3A_166 = arith.constant 0 : i32
    %scan3A_167 = arith.constant 128 : i32
    %scan3A_168 = arith.addi %scan3A_166, %scan3A_167 : i32
    %scan3A_169 = arith.constant 1 : i32
    scf.for %scan3A_427 = %scan3A_166 to %scan3A_168 step %scan3A_169  : i32 {
      %mul3A_428 = arith.constant 16 : i32
      %mul3A_429 = arith.muli %scan3A_427, %mul3A_428 : i32
      %get3A = arith.index_cast %mul3A_429 : i32 to index
      %get3A_430 = tpu.vector_load %arg8[%get3A] {strides = array<i32>} : memref<2048xi32, #tpu.memory_space<vmem>>, vector<16xi32>,
      %get3A_431 = vector.shape_cast %get3A_430 : vector<16xi32> to vector<16xi32>
      %get3A_432 = arith.index_cast %mul3A_429 : i32 to index
      %get3A_433 = tpu.vector_load %arg9[%get3A_432] {strides = array<i32>} : memref<2048xi32, #tpu.memory_space<vmem>>, vector<16xi32>,
      %get3A_434 = vector.shape_cast %get3A_433 : vector<16xi32> to vector<16xi32>
      %get3A_435 = arith.index_cast %mul3A_429 : i32 to index
      %get3A_436 = tpu.vector_load %arg10[%get3A_435] {strides = array<i32>} : memref<2048xf32, #tpu.memory_space<vmem>>, vector<16xf32>,
      %get3A_437 = vector.shape_cast %get3A_436 : vector<16xf32> to vector<16xf32>
      %ge3A = vector.broadcast %mul3A_164 : i32 to vector<16xi32>
      %ge3A_438 = arith.cmpi sge, %get3A_431, %ge3A : vector<16xi32>
      %add3A_439 = arith.constant 256 : i32
      %add3A_440 = arith.addi %mul3A_164, %add3A_439 : i32
      %lt3A = vector.broadcast %add3A_440 : i32 to vector<16xi32>
      %lt3A_441 = arith.cmpi slt, %get3A_431, %lt3A : vector<16xi32>
      %and3A = arith.andi %ge3A_438, %lt3A_441 : vector<16xi1>
      %shift_right_arithmetic3A = arith.constant 7 : i32
      %shift_right_arithmetic3A_442 = vector.broadcast %shift_right_arithmetic3A : i32 to vector<16xi32>
      %shift_right_arithmetic3A_443 = arith.shrsi %get3A_434, %shift_right_arithmetic3A_442 : vector<16xi32>
      %shift_left3A = arith.constant 15 : i32
      %shift_left3A_444 = vector.broadcast %shift_left3A : i32 to vector<16xi32>
      %shift_left3A_445 = arith.shli %shift_right_arithmetic3A_443, %shift_left3A_444 : vector<16xi32>
      %and3A_446 = arith.constant 255 : i32
      %and3A_447 = vector.broadcast %and3A_446 : i32 to vector<16xi32>
      %and3A_448 = arith.andi %get3A_431, %and3A_447 : vector<16xi32>
      %shift_left3A_449 = arith.constant 7 : i32
      %shift_left3A_450 = vector.broadcast %shift_left3A_449 : i32 to vector<16xi32>
      %shift_left3A_451 = arith.shli %and3A_448, %shift_left3A_450 : vector<16xi32>
      %add3A_452 = arith.addi %shift_left3A_445, %shift_left3A_451 : vector<16xi32>
      %and3A_453 = arith.constant 127 : i32
      %and3A_454 = vector.broadcast %and3A_453 : i32 to vector<16xi32>
      %and3A_455 = arith.andi %get3A_434, %and3A_454 : vector<16xi32>
      %add3A_456 = arith.addi %add3A_452, %and3A_455 : vector<16xi32>
      %swap3A = arith.index_cast %mul3A_429 : i32 to index
      %swap3A_457 = tpu.vector_load %arg11[%swap3A] {strides = array<i32>} : memref<2048xi32, #tpu.memory_space<vmem>>, vector<16xi32>,
      %swap3A_458 = vector.shape_cast %swap3A_457 : vector<16xi32> to vector<16xi32>
      %swap3A_459 = vector.shape_cast %add3A_456 : vector<16xi32> to vector<16xi32>
      tpu.vector_store %arg11[%swap3A], %swap3A_459 {strides = array<i32>} : memref<2048xi32, #tpu.memory_space<vmem>>, vector<16xi32>,
      %broadcast_in_dim3A = arith.constant 0.000000e+00 : f32
      %broadcast_in_dim3A_460 = vector.broadcast %broadcast_in_dim3A : f32 to vector<16xf32>
      %select_n3A = arith.select %and3A, %get3A_437, %broadcast_in_dim3A_460 : vector<16xi1>, vector<16xf32>
      %swap3A_461 = arith.index_cast %mul3A_429 : i32 to index
      %swap3A_462 = tpu.vector_load %arg12[%swap3A_461] {strides = array<i32>} : memref<2048xf32, #tpu.memory_space<vmem>>, vector<16xf32>,
      %swap3A_463 = vector.shape_cast %swap3A_462 : vector<16xf32> to vector<16xf32>
      %swap3A_464 = vector.shape_cast %select_n3A : vector<16xf32> to vector<16xf32>
      tpu.vector_store %arg12[%swap3A_461], %swap3A_464 {strides = array<i32>} : memref<2048xf32, #tpu.memory_space<vmem>>, vector<16xf32>,
    }
    %scan3A_170 = arith.constant 128 : i32
    %dma_wait3A_171 = tpu.memref_slice %arg5[%add3A_156] : memref<4194304xf32, #tpu.memory_space<hbm>> -> memref<32768xf32, #tpu.memory_space<hbm>>
    %dma_wait3A_172 = tpu.memref_slice %arg14[%mul3A_158] : memref<524288xf32, #tpu.memory_space<vmem_shared>> -> memref<32768xf32, #tpu.memory_space<vmem_shared>>
    tpu.wait_dma2 semaphore(%arg15 : memref<!tpu.dma_semaphore, #tpu.memory_space<semaphore_mem>>) src(%dma_wait3A_172 : memref<32768xf32, #tpu.memory_space<vmem_shared>>) dst(%dma_wait3A_171 : memref<32768xf32, #tpu.memory_space<hbm>>)
    %mul3A_173 = arith.constant 32768 : i32
    %mul3A_174 = arith.muli %arg1, %mul3A_173 : i32
    "tpu.region"() ({
      %run_scoped3A_427 = tpu.sem_alloc : memref<!tpu.dma_semaphore, #tpu.memory_space<semaphore_mem>>
      %dma_start3A_428 = tpu.memref_slice %arg14[%mul3A_174] : memref<524288xf32, #tpu.memory_space<vmem_shared>> -> memref<32768xf32, #tpu.memory_space<vmem_shared>>
      %dma_start3A_429 = tpu.memref_slice %arg14[%mul3A_174] : memref<524288xf32, #tpu.memory_space<vmem_shared>> -> memref<32768xf32, #tpu.memory_space<vmem_shared>>
      tpu.enqueue_dma source(%arg13 : memref<32768xf32, #tpu.memory_space<vmem>>) target(%dma_start3A_429 : memref<32768xf32, #tpu.memory_space<vmem_shared>>) target_semaphore(%run_scoped3A_427 : memref<!tpu.dma_semaphore, #tpu.memory_space<semaphore_mem>>)
      %dma_wait3A_430 = tpu.memref_slice %arg14[%mul3A_174] : memref<524288xf32, #tpu.memory_space<vmem_shared>> -> memref<32768xf32, #tpu.memory_space<vmem_shared>>
      %dma_wait3A_431 = tpu.memref_slice %arg14[%mul3A_174] : memref<524288xf32, #tpu.memory_space<vmem_shared>> -> memref<32768xf32, #tpu.memory_space<vmem_shared>>
      tpu.wait_dma2 semaphore(%run_scoped3A_427 : memref<!tpu.dma_semaphore, #tpu.memory_space<semaphore_mem>>) src(%arg13 : memref<32768xf32, #tpu.memory_space<vmem>>) dst(%dma_wait3A_431 : memref<32768xf32, #tpu.memory_space<vmem_shared>>)
      tpu.yield
    }) : () -> ()
    %barrier3A_175 = arith.constant 0 : index
    tpu.barrier barrier_id(%barrier3A_175)
    "tpu.region"() ({
      %run_scoped3A_427 = tpu.sem_alloc : memref<!tpu.dma_semaphore, #tpu.memory_space<semaphore_mem>>
      %dma_start3A_428 = arith.constant 0 : i32
      %dma_start3A_429 = tpu.memref_slice %arg14[%dma_start3A_428] : memref<524288xf32, #tpu.memory_space<vmem_shared>> -> memref<524288xf32, #tpu.memory_space<vmem_shared>>
      tpu.enqueue_indirect_dma source(%arg12 : memref<2048xf32, #tpu.memory_space<vmem>>) target(%dma_start3A_429 : memref<524288xf32, #tpu.memory_space<vmem_shared>>) offsets(%arg11 : memref<2048xi32, #tpu.memory_space<vmem>>) semaphore(%run_scoped3A_427 : memref<!tpu.dma_semaphore, #tpu.memory_space<semaphore_mem>>) {add = true}
      %dma_wait3A_430 = arith.constant 0 : i32
      %dma_wait3A_431 = tpu.memref_slice %arg14[%dma_wait3A_430] : memref<524288xf32, #tpu.memory_space<vmem_shared>> -> memref<524288xf32, #tpu.memory_space<vmem_shared>>
      tpu.wait_indirect_dma semaphore(%run_scoped3A_427 : memref<!tpu.dma_semaphore, #tpu.memory_space<semaphore_mem>>) src(%arg12 : memref<2048xf32, #tpu.memory_space<vmem>>) dst(%dma_wait3A_431 : memref<524288xf32, #tpu.memory_space<vmem_shared>>)
      tpu.yield
    }) : () -> ()
    %barrier3A_176 = arith.constant 0 : index
    tpu.barrier barrier_id(%barrier3A_176)
    %mul3A_177 = arith.constant 524288 : i32
    %mul3A_178 = arith.muli %add3A_162, %mul3A_177 : i32
    %mul3A_179 = arith.constant 32768 : i32
    %mul3A_180 = arith.muli %arg1, %mul3A_179 : i32
    %add3A_181 = arith.addi %mul3A_178, %mul3A_180 : i32
    %mul3A_182 = arith.constant 32768 : i32
    %mul3A_183 = arith.muli %arg1, %mul3A_182 : i32
    %dma_start3A_184 = tpu.memref_slice %arg5[%add3A_181] : memref<4194304xf32, #tpu.memory_space<hbm>> -> memref<32768xf32, #tpu.memory_space<hbm>>
    %dma_start3A_185 = tpu.memref_slice %arg14[%mul3A_183] : memref<524288xf32, #tpu.memory_space<vmem_shared>> -> memref<32768xf32, #tpu.memory_space<vmem_shared>>
    tpu.enqueue_dma source(%dma_start3A_185 : memref<32768xf32, #tpu.memory_space<vmem_shared>>) target(%dma_start3A_184 : memref<32768xf32, #tpu.memory_space<hbm>>) target_semaphore(%arg15 : memref<!tpu.dma_semaphore, #tpu.memory_space<semaphore_mem>>)
    %add3A_186 = arith.constant 6 : i32
    %add3A_187 = arith.addi %add3A_186, %arg0 : i32
    %mul3A_188 = arith.constant 256 : i32
    %mul3A_189 = arith.muli %add3A_187, %mul3A_188 : i32
    %scan3A_190 = arith.constant 0 : i32
    %scan3A_191 = arith.constant 0 : i32
    %scan3A_192 = arith.constant 128 : i32
    %scan3A_193 = arith.addi %scan3A_191, %scan3A_192 : i32
    %scan3A_194 = arith.constant 1 : i32
    scf.for %scan3A_427 = %scan3A_191 to %scan3A_193 step %scan3A_194  : i32 {
      %mul3A_428 = arith.constant 16 : i32
      %mul3A_429 = arith.muli %scan3A_427, %mul3A_428 : i32
      %get3A = arith.index_cast %mul3A_429 : i32 to index
      %get3A_430 = tpu.vector_load %arg8[%get3A] {strides = array<i32>} : memref<2048xi32, #tpu.memory_space<vmem>>, vector<16xi32>,
      %get3A_431 = vector.shape_cast %get3A_430 : vector<16xi32> to vector<16xi32>
      %get3A_432 = arith.index_cast %mul3A_429 : i32 to index
      %get3A_433 = tpu.vector_load %arg9[%get3A_432] {strides = array<i32>} : memref<2048xi32, #tpu.memory_space<vmem>>, vector<16xi32>,
      %get3A_434 = vector.shape_cast %get3A_433 : vector<16xi32> to vector<16xi32>
      %get3A_435 = arith.index_cast %mul3A_429 : i32 to index
      %get3A_436 = tpu.vector_load %arg10[%get3A_435] {strides = array<i32>} : memref<2048xf32, #tpu.memory_space<vmem>>, vector<16xf32>,
      %get3A_437 = vector.shape_cast %get3A_436 : vector<16xf32> to vector<16xf32>
      %ge3A = vector.broadcast %mul3A_189 : i32 to vector<16xi32>
      %ge3A_438 = arith.cmpi sge, %get3A_431, %ge3A : vector<16xi32>
      %add3A_439 = arith.constant 256 : i32
      %add3A_440 = arith.addi %mul3A_189, %add3A_439 : i32
      %lt3A = vector.broadcast %add3A_440 : i32 to vector<16xi32>
      %lt3A_441 = arith.cmpi slt, %get3A_431, %lt3A : vector<16xi32>
      %and3A = arith.andi %ge3A_438, %lt3A_441 : vector<16xi1>
      %shift_right_arithmetic3A = arith.constant 7 : i32
      %shift_right_arithmetic3A_442 = vector.broadcast %shift_right_arithmetic3A : i32 to vector<16xi32>
      %shift_right_arithmetic3A_443 = arith.shrsi %get3A_434, %shift_right_arithmetic3A_442 : vector<16xi32>
      %shift_left3A = arith.constant 15 : i32
      %shift_left3A_444 = vector.broadcast %shift_left3A : i32 to vector<16xi32>
      %shift_left3A_445 = arith.shli %shift_right_arithmetic3A_443, %shift_left3A_444 : vector<16xi32>
      %and3A_446 = arith.constant 255 : i32
      %and3A_447 = vector.broadcast %and3A_446 : i32 to vector<16xi32>
      %and3A_448 = arith.andi %get3A_431, %and3A_447 : vector<16xi32>
      %shift_left3A_449 = arith.constant 7 : i32
      %shift_left3A_450 = vector.broadcast %shift_left3A_449 : i32 to vector<16xi32>
      %shift_left3A_451 = arith.shli %and3A_448, %shift_left3A_450 : vector<16xi32>
      %add3A_452 = arith.addi %shift_left3A_445, %shift_left3A_451 : vector<16xi32>
      %and3A_453 = arith.constant 127 : i32
      %and3A_454 = vector.broadcast %and3A_453 : i32 to vector<16xi32>
      %and3A_455 = arith.andi %get3A_434, %and3A_454 : vector<16xi32>
      %add3A_456 = arith.addi %add3A_452, %and3A_455 : vector<16xi32>
      %swap3A = arith.index_cast %mul3A_429 : i32 to index
      %swap3A_457 = tpu.vector_load %arg11[%swap3A] {strides = array<i32>} : memref<2048xi32, #tpu.memory_space<vmem>>, vector<16xi32>,
      %swap3A_458 = vector.shape_cast %swap3A_457 : vector<16xi32> to vector<16xi32>
      %swap3A_459 = vector.shape_cast %add3A_456 : vector<16xi32> to vector<16xi32>
      tpu.vector_store %arg11[%swap3A], %swap3A_459 {strides = array<i32>} : memref<2048xi32, #tpu.memory_space<vmem>>, vector<16xi32>,
      %broadcast_in_dim3A = arith.constant 0.000000e+00 : f32
      %broadcast_in_dim3A_460 = vector.broadcast %broadcast_in_dim3A : f32 to vector<16xf32>
      %select_n3A = arith.select %and3A, %get3A_437, %broadcast_in_dim3A_460 : vector<16xi1>, vector<16xf32>
      %swap3A_461 = arith.index_cast %mul3A_429 : i32 to index
      %swap3A_462 = tpu.vector_load %arg12[%swap3A_461] {strides = array<i32>} : memref<2048xf32, #tpu.memory_space<vmem>>, vector<16xf32>,
      %swap3A_463 = vector.shape_cast %swap3A_462 : vector<16xf32> to vector<16xf32>
      %swap3A_464 = vector.shape_cast %select_n3A : vector<16xf32> to vector<16xf32>
      tpu.vector_store %arg12[%swap3A_461], %swap3A_464 {strides = array<i32>} : memref<2048xf32, #tpu.memory_space<vmem>>, vector<16xf32>,
    }
    %scan3A_195 = arith.constant 128 : i32
    %dma_wait3A_196 = tpu.memref_slice %arg5[%add3A_181] : memref<4194304xf32, #tpu.memory_space<hbm>> -> memref<32768xf32, #tpu.memory_space<hbm>>
    %dma_wait3A_197 = tpu.memref_slice %arg14[%mul3A_183] : memref<524288xf32, #tpu.memory_space<vmem_shared>> -> memref<32768xf32, #tpu.memory_space<vmem_shared>>
    tpu.wait_dma2 semaphore(%arg15 : memref<!tpu.dma_semaphore, #tpu.memory_space<semaphore_mem>>) src(%dma_wait3A_197 : memref<32768xf32, #tpu.memory_space<vmem_shared>>) dst(%dma_wait3A_196 : memref<32768xf32, #tpu.memory_space<hbm>>)
    %mul3A_198 = arith.constant 32768 : i32
    %mul3A_199 = arith.muli %arg1, %mul3A_198 : i32
    "tpu.region"() ({
      %run_scoped3A_427 = tpu.sem_alloc : memref<!tpu.dma_semaphore, #tpu.memory_space<semaphore_mem>>
      %dma_start3A_428 = tpu.memref_slice %arg14[%mul3A_199] : memref<524288xf32, #tpu.memory_space<vmem_shared>> -> memref<32768xf32, #tpu.memory_space<vmem_shared>>
      %dma_start3A_429 = tpu.memref_slice %arg14[%mul3A_199] : memref<524288xf32, #tpu.memory_space<vmem_shared>> -> memref<32768xf32, #tpu.memory_space<vmem_shared>>
      tpu.enqueue_dma source(%arg13 : memref<32768xf32, #tpu.memory_space<vmem>>) target(%dma_start3A_429 : memref<32768xf32, #tpu.memory_space<vmem_shared>>) target_semaphore(%run_scoped3A_427 : memref<!tpu.dma_semaphore, #tpu.memory_space<semaphore_mem>>)
      %dma_wait3A_430 = tpu.memref_slice %arg14[%mul3A_199] : memref<524288xf32, #tpu.memory_space<vmem_shared>> -> memref<32768xf32, #tpu.memory_space<vmem_shared>>
      %dma_wait3A_431 = tpu.memref_slice %arg14[%mul3A_199] : memref<524288xf32, #tpu.memory_space<vmem_shared>> -> memref<32768xf32, #tpu.memory_space<vmem_shared>>
      tpu.wait_dma2 semaphore(%run_scoped3A_427 : memref<!tpu.dma_semaphore, #tpu.memory_space<semaphore_mem>>) src(%arg13 : memref<32768xf32, #tpu.memory_space<vmem>>) dst(%dma_wait3A_431 : memref<32768xf32, #tpu.memory_space<vmem_shared>>)
      tpu.yield
    }) : () -> ()
    %barrier3A_200 = arith.constant 0 : index
    tpu.barrier barrier_id(%barrier3A_200)
    "tpu.region"() ({
      %run_scoped3A_427 = tpu.sem_alloc : memref<!tpu.dma_semaphore, #tpu.memory_space<semaphore_mem>>
      %dma_start3A_428 = arith.constant 0 : i32
      %dma_start3A_429 = tpu.memref_slice %arg14[%dma_start3A_428] : memref<524288xf32, #tpu.memory_space<vmem_shared>> -> memref<524288xf32, #tpu.memory_space<vmem_shared>>
      tpu.enqueue_indirect_dma source(%arg12 : memref<2048xf32, #tpu.memory_space<vmem>>) target(%dma_start3A_429 : memref<524288xf32, #tpu.memory_space<vmem_shared>>) offsets(%arg11 : memref<2048xi32, #tpu.memory_space<vmem>>) semaphore(%run_scoped3A_427 : memref<!tpu.dma_semaphore, #tpu.memory_space<semaphore_mem>>) {add = true}
      %dma_wait3A_430 = arith.constant 0 : i32
      %dma_wait3A_431 = tpu.memref_slice %arg14[%dma_wait3A_430] : memref<524288xf32, #tpu.memory_space<vmem_shared>> -> memref<524288xf32, #tpu.memory_space<vmem_shared>>
      tpu.wait_indirect_dma semaphore(%run_scoped3A_427 : memref<!tpu.dma_semaphore, #tpu.memory_space<semaphore_mem>>) src(%arg12 : memref<2048xf32, #tpu.memory_space<vmem>>) dst(%dma_wait3A_431 : memref<524288xf32, #tpu.memory_space<vmem_shared>>)
      tpu.yield
    }) : () -> ()
    %barrier3A_201 = arith.constant 0 : index
    tpu.barrier barrier_id(%barrier3A_201)
    %mul3A_202 = arith.constant 524288 : i32
    %mul3A_203 = arith.muli %add3A_187, %mul3A_202 : i32
    %mul3A_204 = arith.constant 32768 : i32
    %mul3A_205 = arith.muli %arg1, %mul3A_204 : i32
    %add3A_206 = arith.addi %mul3A_203, %mul3A_205 : i32
    %mul3A_207 = arith.constant 32768 : i32
    %mul3A_208 = arith.muli %arg1, %mul3A_207 : i32
    %dma_start3A_209 = tpu.memref_slice %arg5[%add3A_206] : memref<4194304xf32, #tpu.memory_space<hbm>> -> memref<32768xf32, #tpu.memory_space<hbm>>
    %dma_start3A_210 = tpu.memref_slice %arg14[%mul3A_208] : memref<524288xf32, #tpu.memory_space<vmem_shared>> -> memref<32768xf32, #tpu.memory_space<vmem_shared>>
    tpu.enqueue_dma source(%dma_start3A_210 : memref<32768xf32, #tpu.memory_space<vmem_shared>>) target(%dma_start3A_209 : memref<32768xf32, #tpu.memory_space<hbm>>) target_semaphore(%arg15 : memref<!tpu.dma_semaphore, #tpu.memory_space<semaphore_mem>>)
    %add3A_211 = arith.constant 0 : i32
    %add3A_212 = arith.addi %add3A_211, %arg0 : i32
    %mul3A_213 = arith.constant 256 : i32
    %mul3A_214 = arith.muli %add3A_212, %mul3A_213 : i32
    %mul3A_215 = arith.constant 2048 : i32
    %mul3A_216 = arith.muli %arg1, %mul3A_215 : i32
    %run_scoped3A_217 = arith.constant 2 : i32
    %run_scoped3A_218 = arith.constant 0 : i32
    "tpu.region"() ({
      %run_scoped3A_427 = tpu.sem_alloc : memref<!tpu.dma_semaphore, #tpu.memory_space<semaphore_mem>>
      %dma_start3A_428 = tpu.memref_slice %arg2[%run_scoped3A_217, %run_scoped3A_218, %mul3A_216] : memref<4x2x32768xi32, #tpu.memory_space<hbm>> -> memref<1x1x2048xi32, #tpu.memory_space<hbm>>
      %dma_start3A_429 = tpu.memref_squeeze %dma_start3A_428 : memref<1x1x2048xi32, #tpu.memory_space<hbm>> -> memref<2048xi32, #tpu.memory_space<hbm>>
      %dma_start3A_430 = tpu.memref_slice %arg2[%run_scoped3A_217, %run_scoped3A_218, %mul3A_216] : memref<4x2x32768xi32, #tpu.memory_space<hbm>> -> memref<1x1x2048xi32, #tpu.memory_space<hbm>>
      %dma_start3A_431 = tpu.memref_squeeze %dma_start3A_430 : memref<1x1x2048xi32, #tpu.memory_space<hbm>> -> memref<2048xi32, #tpu.memory_space<hbm>>
      tpu.enqueue_dma source(%dma_start3A_431 : memref<2048xi32, #tpu.memory_space<hbm>>) target(%arg8 : memref<2048xi32, #tpu.memory_space<vmem>>) target_semaphore(%run_scoped3A_427 : memref<!tpu.dma_semaphore, #tpu.memory_space<semaphore_mem>>)
      %dma_wait3A_432 = tpu.memref_slice %arg2[%run_scoped3A_217, %run_scoped3A_218, %mul3A_216] : memref<4x2x32768xi32, #tpu.memory_space<hbm>> -> memref<1x1x2048xi32, #tpu.memory_space<hbm>>
      %dma_wait3A_433 = tpu.memref_squeeze %dma_wait3A_432 : memref<1x1x2048xi32, #tpu.memory_space<hbm>> -> memref<2048xi32, #tpu.memory_space<hbm>>
      %dma_wait3A_434 = tpu.memref_slice %arg2[%run_scoped3A_217, %run_scoped3A_218, %mul3A_216] : memref<4x2x32768xi32, #tpu.memory_space<hbm>> -> memref<1x1x2048xi32, #tpu.memory_space<hbm>>
      %dma_wait3A_435 = tpu.memref_squeeze %dma_wait3A_434 : memref<1x1x2048xi32, #tpu.memory_space<hbm>> -> memref<2048xi32, #tpu.memory_space<hbm>>
      tpu.wait_dma2 semaphore(%run_scoped3A_427 : memref<!tpu.dma_semaphore, #tpu.memory_space<semaphore_mem>>) src(%dma_wait3A_435 : memref<2048xi32, #tpu.memory_space<hbm>>) dst(%arg8 : memref<2048xi32, #tpu.memory_space<vmem>>)
      tpu.yield
    }) : () -> ()
    %run_scoped3A_219 = arith.constant 2 : i32
    %run_scoped3A_220 = arith.constant 1 : i32
    "tpu.region"() ({
      %run_scoped3A_427 = tpu.sem_alloc : memref<!tpu.dma_semaphore, #tpu.memory_space<semaphore_mem>>
      %dma_start3A_428 = tpu.memref_slice %arg2[%run_scoped3A_219, %run_scoped3A_220, %mul3A_216] : memref<4x2x32768xi32, #tpu.memory_space<hbm>> -> memref<1x1x2048xi32, #tpu.memory_space<hbm>>
      %dma_start3A_429 = tpu.memref_squeeze %dma_start3A_428 : memref<1x1x2048xi32, #tpu.memory_space<hbm>> -> memref<2048xi32, #tpu.memory_space<hbm>>
      %dma_start3A_430 = tpu.memref_slice %arg2[%run_scoped3A_219, %run_scoped3A_220, %mul3A_216] : memref<4x2x32768xi32, #tpu.memory_space<hbm>> -> memref<1x1x2048xi32, #tpu.memory_space<hbm>>
      %dma_start3A_431 = tpu.memref_squeeze %dma_start3A_430 : memref<1x1x2048xi32, #tpu.memory_space<hbm>> -> memref<2048xi32, #tpu.memory_space<hbm>>
      tpu.enqueue_dma source(%dma_start3A_431 : memref<2048xi32, #tpu.memory_space<hbm>>) target(%arg9 : memref<2048xi32, #tpu.memory_space<vmem>>) target_semaphore(%run_scoped3A_427 : memref<!tpu.dma_semaphore, #tpu.memory_space<semaphore_mem>>)
      %dma_wait3A_432 = tpu.memref_slice %arg2[%run_scoped3A_219, %run_scoped3A_220, %mul3A_216] : memref<4x2x32768xi32, #tpu.memory_space<hbm>> -> memref<1x1x2048xi32, #tpu.memory_space<hbm>>
      %dma_wait3A_433 = tpu.memref_squeeze %dma_wait3A_432 : memref<1x1x2048xi32, #tpu.memory_space<hbm>> -> memref<2048xi32, #tpu.memory_space<hbm>>
      %dma_wait3A_434 = tpu.memref_slice %arg2[%run_scoped3A_219, %run_scoped3A_220, %mul3A_216] : memref<4x2x32768xi32, #tpu.memory_space<hbm>> -> memref<1x1x2048xi32, #tpu.memory_space<hbm>>
      %dma_wait3A_435 = tpu.memref_squeeze %dma_wait3A_434 : memref<1x1x2048xi32, #tpu.memory_space<hbm>> -> memref<2048xi32, #tpu.memory_space<hbm>>
      tpu.wait_dma2 semaphore(%run_scoped3A_427 : memref<!tpu.dma_semaphore, #tpu.memory_space<semaphore_mem>>) src(%dma_wait3A_435 : memref<2048xi32, #tpu.memory_space<hbm>>) dst(%arg9 : memref<2048xi32, #tpu.memory_space<vmem>>)
      tpu.yield
    }) : () -> ()
    %run_scoped3A_221 = arith.constant 2 : i32
    "tpu.region"() ({
      %run_scoped3A_427 = tpu.sem_alloc : memref<!tpu.dma_semaphore, #tpu.memory_space<semaphore_mem>>
      %dma_start3A_428 = tpu.memref_slice %arg3[%run_scoped3A_221, %mul3A_216] : memref<4x32768xf32, #tpu.memory_space<hbm>> -> memref<1x2048xf32, #tpu.memory_space<hbm>>
      %dma_start3A_429 = tpu.memref_squeeze %dma_start3A_428 : memref<1x2048xf32, #tpu.memory_space<hbm>> -> memref<2048xf32, #tpu.memory_space<hbm>>
      %dma_start3A_430 = tpu.memref_slice %arg3[%run_scoped3A_221, %mul3A_216] : memref<4x32768xf32, #tpu.memory_space<hbm>> -> memref<1x2048xf32, #tpu.memory_space<hbm>>
      %dma_start3A_431 = tpu.memref_squeeze %dma_start3A_430 : memref<1x2048xf32, #tpu.memory_space<hbm>> -> memref<2048xf32, #tpu.memory_space<hbm>>
      tpu.enqueue_dma source(%dma_start3A_431 : memref<2048xf32, #tpu.memory_space<hbm>>) target(%arg10 : memref<2048xf32, #tpu.memory_space<vmem>>) target_semaphore(%run_scoped3A_427 : memref<!tpu.dma_semaphore, #tpu.memory_space<semaphore_mem>>)
      %dma_wait3A_432 = tpu.memref_slice %arg3[%run_scoped3A_221, %mul3A_216] : memref<4x32768xf32, #tpu.memory_space<hbm>> -> memref<1x2048xf32, #tpu.memory_space<hbm>>
      %dma_wait3A_433 = tpu.memref_squeeze %dma_wait3A_432 : memref<1x2048xf32, #tpu.memory_space<hbm>> -> memref<2048xf32, #tpu.memory_space<hbm>>
      %dma_wait3A_434 = tpu.memref_slice %arg3[%run_scoped3A_221, %mul3A_216] : memref<4x32768xf32, #tpu.memory_space<hbm>> -> memref<1x2048xf32, #tpu.memory_space<hbm>>
      %dma_wait3A_435 = tpu.memref_squeeze %dma_wait3A_434 : memref<1x2048xf32, #tpu.memory_space<hbm>> -> memref<2048xf32, #tpu.memory_space<hbm>>
      tpu.wait_dma2 semaphore(%run_scoped3A_427 : memref<!tpu.dma_semaphore, #tpu.memory_space<semaphore_mem>>) src(%dma_wait3A_435 : memref<2048xf32, #tpu.memory_space<hbm>>) dst(%arg10 : memref<2048xf32, #tpu.memory_space<vmem>>)
      tpu.yield
    }) : () -> ()
    %scan3A_222 = arith.constant 0 : i32
    %scan3A_223 = arith.constant 0 : i32
    %scan3A_224 = arith.constant 128 : i32
    %scan3A_225 = arith.addi %scan3A_223, %scan3A_224 : i32
    %scan3A_226 = arith.constant 1 : i32
    scf.for %scan3A_427 = %scan3A_223 to %scan3A_225 step %scan3A_226  : i32 {
      %mul3A_428 = arith.constant 16 : i32
      %mul3A_429 = arith.muli %scan3A_427, %mul3A_428 : i32
      %get3A = arith.index_cast %mul3A_429 : i32 to index
      %get3A_430 = tpu.vector_load %arg8[%get3A] {strides = array<i32>} : memref<2048xi32, #tpu.memory_space<vmem>>, vector<16xi32>,
      %get3A_431 = vector.shape_cast %get3A_430 : vector<16xi32> to vector<16xi32>
      %get3A_432 = arith.index_cast %mul3A_429 : i32 to index
      %get3A_433 = tpu.vector_load %arg9[%get3A_432] {strides = array<i32>} : memref<2048xi32, #tpu.memory_space<vmem>>, vector<16xi32>,
      %get3A_434 = vector.shape_cast %get3A_433 : vector<16xi32> to vector<16xi32>
      %get3A_435 = arith.index_cast %mul3A_429 : i32 to index
      %get3A_436 = tpu.vector_load %arg10[%get3A_435] {strides = array<i32>} : memref<2048xf32, #tpu.memory_space<vmem>>, vector<16xf32>,
      %get3A_437 = vector.shape_cast %get3A_436 : vector<16xf32> to vector<16xf32>
      %ge3A = vector.broadcast %mul3A_214 : i32 to vector<16xi32>
      %ge3A_438 = arith.cmpi sge, %get3A_431, %ge3A : vector<16xi32>
      %add3A_439 = arith.constant 256 : i32
      %add3A_440 = arith.addi %mul3A_214, %add3A_439 : i32
      %lt3A = vector.broadcast %add3A_440 : i32 to vector<16xi32>
      %lt3A_441 = arith.cmpi slt, %get3A_431, %lt3A : vector<16xi32>
      %and3A = arith.andi %ge3A_438, %lt3A_441 : vector<16xi1>
      %shift_right_arithmetic3A = arith.constant 7 : i32
      %shift_right_arithmetic3A_442 = vector.broadcast %shift_right_arithmetic3A : i32 to vector<16xi32>
      %shift_right_arithmetic3A_443 = arith.shrsi %get3A_434, %shift_right_arithmetic3A_442 : vector<16xi32>
      %shift_left3A = arith.constant 15 : i32
      %shift_left3A_444 = vector.broadcast %shift_left3A : i32 to vector<16xi32>
      %shift_left3A_445 = arith.shli %shift_right_arithmetic3A_443, %shift_left3A_444 : vector<16xi32>
      %and3A_446 = arith.constant 255 : i32
      %and3A_447 = vector.broadcast %and3A_446 : i32 to vector<16xi32>
      %and3A_448 = arith.andi %get3A_431, %and3A_447 : vector<16xi32>
      %shift_left3A_449 = arith.constant 7 : i32
      %shift_left3A_450 = vector.broadcast %shift_left3A_449 : i32 to vector<16xi32>
      %shift_left3A_451 = arith.shli %and3A_448, %shift_left3A_450 : vector<16xi32>
      %add3A_452 = arith.addi %shift_left3A_445, %shift_left3A_451 : vector<16xi32>
      %and3A_453 = arith.constant 127 : i32
      %and3A_454 = vector.broadcast %and3A_453 : i32 to vector<16xi32>
      %and3A_455 = arith.andi %get3A_434, %and3A_454 : vector<16xi32>
      %add3A_456 = arith.addi %add3A_452, %and3A_455 : vector<16xi32>
      %swap3A = arith.index_cast %mul3A_429 : i32 to index
      %swap3A_457 = tpu.vector_load %arg11[%swap3A] {strides = array<i32>} : memref<2048xi32, #tpu.memory_space<vmem>>, vector<16xi32>,
      %swap3A_458 = vector.shape_cast %swap3A_457 : vector<16xi32> to vector<16xi32>
      %swap3A_459 = vector.shape_cast %add3A_456 : vector<16xi32> to vector<16xi32>
      tpu.vector_store %arg11[%swap3A], %swap3A_459 {strides = array<i32>} : memref<2048xi32, #tpu.memory_space<vmem>>, vector<16xi32>,
      %broadcast_in_dim3A = arith.constant 0.000000e+00 : f32
      %broadcast_in_dim3A_460 = vector.broadcast %broadcast_in_dim3A : f32 to vector<16xf32>
      %select_n3A = arith.select %and3A, %get3A_437, %broadcast_in_dim3A_460 : vector<16xi1>, vector<16xf32>
      %swap3A_461 = arith.index_cast %mul3A_429 : i32 to index
      %swap3A_462 = tpu.vector_load %arg12[%swap3A_461] {strides = array<i32>} : memref<2048xf32, #tpu.memory_space<vmem>>, vector<16xf32>,
      %swap3A_463 = vector.shape_cast %swap3A_462 : vector<16xf32> to vector<16xf32>
      %swap3A_464 = vector.shape_cast %select_n3A : vector<16xf32> to vector<16xf32>
      tpu.vector_store %arg12[%swap3A_461], %swap3A_464 {strides = array<i32>} : memref<2048xf32, #tpu.memory_space<vmem>>, vector<16xf32>,
    }
    %scan3A_227 = arith.constant 128 : i32
    %dma_wait3A_228 = tpu.memref_slice %arg5[%add3A_206] : memref<4194304xf32, #tpu.memory_space<hbm>> -> memref<32768xf32, #tpu.memory_space<hbm>>
    %dma_wait3A_229 = tpu.memref_slice %arg14[%mul3A_208] : memref<524288xf32, #tpu.memory_space<vmem_shared>> -> memref<32768xf32, #tpu.memory_space<vmem_shared>>
    tpu.wait_dma2 semaphore(%arg15 : memref<!tpu.dma_semaphore, #tpu.memory_space<semaphore_mem>>) src(%dma_wait3A_229 : memref<32768xf32, #tpu.memory_space<vmem_shared>>) dst(%dma_wait3A_228 : memref<32768xf32, #tpu.memory_space<hbm>>)
    %mul3A_230 = arith.constant 32768 : i32
    %mul3A_231 = arith.muli %arg1, %mul3A_230 : i32
    "tpu.region"() ({
      %run_scoped3A_427 = tpu.sem_alloc : memref<!tpu.dma_semaphore, #tpu.memory_space<semaphore_mem>>
      %dma_start3A_428 = tpu.memref_slice %arg14[%mul3A_231] : memref<524288xf32, #tpu.memory_space<vmem_shared>> -> memref<32768xf32, #tpu.memory_space<vmem_shared>>
      %dma_start3A_429 = tpu.memref_slice %arg14[%mul3A_231] : memref<524288xf32, #tpu.memory_space<vmem_shared>> -> memref<32768xf32, #tpu.memory_space<vmem_shared>>
      tpu.enqueue_dma source(%arg13 : memref<32768xf32, #tpu.memory_space<vmem>>) target(%dma_start3A_429 : memref<32768xf32, #tpu.memory_space<vmem_shared>>) target_semaphore(%run_scoped3A_427 : memref<!tpu.dma_semaphore, #tpu.memory_space<semaphore_mem>>)
      %dma_wait3A_430 = tpu.memref_slice %arg14[%mul3A_231] : memref<524288xf32, #tpu.memory_space<vmem_shared>> -> memref<32768xf32, #tpu.memory_space<vmem_shared>>
      %dma_wait3A_431 = tpu.memref_slice %arg14[%mul3A_231] : memref<524288xf32, #tpu.memory_space<vmem_shared>> -> memref<32768xf32, #tpu.memory_space<vmem_shared>>
      tpu.wait_dma2 semaphore(%run_scoped3A_427 : memref<!tpu.dma_semaphore, #tpu.memory_space<semaphore_mem>>) src(%arg13 : memref<32768xf32, #tpu.memory_space<vmem>>) dst(%dma_wait3A_431 : memref<32768xf32, #tpu.memory_space<vmem_shared>>)
      tpu.yield
    }) : () -> ()
    %barrier3A_232 = arith.constant 0 : index
    tpu.barrier barrier_id(%barrier3A_232)
    "tpu.region"() ({
      %run_scoped3A_427 = tpu.sem_alloc : memref<!tpu.dma_semaphore, #tpu.memory_space<semaphore_mem>>
      %dma_start3A_428 = arith.constant 0 : i32
      %dma_start3A_429 = tpu.memref_slice %arg14[%dma_start3A_428] : memref<524288xf32, #tpu.memory_space<vmem_shared>> -> memref<524288xf32, #tpu.memory_space<vmem_shared>>
      tpu.enqueue_indirect_dma source(%arg12 : memref<2048xf32, #tpu.memory_space<vmem>>) target(%dma_start3A_429 : memref<524288xf32, #tpu.memory_space<vmem_shared>>) offsets(%arg11 : memref<2048xi32, #tpu.memory_space<vmem>>) semaphore(%run_scoped3A_427 : memref<!tpu.dma_semaphore, #tpu.memory_space<semaphore_mem>>) {add = true}
      %dma_wait3A_430 = arith.constant 0 : i32
      %dma_wait3A_431 = tpu.memref_slice %arg14[%dma_wait3A_430] : memref<524288xf32, #tpu.memory_space<vmem_shared>> -> memref<524288xf32, #tpu.memory_space<vmem_shared>>
      tpu.wait_indirect_dma semaphore(%run_scoped3A_427 : memref<!tpu.dma_semaphore, #tpu.memory_space<semaphore_mem>>) src(%arg12 : memref<2048xf32, #tpu.memory_space<vmem>>) dst(%dma_wait3A_431 : memref<524288xf32, #tpu.memory_space<vmem_shared>>)
      tpu.yield
    }) : () -> ()
    %barrier3A_233 = arith.constant 0 : index
    tpu.barrier barrier_id(%barrier3A_233)
    %mul3A_234 = arith.constant 524288 : i32
    %mul3A_235 = arith.muli %add3A_212, %mul3A_234 : i32
    %mul3A_236 = arith.constant 32768 : i32
    %mul3A_237 = arith.muli %arg1, %mul3A_236 : i32
    %add3A_238 = arith.addi %mul3A_235, %mul3A_237 : i32
    %mul3A_239 = arith.constant 32768 : i32
    %mul3A_240 = arith.muli %arg1, %mul3A_239 : i32
    %dma_start3A_241 = tpu.memref_slice %arg6[%add3A_238] : memref<4194304xf32, #tpu.memory_space<hbm>> -> memref<32768xf32, #tpu.memory_space<hbm>>
    %dma_start3A_242 = tpu.memref_slice %arg14[%mul3A_240] : memref<524288xf32, #tpu.memory_space<vmem_shared>> -> memref<32768xf32, #tpu.memory_space<vmem_shared>>
    tpu.enqueue_dma source(%dma_start3A_242 : memref<32768xf32, #tpu.memory_space<vmem_shared>>) target(%dma_start3A_241 : memref<32768xf32, #tpu.memory_space<hbm>>) target_semaphore(%arg15 : memref<!tpu.dma_semaphore, #tpu.memory_space<semaphore_mem>>)
    %add3A_243 = arith.constant 2 : i32
    %add3A_244 = arith.addi %add3A_243, %arg0 : i32
    %mul3A_245 = arith.constant 256 : i32
    %mul3A_246 = arith.muli %add3A_244, %mul3A_245 : i32
    %scan3A_247 = arith.constant 0 : i32
    %scan3A_248 = arith.constant 0 : i32
    %scan3A_249 = arith.constant 128 : i32
    %scan3A_250 = arith.addi %scan3A_248, %scan3A_249 : i32
    %scan3A_251 = arith.constant 1 : i32
    scf.for %scan3A_427 = %scan3A_248 to %scan3A_250 step %scan3A_251  : i32 {
      %mul3A_428 = arith.constant 16 : i32
      %mul3A_429 = arith.muli %scan3A_427, %mul3A_428 : i32
      %get3A = arith.index_cast %mul3A_429 : i32 to index
      %get3A_430 = tpu.vector_load %arg8[%get3A] {strides = array<i32>} : memref<2048xi32, #tpu.memory_space<vmem>>, vector<16xi32>,
      %get3A_431 = vector.shape_cast %get3A_430 : vector<16xi32> to vector<16xi32>
      %get3A_432 = arith.index_cast %mul3A_429 : i32 to index
      %get3A_433 = tpu.vector_load %arg9[%get3A_432] {strides = array<i32>} : memref<2048xi32, #tpu.memory_space<vmem>>, vector<16xi32>,
      %get3A_434 = vector.shape_cast %get3A_433 : vector<16xi32> to vector<16xi32>
      %get3A_435 = arith.index_cast %mul3A_429 : i32 to index
      %get3A_436 = tpu.vector_load %arg10[%get3A_435] {strides = array<i32>} : memref<2048xf32, #tpu.memory_space<vmem>>, vector<16xf32>,
      %get3A_437 = vector.shape_cast %get3A_436 : vector<16xf32> to vector<16xf32>
      %ge3A = vector.broadcast %mul3A_246 : i32 to vector<16xi32>
      %ge3A_438 = arith.cmpi sge, %get3A_431, %ge3A : vector<16xi32>
      %add3A_439 = arith.constant 256 : i32
      %add3A_440 = arith.addi %mul3A_246, %add3A_439 : i32
      %lt3A = vector.broadcast %add3A_440 : i32 to vector<16xi32>
      %lt3A_441 = arith.cmpi slt, %get3A_431, %lt3A : vector<16xi32>
      %and3A = arith.andi %ge3A_438, %lt3A_441 : vector<16xi1>
      %shift_right_arithmetic3A = arith.constant 7 : i32
      %shift_right_arithmetic3A_442 = vector.broadcast %shift_right_arithmetic3A : i32 to vector<16xi32>
      %shift_right_arithmetic3A_443 = arith.shrsi %get3A_434, %shift_right_arithmetic3A_442 : vector<16xi32>
      %shift_left3A = arith.constant 15 : i32
      %shift_left3A_444 = vector.broadcast %shift_left3A : i32 to vector<16xi32>
      %shift_left3A_445 = arith.shli %shift_right_arithmetic3A_443, %shift_left3A_444 : vector<16xi32>
      %and3A_446 = arith.constant 255 : i32
      %and3A_447 = vector.broadcast %and3A_446 : i32 to vector<16xi32>
      %and3A_448 = arith.andi %get3A_431, %and3A_447 : vector<16xi32>
      %shift_left3A_449 = arith.constant 7 : i32
      %shift_left3A_450 = vector.broadcast %shift_left3A_449 : i32 to vector<16xi32>
      %shift_left3A_451 = arith.shli %and3A_448, %shift_left3A_450 : vector<16xi32>
      %add3A_452 = arith.addi %shift_left3A_445, %shift_left3A_451 : vector<16xi32>
      %and3A_453 = arith.constant 127 : i32
      %and3A_454 = vector.broadcast %and3A_453 : i32 to vector<16xi32>
      %and3A_455 = arith.andi %get3A_434, %and3A_454 : vector<16xi32>
      %add3A_456 = arith.addi %add3A_452, %and3A_455 : vector<16xi32>
      %swap3A = arith.index_cast %mul3A_429 : i32 to index
      %swap3A_457 = tpu.vector_load %arg11[%swap3A] {strides = array<i32>} : memref<2048xi32, #tpu.memory_space<vmem>>, vector<16xi32>,
      %swap3A_458 = vector.shape_cast %swap3A_457 : vector<16xi32> to vector<16xi32>
      %swap3A_459 = vector.shape_cast %add3A_456 : vector<16xi32> to vector<16xi32>
      tpu.vector_store %arg11[%swap3A], %swap3A_459 {strides = array<i32>} : memref<2048xi32, #tpu.memory_space<vmem>>, vector<16xi32>,
      %broadcast_in_dim3A = arith.constant 0.000000e+00 : f32
      %broadcast_in_dim3A_460 = vector.broadcast %broadcast_in_dim3A : f32 to vector<16xf32>
      %select_n3A = arith.select %and3A, %get3A_437, %broadcast_in_dim3A_460 : vector<16xi1>, vector<16xf32>
      %swap3A_461 = arith.index_cast %mul3A_429 : i32 to index
      %swap3A_462 = tpu.vector_load %arg12[%swap3A_461] {strides = array<i32>} : memref<2048xf32, #tpu.memory_space<vmem>>, vector<16xf32>,
      %swap3A_463 = vector.shape_cast %swap3A_462 : vector<16xf32> to vector<16xf32>
      %swap3A_464 = vector.shape_cast %select_n3A : vector<16xf32> to vector<16xf32>
      tpu.vector_store %arg12[%swap3A_461], %swap3A_464 {strides = array<i32>} : memref<2048xf32, #tpu.memory_space<vmem>>, vector<16xf32>,
    }
    %scan3A_252 = arith.constant 128 : i32
    %dma_wait3A_253 = tpu.memref_slice %arg6[%add3A_238] : memref<4194304xf32, #tpu.memory_space<hbm>> -> memref<32768xf32, #tpu.memory_space<hbm>>
    %dma_wait3A_254 = tpu.memref_slice %arg14[%mul3A_240] : memref<524288xf32, #tpu.memory_space<vmem_shared>> -> memref<32768xf32, #tpu.memory_space<vmem_shared>>
    tpu.wait_dma2 semaphore(%arg15 : memref<!tpu.dma_semaphore, #tpu.memory_space<semaphore_mem>>) src(%dma_wait3A_254 : memref<32768xf32, #tpu.memory_space<vmem_shared>>) dst(%dma_wait3A_253 : memref<32768xf32, #tpu.memory_space<hbm>>)
    %mul3A_255 = arith.constant 32768 : i32
    %mul3A_256 = arith.muli %arg1, %mul3A_255 : i32
    "tpu.region"() ({
      %run_scoped3A_427 = tpu.sem_alloc : memref<!tpu.dma_semaphore, #tpu.memory_space<semaphore_mem>>
      %dma_start3A_428 = tpu.memref_slice %arg14[%mul3A_256] : memref<524288xf32, #tpu.memory_space<vmem_shared>> -> memref<32768xf32, #tpu.memory_space<vmem_shared>>
      %dma_start3A_429 = tpu.memref_slice %arg14[%mul3A_256] : memref<524288xf32, #tpu.memory_space<vmem_shared>> -> memref<32768xf32, #tpu.memory_space<vmem_shared>>
      tpu.enqueue_dma source(%arg13 : memref<32768xf32, #tpu.memory_space<vmem>>) target(%dma_start3A_429 : memref<32768xf32, #tpu.memory_space<vmem_shared>>) target_semaphore(%run_scoped3A_427 : memref<!tpu.dma_semaphore, #tpu.memory_space<semaphore_mem>>)
      %dma_wait3A_430 = tpu.memref_slice %arg14[%mul3A_256] : memref<524288xf32, #tpu.memory_space<vmem_shared>> -> memref<32768xf32, #tpu.memory_space<vmem_shared>>
      %dma_wait3A_431 = tpu.memref_slice %arg14[%mul3A_256] : memref<524288xf32, #tpu.memory_space<vmem_shared>> -> memref<32768xf32, #tpu.memory_space<vmem_shared>>
      tpu.wait_dma2 semaphore(%run_scoped3A_427 : memref<!tpu.dma_semaphore, #tpu.memory_space<semaphore_mem>>) src(%arg13 : memref<32768xf32, #tpu.memory_space<vmem>>) dst(%dma_wait3A_431 : memref<32768xf32, #tpu.memory_space<vmem_shared>>)
      tpu.yield
    }) : () -> ()
    %barrier3A_257 = arith.constant 0 : index
    tpu.barrier barrier_id(%barrier3A_257)
    "tpu.region"() ({
      %run_scoped3A_427 = tpu.sem_alloc : memref<!tpu.dma_semaphore, #tpu.memory_space<semaphore_mem>>
      %dma_start3A_428 = arith.constant 0 : i32
      %dma_start3A_429 = tpu.memref_slice %arg14[%dma_start3A_428] : memref<524288xf32, #tpu.memory_space<vmem_shared>> -> memref<524288xf32, #tpu.memory_space<vmem_shared>>
      tpu.enqueue_indirect_dma source(%arg12 : memref<2048xf32, #tpu.memory_space<vmem>>) target(%dma_start3A_429 : memref<524288xf32, #tpu.memory_space<vmem_shared>>) offsets(%arg11 : memref<2048xi32, #tpu.memory_space<vmem>>) semaphore(%run_scoped3A_427 : memref<!tpu.dma_semaphore, #tpu.memory_space<semaphore_mem>>) {add = true}
      %dma_wait3A_430 = arith.constant 0 : i32
      %dma_wait3A_431 = tpu.memref_slice %arg14[%dma_wait3A_430] : memref<524288xf32, #tpu.memory_space<vmem_shared>> -> memref<524288xf32, #tpu.memory_space<vmem_shared>>
      tpu.wait_indirect_dma semaphore(%run_scoped3A_427 : memref<!tpu.dma_semaphore, #tpu.memory_space<semaphore_mem>>) src(%arg12 : memref<2048xf32, #tpu.memory_space<vmem>>) dst(%dma_wait3A_431 : memref<524288xf32, #tpu.memory_space<vmem_shared>>)
      tpu.yield
    }) : () -> ()
    %barrier3A_258 = arith.constant 0 : index
    tpu.barrier barrier_id(%barrier3A_258)
    %mul3A_259 = arith.constant 524288 : i32
    %mul3A_260 = arith.muli %add3A_244, %mul3A_259 : i32
    %mul3A_261 = arith.constant 32768 : i32
    %mul3A_262 = arith.muli %arg1, %mul3A_261 : i32
    %add3A_263 = arith.addi %mul3A_260, %mul3A_262 : i32
    %mul3A_264 = arith.constant 32768 : i32
    %mul3A_265 = arith.muli %arg1, %mul3A_264 : i32
    %dma_start3A_266 = tpu.memref_slice %arg6[%add3A_263] : memref<4194304xf32, #tpu.memory_space<hbm>> -> memref<32768xf32, #tpu.memory_space<hbm>>
    %dma_start3A_267 = tpu.memref_slice %arg14[%mul3A_265] : memref<524288xf32, #tpu.memory_space<vmem_shared>> -> memref<32768xf32, #tpu.memory_space<vmem_shared>>
    tpu.enqueue_dma source(%dma_start3A_267 : memref<32768xf32, #tpu.memory_space<vmem_shared>>) target(%dma_start3A_266 : memref<32768xf32, #tpu.memory_space<hbm>>) target_semaphore(%arg15 : memref<!tpu.dma_semaphore, #tpu.memory_space<semaphore_mem>>)
    %add3A_268 = arith.constant 4 : i32
    %add3A_269 = arith.addi %add3A_268, %arg0 : i32
    %mul3A_270 = arith.constant 256 : i32
    %mul3A_271 = arith.muli %add3A_269, %mul3A_270 : i32
    %scan3A_272 = arith.constant 0 : i32
    %scan3A_273 = arith.constant 0 : i32
    %scan3A_274 = arith.constant 128 : i32
    %scan3A_275 = arith.addi %scan3A_273, %scan3A_274 : i32
    %scan3A_276 = arith.constant 1 : i32
    scf.for %scan3A_427 = %scan3A_273 to %scan3A_275 step %scan3A_276  : i32 {
      %mul3A_428 = arith.constant 16 : i32
      %mul3A_429 = arith.muli %scan3A_427, %mul3A_428 : i32
      %get3A = arith.index_cast %mul3A_429 : i32 to index
      %get3A_430 = tpu.vector_load %arg8[%get3A] {strides = array<i32>} : memref<2048xi32, #tpu.memory_space<vmem>>, vector<16xi32>,
      %get3A_431 = vector.shape_cast %get3A_430 : vector<16xi32> to vector<16xi32>
      %get3A_432 = arith.index_cast %mul3A_429 : i32 to index
      %get3A_433 = tpu.vector_load %arg9[%get3A_432] {strides = array<i32>} : memref<2048xi32, #tpu.memory_space<vmem>>, vector<16xi32>,
      %get3A_434 = vector.shape_cast %get3A_433 : vector<16xi32> to vector<16xi32>
      %get3A_435 = arith.index_cast %mul3A_429 : i32 to index
      %get3A_436 = tpu.vector_load %arg10[%get3A_435] {strides = array<i32>} : memref<2048xf32, #tpu.memory_space<vmem>>, vector<16xf32>,
      %get3A_437 = vector.shape_cast %get3A_436 : vector<16xf32> to vector<16xf32>
      %ge3A = vector.broadcast %mul3A_271 : i32 to vector<16xi32>
      %ge3A_438 = arith.cmpi sge, %get3A_431, %ge3A : vector<16xi32>
      %add3A_439 = arith.constant 256 : i32
      %add3A_440 = arith.addi %mul3A_271, %add3A_439 : i32
      %lt3A = vector.broadcast %add3A_440 : i32 to vector<16xi32>
      %lt3A_441 = arith.cmpi slt, %get3A_431, %lt3A : vector<16xi32>
      %and3A = arith.andi %ge3A_438, %lt3A_441 : vector<16xi1>
      %shift_right_arithmetic3A = arith.constant 7 : i32
      %shift_right_arithmetic3A_442 = vector.broadcast %shift_right_arithmetic3A : i32 to vector<16xi32>
      %shift_right_arithmetic3A_443 = arith.shrsi %get3A_434, %shift_right_arithmetic3A_442 : vector<16xi32>
      %shift_left3A = arith.constant 15 : i32
      %shift_left3A_444 = vector.broadcast %shift_left3A : i32 to vector<16xi32>
      %shift_left3A_445 = arith.shli %shift_right_arithmetic3A_443, %shift_left3A_444 : vector<16xi32>
      %and3A_446 = arith.constant 255 : i32
      %and3A_447 = vector.broadcast %and3A_446 : i32 to vector<16xi32>
      %and3A_448 = arith.andi %get3A_431, %and3A_447 : vector<16xi32>
      %shift_left3A_449 = arith.constant 7 : i32
      %shift_left3A_450 = vector.broadcast %shift_left3A_449 : i32 to vector<16xi32>
      %shift_left3A_451 = arith.shli %and3A_448, %shift_left3A_450 : vector<16xi32>
      %add3A_452 = arith.addi %shift_left3A_445, %shift_left3A_451 : vector<16xi32>
      %and3A_453 = arith.constant 127 : i32
      %and3A_454 = vector.broadcast %and3A_453 : i32 to vector<16xi32>
      %and3A_455 = arith.andi %get3A_434, %and3A_454 : vector<16xi32>
      %add3A_456 = arith.addi %add3A_452, %and3A_455 : vector<16xi32>
      %swap3A = arith.index_cast %mul3A_429 : i32 to index
      %swap3A_457 = tpu.vector_load %arg11[%swap3A] {strides = array<i32>} : memref<2048xi32, #tpu.memory_space<vmem>>, vector<16xi32>,
      %swap3A_458 = vector.shape_cast %swap3A_457 : vector<16xi32> to vector<16xi32>
      %swap3A_459 = vector.shape_cast %add3A_456 : vector<16xi32> to vector<16xi32>
      tpu.vector_store %arg11[%swap3A], %swap3A_459 {strides = array<i32>} : memref<2048xi32, #tpu.memory_space<vmem>>, vector<16xi32>,
      %broadcast_in_dim3A = arith.constant 0.000000e+00 : f32
      %broadcast_in_dim3A_460 = vector.broadcast %broadcast_in_dim3A : f32 to vector<16xf32>
      %select_n3A = arith.select %and3A, %get3A_437, %broadcast_in_dim3A_460 : vector<16xi1>, vector<16xf32>
      %swap3A_461 = arith.index_cast %mul3A_429 : i32 to index
      %swap3A_462 = tpu.vector_load %arg12[%swap3A_461] {strides = array<i32>} : memref<2048xf32, #tpu.memory_space<vmem>>, vector<16xf32>,
      %swap3A_463 = vector.shape_cast %swap3A_462 : vector<16xf32> to vector<16xf32>
      %swap3A_464 = vector.shape_cast %select_n3A : vector<16xf32> to vector<16xf32>
      tpu.vector_store %arg12[%swap3A_461], %swap3A_464 {strides = array<i32>} : memref<2048xf32, #tpu.memory_space<vmem>>, vector<16xf32>,
    }
    %scan3A_277 = arith.constant 128 : i32
    %dma_wait3A_278 = tpu.memref_slice %arg6[%add3A_263] : memref<4194304xf32, #tpu.memory_space<hbm>> -> memref<32768xf32, #tpu.memory_space<hbm>>
    %dma_wait3A_279 = tpu.memref_slice %arg14[%mul3A_265] : memref<524288xf32, #tpu.memory_space<vmem_shared>> -> memref<32768xf32, #tpu.memory_space<vmem_shared>>
    tpu.wait_dma2 semaphore(%arg15 : memref<!tpu.dma_semaphore, #tpu.memory_space<semaphore_mem>>) src(%dma_wait3A_279 : memref<32768xf32, #tpu.memory_space<vmem_shared>>) dst(%dma_wait3A_278 : memref<32768xf32, #tpu.memory_space<hbm>>)
    %mul3A_280 = arith.constant 32768 : i32
    %mul3A_281 = arith.muli %arg1, %mul3A_280 : i32
    "tpu.region"() ({
      %run_scoped3A_427 = tpu.sem_alloc : memref<!tpu.dma_semaphore, #tpu.memory_space<semaphore_mem>>
      %dma_start3A_428 = tpu.memref_slice %arg14[%mul3A_281] : memref<524288xf32, #tpu.memory_space<vmem_shared>> -> memref<32768xf32, #tpu.memory_space<vmem_shared>>
      %dma_start3A_429 = tpu.memref_slice %arg14[%mul3A_281] : memref<524288xf32, #tpu.memory_space<vmem_shared>> -> memref<32768xf32, #tpu.memory_space<vmem_shared>>
      tpu.enqueue_dma source(%arg13 : memref<32768xf32, #tpu.memory_space<vmem>>) target(%dma_start3A_429 : memref<32768xf32, #tpu.memory_space<vmem_shared>>) target_semaphore(%run_scoped3A_427 : memref<!tpu.dma_semaphore, #tpu.memory_space<semaphore_mem>>)
      %dma_wait3A_430 = tpu.memref_slice %arg14[%mul3A_281] : memref<524288xf32, #tpu.memory_space<vmem_shared>> -> memref<32768xf32, #tpu.memory_space<vmem_shared>>
      %dma_wait3A_431 = tpu.memref_slice %arg14[%mul3A_281] : memref<524288xf32, #tpu.memory_space<vmem_shared>> -> memref<32768xf32, #tpu.memory_space<vmem_shared>>
      tpu.wait_dma2 semaphore(%run_scoped3A_427 : memref<!tpu.dma_semaphore, #tpu.memory_space<semaphore_mem>>) src(%arg13 : memref<32768xf32, #tpu.memory_space<vmem>>) dst(%dma_wait3A_431 : memref<32768xf32, #tpu.memory_space<vmem_shared>>)
      tpu.yield
    }) : () -> ()
    %barrier3A_282 = arith.constant 0 : index
    tpu.barrier barrier_id(%barrier3A_282)
    "tpu.region"() ({
      %run_scoped3A_427 = tpu.sem_alloc : memref<!tpu.dma_semaphore, #tpu.memory_space<semaphore_mem>>
      %dma_start3A_428 = arith.constant 0 : i32
      %dma_start3A_429 = tpu.memref_slice %arg14[%dma_start3A_428] : memref<524288xf32, #tpu.memory_space<vmem_shared>> -> memref<524288xf32, #tpu.memory_space<vmem_shared>>
      tpu.enqueue_indirect_dma source(%arg12 : memref<2048xf32, #tpu.memory_space<vmem>>) target(%dma_start3A_429 : memref<524288xf32, #tpu.memory_space<vmem_shared>>) offsets(%arg11 : memref<2048xi32, #tpu.memory_space<vmem>>) semaphore(%run_scoped3A_427 : memref<!tpu.dma_semaphore, #tpu.memory_space<semaphore_mem>>) {add = true}
      %dma_wait3A_430 = arith.constant 0 : i32
      %dma_wait3A_431 = tpu.memref_slice %arg14[%dma_wait3A_430] : memref<524288xf32, #tpu.memory_space<vmem_shared>> -> memref<524288xf32, #tpu.memory_space<vmem_shared>>
      tpu.wait_indirect_dma semaphore(%run_scoped3A_427 : memref<!tpu.dma_semaphore, #tpu.memory_space<semaphore_mem>>) src(%arg12 : memref<2048xf32, #tpu.memory_space<vmem>>) dst(%dma_wait3A_431 : memref<524288xf32, #tpu.memory_space<vmem_shared>>)
      tpu.yield
    }) : () -> ()
    %barrier3A_283 = arith.constant 0 : index
    tpu.barrier barrier_id(%barrier3A_283)
    %mul3A_284 = arith.constant 524288 : i32
    %mul3A_285 = arith.muli %add3A_269, %mul3A_284 : i32
    %mul3A_286 = arith.constant 32768 : i32
    %mul3A_287 = arith.muli %arg1, %mul3A_286 : i32
    %add3A_288 = arith.addi %mul3A_285, %mul3A_287 : i32
    %mul3A_289 = arith.constant 32768 : i32
    %mul3A_290 = arith.muli %arg1, %mul3A_289 : i32
    %dma_start3A_291 = tpu.memref_slice %arg6[%add3A_288] : memref<4194304xf32, #tpu.memory_space<hbm>> -> memref<32768xf32, #tpu.memory_space<hbm>>
    %dma_start3A_292 = tpu.memref_slice %arg14[%mul3A_290] : memref<524288xf32, #tpu.memory_space<vmem_shared>> -> memref<32768xf32, #tpu.memory_space<vmem_shared>>
    tpu.enqueue_dma source(%dma_start3A_292 : memref<32768xf32, #tpu.memory_space<vmem_shared>>) target(%dma_start3A_291 : memref<32768xf32, #tpu.memory_space<hbm>>) target_semaphore(%arg15 : memref<!tpu.dma_semaphore, #tpu.memory_space<semaphore_mem>>)
    %add3A_293 = arith.constant 6 : i32
    %add3A_294 = arith.addi %add3A_293, %arg0 : i32
    %mul3A_295 = arith.constant 256 : i32
    %mul3A_296 = arith.muli %add3A_294, %mul3A_295 : i32
    %scan3A_297 = arith.constant 0 : i32
    %scan3A_298 = arith.constant 0 : i32
    %scan3A_299 = arith.constant 128 : i32
    %scan3A_300 = arith.addi %scan3A_298, %scan3A_299 : i32
    %scan3A_301 = arith.constant 1 : i32
    scf.for %scan3A_427 = %scan3A_298 to %scan3A_300 step %scan3A_301  : i32 {
      %mul3A_428 = arith.constant 16 : i32
      %mul3A_429 = arith.muli %scan3A_427, %mul3A_428 : i32
      %get3A = arith.index_cast %mul3A_429 : i32 to index
      %get3A_430 = tpu.vector_load %arg8[%get3A] {strides = array<i32>} : memref<2048xi32, #tpu.memory_space<vmem>>, vector<16xi32>,
      %get3A_431 = vector.shape_cast %get3A_430 : vector<16xi32> to vector<16xi32>
      %get3A_432 = arith.index_cast %mul3A_429 : i32 to index
      %get3A_433 = tpu.vector_load %arg9[%get3A_432] {strides = array<i32>} : memref<2048xi32, #tpu.memory_space<vmem>>, vector<16xi32>,
      %get3A_434 = vector.shape_cast %get3A_433 : vector<16xi32> to vector<16xi32>
      %get3A_435 = arith.index_cast %mul3A_429 : i32 to index
      %get3A_436 = tpu.vector_load %arg10[%get3A_435] {strides = array<i32>} : memref<2048xf32, #tpu.memory_space<vmem>>, vector<16xf32>,
      %get3A_437 = vector.shape_cast %get3A_436 : vector<16xf32> to vector<16xf32>
      %ge3A = vector.broadcast %mul3A_296 : i32 to vector<16xi32>
      %ge3A_438 = arith.cmpi sge, %get3A_431, %ge3A : vector<16xi32>
      %add3A_439 = arith.constant 256 : i32
      %add3A_440 = arith.addi %mul3A_296, %add3A_439 : i32
      %lt3A = vector.broadcast %add3A_440 : i32 to vector<16xi32>
      %lt3A_441 = arith.cmpi slt, %get3A_431, %lt3A : vector<16xi32>
      %and3A = arith.andi %ge3A_438, %lt3A_441 : vector<16xi1>
      %shift_right_arithmetic3A = arith.constant 7 : i32
      %shift_right_arithmetic3A_442 = vector.broadcast %shift_right_arithmetic3A : i32 to vector<16xi32>
      %shift_right_arithmetic3A_443 = arith.shrsi %get3A_434, %shift_right_arithmetic3A_442 : vector<16xi32>
      %shift_left3A = arith.constant 15 : i32
      %shift_left3A_444 = vector.broadcast %shift_left3A : i32 to vector<16xi32>
      %shift_left3A_445 = arith.shli %shift_right_arithmetic3A_443, %shift_left3A_444 : vector<16xi32>
      %and3A_446 = arith.constant 255 : i32
      %and3A_447 = vector.broadcast %and3A_446 : i32 to vector<16xi32>
      %and3A_448 = arith.andi %get3A_431, %and3A_447 : vector<16xi32>
      %shift_left3A_449 = arith.constant 7 : i32
      %shift_left3A_450 = vector.broadcast %shift_left3A_449 : i32 to vector<16xi32>
      %shift_left3A_451 = arith.shli %and3A_448, %shift_left3A_450 : vector<16xi32>
      %add3A_452 = arith.addi %shift_left3A_445, %shift_left3A_451 : vector<16xi32>
      %and3A_453 = arith.constant 127 : i32
      %and3A_454 = vector.broadcast %and3A_453 : i32 to vector<16xi32>
      %and3A_455 = arith.andi %get3A_434, %and3A_454 : vector<16xi32>
      %add3A_456 = arith.addi %add3A_452, %and3A_455 : vector<16xi32>
      %swap3A = arith.index_cast %mul3A_429 : i32 to index
      %swap3A_457 = tpu.vector_load %arg11[%swap3A] {strides = array<i32>} : memref<2048xi32, #tpu.memory_space<vmem>>, vector<16xi32>,
      %swap3A_458 = vector.shape_cast %swap3A_457 : vector<16xi32> to vector<16xi32>
      %swap3A_459 = vector.shape_cast %add3A_456 : vector<16xi32> to vector<16xi32>
      tpu.vector_store %arg11[%swap3A], %swap3A_459 {strides = array<i32>} : memref<2048xi32, #tpu.memory_space<vmem>>, vector<16xi32>,
      %broadcast_in_dim3A = arith.constant 0.000000e+00 : f32
      %broadcast_in_dim3A_460 = vector.broadcast %broadcast_in_dim3A : f32 to vector<16xf32>
      %select_n3A = arith.select %and3A, %get3A_437, %broadcast_in_dim3A_460 : vector<16xi1>, vector<16xf32>
      %swap3A_461 = arith.index_cast %mul3A_429 : i32 to index
      %swap3A_462 = tpu.vector_load %arg12[%swap3A_461] {strides = array<i32>} : memref<2048xf32, #tpu.memory_space<vmem>>, vector<16xf32>,
      %swap3A_463 = vector.shape_cast %swap3A_462 : vector<16xf32> to vector<16xf32>
      %swap3A_464 = vector.shape_cast %select_n3A : vector<16xf32> to vector<16xf32>
      tpu.vector_store %arg12[%swap3A_461], %swap3A_464 {strides = array<i32>} : memref<2048xf32, #tpu.memory_space<vmem>>, vector<16xf32>,
    }
    %scan3A_302 = arith.constant 128 : i32
    %dma_wait3A_303 = tpu.memref_slice %arg6[%add3A_288] : memref<4194304xf32, #tpu.memory_space<hbm>> -> memref<32768xf32, #tpu.memory_space<hbm>>
    %dma_wait3A_304 = tpu.memref_slice %arg14[%mul3A_290] : memref<524288xf32, #tpu.memory_space<vmem_shared>> -> memref<32768xf32, #tpu.memory_space<vmem_shared>>
    tpu.wait_dma2 semaphore(%arg15 : memref<!tpu.dma_semaphore, #tpu.memory_space<semaphore_mem>>) src(%dma_wait3A_304 : memref<32768xf32, #tpu.memory_space<vmem_shared>>) dst(%dma_wait3A_303 : memref<32768xf32, #tpu.memory_space<hbm>>)
    %mul3A_305 = arith.constant 32768 : i32
    %mul3A_306 = arith.muli %arg1, %mul3A_305 : i32
    "tpu.region"() ({
      %run_scoped3A_427 = tpu.sem_alloc : memref<!tpu.dma_semaphore, #tpu.memory_space<semaphore_mem>>
      %dma_start3A_428 = tpu.memref_slice %arg14[%mul3A_306] : memref<524288xf32, #tpu.memory_space<vmem_shared>> -> memref<32768xf32, #tpu.memory_space<vmem_shared>>
      %dma_start3A_429 = tpu.memref_slice %arg14[%mul3A_306] : memref<524288xf32, #tpu.memory_space<vmem_shared>> -> memref<32768xf32, #tpu.memory_space<vmem_shared>>
      tpu.enqueue_dma source(%arg13 : memref<32768xf32, #tpu.memory_space<vmem>>) target(%dma_start3A_429 : memref<32768xf32, #tpu.memory_space<vmem_shared>>) target_semaphore(%run_scoped3A_427 : memref<!tpu.dma_semaphore, #tpu.memory_space<semaphore_mem>>)
      %dma_wait3A_430 = tpu.memref_slice %arg14[%mul3A_306] : memref<524288xf32, #tpu.memory_space<vmem_shared>> -> memref<32768xf32, #tpu.memory_space<vmem_shared>>
      %dma_wait3A_431 = tpu.memref_slice %arg14[%mul3A_306] : memref<524288xf32, #tpu.memory_space<vmem_shared>> -> memref<32768xf32, #tpu.memory_space<vmem_shared>>
      tpu.wait_dma2 semaphore(%run_scoped3A_427 : memref<!tpu.dma_semaphore, #tpu.memory_space<semaphore_mem>>) src(%arg13 : memref<32768xf32, #tpu.memory_space<vmem>>) dst(%dma_wait3A_431 : memref<32768xf32, #tpu.memory_space<vmem_shared>>)
      tpu.yield
    }) : () -> ()
    %barrier3A_307 = arith.constant 0 : index
    tpu.barrier barrier_id(%barrier3A_307)
    "tpu.region"() ({
      %run_scoped3A_427 = tpu.sem_alloc : memref<!tpu.dma_semaphore, #tpu.memory_space<semaphore_mem>>
      %dma_start3A_428 = arith.constant 0 : i32
      %dma_start3A_429 = tpu.memref_slice %arg14[%dma_start3A_428] : memref<524288xf32, #tpu.memory_space<vmem_shared>> -> memref<524288xf32, #tpu.memory_space<vmem_shared>>
      tpu.enqueue_indirect_dma source(%arg12 : memref<2048xf32, #tpu.memory_space<vmem>>) target(%dma_start3A_429 : memref<524288xf32, #tpu.memory_space<vmem_shared>>) offsets(%arg11 : memref<2048xi32, #tpu.memory_space<vmem>>) semaphore(%run_scoped3A_427 : memref<!tpu.dma_semaphore, #tpu.memory_space<semaphore_mem>>) {add = true}
      %dma_wait3A_430 = arith.constant 0 : i32
      %dma_wait3A_431 = tpu.memref_slice %arg14[%dma_wait3A_430] : memref<524288xf32, #tpu.memory_space<vmem_shared>> -> memref<524288xf32, #tpu.memory_space<vmem_shared>>
      tpu.wait_indirect_dma semaphore(%run_scoped3A_427 : memref<!tpu.dma_semaphore, #tpu.memory_space<semaphore_mem>>) src(%arg12 : memref<2048xf32, #tpu.memory_space<vmem>>) dst(%dma_wait3A_431 : memref<524288xf32, #tpu.memory_space<vmem_shared>>)
      tpu.yield
    }) : () -> ()
    %barrier3A_308 = arith.constant 0 : index
    tpu.barrier barrier_id(%barrier3A_308)
    %mul3A_309 = arith.constant 524288 : i32
    %mul3A_310 = arith.muli %add3A_294, %mul3A_309 : i32
    %mul3A_311 = arith.constant 32768 : i32
    %mul3A_312 = arith.muli %arg1, %mul3A_311 : i32
    %add3A_313 = arith.addi %mul3A_310, %mul3A_312 : i32
    %mul3A_314 = arith.constant 32768 : i32
    %mul3A_315 = arith.muli %arg1, %mul3A_314 : i32
    %dma_start3A_316 = tpu.memref_slice %arg6[%add3A_313] : memref<4194304xf32, #tpu.memory_space<hbm>> -> memref<32768xf32, #tpu.memory_space<hbm>>
    %dma_start3A_317 = tpu.memref_slice %arg14[%mul3A_315] : memref<524288xf32, #tpu.memory_space<vmem_shared>> -> memref<32768xf32, #tpu.memory_space<vmem_shared>>
    tpu.enqueue_dma source(%dma_start3A_317 : memref<32768xf32, #tpu.memory_space<vmem_shared>>) target(%dma_start3A_316 : memref<32768xf32, #tpu.memory_space<hbm>>) target_semaphore(%arg15 : memref<!tpu.dma_semaphore, #tpu.memory_space<semaphore_mem>>)
    %add3A_318 = arith.constant 0 : i32
    %add3A_319 = arith.addi %add3A_318, %arg0 : i32
    %mul3A_320 = arith.constant 256 : i32
    %mul3A_321 = arith.muli %add3A_319, %mul3A_320 : i32
    %mul3A_322 = arith.constant 2048 : i32
    %mul3A_323 = arith.muli %arg1, %mul3A_322 : i32
    %run_scoped3A_324 = arith.constant 3 : i32
    %run_scoped3A_325 = arith.constant 0 : i32
    "tpu.region"() ({
      %run_scoped3A_427 = tpu.sem_alloc : memref<!tpu.dma_semaphore, #tpu.memory_space<semaphore_mem>>
      %dma_start3A_428 = tpu.memref_slice %arg2[%run_scoped3A_324, %run_scoped3A_325, %mul3A_323] : memref<4x2x32768xi32, #tpu.memory_space<hbm>> -> memref<1x1x2048xi32, #tpu.memory_space<hbm>>
      %dma_start3A_429 = tpu.memref_squeeze %dma_start3A_428 : memref<1x1x2048xi32, #tpu.memory_space<hbm>> -> memref<2048xi32, #tpu.memory_space<hbm>>
      %dma_start3A_430 = tpu.memref_slice %arg2[%run_scoped3A_324, %run_scoped3A_325, %mul3A_323] : memref<4x2x32768xi32, #tpu.memory_space<hbm>> -> memref<1x1x2048xi32, #tpu.memory_space<hbm>>
      %dma_start3A_431 = tpu.memref_squeeze %dma_start3A_430 : memref<1x1x2048xi32, #tpu.memory_space<hbm>> -> memref<2048xi32, #tpu.memory_space<hbm>>
      tpu.enqueue_dma source(%dma_start3A_431 : memref<2048xi32, #tpu.memory_space<hbm>>) target(%arg8 : memref<2048xi32, #tpu.memory_space<vmem>>) target_semaphore(%run_scoped3A_427 : memref<!tpu.dma_semaphore, #tpu.memory_space<semaphore_mem>>)
      %dma_wait3A_432 = tpu.memref_slice %arg2[%run_scoped3A_324, %run_scoped3A_325, %mul3A_323] : memref<4x2x32768xi32, #tpu.memory_space<hbm>> -> memref<1x1x2048xi32, #tpu.memory_space<hbm>>
      %dma_wait3A_433 = tpu.memref_squeeze %dma_wait3A_432 : memref<1x1x2048xi32, #tpu.memory_space<hbm>> -> memref<2048xi32, #tpu.memory_space<hbm>>
      %dma_wait3A_434 = tpu.memref_slice %arg2[%run_scoped3A_324, %run_scoped3A_325, %mul3A_323] : memref<4x2x32768xi32, #tpu.memory_space<hbm>> -> memref<1x1x2048xi32, #tpu.memory_space<hbm>>
      %dma_wait3A_435 = tpu.memref_squeeze %dma_wait3A_434 : memref<1x1x2048xi32, #tpu.memory_space<hbm>> -> memref<2048xi32, #tpu.memory_space<hbm>>
      tpu.wait_dma2 semaphore(%run_scoped3A_427 : memref<!tpu.dma_semaphore, #tpu.memory_space<semaphore_mem>>) src(%dma_wait3A_435 : memref<2048xi32, #tpu.memory_space<hbm>>) dst(%arg8 : memref<2048xi32, #tpu.memory_space<vmem>>)
      tpu.yield
    }) : () -> ()
    %run_scoped3A_326 = arith.constant 3 : i32
    %run_scoped3A_327 = arith.constant 1 : i32
    "tpu.region"() ({
      %run_scoped3A_427 = tpu.sem_alloc : memref<!tpu.dma_semaphore, #tpu.memory_space<semaphore_mem>>
      %dma_start3A_428 = tpu.memref_slice %arg2[%run_scoped3A_326, %run_scoped3A_327, %mul3A_323] : memref<4x2x32768xi32, #tpu.memory_space<hbm>> -> memref<1x1x2048xi32, #tpu.memory_space<hbm>>
      %dma_start3A_429 = tpu.memref_squeeze %dma_start3A_428 : memref<1x1x2048xi32, #tpu.memory_space<hbm>> -> memref<2048xi32, #tpu.memory_space<hbm>>
      %dma_start3A_430 = tpu.memref_slice %arg2[%run_scoped3A_326, %run_scoped3A_327, %mul3A_323] : memref<4x2x32768xi32, #tpu.memory_space<hbm>> -> memref<1x1x2048xi32, #tpu.memory_space<hbm>>
      %dma_start3A_431 = tpu.memref_squeeze %dma_start3A_430 : memref<1x1x2048xi32, #tpu.memory_space<hbm>> -> memref<2048xi32, #tpu.memory_space<hbm>>
      tpu.enqueue_dma source(%dma_start3A_431 : memref<2048xi32, #tpu.memory_space<hbm>>) target(%arg9 : memref<2048xi32, #tpu.memory_space<vmem>>) target_semaphore(%run_scoped3A_427 : memref<!tpu.dma_semaphore, #tpu.memory_space<semaphore_mem>>)
      %dma_wait3A_432 = tpu.memref_slice %arg2[%run_scoped3A_326, %run_scoped3A_327, %mul3A_323] : memref<4x2x32768xi32, #tpu.memory_space<hbm>> -> memref<1x1x2048xi32, #tpu.memory_space<hbm>>
      %dma_wait3A_433 = tpu.memref_squeeze %dma_wait3A_432 : memref<1x1x2048xi32, #tpu.memory_space<hbm>> -> memref<2048xi32, #tpu.memory_space<hbm>>
      %dma_wait3A_434 = tpu.memref_slice %arg2[%run_scoped3A_326, %run_scoped3A_327, %mul3A_323] : memref<4x2x32768xi32, #tpu.memory_space<hbm>> -> memref<1x1x2048xi32, #tpu.memory_space<hbm>>
      %dma_wait3A_435 = tpu.memref_squeeze %dma_wait3A_434 : memref<1x1x2048xi32, #tpu.memory_space<hbm>> -> memref<2048xi32, #tpu.memory_space<hbm>>
      tpu.wait_dma2 semaphore(%run_scoped3A_427 : memref<!tpu.dma_semaphore, #tpu.memory_space<semaphore_mem>>) src(%dma_wait3A_435 : memref<2048xi32, #tpu.memory_space<hbm>>) dst(%arg9 : memref<2048xi32, #tpu.memory_space<vmem>>)
      tpu.yield
    }) : () -> ()
    %run_scoped3A_328 = arith.constant 3 : i32
    "tpu.region"() ({
      %run_scoped3A_427 = tpu.sem_alloc : memref<!tpu.dma_semaphore, #tpu.memory_space<semaphore_mem>>
      %dma_start3A_428 = tpu.memref_slice %arg3[%run_scoped3A_328, %mul3A_323] : memref<4x32768xf32, #tpu.memory_space<hbm>> -> memref<1x2048xf32, #tpu.memory_space<hbm>>
      %dma_start3A_429 = tpu.memref_squeeze %dma_start3A_428 : memref<1x2048xf32, #tpu.memory_space<hbm>> -> memref<2048xf32, #tpu.memory_space<hbm>>
      %dma_start3A_430 = tpu.memref_slice %arg3[%run_scoped3A_328, %mul3A_323] : memref<4x32768xf32, #tpu.memory_space<hbm>> -> memref<1x2048xf32, #tpu.memory_space<hbm>>
      %dma_start3A_431 = tpu.memref_squeeze %dma_start3A_430 : memref<1x2048xf32, #tpu.memory_space<hbm>> -> memref<2048xf32, #tpu.memory_space<hbm>>
      tpu.enqueue_dma source(%dma_start3A_431 : memref<2048xf32, #tpu.memory_space<hbm>>) target(%arg10 : memref<2048xf32, #tpu.memory_space<vmem>>) target_semaphore(%run_scoped3A_427 : memref<!tpu.dma_semaphore, #tpu.memory_space<semaphore_mem>>)
      %dma_wait3A_432 = tpu.memref_slice %arg3[%run_scoped3A_328, %mul3A_323] : memref<4x32768xf32, #tpu.memory_space<hbm>> -> memref<1x2048xf32, #tpu.memory_space<hbm>>
      %dma_wait3A_433 = tpu.memref_squeeze %dma_wait3A_432 : memref<1x2048xf32, #tpu.memory_space<hbm>> -> memref<2048xf32, #tpu.memory_space<hbm>>
      %dma_wait3A_434 = tpu.memref_slice %arg3[%run_scoped3A_328, %mul3A_323] : memref<4x32768xf32, #tpu.memory_space<hbm>> -> memref<1x2048xf32, #tpu.memory_space<hbm>>
      %dma_wait3A_435 = tpu.memref_squeeze %dma_wait3A_434 : memref<1x2048xf32, #tpu.memory_space<hbm>> -> memref<2048xf32, #tpu.memory_space<hbm>>
      tpu.wait_dma2 semaphore(%run_scoped3A_427 : memref<!tpu.dma_semaphore, #tpu.memory_space<semaphore_mem>>) src(%dma_wait3A_435 : memref<2048xf32, #tpu.memory_space<hbm>>) dst(%arg10 : memref<2048xf32, #tpu.memory_space<vmem>>)
      tpu.yield
    }) : () -> ()
    %scan3A_329 = arith.constant 0 : i32
    %scan3A_330 = arith.constant 0 : i32
    %scan3A_331 = arith.constant 128 : i32
    %scan3A_332 = arith.addi %scan3A_330, %scan3A_331 : i32
    %scan3A_333 = arith.constant 1 : i32
    scf.for %scan3A_427 = %scan3A_330 to %scan3A_332 step %scan3A_333  : i32 {
      %mul3A_428 = arith.constant 16 : i32
      %mul3A_429 = arith.muli %scan3A_427, %mul3A_428 : i32
      %get3A = arith.index_cast %mul3A_429 : i32 to index
      %get3A_430 = tpu.vector_load %arg8[%get3A] {strides = array<i32>} : memref<2048xi32, #tpu.memory_space<vmem>>, vector<16xi32>,
      %get3A_431 = vector.shape_cast %get3A_430 : vector<16xi32> to vector<16xi32>
      %get3A_432 = arith.index_cast %mul3A_429 : i32 to index
      %get3A_433 = tpu.vector_load %arg9[%get3A_432] {strides = array<i32>} : memref<2048xi32, #tpu.memory_space<vmem>>, vector<16xi32>,
      %get3A_434 = vector.shape_cast %get3A_433 : vector<16xi32> to vector<16xi32>
      %get3A_435 = arith.index_cast %mul3A_429 : i32 to index
      %get3A_436 = tpu.vector_load %arg10[%get3A_435] {strides = array<i32>} : memref<2048xf32, #tpu.memory_space<vmem>>, vector<16xf32>,
      %get3A_437 = vector.shape_cast %get3A_436 : vector<16xf32> to vector<16xf32>
      %ge3A = vector.broadcast %mul3A_321 : i32 to vector<16xi32>
      %ge3A_438 = arith.cmpi sge, %get3A_431, %ge3A : vector<16xi32>
      %add3A_439 = arith.constant 256 : i32
      %add3A_440 = arith.addi %mul3A_321, %add3A_439 : i32
      %lt3A = vector.broadcast %add3A_440 : i32 to vector<16xi32>
      %lt3A_441 = arith.cmpi slt, %get3A_431, %lt3A : vector<16xi32>
      %and3A = arith.andi %ge3A_438, %lt3A_441 : vector<16xi1>
      %shift_right_arithmetic3A = arith.constant 7 : i32
      %shift_right_arithmetic3A_442 = vector.broadcast %shift_right_arithmetic3A : i32 to vector<16xi32>
      %shift_right_arithmetic3A_443 = arith.shrsi %get3A_434, %shift_right_arithmetic3A_442 : vector<16xi32>
      %shift_left3A = arith.constant 15 : i32
      %shift_left3A_444 = vector.broadcast %shift_left3A : i32 to vector<16xi32>
      %shift_left3A_445 = arith.shli %shift_right_arithmetic3A_443, %shift_left3A_444 : vector<16xi32>
      %and3A_446 = arith.constant 255 : i32
      %and3A_447 = vector.broadcast %and3A_446 : i32 to vector<16xi32>
      %and3A_448 = arith.andi %get3A_431, %and3A_447 : vector<16xi32>
      %shift_left3A_449 = arith.constant 7 : i32
      %shift_left3A_450 = vector.broadcast %shift_left3A_449 : i32 to vector<16xi32>
      %shift_left3A_451 = arith.shli %and3A_448, %shift_left3A_450 : vector<16xi32>
      %add3A_452 = arith.addi %shift_left3A_445, %shift_left3A_451 : vector<16xi32>
      %and3A_453 = arith.constant 127 : i32
      %and3A_454 = vector.broadcast %and3A_453 : i32 to vector<16xi32>
      %and3A_455 = arith.andi %get3A_434, %and3A_454 : vector<16xi32>
      %add3A_456 = arith.addi %add3A_452, %and3A_455 : vector<16xi32>
      %swap3A = arith.index_cast %mul3A_429 : i32 to index
      %swap3A_457 = tpu.vector_load %arg11[%swap3A] {strides = array<i32>} : memref<2048xi32, #tpu.memory_space<vmem>>, vector<16xi32>,
      %swap3A_458 = vector.shape_cast %swap3A_457 : vector<16xi32> to vector<16xi32>
      %swap3A_459 = vector.shape_cast %add3A_456 : vector<16xi32> to vector<16xi32>
      tpu.vector_store %arg11[%swap3A], %swap3A_459 {strides = array<i32>} : memref<2048xi32, #tpu.memory_space<vmem>>, vector<16xi32>,
      %broadcast_in_dim3A = arith.constant 0.000000e+00 : f32
      %broadcast_in_dim3A_460 = vector.broadcast %broadcast_in_dim3A : f32 to vector<16xf32>
      %select_n3A = arith.select %and3A, %get3A_437, %broadcast_in_dim3A_460 : vector<16xi1>, vector<16xf32>
      %swap3A_461 = arith.index_cast %mul3A_429 : i32 to index
      %swap3A_462 = tpu.vector_load %arg12[%swap3A_461] {strides = array<i32>} : memref<2048xf32, #tpu.memory_space<vmem>>, vector<16xf32>,
      %swap3A_463 = vector.shape_cast %swap3A_462 : vector<16xf32> to vector<16xf32>
      %swap3A_464 = vector.shape_cast %select_n3A : vector<16xf32> to vector<16xf32>
      tpu.vector_store %arg12[%swap3A_461], %swap3A_464 {strides = array<i32>} : memref<2048xf32, #tpu.memory_space<vmem>>, vector<16xf32>,
    }
    %scan3A_334 = arith.constant 128 : i32
    %dma_wait3A_335 = tpu.memref_slice %arg6[%add3A_313] : memref<4194304xf32, #tpu.memory_space<hbm>> -> memref<32768xf32, #tpu.memory_space<hbm>>
    %dma_wait3A_336 = tpu.memref_slice %arg14[%mul3A_315] : memref<524288xf32, #tpu.memory_space<vmem_shared>> -> memref<32768xf32, #tpu.memory_space<vmem_shared>>
    tpu.wait_dma2 semaphore(%arg15 : memref<!tpu.dma_semaphore, #tpu.memory_space<semaphore_mem>>) src(%dma_wait3A_336 : memref<32768xf32, #tpu.memory_space<vmem_shared>>) dst(%dma_wait3A_335 : memref<32768xf32, #tpu.memory_space<hbm>>)
    %mul3A_337 = arith.constant 32768 : i32
    %mul3A_338 = arith.muli %arg1, %mul3A_337 : i32
    "tpu.region"() ({
      %run_scoped3A_427 = tpu.sem_alloc : memref<!tpu.dma_semaphore, #tpu.memory_space<semaphore_mem>>
      %dma_start3A_428 = tpu.memref_slice %arg14[%mul3A_338] : memref<524288xf32, #tpu.memory_space<vmem_shared>> -> memref<32768xf32, #tpu.memory_space<vmem_shared>>
      %dma_start3A_429 = tpu.memref_slice %arg14[%mul3A_338] : memref<524288xf32, #tpu.memory_space<vmem_shared>> -> memref<32768xf32, #tpu.memory_space<vmem_shared>>
      tpu.enqueue_dma source(%arg13 : memref<32768xf32, #tpu.memory_space<vmem>>) target(%dma_start3A_429 : memref<32768xf32, #tpu.memory_space<vmem_shared>>) target_semaphore(%run_scoped3A_427 : memref<!tpu.dma_semaphore, #tpu.memory_space<semaphore_mem>>)
      %dma_wait3A_430 = tpu.memref_slice %arg14[%mul3A_338] : memref<524288xf32, #tpu.memory_space<vmem_shared>> -> memref<32768xf32, #tpu.memory_space<vmem_shared>>
      %dma_wait3A_431 = tpu.memref_slice %arg14[%mul3A_338] : memref<524288xf32, #tpu.memory_space<vmem_shared>> -> memref<32768xf32, #tpu.memory_space<vmem_shared>>
      tpu.wait_dma2 semaphore(%run_scoped3A_427 : memref<!tpu.dma_semaphore, #tpu.memory_space<semaphore_mem>>) src(%arg13 : memref<32768xf32, #tpu.memory_space<vmem>>) dst(%dma_wait3A_431 : memref<32768xf32, #tpu.memory_space<vmem_shared>>)
      tpu.yield
    }) : () -> ()
    %barrier3A_339 = arith.constant 0 : index
    tpu.barrier barrier_id(%barrier3A_339)
    "tpu.region"() ({
      %run_scoped3A_427 = tpu.sem_alloc : memref<!tpu.dma_semaphore, #tpu.memory_space<semaphore_mem>>
      %dma_start3A_428 = arith.constant 0 : i32
      %dma_start3A_429 = tpu.memref_slice %arg14[%dma_start3A_428] : memref<524288xf32, #tpu.memory_space<vmem_shared>> -> memref<524288xf32, #tpu.memory_space<vmem_shared>>
      tpu.enqueue_indirect_dma source(%arg12 : memref<2048xf32, #tpu.memory_space<vmem>>) target(%dma_start3A_429 : memref<524288xf32, #tpu.memory_space<vmem_shared>>) offsets(%arg11 : memref<2048xi32, #tpu.memory_space<vmem>>) semaphore(%run_scoped3A_427 : memref<!tpu.dma_semaphore, #tpu.memory_space<semaphore_mem>>) {add = true}
      %dma_wait3A_430 = arith.constant 0 : i32
      %dma_wait3A_431 = tpu.memref_slice %arg14[%dma_wait3A_430] : memref<524288xf32, #tpu.memory_space<vmem_shared>> -> memref<524288xf32, #tpu.memory_space<vmem_shared>>
      tpu.wait_indirect_dma semaphore(%run_scoped3A_427 : memref<!tpu.dma_semaphore, #tpu.memory_space<semaphore_mem>>) src(%arg12 : memref<2048xf32, #tpu.memory_space<vmem>>) dst(%dma_wait3A_431 : memref<524288xf32, #tpu.memory_space<vmem_shared>>)
      tpu.yield
    }) : () -> ()
    %barrier3A_340 = arith.constant 0 : index
    tpu.barrier barrier_id(%barrier3A_340)
    %mul3A_341 = arith.constant 524288 : i32
    %mul3A_342 = arith.muli %add3A_319, %mul3A_341 : i32
    %mul3A_343 = arith.constant 32768 : i32
    %mul3A_344 = arith.muli %arg1, %mul3A_343 : i32
    %add3A_345 = arith.addi %mul3A_342, %mul3A_344 : i32
    %mul3A_346 = arith.constant 32768 : i32
    %mul3A_347 = arith.muli %arg1, %mul3A_346 : i32
    %dma_start3A_348 = tpu.memref_slice %arg7[%add3A_345] : memref<4194304xf32, #tpu.memory_space<hbm>> -> memref<32768xf32, #tpu.memory_space<hbm>>
    %dma_start3A_349 = tpu.memref_slice %arg14[%mul3A_347] : memref<524288xf32, #tpu.memory_space<vmem_shared>> -> memref<32768xf32, #tpu.memory_space<vmem_shared>>
    tpu.enqueue_dma source(%dma_start3A_349 : memref<32768xf32, #tpu.memory_space<vmem_shared>>) target(%dma_start3A_348 : memref<32768xf32, #tpu.memory_space<hbm>>) target_semaphore(%arg15 : memref<!tpu.dma_semaphore, #tpu.memory_space<semaphore_mem>>)
    %add3A_350 = arith.constant 2 : i32
    %add3A_351 = arith.addi %add3A_350, %arg0 : i32
    %mul3A_352 = arith.constant 256 : i32
    %mul3A_353 = arith.muli %add3A_351, %mul3A_352 : i32
    %scan3A_354 = arith.constant 0 : i32
    %scan3A_355 = arith.constant 0 : i32
    %scan3A_356 = arith.constant 128 : i32
    %scan3A_357 = arith.addi %scan3A_355, %scan3A_356 : i32
    %scan3A_358 = arith.constant 1 : i32
    scf.for %scan3A_427 = %scan3A_355 to %scan3A_357 step %scan3A_358  : i32 {
      %mul3A_428 = arith.constant 16 : i32
      %mul3A_429 = arith.muli %scan3A_427, %mul3A_428 : i32
      %get3A = arith.index_cast %mul3A_429 : i32 to index
      %get3A_430 = tpu.vector_load %arg8[%get3A] {strides = array<i32>} : memref<2048xi32, #tpu.memory_space<vmem>>, vector<16xi32>,
      %get3A_431 = vector.shape_cast %get3A_430 : vector<16xi32> to vector<16xi32>
      %get3A_432 = arith.index_cast %mul3A_429 : i32 to index
      %get3A_433 = tpu.vector_load %arg9[%get3A_432] {strides = array<i32>} : memref<2048xi32, #tpu.memory_space<vmem>>, vector<16xi32>,
      %get3A_434 = vector.shape_cast %get3A_433 : vector<16xi32> to vector<16xi32>
      %get3A_435 = arith.index_cast %mul3A_429 : i32 to index
      %get3A_436 = tpu.vector_load %arg10[%get3A_435] {strides = array<i32>} : memref<2048xf32, #tpu.memory_space<vmem>>, vector<16xf32>,
      %get3A_437 = vector.shape_cast %get3A_436 : vector<16xf32> to vector<16xf32>
      %ge3A = vector.broadcast %mul3A_353 : i32 to vector<16xi32>
      %ge3A_438 = arith.cmpi sge, %get3A_431, %ge3A : vector<16xi32>
      %add3A_439 = arith.constant 256 : i32
      %add3A_440 = arith.addi %mul3A_353, %add3A_439 : i32
      %lt3A = vector.broadcast %add3A_440 : i32 to vector<16xi32>
      %lt3A_441 = arith.cmpi slt, %get3A_431, %lt3A : vector<16xi32>
      %and3A = arith.andi %ge3A_438, %lt3A_441 : vector<16xi1>
      %shift_right_arithmetic3A = arith.constant 7 : i32
      %shift_right_arithmetic3A_442 = vector.broadcast %shift_right_arithmetic3A : i32 to vector<16xi32>
      %shift_right_arithmetic3A_443 = arith.shrsi %get3A_434, %shift_right_arithmetic3A_442 : vector<16xi32>
      %shift_left3A = arith.constant 15 : i32
      %shift_left3A_444 = vector.broadcast %shift_left3A : i32 to vector<16xi32>
      %shift_left3A_445 = arith.shli %shift_right_arithmetic3A_443, %shift_left3A_444 : vector<16xi32>
      %and3A_446 = arith.constant 255 : i32
      %and3A_447 = vector.broadcast %and3A_446 : i32 to vector<16xi32>
      %and3A_448 = arith.andi %get3A_431, %and3A_447 : vector<16xi32>
      %shift_left3A_449 = arith.constant 7 : i32
      %shift_left3A_450 = vector.broadcast %shift_left3A_449 : i32 to vector<16xi32>
      %shift_left3A_451 = arith.shli %and3A_448, %shift_left3A_450 : vector<16xi32>
      %add3A_452 = arith.addi %shift_left3A_445, %shift_left3A_451 : vector<16xi32>
      %and3A_453 = arith.constant 127 : i32
      %and3A_454 = vector.broadcast %and3A_453 : i32 to vector<16xi32>
      %and3A_455 = arith.andi %get3A_434, %and3A_454 : vector<16xi32>
      %add3A_456 = arith.addi %add3A_452, %and3A_455 : vector<16xi32>
      %swap3A = arith.index_cast %mul3A_429 : i32 to index
      %swap3A_457 = tpu.vector_load %arg11[%swap3A] {strides = array<i32>} : memref<2048xi32, #tpu.memory_space<vmem>>, vector<16xi32>,
      %swap3A_458 = vector.shape_cast %swap3A_457 : vector<16xi32> to vector<16xi32>
      %swap3A_459 = vector.shape_cast %add3A_456 : vector<16xi32> to vector<16xi32>
      tpu.vector_store %arg11[%swap3A], %swap3A_459 {strides = array<i32>} : memref<2048xi32, #tpu.memory_space<vmem>>, vector<16xi32>,
      %broadcast_in_dim3A = arith.constant 0.000000e+00 : f32
      %broadcast_in_dim3A_460 = vector.broadcast %broadcast_in_dim3A : f32 to vector<16xf32>
      %select_n3A = arith.select %and3A, %get3A_437, %broadcast_in_dim3A_460 : vector<16xi1>, vector<16xf32>
      %swap3A_461 = arith.index_cast %mul3A_429 : i32 to index
      %swap3A_462 = tpu.vector_load %arg12[%swap3A_461] {strides = array<i32>} : memref<2048xf32, #tpu.memory_space<vmem>>, vector<16xf32>,
      %swap3A_463 = vector.shape_cast %swap3A_462 : vector<16xf32> to vector<16xf32>
      %swap3A_464 = vector.shape_cast %select_n3A : vector<16xf32> to vector<16xf32>
      tpu.vector_store %arg12[%swap3A_461], %swap3A_464 {strides = array<i32>} : memref<2048xf32, #tpu.memory_space<vmem>>, vector<16xf32>,
    }
    %scan3A_359 = arith.constant 128 : i32
    %dma_wait3A_360 = tpu.memref_slice %arg7[%add3A_345] : memref<4194304xf32, #tpu.memory_space<hbm>> -> memref<32768xf32, #tpu.memory_space<hbm>>
    %dma_wait3A_361 = tpu.memref_slice %arg14[%mul3A_347] : memref<524288xf32, #tpu.memory_space<vmem_shared>> -> memref<32768xf32, #tpu.memory_space<vmem_shared>>
    tpu.wait_dma2 semaphore(%arg15 : memref<!tpu.dma_semaphore, #tpu.memory_space<semaphore_mem>>) src(%dma_wait3A_361 : memref<32768xf32, #tpu.memory_space<vmem_shared>>) dst(%dma_wait3A_360 : memref<32768xf32, #tpu.memory_space<hbm>>)
    %mul3A_362 = arith.constant 32768 : i32
    %mul3A_363 = arith.muli %arg1, %mul3A_362 : i32
    "tpu.region"() ({
      %run_scoped3A_427 = tpu.sem_alloc : memref<!tpu.dma_semaphore, #tpu.memory_space<semaphore_mem>>
      %dma_start3A_428 = tpu.memref_slice %arg14[%mul3A_363] : memref<524288xf32, #tpu.memory_space<vmem_shared>> -> memref<32768xf32, #tpu.memory_space<vmem_shared>>
      %dma_start3A_429 = tpu.memref_slice %arg14[%mul3A_363] : memref<524288xf32, #tpu.memory_space<vmem_shared>> -> memref<32768xf32, #tpu.memory_space<vmem_shared>>
      tpu.enqueue_dma source(%arg13 : memref<32768xf32, #tpu.memory_space<vmem>>) target(%dma_start3A_429 : memref<32768xf32, #tpu.memory_space<vmem_shared>>) target_semaphore(%run_scoped3A_427 : memref<!tpu.dma_semaphore, #tpu.memory_space<semaphore_mem>>)
      %dma_wait3A_430 = tpu.memref_slice %arg14[%mul3A_363] : memref<524288xf32, #tpu.memory_space<vmem_shared>> -> memref<32768xf32, #tpu.memory_space<vmem_shared>>
      %dma_wait3A_431 = tpu.memref_slice %arg14[%mul3A_363] : memref<524288xf32, #tpu.memory_space<vmem_shared>> -> memref<32768xf32, #tpu.memory_space<vmem_shared>>
      tpu.wait_dma2 semaphore(%run_scoped3A_427 : memref<!tpu.dma_semaphore, #tpu.memory_space<semaphore_mem>>) src(%arg13 : memref<32768xf32, #tpu.memory_space<vmem>>) dst(%dma_wait3A_431 : memref<32768xf32, #tpu.memory_space<vmem_shared>>)
      tpu.yield
    }) : () -> ()
    %barrier3A_364 = arith.constant 0 : index
    tpu.barrier barrier_id(%barrier3A_364)
    "tpu.region"() ({
      %run_scoped3A_427 = tpu.sem_alloc : memref<!tpu.dma_semaphore, #tpu.memory_space<semaphore_mem>>
      %dma_start3A_428 = arith.constant 0 : i32
      %dma_start3A_429 = tpu.memref_slice %arg14[%dma_start3A_428] : memref<524288xf32, #tpu.memory_space<vmem_shared>> -> memref<524288xf32, #tpu.memory_space<vmem_shared>>
      tpu.enqueue_indirect_dma source(%arg12 : memref<2048xf32, #tpu.memory_space<vmem>>) target(%dma_start3A_429 : memref<524288xf32, #tpu.memory_space<vmem_shared>>) offsets(%arg11 : memref<2048xi32, #tpu.memory_space<vmem>>) semaphore(%run_scoped3A_427 : memref<!tpu.dma_semaphore, #tpu.memory_space<semaphore_mem>>) {add = true}
      %dma_wait3A_430 = arith.constant 0 : i32
      %dma_wait3A_431 = tpu.memref_slice %arg14[%dma_wait3A_430] : memref<524288xf32, #tpu.memory_space<vmem_shared>> -> memref<524288xf32, #tpu.memory_space<vmem_shared>>
      tpu.wait_indirect_dma semaphore(%run_scoped3A_427 : memref<!tpu.dma_semaphore, #tpu.memory_space<semaphore_mem>>) src(%arg12 : memref<2048xf32, #tpu.memory_space<vmem>>) dst(%dma_wait3A_431 : memref<524288xf32, #tpu.memory_space<vmem_shared>>)
      tpu.yield
    }) : () -> ()
    %barrier3A_365 = arith.constant 0 : index
    tpu.barrier barrier_id(%barrier3A_365)
    %mul3A_366 = arith.constant 524288 : i32
    %mul3A_367 = arith.muli %add3A_351, %mul3A_366 : i32
    %mul3A_368 = arith.constant 32768 : i32
    %mul3A_369 = arith.muli %arg1, %mul3A_368 : i32
    %add3A_370 = arith.addi %mul3A_367, %mul3A_369 : i32
    %mul3A_371 = arith.constant 32768 : i32
    %mul3A_372 = arith.muli %arg1, %mul3A_371 : i32
    %dma_start3A_373 = tpu.memref_slice %arg7[%add3A_370] : memref<4194304xf32, #tpu.memory_space<hbm>> -> memref<32768xf32, #tpu.memory_space<hbm>>
    %dma_start3A_374 = tpu.memref_slice %arg14[%mul3A_372] : memref<524288xf32, #tpu.memory_space<vmem_shared>> -> memref<32768xf32, #tpu.memory_space<vmem_shared>>
    tpu.enqueue_dma source(%dma_start3A_374 : memref<32768xf32, #tpu.memory_space<vmem_shared>>) target(%dma_start3A_373 : memref<32768xf32, #tpu.memory_space<hbm>>) target_semaphore(%arg15 : memref<!tpu.dma_semaphore, #tpu.memory_space<semaphore_mem>>)
    %add3A_375 = arith.constant 4 : i32
    %add3A_376 = arith.addi %add3A_375, %arg0 : i32
    %mul3A_377 = arith.constant 256 : i32
    %mul3A_378 = arith.muli %add3A_376, %mul3A_377 : i32
    %scan3A_379 = arith.constant 0 : i32
    %scan3A_380 = arith.constant 0 : i32
    %scan3A_381 = arith.constant 128 : i32
    %scan3A_382 = arith.addi %scan3A_380, %scan3A_381 : i32
    %scan3A_383 = arith.constant 1 : i32
    scf.for %scan3A_427 = %scan3A_380 to %scan3A_382 step %scan3A_383  : i32 {
      %mul3A_428 = arith.constant 16 : i32
      %mul3A_429 = arith.muli %scan3A_427, %mul3A_428 : i32
      %get3A = arith.index_cast %mul3A_429 : i32 to index
      %get3A_430 = tpu.vector_load %arg8[%get3A] {strides = array<i32>} : memref<2048xi32, #tpu.memory_space<vmem>>, vector<16xi32>,
      %get3A_431 = vector.shape_cast %get3A_430 : vector<16xi32> to vector<16xi32>
      %get3A_432 = arith.index_cast %mul3A_429 : i32 to index
      %get3A_433 = tpu.vector_load %arg9[%get3A_432] {strides = array<i32>} : memref<2048xi32, #tpu.memory_space<vmem>>, vector<16xi32>,
      %get3A_434 = vector.shape_cast %get3A_433 : vector<16xi32> to vector<16xi32>
      %get3A_435 = arith.index_cast %mul3A_429 : i32 to index
      %get3A_436 = tpu.vector_load %arg10[%get3A_435] {strides = array<i32>} : memref<2048xf32, #tpu.memory_space<vmem>>, vector<16xf32>,
      %get3A_437 = vector.shape_cast %get3A_436 : vector<16xf32> to vector<16xf32>
      %ge3A = vector.broadcast %mul3A_378 : i32 to vector<16xi32>
      %ge3A_438 = arith.cmpi sge, %get3A_431, %ge3A : vector<16xi32>
      %add3A_439 = arith.constant 256 : i32
      %add3A_440 = arith.addi %mul3A_378, %add3A_439 : i32
      %lt3A = vector.broadcast %add3A_440 : i32 to vector<16xi32>
      %lt3A_441 = arith.cmpi slt, %get3A_431, %lt3A : vector<16xi32>
      %and3A = arith.andi %ge3A_438, %lt3A_441 : vector<16xi1>
      %shift_right_arithmetic3A = arith.constant 7 : i32
      %shift_right_arithmetic3A_442 = vector.broadcast %shift_right_arithmetic3A : i32 to vector<16xi32>
      %shift_right_arithmetic3A_443 = arith.shrsi %get3A_434, %shift_right_arithmetic3A_442 : vector<16xi32>
      %shift_left3A = arith.constant 15 : i32
      %shift_left3A_444 = vector.broadcast %shift_left3A : i32 to vector<16xi32>
      %shift_left3A_445 = arith.shli %shift_right_arithmetic3A_443, %shift_left3A_444 : vector<16xi32>
      %and3A_446 = arith.constant 255 : i32
      %and3A_447 = vector.broadcast %and3A_446 : i32 to vector<16xi32>
      %and3A_448 = arith.andi %get3A_431, %and3A_447 : vector<16xi32>
      %shift_left3A_449 = arith.constant 7 : i32
      %shift_left3A_450 = vector.broadcast %shift_left3A_449 : i32 to vector<16xi32>
      %shift_left3A_451 = arith.shli %and3A_448, %shift_left3A_450 : vector<16xi32>
      %add3A_452 = arith.addi %shift_left3A_445, %shift_left3A_451 : vector<16xi32>
      %and3A_453 = arith.constant 127 : i32
      %and3A_454 = vector.broadcast %and3A_453 : i32 to vector<16xi32>
      %and3A_455 = arith.andi %get3A_434, %and3A_454 : vector<16xi32>
      %add3A_456 = arith.addi %add3A_452, %and3A_455 : vector<16xi32>
      %swap3A = arith.index_cast %mul3A_429 : i32 to index
      %swap3A_457 = tpu.vector_load %arg11[%swap3A] {strides = array<i32>} : memref<2048xi32, #tpu.memory_space<vmem>>, vector<16xi32>,
      %swap3A_458 = vector.shape_cast %swap3A_457 : vector<16xi32> to vector<16xi32>
      %swap3A_459 = vector.shape_cast %add3A_456 : vector<16xi32> to vector<16xi32>
      tpu.vector_store %arg11[%swap3A], %swap3A_459 {strides = array<i32>} : memref<2048xi32, #tpu.memory_space<vmem>>, vector<16xi32>,
      %broadcast_in_dim3A = arith.constant 0.000000e+00 : f32
      %broadcast_in_dim3A_460 = vector.broadcast %broadcast_in_dim3A : f32 to vector<16xf32>
      %select_n3A = arith.select %and3A, %get3A_437, %broadcast_in_dim3A_460 : vector<16xi1>, vector<16xf32>
      %swap3A_461 = arith.index_cast %mul3A_429 : i32 to index
      %swap3A_462 = tpu.vector_load %arg12[%swap3A_461] {strides = array<i32>} : memref<2048xf32, #tpu.memory_space<vmem>>, vector<16xf32>,
      %swap3A_463 = vector.shape_cast %swap3A_462 : vector<16xf32> to vector<16xf32>
      %swap3A_464 = vector.shape_cast %select_n3A : vector<16xf32> to vector<16xf32>
      tpu.vector_store %arg12[%swap3A_461], %swap3A_464 {strides = array<i32>} : memref<2048xf32, #tpu.memory_space<vmem>>, vector<16xf32>,
    }
    %scan3A_384 = arith.constant 128 : i32
    %dma_wait3A_385 = tpu.memref_slice %arg7[%add3A_370] : memref<4194304xf32, #tpu.memory_space<hbm>> -> memref<32768xf32, #tpu.memory_space<hbm>>
    %dma_wait3A_386 = tpu.memref_slice %arg14[%mul3A_372] : memref<524288xf32, #tpu.memory_space<vmem_shared>> -> memref<32768xf32, #tpu.memory_space<vmem_shared>>
    tpu.wait_dma2 semaphore(%arg15 : memref<!tpu.dma_semaphore, #tpu.memory_space<semaphore_mem>>) src(%dma_wait3A_386 : memref<32768xf32, #tpu.memory_space<vmem_shared>>) dst(%dma_wait3A_385 : memref<32768xf32, #tpu.memory_space<hbm>>)
    %mul3A_387 = arith.constant 32768 : i32
    %mul3A_388 = arith.muli %arg1, %mul3A_387 : i32
    "tpu.region"() ({
      %run_scoped3A_427 = tpu.sem_alloc : memref<!tpu.dma_semaphore, #tpu.memory_space<semaphore_mem>>
      %dma_start3A_428 = tpu.memref_slice %arg14[%mul3A_388] : memref<524288xf32, #tpu.memory_space<vmem_shared>> -> memref<32768xf32, #tpu.memory_space<vmem_shared>>
      %dma_start3A_429 = tpu.memref_slice %arg14[%mul3A_388] : memref<524288xf32, #tpu.memory_space<vmem_shared>> -> memref<32768xf32, #tpu.memory_space<vmem_shared>>
      tpu.enqueue_dma source(%arg13 : memref<32768xf32, #tpu.memory_space<vmem>>) target(%dma_start3A_429 : memref<32768xf32, #tpu.memory_space<vmem_shared>>) target_semaphore(%run_scoped3A_427 : memref<!tpu.dma_semaphore, #tpu.memory_space<semaphore_mem>>)
      %dma_wait3A_430 = tpu.memref_slice %arg14[%mul3A_388] : memref<524288xf32, #tpu.memory_space<vmem_shared>> -> memref<32768xf32, #tpu.memory_space<vmem_shared>>
      %dma_wait3A_431 = tpu.memref_slice %arg14[%mul3A_388] : memref<524288xf32, #tpu.memory_space<vmem_shared>> -> memref<32768xf32, #tpu.memory_space<vmem_shared>>
      tpu.wait_dma2 semaphore(%run_scoped3A_427 : memref<!tpu.dma_semaphore, #tpu.memory_space<semaphore_mem>>) src(%arg13 : memref<32768xf32, #tpu.memory_space<vmem>>) dst(%dma_wait3A_431 : memref<32768xf32, #tpu.memory_space<vmem_shared>>)
      tpu.yield
    }) : () -> ()
    %barrier3A_389 = arith.constant 0 : index
    tpu.barrier barrier_id(%barrier3A_389)
    "tpu.region"() ({
      %run_scoped3A_427 = tpu.sem_alloc : memref<!tpu.dma_semaphore, #tpu.memory_space<semaphore_mem>>
      %dma_start3A_428 = arith.constant 0 : i32
      %dma_start3A_429 = tpu.memref_slice %arg14[%dma_start3A_428] : memref<524288xf32, #tpu.memory_space<vmem_shared>> -> memref<524288xf32, #tpu.memory_space<vmem_shared>>
      tpu.enqueue_indirect_dma source(%arg12 : memref<2048xf32, #tpu.memory_space<vmem>>) target(%dma_start3A_429 : memref<524288xf32, #tpu.memory_space<vmem_shared>>) offsets(%arg11 : memref<2048xi32, #tpu.memory_space<vmem>>) semaphore(%run_scoped3A_427 : memref<!tpu.dma_semaphore, #tpu.memory_space<semaphore_mem>>) {add = true}
      %dma_wait3A_430 = arith.constant 0 : i32
      %dma_wait3A_431 = tpu.memref_slice %arg14[%dma_wait3A_430] : memref<524288xf32, #tpu.memory_space<vmem_shared>> -> memref<524288xf32, #tpu.memory_space<vmem_shared>>
      tpu.wait_indirect_dma semaphore(%run_scoped3A_427 : memref<!tpu.dma_semaphore, #tpu.memory_space<semaphore_mem>>) src(%arg12 : memref<2048xf32, #tpu.memory_space<vmem>>) dst(%dma_wait3A_431 : memref<524288xf32, #tpu.memory_space<vmem_shared>>)
      tpu.yield
    }) : () -> ()
    %barrier3A_390 = arith.constant 0 : index
    tpu.barrier barrier_id(%barrier3A_390)
    %mul3A_391 = arith.constant 524288 : i32
    %mul3A_392 = arith.muli %add3A_376, %mul3A_391 : i32
    %mul3A_393 = arith.constant 32768 : i32
    %mul3A_394 = arith.muli %arg1, %mul3A_393 : i32
    %add3A_395 = arith.addi %mul3A_392, %mul3A_394 : i32
    %mul3A_396 = arith.constant 32768 : i32
    %mul3A_397 = arith.muli %arg1, %mul3A_396 : i32
    %dma_start3A_398 = tpu.memref_slice %arg7[%add3A_395] : memref<4194304xf32, #tpu.memory_space<hbm>> -> memref<32768xf32, #tpu.memory_space<hbm>>
    %dma_start3A_399 = tpu.memref_slice %arg14[%mul3A_397] : memref<524288xf32, #tpu.memory_space<vmem_shared>> -> memref<32768xf32, #tpu.memory_space<vmem_shared>>
    tpu.enqueue_dma source(%dma_start3A_399 : memref<32768xf32, #tpu.memory_space<vmem_shared>>) target(%dma_start3A_398 : memref<32768xf32, #tpu.memory_space<hbm>>) target_semaphore(%arg15 : memref<!tpu.dma_semaphore, #tpu.memory_space<semaphore_mem>>)
    %add3A_400 = arith.constant 6 : i32
    %add3A_401 = arith.addi %add3A_400, %arg0 : i32
    %mul3A_402 = arith.constant 256 : i32
    %mul3A_403 = arith.muli %add3A_401, %mul3A_402 : i32
    %scan3A_404 = arith.constant 0 : i32
    %scan3A_405 = arith.constant 0 : i32
    %scan3A_406 = arith.constant 128 : i32
    %scan3A_407 = arith.addi %scan3A_405, %scan3A_406 : i32
    %scan3A_408 = arith.constant 1 : i32
    scf.for %scan3A_427 = %scan3A_405 to %scan3A_407 step %scan3A_408  : i32 {
      %mul3A_428 = arith.constant 16 : i32
      %mul3A_429 = arith.muli %scan3A_427, %mul3A_428 : i32
      %get3A = arith.index_cast %mul3A_429 : i32 to index
      %get3A_430 = tpu.vector_load %arg8[%get3A] {strides = array<i32>} : memref<2048xi32, #tpu.memory_space<vmem>>, vector<16xi32>,
      %get3A_431 = vector.shape_cast %get3A_430 : vector<16xi32> to vector<16xi32>
      %get3A_432 = arith.index_cast %mul3A_429 : i32 to index
      %get3A_433 = tpu.vector_load %arg9[%get3A_432] {strides = array<i32>} : memref<2048xi32, #tpu.memory_space<vmem>>, vector<16xi32>,
      %get3A_434 = vector.shape_cast %get3A_433 : vector<16xi32> to vector<16xi32>
      %get3A_435 = arith.index_cast %mul3A_429 : i32 to index
      %get3A_436 = tpu.vector_load %arg10[%get3A_435] {strides = array<i32>} : memref<2048xf32, #tpu.memory_space<vmem>>, vector<16xf32>,
      %get3A_437 = vector.shape_cast %get3A_436 : vector<16xf32> to vector<16xf32>
      %ge3A = vector.broadcast %mul3A_403 : i32 to vector<16xi32>
      %ge3A_438 = arith.cmpi sge, %get3A_431, %ge3A : vector<16xi32>
      %add3A_439 = arith.constant 256 : i32
      %add3A_440 = arith.addi %mul3A_403, %add3A_439 : i32
      %lt3A = vector.broadcast %add3A_440 : i32 to vector<16xi32>
      %lt3A_441 = arith.cmpi slt, %get3A_431, %lt3A : vector<16xi32>
      %and3A = arith.andi %ge3A_438, %lt3A_441 : vector<16xi1>
      %shift_right_arithmetic3A = arith.constant 7 : i32
      %shift_right_arithmetic3A_442 = vector.broadcast %shift_right_arithmetic3A : i32 to vector<16xi32>
      %shift_right_arithmetic3A_443 = arith.shrsi %get3A_434, %shift_right_arithmetic3A_442 : vector<16xi32>
      %shift_left3A = arith.constant 15 : i32
      %shift_left3A_444 = vector.broadcast %shift_left3A : i32 to vector<16xi32>
      %shift_left3A_445 = arith.shli %shift_right_arithmetic3A_443, %shift_left3A_444 : vector<16xi32>
      %and3A_446 = arith.constant 255 : i32
      %and3A_447 = vector.broadcast %and3A_446 : i32 to vector<16xi32>
      %and3A_448 = arith.andi %get3A_431, %and3A_447 : vector<16xi32>
      %shift_left3A_449 = arith.constant 7 : i32
      %shift_left3A_450 = vector.broadcast %shift_left3A_449 : i32 to vector<16xi32>
      %shift_left3A_451 = arith.shli %and3A_448, %shift_left3A_450 : vector<16xi32>
      %add3A_452 = arith.addi %shift_left3A_445, %shift_left3A_451 : vector<16xi32>
      %and3A_453 = arith.constant 127 : i32
      %and3A_454 = vector.broadcast %and3A_453 : i32 to vector<16xi32>
      %and3A_455 = arith.andi %get3A_434, %and3A_454 : vector<16xi32>
      %add3A_456 = arith.addi %add3A_452, %and3A_455 : vector<16xi32>
      %swap3A = arith.index_cast %mul3A_429 : i32 to index
      %swap3A_457 = tpu.vector_load %arg11[%swap3A] {strides = array<i32>} : memref<2048xi32, #tpu.memory_space<vmem>>, vector<16xi32>,
      %swap3A_458 = vector.shape_cast %swap3A_457 : vector<16xi32> to vector<16xi32>
      %swap3A_459 = vector.shape_cast %add3A_456 : vector<16xi32> to vector<16xi32>
      tpu.vector_store %arg11[%swap3A], %swap3A_459 {strides = array<i32>} : memref<2048xi32, #tpu.memory_space<vmem>>, vector<16xi32>,
      %broadcast_in_dim3A = arith.constant 0.000000e+00 : f32
      %broadcast_in_dim3A_460 = vector.broadcast %broadcast_in_dim3A : f32 to vector<16xf32>
      %select_n3A = arith.select %and3A, %get3A_437, %broadcast_in_dim3A_460 : vector<16xi1>, vector<16xf32>
      %swap3A_461 = arith.index_cast %mul3A_429 : i32 to index
      %swap3A_462 = tpu.vector_load %arg12[%swap3A_461] {strides = array<i32>} : memref<2048xf32, #tpu.memory_space<vmem>>, vector<16xf32>,
      %swap3A_463 = vector.shape_cast %swap3A_462 : vector<16xf32> to vector<16xf32>
      %swap3A_464 = vector.shape_cast %select_n3A : vector<16xf32> to vector<16xf32>
      tpu.vector_store %arg12[%swap3A_461], %swap3A_464 {strides = array<i32>} : memref<2048xf32, #tpu.memory_space<vmem>>, vector<16xf32>,
    }
    %scan3A_409 = arith.constant 128 : i32
    %dma_wait3A_410 = tpu.memref_slice %arg7[%add3A_395] : memref<4194304xf32, #tpu.memory_space<hbm>> -> memref<32768xf32, #tpu.memory_space<hbm>>
    %dma_wait3A_411 = tpu.memref_slice %arg14[%mul3A_397] : memref<524288xf32, #tpu.memory_space<vmem_shared>> -> memref<32768xf32, #tpu.memory_space<vmem_shared>>
    tpu.wait_dma2 semaphore(%arg15 : memref<!tpu.dma_semaphore, #tpu.memory_space<semaphore_mem>>) src(%dma_wait3A_411 : memref<32768xf32, #tpu.memory_space<vmem_shared>>) dst(%dma_wait3A_410 : memref<32768xf32, #tpu.memory_space<hbm>>)
    %mul3A_412 = arith.constant 32768 : i32
    %mul3A_413 = arith.muli %arg1, %mul3A_412 : i32
    "tpu.region"() ({
      %run_scoped3A_427 = tpu.sem_alloc : memref<!tpu.dma_semaphore, #tpu.memory_space<semaphore_mem>>
      %dma_start3A_428 = tpu.memref_slice %arg14[%mul3A_413] : memref<524288xf32, #tpu.memory_space<vmem_shared>> -> memref<32768xf32, #tpu.memory_space<vmem_shared>>
      %dma_start3A_429 = tpu.memref_slice %arg14[%mul3A_413] : memref<524288xf32, #tpu.memory_space<vmem_shared>> -> memref<32768xf32, #tpu.memory_space<vmem_shared>>
      tpu.enqueue_dma source(%arg13 : memref<32768xf32, #tpu.memory_space<vmem>>) target(%dma_start3A_429 : memref<32768xf32, #tpu.memory_space<vmem_shared>>) target_semaphore(%run_scoped3A_427 : memref<!tpu.dma_semaphore, #tpu.memory_space<semaphore_mem>>)
      %dma_wait3A_430 = tpu.memref_slice %arg14[%mul3A_413] : memref<524288xf32, #tpu.memory_space<vmem_shared>> -> memref<32768xf32, #tpu.memory_space<vmem_shared>>
      %dma_wait3A_431 = tpu.memref_slice %arg14[%mul3A_413] : memref<524288xf32, #tpu.memory_space<vmem_shared>> -> memref<32768xf32, #tpu.memory_space<vmem_shared>>
      tpu.wait_dma2 semaphore(%run_scoped3A_427 : memref<!tpu.dma_semaphore, #tpu.memory_space<semaphore_mem>>) src(%arg13 : memref<32768xf32, #tpu.memory_space<vmem>>) dst(%dma_wait3A_431 : memref<32768xf32, #tpu.memory_space<vmem_shared>>)
      tpu.yield
    }) : () -> ()
    %barrier3A_414 = arith.constant 0 : index
    tpu.barrier barrier_id(%barrier3A_414)
    "tpu.region"() ({
      %run_scoped3A_427 = tpu.sem_alloc : memref<!tpu.dma_semaphore, #tpu.memory_space<semaphore_mem>>
      %dma_start3A_428 = arith.constant 0 : i32
      %dma_start3A_429 = tpu.memref_slice %arg14[%dma_start3A_428] : memref<524288xf32, #tpu.memory_space<vmem_shared>> -> memref<524288xf32, #tpu.memory_space<vmem_shared>>
      tpu.enqueue_indirect_dma source(%arg12 : memref<2048xf32, #tpu.memory_space<vmem>>) target(%dma_start3A_429 : memref<524288xf32, #tpu.memory_space<vmem_shared>>) offsets(%arg11 : memref<2048xi32, #tpu.memory_space<vmem>>) semaphore(%run_scoped3A_427 : memref<!tpu.dma_semaphore, #tpu.memory_space<semaphore_mem>>) {add = true}
      %dma_wait3A_430 = arith.constant 0 : i32
      %dma_wait3A_431 = tpu.memref_slice %arg14[%dma_wait3A_430] : memref<524288xf32, #tpu.memory_space<vmem_shared>> -> memref<524288xf32, #tpu.memory_space<vmem_shared>>
      tpu.wait_indirect_dma semaphore(%run_scoped3A_427 : memref<!tpu.dma_semaphore, #tpu.memory_space<semaphore_mem>>) src(%arg12 : memref<2048xf32, #tpu.memory_space<vmem>>) dst(%dma_wait3A_431 : memref<524288xf32, #tpu.memory_space<vmem_shared>>)
      tpu.yield
    }) : () -> ()
    %barrier3A_415 = arith.constant 0 : index
    tpu.barrier barrier_id(%barrier3A_415)
    %mul3A_416 = arith.constant 524288 : i32
    %mul3A_417 = arith.muli %add3A_401, %mul3A_416 : i32
    %mul3A_418 = arith.constant 32768 : i32
    %mul3A_419 = arith.muli %arg1, %mul3A_418 : i32
    %add3A_420 = arith.addi %mul3A_417, %mul3A_419 : i32
    %mul3A_421 = arith.constant 32768 : i32
    %mul3A_422 = arith.muli %arg1, %mul3A_421 : i32
    %dma_start3A_423 = tpu.memref_slice %arg7[%add3A_420] : memref<4194304xf32, #tpu.memory_space<hbm>> -> memref<32768xf32, #tpu.memory_space<hbm>>
    %dma_start3A_424 = tpu.memref_slice %arg14[%mul3A_422] : memref<524288xf32, #tpu.memory_space<vmem_shared>> -> memref<32768xf32, #tpu.memory_space<vmem_shared>>
    tpu.enqueue_dma source(%dma_start3A_424 : memref<32768xf32, #tpu.memory_space<vmem_shared>>) target(%dma_start3A_423 : memref<32768xf32, #tpu.memory_space<hbm>>) target_semaphore(%arg15 : memref<!tpu.dma_semaphore, #tpu.memory_space<semaphore_mem>>)
    %dma_wait3A_425 = tpu.memref_slice %arg7[%add3A_420] : memref<4194304xf32, #tpu.memory_space<hbm>> -> memref<32768xf32, #tpu.memory_space<hbm>>
    %dma_wait3A_426 = tpu.memref_slice %arg14[%mul3A_422] : memref<524288xf32, #tpu.memory_space<vmem_shared>> -> memref<32768xf32, #tpu.memory_space<vmem_shared>>
    tpu.wait_dma2 semaphore(%arg15 : memref<!tpu.dma_semaphore, #tpu.memory_space<semaphore_mem>>) src(%dma_wait3A_426 : memref<32768xf32, #tpu.memory_space<vmem_shared>>) dst(%dma_wait3A_425 : memref<32768xf32, #tpu.memory_space<hbm>>)
    return
  }
}

module attributes {stable_mosaic.version = 14 : i64} {
  func.func @_xw_body(%arg0: memref<2048x256xf32, #tpu.memory_space<vmem>>, %arg1: memref<256x128xf32, #tpu.memory_space<vmem>>, %arg2: memref<2048x256xf32, #tpu.memory_space<vmem>>) attributes {dimension_semantics = [], scalar_prefetch = 0 : i64, scratch_operands = 0 : i64, tpu.core_type = #tpu.core_type<tc>} {
    %get3A = arith.constant 0 : index
    %get3A_0 = arith.constant 0 : index
    %get3A_1 = vector.load %arg0[%get3A, %get3A_0] : memref<2048x256xf32, #tpu.memory_space<vmem>>, vector<2048x256xf32>
    %get3A_2 = arith.constant 0 : index
    %get3A_3 = arith.constant 0 : index
    %get3A_4 = vector.load %arg1[%get3A_2, %get3A_3] : memref<256x128xf32, #tpu.memory_space<vmem>>, vector<256x128xf32>
    %dot_general3A = arith.constant dense<0.000000e+00> : vector<2048x128xf32>
    %dot_general3A_5 = tpu.matmul %get3A_1, %get3A_4, %dot_general3A {dimension_numbers = #tpu.dot_dimension_numbers<[1], [0], [0], [1], [0, 0, 1, 1], [], []>, transpose_lhs_hint = false} : vector<2048x256xf32>, vector<256x128xf32>, vector<2048x128xf32> -> vector<2048x128xf32>
    %swap3A = arith.constant 0 : index
    %swap3A_6 = arith.constant 0 : index
    %swap3A_7 = vector.load %arg2[%swap3A, %swap3A_6] : memref<2048x256xf32, #tpu.memory_space<vmem>>, vector<2048x128xf32>
    tpu.vector_store %arg2[%swap3A, %swap3A_6], %dot_general3A_5 {strides = array<i32>} : memref<2048x256xf32, #tpu.memory_space<vmem>>, vector<2048x128xf32>,
    %iota3A = tpu.iota {dimensions = array<i32: 1>} : vector<2048x128xi32>
    %eq3A = arith.constant 0 : i32
    %eq3A_8 = vector.broadcast %eq3A : i32 to vector<2048x128xi32>
    %eq3A_9 = arith.cmpi eq, %iota3A, %eq3A_8 : vector<2048x128xi32>
    %jit3A = arith.constant 1.000000e+00 : f32
    %jit3A_10 = arith.constant 0.000000e+00 : f32
    %broadcast_in_dim3A = vector.broadcast %jit3A : f32 to vector<2048x128xf32>
    %broadcast_in_dim3A_11 = vector.broadcast %jit3A_10 : f32 to vector<2048x128xf32>
    %select_n3A = arith.select %eq3A_9, %broadcast_in_dim3A, %broadcast_in_dim3A_11 : vector<2048x128xi1>, vector<2048x128xf32>
    %swap3A_12 = arith.constant 0 : index
    %swap3A_13 = arith.constant 128 : index
    %swap3A_14 = vector.load %arg2[%swap3A_12, %swap3A_13] : memref<2048x256xf32, #tpu.memory_space<vmem>>, vector<2048x128xf32>
    tpu.vector_store %arg2[%swap3A_12, %swap3A_13], %select_n3A {strides = array<i32>} : memref<2048x256xf32, #tpu.memory_space<vmem>>, vector<2048x128xf32>,
    return
  }
}

module attributes {stable_mosaic.version = 14 : i64} {
  func.func @_fin_body(%arg0: memref<2x2048x256xf32, #tpu.memory_space<vmem>>, %arg1: memref<1x128xf32, #tpu.memory_space<vmem>>, %arg2: memref<256x4xf32, #tpu.memory_space<vmem>>, %arg3: memref<1x4xf32, #tpu.memory_space<vmem>>, %arg4: memref<1024x1xi32, #tpu.memory_space<vmem>>, %arg5: memref<1024x4xf32, #tpu.memory_space<vmem>>) attributes {dimension_semantics = [], scalar_prefetch = 0 : i64, scratch_operands = 0 : i64, tpu.core_type = #tpu.core_type<tc>} {
    %get3A = arith.constant 0 : index
    %get3A_0 = arith.constant 0 : index
    %get3A_1 = arith.constant 0 : index
    %get3A_2 = vector.load %arg0[%get3A, %get3A_0, %get3A_1] : memref<2x2048x256xf32, #tpu.memory_space<vmem>>, vector<1x2048x256xf32>
    %get3A_3 = vector.shape_cast %get3A_2 : vector<1x2048x256xf32> to vector<2048x256xf32>
    %slice3A = vector.extract_strided_slice %get3A_3 {offsets = [0, 128], sizes = [2048, 1], strides = [1, 1]} : vector<2048x256xf32> to vector<2048x1xf32>
    %eq3A = arith.constant 0.000000e+00 : f32
    %eq3A_4 = vector.broadcast %eq3A : f32 to vector<2048x1xf32>
    %eq3A_5 = arith.cmpf oeq, %slice3A, %eq3A_4 : vector<2048x1xf32>
    %div3A = arith.constant 1.000000e+00 : f32
    %div3A_6 = vector.broadcast %div3A : f32 to vector<2048x1xf32>
    %div3A_7 = arith.divf %div3A_6, %slice3A : vector<2048x1xf32>
    %jit3A = arith.constant 0.000000e+00 : f32
    %broadcast_in_dim3A = vector.broadcast %jit3A : f32 to vector<2048x1xf32>
    %select_n3A = arith.select %eq3A_5, %broadcast_in_dim3A, %div3A_7 : vector<2048x1xi1>, vector<2048x1xf32>
    %slice3A_8 = vector.extract_strided_slice %get3A_3 {offsets = [0, 0], sizes = [2048, 128], strides = [1, 1]} : vector<2048x256xf32> to vector<2048x128xf32>
    %mul3A = vector.broadcast %select_n3A : vector<2048x1xf32> to vector<2048x128xf32>
    %mul3A_9 = arith.mulf %slice3A_8, %mul3A : vector<2048x128xf32>
    %get3A_10 = arith.constant 0 : index
    %get3A_11 = arith.constant 0 : index
    %get3A_12 = vector.load %arg1[%get3A_10, %get3A_11] : memref<1x128xf32, #tpu.memory_space<vmem>>, vector<1x128xf32>
    %add3A = vector.broadcast %get3A_12 : vector<1x128xf32> to vector<2048x128xf32>
    %add3A_13 = arith.addf %mul3A_9, %add3A : vector<2048x128xf32>
    %max3A = arith.constant 0.000000e+00 : f32
    %max3A_14 = vector.broadcast %max3A : f32 to vector<2048x128xf32>
    %max3A_15 = arith.maximumf %add3A_13, %max3A_14 : vector<2048x128xf32>
    %get3A_16 = arith.constant 0 : index
    %get3A_17 = arith.constant 0 : index
    %get3A_18 = vector.load %arg2[%get3A_16, %get3A_17] : memref<256x4xf32, #tpu.memory_space<vmem>>, vector<128x4xf32>
    %dot_general3A = arith.constant dense<0.000000e+00> : vector<2048x4xf32>
    %dot_general3A_19 = tpu.matmul %max3A_15, %get3A_18, %dot_general3A {dimension_numbers = #tpu.dot_dimension_numbers<[1], [0], [0], [1], [0, 0, 1, 1], [], []>, transpose_lhs_hint = false} : vector<2048x128xf32>, vector<128x4xf32>, vector<2048x4xf32> -> vector<2048x4xf32>
    %get3A_20 = arith.constant 1 : index
    %get3A_21 = arith.constant 0 : index
    %get3A_22 = arith.constant 0 : index
    %get3A_23 = vector.load %arg0[%get3A_20, %get3A_21, %get3A_22] : memref<2x2048x256xf32, #tpu.memory_space<vmem>>, vector<1x2048x256xf32>
    %get3A_24 = vector.shape_cast %get3A_23 : vector<1x2048x256xf32> to vector<2048x256xf32>
    %slice3A_25 = vector.extract_strided_slice %get3A_24 {offsets = [0, 128], sizes = [2048, 1], strides = [1, 1]} : vector<2048x256xf32> to vector<2048x1xf32>
    %eq3A_26 = arith.constant 0.000000e+00 : f32
    %eq3A_27 = vector.broadcast %eq3A_26 : f32 to vector<2048x1xf32>
    %eq3A_28 = arith.cmpf oeq, %slice3A_25, %eq3A_27 : vector<2048x1xf32>
    %div3A_29 = arith.constant 1.000000e+00 : f32
    %div3A_30 = vector.broadcast %div3A_29 : f32 to vector<2048x1xf32>
    %div3A_31 = arith.divf %div3A_30, %slice3A_25 : vector<2048x1xf32>
    %jit3A_32 = arith.constant 0.000000e+00 : f32
    %broadcast_in_dim3A_33 = vector.broadcast %jit3A_32 : f32 to vector<2048x1xf32>
    %select_n3A_34 = arith.select %eq3A_28, %broadcast_in_dim3A_33, %div3A_31 : vector<2048x1xi1>, vector<2048x1xf32>
    %slice3A_35 = vector.extract_strided_slice %get3A_24 {offsets = [0, 0], sizes = [2048, 128], strides = [1, 1]} : vector<2048x256xf32> to vector<2048x128xf32>
    %mul3A_36 = vector.broadcast %select_n3A_34 : vector<2048x1xf32> to vector<2048x128xf32>
    %mul3A_37 = arith.mulf %slice3A_35, %mul3A_36 : vector<2048x128xf32>
    %get3A_38 = arith.constant 0 : index
    %get3A_39 = arith.constant 0 : index
    %get3A_40 = vector.load %arg1[%get3A_38, %get3A_39] : memref<1x128xf32, #tpu.memory_space<vmem>>, vector<1x128xf32>
    %add3A_41 = vector.broadcast %get3A_40 : vector<1x128xf32> to vector<2048x128xf32>
    %add3A_42 = arith.addf %mul3A_37, %add3A_41 : vector<2048x128xf32>
    %max3A_43 = arith.constant 0.000000e+00 : f32
    %max3A_44 = vector.broadcast %max3A_43 : f32 to vector<2048x128xf32>
    %max3A_45 = arith.maximumf %add3A_42, %max3A_44 : vector<2048x128xf32>
    %get3A_46 = arith.constant 128 : index
    %get3A_47 = arith.constant 0 : index
    %get3A_48 = vector.load %arg2[%get3A_46, %get3A_47] : memref<256x4xf32, #tpu.memory_space<vmem>>, vector<128x4xf32>
    %dot_general3A_49 = arith.constant dense<0.000000e+00> : vector<2048x4xf32>
    %dot_general3A_50 = tpu.matmul %max3A_45, %get3A_48, %dot_general3A_49 {dimension_numbers = #tpu.dot_dimension_numbers<[1], [0], [0], [1], [0, 0, 1, 1], [], []>, transpose_lhs_hint = false} : vector<2048x128xf32>, vector<128x4xf32>, vector<2048x4xf32> -> vector<2048x4xf32>
    %add3A_51 = arith.addf %dot_general3A_19, %dot_general3A_50 : vector<2048x4xf32>
    %get3A_52 = arith.constant 0 : index
    %get3A_53 = arith.constant 0 : index
    %get3A_54 = vector.load %arg4[%get3A_52, %get3A_53] : memref<1024x1xi32, #tpu.memory_space<vmem>>, vector<1024x1xi32>
    %iota3A = tpu.iota {dimensions = array<i32: 1>} : vector<1024x2048xi32>
    %eq3A_55 = vector.broadcast %get3A_54 : vector<1024x1xi32> to vector<1024x2048xi32>
    %eq3A_56 = arith.cmpi eq, %eq3A_55, %iota3A : vector<1024x2048xi32>
    %convert_element_type3A = arith.extui %eq3A_56 : vector<1024x2048xi1> to vector<1024x2048xi32>
    %convert_element_type3A_57 = arith.sitofp %convert_element_type3A : vector<1024x2048xi32> to vector<1024x2048xf32>
    %dot_general3A_58 = arith.constant dense<0.000000e+00> : vector<1024x4xf32>
    %dot_general3A_59 = tpu.matmul %convert_element_type3A_57, %add3A_51, %dot_general3A_58 {dimension_numbers = #tpu.dot_dimension_numbers<[1], [0], [0], [1], [0, 0, 1, 1], [], []>, transpose_lhs_hint = false} : vector<1024x2048xf32>, vector<2048x4xf32>, vector<1024x4xf32> -> vector<1024x4xf32>
    %get3A_60 = arith.constant 0 : index
    %get3A_61 = arith.constant 0 : index
    %get3A_62 = vector.load %arg3[%get3A_60, %get3A_61] : memref<1x4xf32, #tpu.memory_space<vmem>>, vector<1x4xf32>
    %add3A_63 = vector.broadcast %get3A_62 : vector<1x4xf32> to vector<1024x4xf32>
    %add3A_64 = arith.addf %dot_general3A_59, %add3A_63 : vector<1024x4xf32>
    %swap3A = arith.constant 0 : index
    %swap3A_65 = arith.constant 0 : index
    %swap3A_66 = vector.load %arg5[%swap3A, %swap3A_65] : memref<1024x4xf32, #tpu.memory_space<vmem>>, vector<1024x4xf32>
    tpu.vector_store %arg5[%swap3A, %swap3A_65], %add3A_64 {strides = array<i32>} : memref<1024x4xf32, #tpu.memory_space<vmem>>, vector<1024x4xf32>,
    return
  }
}

module attributes {stable_mosaic.version = 14 : i64} {
  func.func @_chain_body(%arg0: i32, %arg1: i32, %arg2: memref<3x2x4xf32, #tpu.memory_space<smem>>, %arg3: memref<4096x128xf32, #tpu.memory_space<vmem>>, %arg4: memref<4096x128xf32, #tpu.memory_space<vmem>>, %arg5: memref<4096x128xf32, #tpu.memory_space<vmem>>, %arg6: memref<4096x128xf32, #tpu.memory_space<vmem>>, %arg7: memref<2048x256xf32, #tpu.memory_space<vmem>>, %arg8: memref<2x2048x256xf32, #tpu.memory_space<vmem>>, %arg9: memref<2x2048x256xf32, #tpu.memory_space<vmem>>, %arg10: memref<2x2048x256xf32, #tpu.memory_space<vmem>>, %arg11: memref<4096x128xf32, #tpu.memory_space<vmem>>) attributes {dimension_semantics = [#tpu.dimension_semantics<arbitrary>, #tpu.dimension_semantics<arbitrary>], iteration_bounds = array<i64: 3, 8>, scalar_prefetch = 0 : i64, scratch_operands = 3 : i64, tpu.core_type = #tpu.core_type<tc>, window_params = [{transform_indices = @transform_0, window_bounds = array<i64: 3, 2, 4>}, {transform_indices = @transform_1, window_bounds = array<i64: 4096, 128>}, {transform_indices = @transform_2, window_bounds = array<i64: 4096, 128>}, {transform_indices = @transform_3, window_bounds = array<i64: 4096, 128>}, {transform_indices = @transform_4, window_bounds = array<i64: 4096, 128>}, {pipeline_mode = #tpu.pipeline_mode<synchronous>, transform_indices = @transform_5, window_bounds = array<i64: 2048, 256>}, {pipeline_mode = #tpu.pipeline_mode<synchronous>, transform_indices = @transform_6, window_bounds = array<i64: 2, 2048, 256>}]} {
    %mul3A = arith.constant 256 : i32
    %mul3A_0 = arith.muli %arg1, %mul3A : i32
    %multiple_of3A = tpu.assume_multiple %mul3A_0, 256 : i32
    %eq3A = arith.constant 0 : i32
    %eq3A_1 = arith.cmpi eq, %arg0, %eq3A : i32
    %convert_element_type3A = arith.extui %eq3A_1 : i1 to i32
    %cond3A = arith.constant 0 : i32
    %cond3A_2 = arith.cmpi ne, %convert_element_type3A, %cond3A : i32
    scf.if %cond3A_2 {
      %get3A = arith.constant 0 : index
      %get3A_13 = arith.constant 0 : index
      %get3A_14 = vector.load %arg3[%get3A, %get3A_13] : memref<4096x128xf32, #tpu.memory_space<vmem>>, vector<4096x128xf32>
      %get3A_15 = arith.constant 0 : index
      %get3A_16 = arith.constant 0 : index
      %get3A_17 = arith.constant 0 : index
      %get3A_18 = memref.load %arg2[%get3A_15, %get3A_16, %get3A_17] : memref<3x2x4xf32, #tpu.memory_space<smem>>
      %mul3A_19 = vector.broadcast %get3A_18 : f32 to vector<4096x128xf32>
      %mul3A_20 = arith.mulf %get3A_14, %mul3A_19 : vector<4096x128xf32>
      %get3A_21 = arith.constant 0 : index
      %get3A_22 = arith.constant 0 : index
      %get3A_23 = vector.load %arg4[%get3A_21, %get3A_22] : memref<4096x128xf32, #tpu.memory_space<vmem>>, vector<4096x128xf32>
      %get3A_24 = arith.constant 0 : index
      %get3A_25 = arith.constant 0 : index
      %get3A_26 = arith.constant 1 : index
      %get3A_27 = memref.load %arg2[%get3A_24, %get3A_25, %get3A_26] : memref<3x2x4xf32, #tpu.memory_space<smem>>
      %mul3A_28 = vector.broadcast %get3A_27 : f32 to vector<4096x128xf32>
      %mul3A_29 = arith.mulf %get3A_23, %mul3A_28 : vector<4096x128xf32>
      %add3A = arith.addf %mul3A_20, %mul3A_29 : vector<4096x128xf32>
      %get3A_30 = arith.constant 0 : index
      %get3A_31 = arith.constant 0 : index
      %get3A_32 = vector.load %arg5[%get3A_30, %get3A_31] : memref<4096x128xf32, #tpu.memory_space<vmem>>, vector<4096x128xf32>
      %get3A_33 = arith.constant 0 : index
      %get3A_34 = arith.constant 0 : index
      %get3A_35 = arith.constant 2 : index
      %get3A_36 = memref.load %arg2[%get3A_33, %get3A_34, %get3A_35] : memref<3x2x4xf32, #tpu.memory_space<smem>>
      %mul3A_37 = vector.broadcast %get3A_36 : f32 to vector<4096x128xf32>
      %mul3A_38 = arith.mulf %get3A_32, %mul3A_37 : vector<4096x128xf32>
      %add3A_39 = arith.addf %add3A, %mul3A_38 : vector<4096x128xf32>
      %get3A_40 = arith.constant 0 : index
      %get3A_41 = arith.constant 0 : index
      %get3A_42 = vector.load %arg6[%get3A_40, %get3A_41] : memref<4096x128xf32, #tpu.memory_space<vmem>>, vector<4096x128xf32>
      %get3A_43 = arith.constant 0 : index
      %get3A_44 = arith.constant 0 : index
      %get3A_45 = arith.constant 3 : index
      %get3A_46 = memref.load %arg2[%get3A_43, %get3A_44, %get3A_45] : memref<3x2x4xf32, #tpu.memory_space<smem>>
      %mul3A_47 = vector.broadcast %get3A_46 : f32 to vector<4096x128xf32>
      %mul3A_48 = arith.mulf %get3A_42, %mul3A_47 : vector<4096x128xf32>
      %add3A_49 = arith.addf %add3A_39, %mul3A_48 : vector<4096x128xf32>
      %swap3A = arith.constant 0 : index
      %swap3A_50 = arith.constant 0 : index
      %swap3A_51 = vector.load %arg11[%swap3A, %swap3A_50] : memref<4096x128xf32, #tpu.memory_space<vmem>>, vector<4096x128xf32>
      tpu.vector_store %arg11[%swap3A, %swap3A_50], %add3A_49 {strides = array<i32>} : memref<4096x128xf32, #tpu.memory_space<vmem>>, vector<4096x128xf32>,
      %get3A_52 = arith.constant 0 : index
      %get3A_53 = arith.constant 0 : index
      %get3A_54 = vector.load %arg11[%get3A_52, %get3A_53] : memref<4096x128xf32, #tpu.memory_space<vmem>>, vector<256x128xf32>
      %get3A_55 = arith.constant 0 : index
      %get3A_56 = arith.constant 0 : index
      %get3A_57 = vector.load %arg7[%get3A_55, %get3A_56] : memref<2048x256xf32, #tpu.memory_space<vmem>>, vector<128x256xf32>
      %dot_general3A = arith.constant dense<0.000000e+00> : vector<256x256xf32>
      %dot_general3A_58 = tpu.matmul %get3A_54, %get3A_57, %dot_general3A {dimension_numbers = #tpu.dot_dimension_numbers<[1], [0], [0], [1], [0, 0, 1, 1], [], []>, transpose_lhs_hint = false} : vector<256x128xf32>, vector<128x256xf32>, vector<256x256xf32> -> vector<256x256xf32>
      %get3A_59 = arith.constant 256 : index
      %get3A_60 = arith.constant 0 : index
      %get3A_61 = vector.load %arg11[%get3A_59, %get3A_60] : memref<4096x128xf32, #tpu.memory_space<vmem>>, vector<256x128xf32>
      %get3A_62 = arith.constant 128 : index
      %get3A_63 = arith.constant 0 : index
      %get3A_64 = vector.load %arg7[%get3A_62, %get3A_63] : memref<2048x256xf32, #tpu.memory_space<vmem>>, vector<128x256xf32>
      %dot_general3A_65 = arith.constant dense<0.000000e+00> : vector<256x256xf32>
      %dot_general3A_66 = tpu.matmul %get3A_61, %get3A_64, %dot_general3A_65 {dimension_numbers = #tpu.dot_dimension_numbers<[1], [0], [0], [1], [0, 0, 1, 1], [], []>, transpose_lhs_hint = false} : vector<256x128xf32>, vector<128x256xf32>, vector<256x256xf32> -> vector<256x256xf32>
      %add3A_67 = arith.addf %dot_general3A_58, %dot_general3A_66 : vector<256x256xf32>
      %get3A_68 = arith.constant 512 : index
      %get3A_69 = arith.constant 0 : index
      %get3A_70 = vector.load %arg11[%get3A_68, %get3A_69] : memref<4096x128xf32, #tpu.memory_space<vmem>>, vector<256x128xf32>
      %get3A_71 = arith.constant 256 : index
      %get3A_72 = arith.constant 0 : index
      %get3A_73 = vector.load %arg7[%get3A_71, %get3A_72] : memref<2048x256xf32, #tpu.memory_space<vmem>>, vector<128x256xf32>
      %dot_general3A_74 = arith.constant dense<0.000000e+00> : vector<256x256xf32>
      %dot_general3A_75 = tpu.matmul %get3A_70, %get3A_73, %dot_general3A_74 {dimension_numbers = #tpu.dot_dimension_numbers<[1], [0], [0], [1], [0, 0, 1, 1], [], []>, transpose_lhs_hint = false} : vector<256x128xf32>, vector<128x256xf32>, vector<256x256xf32> -> vector<256x256xf32>
      %add3A_76 = arith.addf %add3A_67, %dot_general3A_75 : vector<256x256xf32>
      %get3A_77 = arith.constant 768 : index
      %get3A_78 = arith.constant 0 : index
      %get3A_79 = vector.load %arg11[%get3A_77, %get3A_78] : memref<4096x128xf32, #tpu.memory_space<vmem>>, vector<256x128xf32>
      %get3A_80 = arith.constant 384 : index
      %get3A_81 = arith.constant 0 : index
      %get3A_82 = vector.load %arg7[%get3A_80, %get3A_81] : memref<2048x256xf32, #tpu.memory_space<vmem>>, vector<128x256xf32>
      %dot_general3A_83 = arith.constant dense<0.000000e+00> : vector<256x256xf32>
      %dot_general3A_84 = tpu.matmul %get3A_79, %get3A_82, %dot_general3A_83 {dimension_numbers = #tpu.dot_dimension_numbers<[1], [0], [0], [1], [0, 0, 1, 1], [], []>, transpose_lhs_hint = false} : vector<256x128xf32>, vector<128x256xf32>, vector<256x256xf32> -> vector<256x256xf32>
      %add3A_85 = arith.addf %add3A_76, %dot_general3A_84 : vector<256x256xf32>
      %get3A_86 = arith.constant 1024 : index
      %get3A_87 = arith.constant 0 : index
      %get3A_88 = vector.load %arg11[%get3A_86, %get3A_87] : memref<4096x128xf32, #tpu.memory_space<vmem>>, vector<256x128xf32>
      %get3A_89 = arith.constant 512 : index
      %get3A_90 = arith.constant 0 : index
      %get3A_91 = vector.load %arg7[%get3A_89, %get3A_90] : memref<2048x256xf32, #tpu.memory_space<vmem>>, vector<128x256xf32>
      %dot_general3A_92 = arith.constant dense<0.000000e+00> : vector<256x256xf32>
      %dot_general3A_93 = tpu.matmul %get3A_88, %get3A_91, %dot_general3A_92 {dimension_numbers = #tpu.dot_dimension_numbers<[1], [0], [0], [1], [0, 0, 1, 1], [], []>, transpose_lhs_hint = false} : vector<256x128xf32>, vector<128x256xf32>, vector<256x256xf32> -> vector<256x256xf32>
      %add3A_94 = arith.addf %add3A_85, %dot_general3A_93 : vector<256x256xf32>
      %get3A_95 = arith.constant 1280 : index
      %get3A_96 = arith.constant 0 : index
      %get3A_97 = vector.load %arg11[%get3A_95, %get3A_96] : memref<4096x128xf32, #tpu.memory_space<vmem>>, vector<256x128xf32>
      %get3A_98 = arith.constant 640 : index
      %get3A_99 = arith.constant 0 : index
      %get3A_100 = vector.load %arg7[%get3A_98, %get3A_99] : memref<2048x256xf32, #tpu.memory_space<vmem>>, vector<128x256xf32>
      %dot_general3A_101 = arith.constant dense<0.000000e+00> : vector<256x256xf32>
      %dot_general3A_102 = tpu.matmul %get3A_97, %get3A_100, %dot_general3A_101 {dimension_numbers = #tpu.dot_dimension_numbers<[1], [0], [0], [1], [0, 0, 1, 1], [], []>, transpose_lhs_hint = false} : vector<256x128xf32>, vector<128x256xf32>, vector<256x256xf32> -> vector<256x256xf32>
      %add3A_103 = arith.addf %add3A_94, %dot_general3A_102 : vector<256x256xf32>
      %get3A_104 = arith.constant 1536 : index
      %get3A_105 = arith.constant 0 : index
      %get3A_106 = vector.load %arg11[%get3A_104, %get3A_105] : memref<4096x128xf32, #tpu.memory_space<vmem>>, vector<256x128xf32>
      %get3A_107 = arith.constant 768 : index
      %get3A_108 = arith.constant 0 : index
      %get3A_109 = vector.load %arg7[%get3A_107, %get3A_108] : memref<2048x256xf32, #tpu.memory_space<vmem>>, vector<128x256xf32>
      %dot_general3A_110 = arith.constant dense<0.000000e+00> : vector<256x256xf32>
      %dot_general3A_111 = tpu.matmul %get3A_106, %get3A_109, %dot_general3A_110 {dimension_numbers = #tpu.dot_dimension_numbers<[1], [0], [0], [1], [0, 0, 1, 1], [], []>, transpose_lhs_hint = false} : vector<256x128xf32>, vector<128x256xf32>, vector<256x256xf32> -> vector<256x256xf32>
      %add3A_112 = arith.addf %add3A_103, %dot_general3A_111 : vector<256x256xf32>
      %get3A_113 = arith.constant 1792 : index
      %get3A_114 = arith.constant 0 : index
      %get3A_115 = vector.load %arg11[%get3A_113, %get3A_114] : memref<4096x128xf32, #tpu.memory_space<vmem>>, vector<256x128xf32>
      %get3A_116 = arith.constant 896 : index
      %get3A_117 = arith.constant 0 : index
      %get3A_118 = vector.load %arg7[%get3A_116, %get3A_117] : memref<2048x256xf32, #tpu.memory_space<vmem>>, vector<128x256xf32>
      %dot_general3A_119 = arith.constant dense<0.000000e+00> : vector<256x256xf32>
      %dot_general3A_120 = tpu.matmul %get3A_115, %get3A_118, %dot_general3A_119 {dimension_numbers = #tpu.dot_dimension_numbers<[1], [0], [0], [1], [0, 0, 1, 1], [], []>, transpose_lhs_hint = false} : vector<256x128xf32>, vector<128x256xf32>, vector<256x256xf32> -> vector<256x256xf32>
      %add3A_121 = arith.addf %add3A_112, %dot_general3A_120 : vector<256x256xf32>
      %get3A_122 = arith.constant 2048 : index
      %get3A_123 = arith.constant 0 : index
      %get3A_124 = vector.load %arg11[%get3A_122, %get3A_123] : memref<4096x128xf32, #tpu.memory_space<vmem>>, vector<256x128xf32>
      %get3A_125 = arith.constant 1024 : index
      %get3A_126 = arith.constant 0 : index
      %get3A_127 = vector.load %arg7[%get3A_125, %get3A_126] : memref<2048x256xf32, #tpu.memory_space<vmem>>, vector<128x256xf32>
      %dot_general3A_128 = arith.constant dense<0.000000e+00> : vector<256x256xf32>
      %dot_general3A_129 = tpu.matmul %get3A_124, %get3A_127, %dot_general3A_128 {dimension_numbers = #tpu.dot_dimension_numbers<[1], [0], [0], [1], [0, 0, 1, 1], [], []>, transpose_lhs_hint = false} : vector<256x128xf32>, vector<128x256xf32>, vector<256x256xf32> -> vector<256x256xf32>
      %add3A_130 = arith.addf %add3A_121, %dot_general3A_129 : vector<256x256xf32>
      %get3A_131 = arith.constant 2304 : index
      %get3A_132 = arith.constant 0 : index
      %get3A_133 = vector.load %arg11[%get3A_131, %get3A_132] : memref<4096x128xf32, #tpu.memory_space<vmem>>, vector<256x128xf32>
      %get3A_134 = arith.constant 1152 : index
      %get3A_135 = arith.constant 0 : index
      %get3A_136 = vector.load %arg7[%get3A_134, %get3A_135] : memref<2048x256xf32, #tpu.memory_space<vmem>>, vector<128x256xf32>
      %dot_general3A_137 = arith.constant dense<0.000000e+00> : vector<256x256xf32>
      %dot_general3A_138 = tpu.matmul %get3A_133, %get3A_136, %dot_general3A_137 {dimension_numbers = #tpu.dot_dimension_numbers<[1], [0], [0], [1], [0, 0, 1, 1], [], []>, transpose_lhs_hint = false} : vector<256x128xf32>, vector<128x256xf32>, vector<256x256xf32> -> vector<256x256xf32>
      %add3A_139 = arith.addf %add3A_130, %dot_general3A_138 : vector<256x256xf32>
      %get3A_140 = arith.constant 2560 : index
      %get3A_141 = arith.constant 0 : index
      %get3A_142 = vector.load %arg11[%get3A_140, %get3A_141] : memref<4096x128xf32, #tpu.memory_space<vmem>>, vector<256x128xf32>
      %get3A_143 = arith.constant 1280 : index
      %get3A_144 = arith.constant 0 : index
      %get3A_145 = vector.load %arg7[%get3A_143, %get3A_144] : memref<2048x256xf32, #tpu.memory_space<vmem>>, vector<128x256xf32>
      %dot_general3A_146 = arith.constant dense<0.000000e+00> : vector<256x256xf32>
      %dot_general3A_147 = tpu.matmul %get3A_142, %get3A_145, %dot_general3A_146 {dimension_numbers = #tpu.dot_dimension_numbers<[1], [0], [0], [1], [0, 0, 1, 1], [], []>, transpose_lhs_hint = false} : vector<256x128xf32>, vector<128x256xf32>, vector<256x256xf32> -> vector<256x256xf32>
      %add3A_148 = arith.addf %add3A_139, %dot_general3A_147 : vector<256x256xf32>
      %get3A_149 = arith.constant 2816 : index
      %get3A_150 = arith.constant 0 : index
      %get3A_151 = vector.load %arg11[%get3A_149, %get3A_150] : memref<4096x128xf32, #tpu.memory_space<vmem>>, vector<256x128xf32>
      %get3A_152 = arith.constant 1408 : index
      %get3A_153 = arith.constant 0 : index
      %get3A_154 = vector.load %arg7[%get3A_152, %get3A_153] : memref<2048x256xf32, #tpu.memory_space<vmem>>, vector<128x256xf32>
      %dot_general3A_155 = arith.constant dense<0.000000e+00> : vector<256x256xf32>
      %dot_general3A_156 = tpu.matmul %get3A_151, %get3A_154, %dot_general3A_155 {dimension_numbers = #tpu.dot_dimension_numbers<[1], [0], [0], [1], [0, 0, 1, 1], [], []>, transpose_lhs_hint = false} : vector<256x128xf32>, vector<128x256xf32>, vector<256x256xf32> -> vector<256x256xf32>
      %add3A_157 = arith.addf %add3A_148, %dot_general3A_156 : vector<256x256xf32>
      %get3A_158 = arith.constant 3072 : index
      %get3A_159 = arith.constant 0 : index
      %get3A_160 = vector.load %arg11[%get3A_158, %get3A_159] : memref<4096x128xf32, #tpu.memory_space<vmem>>, vector<256x128xf32>
      %get3A_161 = arith.constant 1536 : index
      %get3A_162 = arith.constant 0 : index
      %get3A_163 = vector.load %arg7[%get3A_161, %get3A_162] : memref<2048x256xf32, #tpu.memory_space<vmem>>, vector<128x256xf32>
      %dot_general3A_164 = arith.constant dense<0.000000e+00> : vector<256x256xf32>
      %dot_general3A_165 = tpu.matmul %get3A_160, %get3A_163, %dot_general3A_164 {dimension_numbers = #tpu.dot_dimension_numbers<[1], [0], [0], [1], [0, 0, 1, 1], [], []>, transpose_lhs_hint = false} : vector<256x128xf32>, vector<128x256xf32>, vector<256x256xf32> -> vector<256x256xf32>
      %add3A_166 = arith.addf %add3A_157, %dot_general3A_165 : vector<256x256xf32>
      %get3A_167 = arith.constant 3328 : index
      %get3A_168 = arith.constant 0 : index
      %get3A_169 = vector.load %arg11[%get3A_167, %get3A_168] : memref<4096x128xf32, #tpu.memory_space<vmem>>, vector<256x128xf32>
      %get3A_170 = arith.constant 1664 : index
      %get3A_171 = arith.constant 0 : index
      %get3A_172 = vector.load %arg7[%get3A_170, %get3A_171] : memref<2048x256xf32, #tpu.memory_space<vmem>>, vector<128x256xf32>
      %dot_general3A_173 = arith.constant dense<0.000000e+00> : vector<256x256xf32>
      %dot_general3A_174 = tpu.matmul %get3A_169, %get3A_172, %dot_general3A_173 {dimension_numbers = #tpu.dot_dimension_numbers<[1], [0], [0], [1], [0, 0, 1, 1], [], []>, transpose_lhs_hint = false} : vector<256x128xf32>, vector<128x256xf32>, vector<256x256xf32> -> vector<256x256xf32>
      %add3A_175 = arith.addf %add3A_166, %dot_general3A_174 : vector<256x256xf32>
      %get3A_176 = arith.constant 3584 : index
      %get3A_177 = arith.constant 0 : index
      %get3A_178 = vector.load %arg11[%get3A_176, %get3A_177] : memref<4096x128xf32, #tpu.memory_space<vmem>>, vector<256x128xf32>
      %get3A_179 = arith.constant 1792 : index
      %get3A_180 = arith.constant 0 : index
      %get3A_181 = vector.load %arg7[%get3A_179, %get3A_180] : memref<2048x256xf32, #tpu.memory_space<vmem>>, vector<128x256xf32>
      %dot_general3A_182 = arith.constant dense<0.000000e+00> : vector<256x256xf32>
      %dot_general3A_183 = tpu.matmul %get3A_178, %get3A_181, %dot_general3A_182 {dimension_numbers = #tpu.dot_dimension_numbers<[1], [0], [0], [1], [0, 0, 1, 1], [], []>, transpose_lhs_hint = false} : vector<256x128xf32>, vector<128x256xf32>, vector<256x256xf32> -> vector<256x256xf32>
      %add3A_184 = arith.addf %add3A_175, %dot_general3A_183 : vector<256x256xf32>
      %get3A_185 = arith.constant 3840 : index
      %get3A_186 = arith.constant 0 : index
      %get3A_187 = vector.load %arg11[%get3A_185, %get3A_186] : memref<4096x128xf32, #tpu.memory_space<vmem>>, vector<256x128xf32>
      %get3A_188 = arith.constant 1920 : index
      %get3A_189 = arith.constant 0 : index
      %get3A_190 = vector.load %arg7[%get3A_188, %get3A_189] : memref<2048x256xf32, #tpu.memory_space<vmem>>, vector<128x256xf32>
      %dot_general3A_191 = arith.constant dense<0.000000e+00> : vector<256x256xf32>
      %dot_general3A_192 = tpu.matmul %get3A_187, %get3A_190, %dot_general3A_191 {dimension_numbers = #tpu.dot_dimension_numbers<[1], [0], [0], [1], [0, 0, 1, 1], [], []>, transpose_lhs_hint = false} : vector<256x128xf32>, vector<128x256xf32>, vector<256x256xf32> -> vector<256x256xf32>
      %add3A_193 = arith.addf %add3A_184, %dot_general3A_192 : vector<256x256xf32>
      %swap3A_194 = arith.constant 0 : index
      %swap3A_195 = arith.index_cast %multiple_of3A : i32 to index
      %swap3A_196 = arith.constant 0 : index
      %swap3A_197 = vector.load %arg9[%swap3A_194, %swap3A_195, %swap3A_196] : memref<2x2048x256xf32, #tpu.memory_space<vmem>>, vector<1x256x256xf32>
      %swap3A_198 = vector.shape_cast %swap3A_197 : vector<1x256x256xf32> to vector<256x256xf32>
      %swap3A_199 = vector.shape_cast %add3A_193 : vector<256x256xf32> to vector<1x256x256xf32>
      tpu.vector_store %arg9[%swap3A_194, %swap3A_195, %swap3A_196], %swap3A_199 {strides = array<i32>} : memref<2x2048x256xf32, #tpu.memory_space<vmem>>, vector<1x256x256xf32>,
      %get3A_200 = arith.constant 0 : index
      %get3A_201 = arith.constant 0 : index
      %get3A_202 = vector.load %arg3[%get3A_200, %get3A_201] : memref<4096x128xf32, #tpu.memory_space<vmem>>, vector<4096x128xf32>
      %get3A_203 = arith.constant 0 : index
      %get3A_204 = arith.constant 1 : index
      %get3A_205 = arith.constant 0 : index
      %get3A_206 = memref.load %arg2[%get3A_203, %get3A_204, %get3A_205] : memref<3x2x4xf32, #tpu.memory_space<smem>>
      %mul3A_207 = vector.broadcast %get3A_206 : f32 to vector<4096x128xf32>
      %mul3A_208 = arith.mulf %get3A_202, %mul3A_207 : vector<4096x128xf32>
      %get3A_209 = arith.constant 0 : index
      %get3A_210 = arith.constant 0 : index
      %get3A_211 = vector.load %arg4[%get3A_209, %get3A_210] : memref<4096x128xf32, #tpu.memory_space<vmem>>, vector<4096x128xf32>
      %get3A_212 = arith.constant 0 : index
      %get3A_213 = arith.constant 1 : index
      %get3A_214 = arith.constant 1 : index
      %get3A_215 = memref.load %arg2[%get3A_212, %get3A_213, %get3A_214] : memref<3x2x4xf32, #tpu.memory_space<smem>>
      %mul3A_216 = vector.broadcast %get3A_215 : f32 to vector<4096x128xf32>
      %mul3A_217 = arith.mulf %get3A_211, %mul3A_216 : vector<4096x128xf32>
      %add3A_218 = arith.addf %mul3A_208, %mul3A_217 : vector<4096x128xf32>
      %get3A_219 = arith.constant 0 : index
      %get3A_220 = arith.constant 0 : index
      %get3A_221 = vector.load %arg5[%get3A_219, %get3A_220] : memref<4096x128xf32, #tpu.memory_space<vmem>>, vector<4096x128xf32>
      %get3A_222 = arith.constant 0 : index
      %get3A_223 = arith.constant 1 : index
      %get3A_224 = arith.constant 2 : index
      %get3A_225 = memref.load %arg2[%get3A_222, %get3A_223, %get3A_224] : memref<3x2x4xf32, #tpu.memory_space<smem>>
      %mul3A_226 = vector.broadcast %get3A_225 : f32 to vector<4096x128xf32>
      %mul3A_227 = arith.mulf %get3A_221, %mul3A_226 : vector<4096x128xf32>
      %add3A_228 = arith.addf %add3A_218, %mul3A_227 : vector<4096x128xf32>
      %get3A_229 = arith.constant 0 : index
      %get3A_230 = arith.constant 0 : index
      %get3A_231 = vector.load %arg6[%get3A_229, %get3A_230] : memref<4096x128xf32, #tpu.memory_space<vmem>>, vector<4096x128xf32>
      %get3A_232 = arith.constant 0 : index
      %get3A_233 = arith.constant 1 : index
      %get3A_234 = arith.constant 3 : index
      %get3A_235 = memref.load %arg2[%get3A_232, %get3A_233, %get3A_234] : memref<3x2x4xf32, #tpu.memory_space<smem>>
      %mul3A_236 = vector.broadcast %get3A_235 : f32 to vector<4096x128xf32>
      %mul3A_237 = arith.mulf %get3A_231, %mul3A_236 : vector<4096x128xf32>
      %add3A_238 = arith.addf %add3A_228, %mul3A_237 : vector<4096x128xf32>
      %swap3A_239 = arith.constant 0 : index
      %swap3A_240 = arith.constant 0 : index
      %swap3A_241 = vector.load %arg11[%swap3A_239, %swap3A_240] : memref<4096x128xf32, #tpu.memory_space<vmem>>, vector<4096x128xf32>
      tpu.vector_store %arg11[%swap3A_239, %swap3A_240], %add3A_238 {strides = array<i32>} : memref<4096x128xf32, #tpu.memory_space<vmem>>, vector<4096x128xf32>,
      %get3A_242 = arith.constant 0 : index
      %get3A_243 = arith.constant 0 : index
      %get3A_244 = vector.load %arg11[%get3A_242, %get3A_243] : memref<4096x128xf32, #tpu.memory_space<vmem>>, vector<256x128xf32>
      %get3A_245 = arith.constant 0 : index
      %get3A_246 = arith.constant 0 : index
      %get3A_247 = vector.load %arg7[%get3A_245, %get3A_246] : memref<2048x256xf32, #tpu.memory_space<vmem>>, vector<128x256xf32>
      %dot_general3A_248 = arith.constant dense<0.000000e+00> : vector<256x256xf32>
      %dot_general3A_249 = tpu.matmul %get3A_244, %get3A_247, %dot_general3A_248 {dimension_numbers = #tpu.dot_dimension_numbers<[1], [0], [0], [1], [0, 0, 1, 1], [], []>, transpose_lhs_hint = false} : vector<256x128xf32>, vector<128x256xf32>, vector<256x256xf32> -> vector<256x256xf32>
      %get3A_250 = arith.constant 256 : index
      %get3A_251 = arith.constant 0 : index
      %get3A_252 = vector.load %arg11[%get3A_250, %get3A_251] : memref<4096x128xf32, #tpu.memory_space<vmem>>, vector<256x128xf32>
      %get3A_253 = arith.constant 128 : index
      %get3A_254 = arith.constant 0 : index
      %get3A_255 = vector.load %arg7[%get3A_253, %get3A_254] : memref<2048x256xf32, #tpu.memory_space<vmem>>, vector<128x256xf32>
      %dot_general3A_256 = arith.constant dense<0.000000e+00> : vector<256x256xf32>
      %dot_general3A_257 = tpu.matmul %get3A_252, %get3A_255, %dot_general3A_256 {dimension_numbers = #tpu.dot_dimension_numbers<[1], [0], [0], [1], [0, 0, 1, 1], [], []>, transpose_lhs_hint = false} : vector<256x128xf32>, vector<128x256xf32>, vector<256x256xf32> -> vector<256x256xf32>
      %add3A_258 = arith.addf %dot_general3A_249, %dot_general3A_257 : vector<256x256xf32>
      %get3A_259 = arith.constant 512 : index
      %get3A_260 = arith.constant 0 : index
      %get3A_261 = vector.load %arg11[%get3A_259, %get3A_260] : memref<4096x128xf32, #tpu.memory_space<vmem>>, vector<256x128xf32>
      %get3A_262 = arith.constant 256 : index
      %get3A_263 = arith.constant 0 : index
      %get3A_264 = vector.load %arg7[%get3A_262, %get3A_263] : memref<2048x256xf32, #tpu.memory_space<vmem>>, vector<128x256xf32>
      %dot_general3A_265 = arith.constant dense<0.000000e+00> : vector<256x256xf32>
      %dot_general3A_266 = tpu.matmul %get3A_261, %get3A_264, %dot_general3A_265 {dimension_numbers = #tpu.dot_dimension_numbers<[1], [0], [0], [1], [0, 0, 1, 1], [], []>, transpose_lhs_hint = false} : vector<256x128xf32>, vector<128x256xf32>, vector<256x256xf32> -> vector<256x256xf32>
      %add3A_267 = arith.addf %add3A_258, %dot_general3A_266 : vector<256x256xf32>
      %get3A_268 = arith.constant 768 : index
      %get3A_269 = arith.constant 0 : index
      %get3A_270 = vector.load %arg11[%get3A_268, %get3A_269] : memref<4096x128xf32, #tpu.memory_space<vmem>>, vector<256x128xf32>
      %get3A_271 = arith.constant 384 : index
      %get3A_272 = arith.constant 0 : index
      %get3A_273 = vector.load %arg7[%get3A_271, %get3A_272] : memref<2048x256xf32, #tpu.memory_space<vmem>>, vector<128x256xf32>
      %dot_general3A_274 = arith.constant dense<0.000000e+00> : vector<256x256xf32>
      %dot_general3A_275 = tpu.matmul %get3A_270, %get3A_273, %dot_general3A_274 {dimension_numbers = #tpu.dot_dimension_numbers<[1], [0], [0], [1], [0, 0, 1, 1], [], []>, transpose_lhs_hint = false} : vector<256x128xf32>, vector<128x256xf32>, vector<256x256xf32> -> vector<256x256xf32>
      %add3A_276 = arith.addf %add3A_267, %dot_general3A_275 : vector<256x256xf32>
      %get3A_277 = arith.constant 1024 : index
      %get3A_278 = arith.constant 0 : index
      %get3A_279 = vector.load %arg11[%get3A_277, %get3A_278] : memref<4096x128xf32, #tpu.memory_space<vmem>>, vector<256x128xf32>
      %get3A_280 = arith.constant 512 : index
      %get3A_281 = arith.constant 0 : index
      %get3A_282 = vector.load %arg7[%get3A_280, %get3A_281] : memref<2048x256xf32, #tpu.memory_space<vmem>>, vector<128x256xf32>
      %dot_general3A_283 = arith.constant dense<0.000000e+00> : vector<256x256xf32>
      %dot_general3A_284 = tpu.matmul %get3A_279, %get3A_282, %dot_general3A_283 {dimension_numbers = #tpu.dot_dimension_numbers<[1], [0], [0], [1], [0, 0, 1, 1], [], []>, transpose_lhs_hint = false} : vector<256x128xf32>, vector<128x256xf32>, vector<256x256xf32> -> vector<256x256xf32>
      %add3A_285 = arith.addf %add3A_276, %dot_general3A_284 : vector<256x256xf32>
      %get3A_286 = arith.constant 1280 : index
      %get3A_287 = arith.constant 0 : index
      %get3A_288 = vector.load %arg11[%get3A_286, %get3A_287] : memref<4096x128xf32, #tpu.memory_space<vmem>>, vector<256x128xf32>
      %get3A_289 = arith.constant 640 : index
      %get3A_290 = arith.constant 0 : index
      %get3A_291 = vector.load %arg7[%get3A_289, %get3A_290] : memref<2048x256xf32, #tpu.memory_space<vmem>>, vector<128x256xf32>
      %dot_general3A_292 = arith.constant dense<0.000000e+00> : vector<256x256xf32>
      %dot_general3A_293 = tpu.matmul %get3A_288, %get3A_291, %dot_general3A_292 {dimension_numbers = #tpu.dot_dimension_numbers<[1], [0], [0], [1], [0, 0, 1, 1], [], []>, transpose_lhs_hint = false} : vector<256x128xf32>, vector<128x256xf32>, vector<256x256xf32> -> vector<256x256xf32>
      %add3A_294 = arith.addf %add3A_285, %dot_general3A_293 : vector<256x256xf32>
      %get3A_295 = arith.constant 1536 : index
      %get3A_296 = arith.constant 0 : index
      %get3A_297 = vector.load %arg11[%get3A_295, %get3A_296] : memref<4096x128xf32, #tpu.memory_space<vmem>>, vector<256x128xf32>
      %get3A_298 = arith.constant 768 : index
      %get3A_299 = arith.constant 0 : index
      %get3A_300 = vector.load %arg7[%get3A_298, %get3A_299] : memref<2048x256xf32, #tpu.memory_space<vmem>>, vector<128x256xf32>
      %dot_general3A_301 = arith.constant dense<0.000000e+00> : vector<256x256xf32>
      %dot_general3A_302 = tpu.matmul %get3A_297, %get3A_300, %dot_general3A_301 {dimension_numbers = #tpu.dot_dimension_numbers<[1], [0], [0], [1], [0, 0, 1, 1], [], []>, transpose_lhs_hint = false} : vector<256x128xf32>, vector<128x256xf32>, vector<256x256xf32> -> vector<256x256xf32>
      %add3A_303 = arith.addf %add3A_294, %dot_general3A_302 : vector<256x256xf32>
      %get3A_304 = arith.constant 1792 : index
      %get3A_305 = arith.constant 0 : index
      %get3A_306 = vector.load %arg11[%get3A_304, %get3A_305] : memref<4096x128xf32, #tpu.memory_space<vmem>>, vector<256x128xf32>
      %get3A_307 = arith.constant 896 : index
      %get3A_308 = arith.constant 0 : index
      %get3A_309 = vector.load %arg7[%get3A_307, %get3A_308] : memref<2048x256xf32, #tpu.memory_space<vmem>>, vector<128x256xf32>
      %dot_general3A_310 = arith.constant dense<0.000000e+00> : vector<256x256xf32>
      %dot_general3A_311 = tpu.matmul %get3A_306, %get3A_309, %dot_general3A_310 {dimension_numbers = #tpu.dot_dimension_numbers<[1], [0], [0], [1], [0, 0, 1, 1], [], []>, transpose_lhs_hint = false} : vector<256x128xf32>, vector<128x256xf32>, vector<256x256xf32> -> vector<256x256xf32>
      %add3A_312 = arith.addf %add3A_303, %dot_general3A_311 : vector<256x256xf32>
      %get3A_313 = arith.constant 2048 : index
      %get3A_314 = arith.constant 0 : index
      %get3A_315 = vector.load %arg11[%get3A_313, %get3A_314] : memref<4096x128xf32, #tpu.memory_space<vmem>>, vector<256x128xf32>
      %get3A_316 = arith.constant 1024 : index
      %get3A_317 = arith.constant 0 : index
      %get3A_318 = vector.load %arg7[%get3A_316, %get3A_317] : memref<2048x256xf32, #tpu.memory_space<vmem>>, vector<128x256xf32>
      %dot_general3A_319 = arith.constant dense<0.000000e+00> : vector<256x256xf32>
      %dot_general3A_320 = tpu.matmul %get3A_315, %get3A_318, %dot_general3A_319 {dimension_numbers = #tpu.dot_dimension_numbers<[1], [0], [0], [1], [0, 0, 1, 1], [], []>, transpose_lhs_hint = false} : vector<256x128xf32>, vector<128x256xf32>, vector<256x256xf32> -> vector<256x256xf32>
      %add3A_321 = arith.addf %add3A_312, %dot_general3A_320 : vector<256x256xf32>
      %get3A_322 = arith.constant 2304 : index
      %get3A_323 = arith.constant 0 : index
      %get3A_324 = vector.load %arg11[%get3A_322, %get3A_323] : memref<4096x128xf32, #tpu.memory_space<vmem>>, vector<256x128xf32>
      %get3A_325 = arith.constant 1152 : index
      %get3A_326 = arith.constant 0 : index
      %get3A_327 = vector.load %arg7[%get3A_325, %get3A_326] : memref<2048x256xf32, #tpu.memory_space<vmem>>, vector<128x256xf32>
      %dot_general3A_328 = arith.constant dense<0.000000e+00> : vector<256x256xf32>
      %dot_general3A_329 = tpu.matmul %get3A_324, %get3A_327, %dot_general3A_328 {dimension_numbers = #tpu.dot_dimension_numbers<[1], [0], [0], [1], [0, 0, 1, 1], [], []>, transpose_lhs_hint = false} : vector<256x128xf32>, vector<128x256xf32>, vector<256x256xf32> -> vector<256x256xf32>
      %add3A_330 = arith.addf %add3A_321, %dot_general3A_329 : vector<256x256xf32>
      %get3A_331 = arith.constant 2560 : index
      %get3A_332 = arith.constant 0 : index
      %get3A_333 = vector.load %arg11[%get3A_331, %get3A_332] : memref<4096x128xf32, #tpu.memory_space<vmem>>, vector<256x128xf32>
      %get3A_334 = arith.constant 1280 : index
      %get3A_335 = arith.constant 0 : index
      %get3A_336 = vector.load %arg7[%get3A_334, %get3A_335] : memref<2048x256xf32, #tpu.memory_space<vmem>>, vector<128x256xf32>
      %dot_general3A_337 = arith.constant dense<0.000000e+00> : vector<256x256xf32>
      %dot_general3A_338 = tpu.matmul %get3A_333, %get3A_336, %dot_general3A_337 {dimension_numbers = #tpu.dot_dimension_numbers<[1], [0], [0], [1], [0, 0, 1, 1], [], []>, transpose_lhs_hint = false} : vector<256x128xf32>, vector<128x256xf32>, vector<256x256xf32> -> vector<256x256xf32>
      %add3A_339 = arith.addf %add3A_330, %dot_general3A_338 : vector<256x256xf32>
      %get3A_340 = arith.constant 2816 : index
      %get3A_341 = arith.constant 0 : index
      %get3A_342 = vector.load %arg11[%get3A_340, %get3A_341] : memref<4096x128xf32, #tpu.memory_space<vmem>>, vector<256x128xf32>
      %get3A_343 = arith.constant 1408 : index
      %get3A_344 = arith.constant 0 : index
      %get3A_345 = vector.load %arg7[%get3A_343, %get3A_344] : memref<2048x256xf32, #tpu.memory_space<vmem>>, vector<128x256xf32>
      %dot_general3A_346 = arith.constant dense<0.000000e+00> : vector<256x256xf32>
      %dot_general3A_347 = tpu.matmul %get3A_342, %get3A_345, %dot_general3A_346 {dimension_numbers = #tpu.dot_dimension_numbers<[1], [0], [0], [1], [0, 0, 1, 1], [], []>, transpose_lhs_hint = false} : vector<256x128xf32>, vector<128x256xf32>, vector<256x256xf32> -> vector<256x256xf32>
      %add3A_348 = arith.addf %add3A_339, %dot_general3A_347 : vector<256x256xf32>
      %get3A_349 = arith.constant 3072 : index
      %get3A_350 = arith.constant 0 : index
      %get3A_351 = vector.load %arg11[%get3A_349, %get3A_350] : memref<4096x128xf32, #tpu.memory_space<vmem>>, vector<256x128xf32>
      %get3A_352 = arith.constant 1536 : index
      %get3A_353 = arith.constant 0 : index
      %get3A_354 = vector.load %arg7[%get3A_352, %get3A_353] : memref<2048x256xf32, #tpu.memory_space<vmem>>, vector<128x256xf32>
      %dot_general3A_355 = arith.constant dense<0.000000e+00> : vector<256x256xf32>
      %dot_general3A_356 = tpu.matmul %get3A_351, %get3A_354, %dot_general3A_355 {dimension_numbers = #tpu.dot_dimension_numbers<[1], [0], [0], [1], [0, 0, 1, 1], [], []>, transpose_lhs_hint = false} : vector<256x128xf32>, vector<128x256xf32>, vector<256x256xf32> -> vector<256x256xf32>
      %add3A_357 = arith.addf %add3A_348, %dot_general3A_356 : vector<256x256xf32>
      %get3A_358 = arith.constant 3328 : index
      %get3A_359 = arith.constant 0 : index
      %get3A_360 = vector.load %arg11[%get3A_358, %get3A_359] : memref<4096x128xf32, #tpu.memory_space<vmem>>, vector<256x128xf32>
      %get3A_361 = arith.constant 1664 : index
      %get3A_362 = arith.constant 0 : index
      %get3A_363 = vector.load %arg7[%get3A_361, %get3A_362] : memref<2048x256xf32, #tpu.memory_space<vmem>>, vector<128x256xf32>
      %dot_general3A_364 = arith.constant dense<0.000000e+00> : vector<256x256xf32>
      %dot_general3A_365 = tpu.matmul %get3A_360, %get3A_363, %dot_general3A_364 {dimension_numbers = #tpu.dot_dimension_numbers<[1], [0], [0], [1], [0, 0, 1, 1], [], []>, transpose_lhs_hint = false} : vector<256x128xf32>, vector<128x256xf32>, vector<256x256xf32> -> vector<256x256xf32>
      %add3A_366 = arith.addf %add3A_357, %dot_general3A_365 : vector<256x256xf32>
      %get3A_367 = arith.constant 3584 : index
      %get3A_368 = arith.constant 0 : index
      %get3A_369 = vector.load %arg11[%get3A_367, %get3A_368] : memref<4096x128xf32, #tpu.memory_space<vmem>>, vector<256x128xf32>
      %get3A_370 = arith.constant 1792 : index
      %get3A_371 = arith.constant 0 : index
      %get3A_372 = vector.load %arg7[%get3A_370, %get3A_371] : memref<2048x256xf32, #tpu.memory_space<vmem>>, vector<128x256xf32>
      %dot_general3A_373 = arith.constant dense<0.000000e+00> : vector<256x256xf32>
      %dot_general3A_374 = tpu.matmul %get3A_369, %get3A_372, %dot_general3A_373 {dimension_numbers = #tpu.dot_dimension_numbers<[1], [0], [0], [1], [0, 0, 1, 1], [], []>, transpose_lhs_hint = false} : vector<256x128xf32>, vector<128x256xf32>, vector<256x256xf32> -> vector<256x256xf32>
      %add3A_375 = arith.addf %add3A_366, %dot_general3A_374 : vector<256x256xf32>
      %get3A_376 = arith.constant 3840 : index
      %get3A_377 = arith.constant 0 : index
      %get3A_378 = vector.load %arg11[%get3A_376, %get3A_377] : memref<4096x128xf32, #tpu.memory_space<vmem>>, vector<256x128xf32>
      %get3A_379 = arith.constant 1920 : index
      %get3A_380 = arith.constant 0 : index
      %get3A_381 = vector.load %arg7[%get3A_379, %get3A_380] : memref<2048x256xf32, #tpu.memory_space<vmem>>, vector<128x256xf32>
      %dot_general3A_382 = arith.constant dense<0.000000e+00> : vector<256x256xf32>
      %dot_general3A_383 = tpu.matmul %get3A_378, %get3A_381, %dot_general3A_382 {dimension_numbers = #tpu.dot_dimension_numbers<[1], [0], [0], [1], [0, 0, 1, 1], [], []>, transpose_lhs_hint = false} : vector<256x128xf32>, vector<128x256xf32>, vector<256x256xf32> -> vector<256x256xf32>
      %add3A_384 = arith.addf %add3A_375, %dot_general3A_383 : vector<256x256xf32>
      %swap3A_385 = arith.constant 1 : index
      %swap3A_386 = arith.index_cast %multiple_of3A : i32 to index
      %swap3A_387 = arith.constant 0 : index
      %swap3A_388 = vector.load %arg9[%swap3A_385, %swap3A_386, %swap3A_387] : memref<2x2048x256xf32, #tpu.memory_space<vmem>>, vector<1x256x256xf32>
      %swap3A_389 = vector.shape_cast %swap3A_388 : vector<1x256x256xf32> to vector<256x256xf32>
      %swap3A_390 = vector.shape_cast %add3A_384 : vector<256x256xf32> to vector<1x256x256xf32>
      tpu.vector_store %arg9[%swap3A_385, %swap3A_386, %swap3A_387], %swap3A_390 {strides = array<i32>} : memref<2x2048x256xf32, #tpu.memory_space<vmem>>, vector<1x256x256xf32>,
    } else {
    }
    %eq3A_3 = arith.constant 1 : i32
    %eq3A_4 = arith.cmpi eq, %arg0, %eq3A_3 : i32
    %convert_element_type3A_5 = arith.extui %eq3A_4 : i1 to i32
    %cond3A_6 = arith.constant 0 : i32
    %cond3A_7 = arith.cmpi ne, %convert_element_type3A_5, %cond3A_6 : i32
    scf.if %cond3A_7 {
      %get3A = arith.constant 0 : index
      %get3A_13 = arith.constant 0 : index
      %get3A_14 = vector.load %arg3[%get3A, %get3A_13] : memref<4096x128xf32, #tpu.memory_space<vmem>>, vector<4096x128xf32>
      %get3A_15 = arith.constant 1 : index
      %get3A_16 = arith.constant 0 : index
      %get3A_17 = arith.constant 0 : index
      %get3A_18 = memref.load %arg2[%get3A_15, %get3A_16, %get3A_17] : memref<3x2x4xf32, #tpu.memory_space<smem>>
      %mul3A_19 = vector.broadcast %get3A_18 : f32 to vector<4096x128xf32>
      %mul3A_20 = arith.mulf %get3A_14, %mul3A_19 : vector<4096x128xf32>
      %get3A_21 = arith.constant 0 : index
      %get3A_22 = arith.constant 0 : index
      %get3A_23 = vector.load %arg4[%get3A_21, %get3A_22] : memref<4096x128xf32, #tpu.memory_space<vmem>>, vector<4096x128xf32>
      %get3A_24 = arith.constant 1 : index
      %get3A_25 = arith.constant 0 : index
      %get3A_26 = arith.constant 1 : index
      %get3A_27 = memref.load %arg2[%get3A_24, %get3A_25, %get3A_26] : memref<3x2x4xf32, #tpu.memory_space<smem>>
      %mul3A_28 = vector.broadcast %get3A_27 : f32 to vector<4096x128xf32>
      %mul3A_29 = arith.mulf %get3A_23, %mul3A_28 : vector<4096x128xf32>
      %add3A = arith.addf %mul3A_20, %mul3A_29 : vector<4096x128xf32>
      %get3A_30 = arith.constant 0 : index
      %get3A_31 = arith.constant 0 : index
      %get3A_32 = vector.load %arg5[%get3A_30, %get3A_31] : memref<4096x128xf32, #tpu.memory_space<vmem>>, vector<4096x128xf32>
      %get3A_33 = arith.constant 1 : index
      %get3A_34 = arith.constant 0 : index
      %get3A_35 = arith.constant 2 : index
      %get3A_36 = memref.load %arg2[%get3A_33, %get3A_34, %get3A_35] : memref<3x2x4xf32, #tpu.memory_space<smem>>
      %mul3A_37 = vector.broadcast %get3A_36 : f32 to vector<4096x128xf32>
      %mul3A_38 = arith.mulf %get3A_32, %mul3A_37 : vector<4096x128xf32>
      %add3A_39 = arith.addf %add3A, %mul3A_38 : vector<4096x128xf32>
      %get3A_40 = arith.constant 0 : index
      %get3A_41 = arith.constant 0 : index
      %get3A_42 = vector.load %arg6[%get3A_40, %get3A_41] : memref<4096x128xf32, #tpu.memory_space<vmem>>, vector<4096x128xf32>
      %get3A_43 = arith.constant 1 : index
      %get3A_44 = arith.constant 0 : index
      %get3A_45 = arith.constant 3 : index
      %get3A_46 = memref.load %arg2[%get3A_43, %get3A_44, %get3A_45] : memref<3x2x4xf32, #tpu.memory_space<smem>>
      %mul3A_47 = vector.broadcast %get3A_46 : f32 to vector<4096x128xf32>
      %mul3A_48 = arith.mulf %get3A_42, %mul3A_47 : vector<4096x128xf32>
      %add3A_49 = arith.addf %add3A_39, %mul3A_48 : vector<4096x128xf32>
      %swap3A = arith.constant 0 : index
      %swap3A_50 = arith.constant 0 : index
      %swap3A_51 = vector.load %arg11[%swap3A, %swap3A_50] : memref<4096x128xf32, #tpu.memory_space<vmem>>, vector<4096x128xf32>
      tpu.vector_store %arg11[%swap3A, %swap3A_50], %add3A_49 {strides = array<i32>} : memref<4096x128xf32, #tpu.memory_space<vmem>>, vector<4096x128xf32>,
      %get3A_52 = arith.constant 0 : index
      %get3A_53 = arith.constant 0 : index
      %get3A_54 = vector.load %arg11[%get3A_52, %get3A_53] : memref<4096x128xf32, #tpu.memory_space<vmem>>, vector<256x128xf32>
      %get3A_55 = arith.constant 0 : index
      %get3A_56 = arith.constant 0 : index
      %get3A_57 = arith.constant 0 : index
      %get3A_58 = vector.load %arg9[%get3A_55, %get3A_56, %get3A_57] : memref<2x2048x256xf32, #tpu.memory_space<vmem>>, vector<1x128x256xf32>
      %get3A_59 = vector.shape_cast %get3A_58 : vector<1x128x256xf32> to vector<128x256xf32>
      %dot_general3A = arith.constant dense<0.000000e+00> : vector<256x256xf32>
      %dot_general3A_60 = tpu.matmul %get3A_54, %get3A_59, %dot_general3A {dimension_numbers = #tpu.dot_dimension_numbers<[1], [0], [0], [1], [0, 0, 1, 1], [], []>, transpose_lhs_hint = false} : vector<256x128xf32>, vector<128x256xf32>, vector<256x256xf32> -> vector<256x256xf32>
      %get3A_61 = arith.constant 256 : index
      %get3A_62 = arith.constant 0 : index
      %get3A_63 = vector.load %arg11[%get3A_61, %get3A_62] : memref<4096x128xf32, #tpu.memory_space<vmem>>, vector<256x128xf32>
      %get3A_64 = arith.constant 0 : index
      %get3A_65 = arith.constant 128 : index
      %get3A_66 = arith.constant 0 : index
      %get3A_67 = vector.load %arg9[%get3A_64, %get3A_65, %get3A_66] : memref<2x2048x256xf32, #tpu.memory_space<vmem>>, vector<1x128x256xf32>
      %get3A_68 = vector.shape_cast %get3A_67 : vector<1x128x256xf32> to vector<128x256xf32>
      %dot_general3A_69 = arith.constant dense<0.000000e+00> : vector<256x256xf32>
      %dot_general3A_70 = tpu.matmul %get3A_63, %get3A_68, %dot_general3A_69 {dimension_numbers = #tpu.dot_dimension_numbers<[1], [0], [0], [1], [0, 0, 1, 1], [], []>, transpose_lhs_hint = false} : vector<256x128xf32>, vector<128x256xf32>, vector<256x256xf32> -> vector<256x256xf32>
      %add3A_71 = arith.addf %dot_general3A_60, %dot_general3A_70 : vector<256x256xf32>
      %get3A_72 = arith.constant 512 : index
      %get3A_73 = arith.constant 0 : index
      %get3A_74 = vector.load %arg11[%get3A_72, %get3A_73] : memref<4096x128xf32, #tpu.memory_space<vmem>>, vector<256x128xf32>
      %get3A_75 = arith.constant 0 : index
      %get3A_76 = arith.constant 256 : index
      %get3A_77 = arith.constant 0 : index
      %get3A_78 = vector.load %arg9[%get3A_75, %get3A_76, %get3A_77] : memref<2x2048x256xf32, #tpu.memory_space<vmem>>, vector<1x128x256xf32>
      %get3A_79 = vector.shape_cast %get3A_78 : vector<1x128x256xf32> to vector<128x256xf32>
      %dot_general3A_80 = arith.constant dense<0.000000e+00> : vector<256x256xf32>
      %dot_general3A_81 = tpu.matmul %get3A_74, %get3A_79, %dot_general3A_80 {dimension_numbers = #tpu.dot_dimension_numbers<[1], [0], [0], [1], [0, 0, 1, 1], [], []>, transpose_lhs_hint = false} : vector<256x128xf32>, vector<128x256xf32>, vector<256x256xf32> -> vector<256x256xf32>
      %add3A_82 = arith.addf %add3A_71, %dot_general3A_81 : vector<256x256xf32>
      %get3A_83 = arith.constant 768 : index
      %get3A_84 = arith.constant 0 : index
      %get3A_85 = vector.load %arg11[%get3A_83, %get3A_84] : memref<4096x128xf32, #tpu.memory_space<vmem>>, vector<256x128xf32>
      %get3A_86 = arith.constant 0 : index
      %get3A_87 = arith.constant 384 : index
      %get3A_88 = arith.constant 0 : index
      %get3A_89 = vector.load %arg9[%get3A_86, %get3A_87, %get3A_88] : memref<2x2048x256xf32, #tpu.memory_space<vmem>>, vector<1x128x256xf32>
      %get3A_90 = vector.shape_cast %get3A_89 : vector<1x128x256xf32> to vector<128x256xf32>
      %dot_general3A_91 = arith.constant dense<0.000000e+00> : vector<256x256xf32>
      %dot_general3A_92 = tpu.matmul %get3A_85, %get3A_90, %dot_general3A_91 {dimension_numbers = #tpu.dot_dimension_numbers<[1], [0], [0], [1], [0, 0, 1, 1], [], []>, transpose_lhs_hint = false} : vector<256x128xf32>, vector<128x256xf32>, vector<256x256xf32> -> vector<256x256xf32>
      %add3A_93 = arith.addf %add3A_82, %dot_general3A_92 : vector<256x256xf32>
      %get3A_94 = arith.constant 1024 : index
      %get3A_95 = arith.constant 0 : index
      %get3A_96 = vector.load %arg11[%get3A_94, %get3A_95] : memref<4096x128xf32, #tpu.memory_space<vmem>>, vector<256x128xf32>
      %get3A_97 = arith.constant 0 : index
      %get3A_98 = arith.constant 512 : index
      %get3A_99 = arith.constant 0 : index
      %get3A_100 = vector.load %arg9[%get3A_97, %get3A_98, %get3A_99] : memref<2x2048x256xf32, #tpu.memory_space<vmem>>, vector<1x128x256xf32>
      %get3A_101 = vector.shape_cast %get3A_100 : vector<1x128x256xf32> to vector<128x256xf32>
      %dot_general3A_102 = arith.constant dense<0.000000e+00> : vector<256x256xf32>
      %dot_general3A_103 = tpu.matmul %get3A_96, %get3A_101, %dot_general3A_102 {dimension_numbers = #tpu.dot_dimension_numbers<[1], [0], [0], [1], [0, 0, 1, 1], [], []>, transpose_lhs_hint = false} : vector<256x128xf32>, vector<128x256xf32>, vector<256x256xf32> -> vector<256x256xf32>
      %add3A_104 = arith.addf %add3A_93, %dot_general3A_103 : vector<256x256xf32>
      %get3A_105 = arith.constant 1280 : index
      %get3A_106 = arith.constant 0 : index
      %get3A_107 = vector.load %arg11[%get3A_105, %get3A_106] : memref<4096x128xf32, #tpu.memory_space<vmem>>, vector<256x128xf32>
      %get3A_108 = arith.constant 0 : index
      %get3A_109 = arith.constant 640 : index
      %get3A_110 = arith.constant 0 : index
      %get3A_111 = vector.load %arg9[%get3A_108, %get3A_109, %get3A_110] : memref<2x2048x256xf32, #tpu.memory_space<vmem>>, vector<1x128x256xf32>
      %get3A_112 = vector.shape_cast %get3A_111 : vector<1x128x256xf32> to vector<128x256xf32>
      %dot_general3A_113 = arith.constant dense<0.000000e+00> : vector<256x256xf32>
      %dot_general3A_114 = tpu.matmul %get3A_107, %get3A_112, %dot_general3A_113 {dimension_numbers = #tpu.dot_dimension_numbers<[1], [0], [0], [1], [0, 0, 1, 1], [], []>, transpose_lhs_hint = false} : vector<256x128xf32>, vector<128x256xf32>, vector<256x256xf32> -> vector<256x256xf32>
      %add3A_115 = arith.addf %add3A_104, %dot_general3A_114 : vector<256x256xf32>
      %get3A_116 = arith.constant 1536 : index
      %get3A_117 = arith.constant 0 : index
      %get3A_118 = vector.load %arg11[%get3A_116, %get3A_117] : memref<4096x128xf32, #tpu.memory_space<vmem>>, vector<256x128xf32>
      %get3A_119 = arith.constant 0 : index
      %get3A_120 = arith.constant 768 : index
      %get3A_121 = arith.constant 0 : index
      %get3A_122 = vector.load %arg9[%get3A_119, %get3A_120, %get3A_121] : memref<2x2048x256xf32, #tpu.memory_space<vmem>>, vector<1x128x256xf32>
      %get3A_123 = vector.shape_cast %get3A_122 : vector<1x128x256xf32> to vector<128x256xf32>
      %dot_general3A_124 = arith.constant dense<0.000000e+00> : vector<256x256xf32>
      %dot_general3A_125 = tpu.matmul %get3A_118, %get3A_123, %dot_general3A_124 {dimension_numbers = #tpu.dot_dimension_numbers<[1], [0], [0], [1], [0, 0, 1, 1], [], []>, transpose_lhs_hint = false} : vector<256x128xf32>, vector<128x256xf32>, vector<256x256xf32> -> vector<256x256xf32>
      %add3A_126 = arith.addf %add3A_115, %dot_general3A_125 : vector<256x256xf32>
      %get3A_127 = arith.constant 1792 : index
      %get3A_128 = arith.constant 0 : index
      %get3A_129 = vector.load %arg11[%get3A_127, %get3A_128] : memref<4096x128xf32, #tpu.memory_space<vmem>>, vector<256x128xf32>
      %get3A_130 = arith.constant 0 : index
      %get3A_131 = arith.constant 896 : index
      %get3A_132 = arith.constant 0 : index
      %get3A_133 = vector.load %arg9[%get3A_130, %get3A_131, %get3A_132] : memref<2x2048x256xf32, #tpu.memory_space<vmem>>, vector<1x128x256xf32>
      %get3A_134 = vector.shape_cast %get3A_133 : vector<1x128x256xf32> to vector<128x256xf32>
      %dot_general3A_135 = arith.constant dense<0.000000e+00> : vector<256x256xf32>
      %dot_general3A_136 = tpu.matmul %get3A_129, %get3A_134, %dot_general3A_135 {dimension_numbers = #tpu.dot_dimension_numbers<[1], [0], [0], [1], [0, 0, 1, 1], [], []>, transpose_lhs_hint = false} : vector<256x128xf32>, vector<128x256xf32>, vector<256x256xf32> -> vector<256x256xf32>
      %add3A_137 = arith.addf %add3A_126, %dot_general3A_136 : vector<256x256xf32>
      %get3A_138 = arith.constant 2048 : index
      %get3A_139 = arith.constant 0 : index
      %get3A_140 = vector.load %arg11[%get3A_138, %get3A_139] : memref<4096x128xf32, #tpu.memory_space<vmem>>, vector<256x128xf32>
      %get3A_141 = arith.constant 0 : index
      %get3A_142 = arith.constant 1024 : index
      %get3A_143 = arith.constant 0 : index
      %get3A_144 = vector.load %arg9[%get3A_141, %get3A_142, %get3A_143] : memref<2x2048x256xf32, #tpu.memory_space<vmem>>, vector<1x128x256xf32>
      %get3A_145 = vector.shape_cast %get3A_144 : vector<1x128x256xf32> to vector<128x256xf32>
      %dot_general3A_146 = arith.constant dense<0.000000e+00> : vector<256x256xf32>
      %dot_general3A_147 = tpu.matmul %get3A_140, %get3A_145, %dot_general3A_146 {dimension_numbers = #tpu.dot_dimension_numbers<[1], [0], [0], [1], [0, 0, 1, 1], [], []>, transpose_lhs_hint = false} : vector<256x128xf32>, vector<128x256xf32>, vector<256x256xf32> -> vector<256x256xf32>
      %add3A_148 = arith.addf %add3A_137, %dot_general3A_147 : vector<256x256xf32>
      %get3A_149 = arith.constant 2304 : index
      %get3A_150 = arith.constant 0 : index
      %get3A_151 = vector.load %arg11[%get3A_149, %get3A_150] : memref<4096x128xf32, #tpu.memory_space<vmem>>, vector<256x128xf32>
      %get3A_152 = arith.constant 0 : index
      %get3A_153 = arith.constant 1152 : index
      %get3A_154 = arith.constant 0 : index
      %get3A_155 = vector.load %arg9[%get3A_152, %get3A_153, %get3A_154] : memref<2x2048x256xf32, #tpu.memory_space<vmem>>, vector<1x128x256xf32>
      %get3A_156 = vector.shape_cast %get3A_155 : vector<1x128x256xf32> to vector<128x256xf32>
      %dot_general3A_157 = arith.constant dense<0.000000e+00> : vector<256x256xf32>
      %dot_general3A_158 = tpu.matmul %get3A_151, %get3A_156, %dot_general3A_157 {dimension_numbers = #tpu.dot_dimension_numbers<[1], [0], [0], [1], [0, 0, 1, 1], [], []>, transpose_lhs_hint = false} : vector<256x128xf32>, vector<128x256xf32>, vector<256x256xf32> -> vector<256x256xf32>
      %add3A_159 = arith.addf %add3A_148, %dot_general3A_158 : vector<256x256xf32>
      %get3A_160 = arith.constant 2560 : index
      %get3A_161 = arith.constant 0 : index
      %get3A_162 = vector.load %arg11[%get3A_160, %get3A_161] : memref<4096x128xf32, #tpu.memory_space<vmem>>, vector<256x128xf32>
      %get3A_163 = arith.constant 0 : index
      %get3A_164 = arith.constant 1280 : index
      %get3A_165 = arith.constant 0 : index
      %get3A_166 = vector.load %arg9[%get3A_163, %get3A_164, %get3A_165] : memref<2x2048x256xf32, #tpu.memory_space<vmem>>, vector<1x128x256xf32>
      %get3A_167 = vector.shape_cast %get3A_166 : vector<1x128x256xf32> to vector<128x256xf32>
      %dot_general3A_168 = arith.constant dense<0.000000e+00> : vector<256x256xf32>
      %dot_general3A_169 = tpu.matmul %get3A_162, %get3A_167, %dot_general3A_168 {dimension_numbers = #tpu.dot_dimension_numbers<[1], [0], [0], [1], [0, 0, 1, 1], [], []>, transpose_lhs_hint = false} : vector<256x128xf32>, vector<128x256xf32>, vector<256x256xf32> -> vector<256x256xf32>
      %add3A_170 = arith.addf %add3A_159, %dot_general3A_169 : vector<256x256xf32>
      %get3A_171 = arith.constant 2816 : index
      %get3A_172 = arith.constant 0 : index
      %get3A_173 = vector.load %arg11[%get3A_171, %get3A_172] : memref<4096x128xf32, #tpu.memory_space<vmem>>, vector<256x128xf32>
      %get3A_174 = arith.constant 0 : index
      %get3A_175 = arith.constant 1408 : index
      %get3A_176 = arith.constant 0 : index
      %get3A_177 = vector.load %arg9[%get3A_174, %get3A_175, %get3A_176] : memref<2x2048x256xf32, #tpu.memory_space<vmem>>, vector<1x128x256xf32>
      %get3A_178 = vector.shape_cast %get3A_177 : vector<1x128x256xf32> to vector<128x256xf32>
      %dot_general3A_179 = arith.constant dense<0.000000e+00> : vector<256x256xf32>
      %dot_general3A_180 = tpu.matmul %get3A_173, %get3A_178, %dot_general3A_179 {dimension_numbers = #tpu.dot_dimension_numbers<[1], [0], [0], [1], [0, 0, 1, 1], [], []>, transpose_lhs_hint = false} : vector<256x128xf32>, vector<128x256xf32>, vector<256x256xf32> -> vector<256x256xf32>
      %add3A_181 = arith.addf %add3A_170, %dot_general3A_180 : vector<256x256xf32>
      %get3A_182 = arith.constant 3072 : index
      %get3A_183 = arith.constant 0 : index
      %get3A_184 = vector.load %arg11[%get3A_182, %get3A_183] : memref<4096x128xf32, #tpu.memory_space<vmem>>, vector<256x128xf32>
      %get3A_185 = arith.constant 0 : index
      %get3A_186 = arith.constant 1536 : index
      %get3A_187 = arith.constant 0 : index
      %get3A_188 = vector.load %arg9[%get3A_185, %get3A_186, %get3A_187] : memref<2x2048x256xf32, #tpu.memory_space<vmem>>, vector<1x128x256xf32>
      %get3A_189 = vector.shape_cast %get3A_188 : vector<1x128x256xf32> to vector<128x256xf32>
      %dot_general3A_190 = arith.constant dense<0.000000e+00> : vector<256x256xf32>
      %dot_general3A_191 = tpu.matmul %get3A_184, %get3A_189, %dot_general3A_190 {dimension_numbers = #tpu.dot_dimension_numbers<[1], [0], [0], [1], [0, 0, 1, 1], [], []>, transpose_lhs_hint = false} : vector<256x128xf32>, vector<128x256xf32>, vector<256x256xf32> -> vector<256x256xf32>
      %add3A_192 = arith.addf %add3A_181, %dot_general3A_191 : vector<256x256xf32>
      %get3A_193 = arith.constant 3328 : index
      %get3A_194 = arith.constant 0 : index
      %get3A_195 = vector.load %arg11[%get3A_193, %get3A_194] : memref<4096x128xf32, #tpu.memory_space<vmem>>, vector<256x128xf32>
      %get3A_196 = arith.constant 0 : index
      %get3A_197 = arith.constant 1664 : index
      %get3A_198 = arith.constant 0 : index
      %get3A_199 = vector.load %arg9[%get3A_196, %get3A_197, %get3A_198] : memref<2x2048x256xf32, #tpu.memory_space<vmem>>, vector<1x128x256xf32>
      %get3A_200 = vector.shape_cast %get3A_199 : vector<1x128x256xf32> to vector<128x256xf32>
      %dot_general3A_201 = arith.constant dense<0.000000e+00> : vector<256x256xf32>
      %dot_general3A_202 = tpu.matmul %get3A_195, %get3A_200, %dot_general3A_201 {dimension_numbers = #tpu.dot_dimension_numbers<[1], [0], [0], [1], [0, 0, 1, 1], [], []>, transpose_lhs_hint = false} : vector<256x128xf32>, vector<128x256xf32>, vector<256x256xf32> -> vector<256x256xf32>
      %add3A_203 = arith.addf %add3A_192, %dot_general3A_202 : vector<256x256xf32>
      %get3A_204 = arith.constant 3584 : index
      %get3A_205 = arith.constant 0 : index
      %get3A_206 = vector.load %arg11[%get3A_204, %get3A_205] : memref<4096x128xf32, #tpu.memory_space<vmem>>, vector<256x128xf32>
      %get3A_207 = arith.constant 0 : index
      %get3A_208 = arith.constant 1792 : index
      %get3A_209 = arith.constant 0 : index
      %get3A_210 = vector.load %arg9[%get3A_207, %get3A_208, %get3A_209] : memref<2x2048x256xf32, #tpu.memory_space<vmem>>, vector<1x128x256xf32>
      %get3A_211 = vector.shape_cast %get3A_210 : vector<1x128x256xf32> to vector<128x256xf32>
      %dot_general3A_212 = arith.constant dense<0.000000e+00> : vector<256x256xf32>
      %dot_general3A_213 = tpu.matmul %get3A_206, %get3A_211, %dot_general3A_212 {dimension_numbers = #tpu.dot_dimension_numbers<[1], [0], [0], [1], [0, 0, 1, 1], [], []>, transpose_lhs_hint = false} : vector<256x128xf32>, vector<128x256xf32>, vector<256x256xf32> -> vector<256x256xf32>
      %add3A_214 = arith.addf %add3A_203, %dot_general3A_213 : vector<256x256xf32>
      %get3A_215 = arith.constant 3840 : index
      %get3A_216 = arith.constant 0 : index
      %get3A_217 = vector.load %arg11[%get3A_215, %get3A_216] : memref<4096x128xf32, #tpu.memory_space<vmem>>, vector<256x128xf32>
      %get3A_218 = arith.constant 0 : index
      %get3A_219 = arith.constant 1920 : index
      %get3A_220 = arith.constant 0 : index
      %get3A_221 = vector.load %arg9[%get3A_218, %get3A_219, %get3A_220] : memref<2x2048x256xf32, #tpu.memory_space<vmem>>, vector<1x128x256xf32>
      %get3A_222 = vector.shape_cast %get3A_221 : vector<1x128x256xf32> to vector<128x256xf32>
      %dot_general3A_223 = arith.constant dense<0.000000e+00> : vector<256x256xf32>
      %dot_general3A_224 = tpu.matmul %get3A_217, %get3A_222, %dot_general3A_223 {dimension_numbers = #tpu.dot_dimension_numbers<[1], [0], [0], [1], [0, 0, 1, 1], [], []>, transpose_lhs_hint = false} : vector<256x128xf32>, vector<128x256xf32>, vector<256x256xf32> -> vector<256x256xf32>
      %add3A_225 = arith.addf %add3A_214, %dot_general3A_224 : vector<256x256xf32>
      %swap3A_226 = arith.constant 0 : index
      %swap3A_227 = arith.index_cast %multiple_of3A : i32 to index
      %swap3A_228 = arith.constant 0 : index
      %swap3A_229 = vector.load %arg10[%swap3A_226, %swap3A_227, %swap3A_228] : memref<2x2048x256xf32, #tpu.memory_space<vmem>>, vector<1x256x256xf32>
      %swap3A_230 = vector.shape_cast %swap3A_229 : vector<1x256x256xf32> to vector<256x256xf32>
      %swap3A_231 = vector.shape_cast %add3A_225 : vector<256x256xf32> to vector<1x256x256xf32>
      tpu.vector_store %arg10[%swap3A_226, %swap3A_227, %swap3A_228], %swap3A_231 {strides = array<i32>} : memref<2x2048x256xf32, #tpu.memory_space<vmem>>, vector<1x256x256xf32>,
      %get3A_232 = arith.constant 0 : index
      %get3A_233 = arith.constant 0 : index
      %get3A_234 = vector.load %arg3[%get3A_232, %get3A_233] : memref<4096x128xf32, #tpu.memory_space<vmem>>, vector<4096x128xf32>
      %get3A_235 = arith.constant 1 : index
      %get3A_236 = arith.constant 1 : index
      %get3A_237 = arith.constant 0 : index
      %get3A_238 = memref.load %arg2[%get3A_235, %get3A_236, %get3A_237] : memref<3x2x4xf32, #tpu.memory_space<smem>>
      %mul3A_239 = vector.broadcast %get3A_238 : f32 to vector<4096x128xf32>
      %mul3A_240 = arith.mulf %get3A_234, %mul3A_239 : vector<4096x128xf32>
      %get3A_241 = arith.constant 0 : index
      %get3A_242 = arith.constant 0 : index
      %get3A_243 = vector.load %arg4[%get3A_241, %get3A_242] : memref<4096x128xf32, #tpu.memory_space<vmem>>, vector<4096x128xf32>
      %get3A_244 = arith.constant 1 : index
      %get3A_245 = arith.constant 1 : index
      %get3A_246 = arith.constant 1 : index
      %get3A_247 = memref.load %arg2[%get3A_244, %get3A_245, %get3A_246] : memref<3x2x4xf32, #tpu.memory_space<smem>>
      %mul3A_248 = vector.broadcast %get3A_247 : f32 to vector<4096x128xf32>
      %mul3A_249 = arith.mulf %get3A_243, %mul3A_248 : vector<4096x128xf32>
      %add3A_250 = arith.addf %mul3A_240, %mul3A_249 : vector<4096x128xf32>
      %get3A_251 = arith.constant 0 : index
      %get3A_252 = arith.constant 0 : index
      %get3A_253 = vector.load %arg5[%get3A_251, %get3A_252] : memref<4096x128xf32, #tpu.memory_space<vmem>>, vector<4096x128xf32>
      %get3A_254 = arith.constant 1 : index
      %get3A_255 = arith.constant 1 : index
      %get3A_256 = arith.constant 2 : index
      %get3A_257 = memref.load %arg2[%get3A_254, %get3A_255, %get3A_256] : memref<3x2x4xf32, #tpu.memory_space<smem>>
      %mul3A_258 = vector.broadcast %get3A_257 : f32 to vector<4096x128xf32>
      %mul3A_259 = arith.mulf %get3A_253, %mul3A_258 : vector<4096x128xf32>
      %add3A_260 = arith.addf %add3A_250, %mul3A_259 : vector<4096x128xf32>
      %get3A_261 = arith.constant 0 : index
      %get3A_262 = arith.constant 0 : index
      %get3A_263 = vector.load %arg6[%get3A_261, %get3A_262] : memref<4096x128xf32, #tpu.memory_space<vmem>>, vector<4096x128xf32>
      %get3A_264 = arith.constant 1 : index
      %get3A_265 = arith.constant 1 : index
      %get3A_266 = arith.constant 3 : index
      %get3A_267 = memref.load %arg2[%get3A_264, %get3A_265, %get3A_266] : memref<3x2x4xf32, #tpu.memory_space<smem>>
      %mul3A_268 = vector.broadcast %get3A_267 : f32 to vector<4096x128xf32>
      %mul3A_269 = arith.mulf %get3A_263, %mul3A_268 : vector<4096x128xf32>
      %add3A_270 = arith.addf %add3A_260, %mul3A_269 : vector<4096x128xf32>
      %swap3A_271 = arith.constant 0 : index
      %swap3A_272 = arith.constant 0 : index
      %swap3A_273 = vector.load %arg11[%swap3A_271, %swap3A_272] : memref<4096x128xf32, #tpu.memory_space<vmem>>, vector<4096x128xf32>
      tpu.vector_store %arg11[%swap3A_271, %swap3A_272], %add3A_270 {strides = array<i32>} : memref<4096x128xf32, #tpu.memory_space<vmem>>, vector<4096x128xf32>,
      %get3A_274 = arith.constant 0 : index
      %get3A_275 = arith.constant 0 : index
      %get3A_276 = vector.load %arg11[%get3A_274, %get3A_275] : memref<4096x128xf32, #tpu.memory_space<vmem>>, vector<256x128xf32>
      %get3A_277 = arith.constant 1 : index
      %get3A_278 = arith.constant 0 : index
      %get3A_279 = arith.constant 0 : index
      %get3A_280 = vector.load %arg9[%get3A_277, %get3A_278, %get3A_279] : memref<2x2048x256xf32, #tpu.memory_space<vmem>>, vector<1x128x256xf32>
      %get3A_281 = vector.shape_cast %get3A_280 : vector<1x128x256xf32> to vector<128x256xf32>
      %dot_general3A_282 = arith.constant dense<0.000000e+00> : vector<256x256xf32>
      %dot_general3A_283 = tpu.matmul %get3A_276, %get3A_281, %dot_general3A_282 {dimension_numbers = #tpu.dot_dimension_numbers<[1], [0], [0], [1], [0, 0, 1, 1], [], []>, transpose_lhs_hint = false} : vector<256x128xf32>, vector<128x256xf32>, vector<256x256xf32> -> vector<256x256xf32>
      %get3A_284 = arith.constant 256 : index
      %get3A_285 = arith.constant 0 : index
      %get3A_286 = vector.load %arg11[%get3A_284, %get3A_285] : memref<4096x128xf32, #tpu.memory_space<vmem>>, vector<256x128xf32>
      %get3A_287 = arith.constant 1 : index
      %get3A_288 = arith.constant 128 : index
      %get3A_289 = arith.constant 0 : index
      %get3A_290 = vector.load %arg9[%get3A_287, %get3A_288, %get3A_289] : memref<2x2048x256xf32, #tpu.memory_space<vmem>>, vector<1x128x256xf32>
      %get3A_291 = vector.shape_cast %get3A_290 : vector<1x128x256xf32> to vector<128x256xf32>
      %dot_general3A_292 = arith.constant dense<0.000000e+00> : vector<256x256xf32>
      %dot_general3A_293 = tpu.matmul %get3A_286, %get3A_291, %dot_general3A_292 {dimension_numbers = #tpu.dot_dimension_numbers<[1], [0], [0], [1], [0, 0, 1, 1], [], []>, transpose_lhs_hint = false} : vector<256x128xf32>, vector<128x256xf32>, vector<256x256xf32> -> vector<256x256xf32>
      %add3A_294 = arith.addf %dot_general3A_283, %dot_general3A_293 : vector<256x256xf32>
      %get3A_295 = arith.constant 512 : index
      %get3A_296 = arith.constant 0 : index
      %get3A_297 = vector.load %arg11[%get3A_295, %get3A_296] : memref<4096x128xf32, #tpu.memory_space<vmem>>, vector<256x128xf32>
      %get3A_298 = arith.constant 1 : index
      %get3A_299 = arith.constant 256 : index
      %get3A_300 = arith.constant 0 : index
      %get3A_301 = vector.load %arg9[%get3A_298, %get3A_299, %get3A_300] : memref<2x2048x256xf32, #tpu.memory_space<vmem>>, vector<1x128x256xf32>
      %get3A_302 = vector.shape_cast %get3A_301 : vector<1x128x256xf32> to vector<128x256xf32>
      %dot_general3A_303 = arith.constant dense<0.000000e+00> : vector<256x256xf32>
      %dot_general3A_304 = tpu.matmul %get3A_297, %get3A_302, %dot_general3A_303 {dimension_numbers = #tpu.dot_dimension_numbers<[1], [0], [0], [1], [0, 0, 1, 1], [], []>, transpose_lhs_hint = false} : vector<256x128xf32>, vector<128x256xf32>, vector<256x256xf32> -> vector<256x256xf32>
      %add3A_305 = arith.addf %add3A_294, %dot_general3A_304 : vector<256x256xf32>
      %get3A_306 = arith.constant 768 : index
      %get3A_307 = arith.constant 0 : index
      %get3A_308 = vector.load %arg11[%get3A_306, %get3A_307] : memref<4096x128xf32, #tpu.memory_space<vmem>>, vector<256x128xf32>
      %get3A_309 = arith.constant 1 : index
      %get3A_310 = arith.constant 384 : index
      %get3A_311 = arith.constant 0 : index
      %get3A_312 = vector.load %arg9[%get3A_309, %get3A_310, %get3A_311] : memref<2x2048x256xf32, #tpu.memory_space<vmem>>, vector<1x128x256xf32>
      %get3A_313 = vector.shape_cast %get3A_312 : vector<1x128x256xf32> to vector<128x256xf32>
      %dot_general3A_314 = arith.constant dense<0.000000e+00> : vector<256x256xf32>
      %dot_general3A_315 = tpu.matmul %get3A_308, %get3A_313, %dot_general3A_314 {dimension_numbers = #tpu.dot_dimension_numbers<[1], [0], [0], [1], [0, 0, 1, 1], [], []>, transpose_lhs_hint = false} : vector<256x128xf32>, vector<128x256xf32>, vector<256x256xf32> -> vector<256x256xf32>
      %add3A_316 = arith.addf %add3A_305, %dot_general3A_315 : vector<256x256xf32>
      %get3A_317 = arith.constant 1024 : index
      %get3A_318 = arith.constant 0 : index
      %get3A_319 = vector.load %arg11[%get3A_317, %get3A_318] : memref<4096x128xf32, #tpu.memory_space<vmem>>, vector<256x128xf32>
      %get3A_320 = arith.constant 1 : index
      %get3A_321 = arith.constant 512 : index
      %get3A_322 = arith.constant 0 : index
      %get3A_323 = vector.load %arg9[%get3A_320, %get3A_321, %get3A_322] : memref<2x2048x256xf32, #tpu.memory_space<vmem>>, vector<1x128x256xf32>
      %get3A_324 = vector.shape_cast %get3A_323 : vector<1x128x256xf32> to vector<128x256xf32>
      %dot_general3A_325 = arith.constant dense<0.000000e+00> : vector<256x256xf32>
      %dot_general3A_326 = tpu.matmul %get3A_319, %get3A_324, %dot_general3A_325 {dimension_numbers = #tpu.dot_dimension_numbers<[1], [0], [0], [1], [0, 0, 1, 1], [], []>, transpose_lhs_hint = false} : vector<256x128xf32>, vector<128x256xf32>, vector<256x256xf32> -> vector<256x256xf32>
      %add3A_327 = arith.addf %add3A_316, %dot_general3A_326 : vector<256x256xf32>
      %get3A_328 = arith.constant 1280 : index
      %get3A_329 = arith.constant 0 : index
      %get3A_330 = vector.load %arg11[%get3A_328, %get3A_329] : memref<4096x128xf32, #tpu.memory_space<vmem>>, vector<256x128xf32>
      %get3A_331 = arith.constant 1 : index
      %get3A_332 = arith.constant 640 : index
      %get3A_333 = arith.constant 0 : index
      %get3A_334 = vector.load %arg9[%get3A_331, %get3A_332, %get3A_333] : memref<2x2048x256xf32, #tpu.memory_space<vmem>>, vector<1x128x256xf32>
      %get3A_335 = vector.shape_cast %get3A_334 : vector<1x128x256xf32> to vector<128x256xf32>
      %dot_general3A_336 = arith.constant dense<0.000000e+00> : vector<256x256xf32>
      %dot_general3A_337 = tpu.matmul %get3A_330, %get3A_335, %dot_general3A_336 {dimension_numbers = #tpu.dot_dimension_numbers<[1], [0], [0], [1], [0, 0, 1, 1], [], []>, transpose_lhs_hint = false} : vector<256x128xf32>, vector<128x256xf32>, vector<256x256xf32> -> vector<256x256xf32>
      %add3A_338 = arith.addf %add3A_327, %dot_general3A_337 : vector<256x256xf32>
      %get3A_339 = arith.constant 1536 : index
      %get3A_340 = arith.constant 0 : index
      %get3A_341 = vector.load %arg11[%get3A_339, %get3A_340] : memref<4096x128xf32, #tpu.memory_space<vmem>>, vector<256x128xf32>
      %get3A_342 = arith.constant 1 : index
      %get3A_343 = arith.constant 768 : index
      %get3A_344 = arith.constant 0 : index
      %get3A_345 = vector.load %arg9[%get3A_342, %get3A_343, %get3A_344] : memref<2x2048x256xf32, #tpu.memory_space<vmem>>, vector<1x128x256xf32>
      %get3A_346 = vector.shape_cast %get3A_345 : vector<1x128x256xf32> to vector<128x256xf32>
      %dot_general3A_347 = arith.constant dense<0.000000e+00> : vector<256x256xf32>
      %dot_general3A_348 = tpu.matmul %get3A_341, %get3A_346, %dot_general3A_347 {dimension_numbers = #tpu.dot_dimension_numbers<[1], [0], [0], [1], [0, 0, 1, 1], [], []>, transpose_lhs_hint = false} : vector<256x128xf32>, vector<128x256xf32>, vector<256x256xf32> -> vector<256x256xf32>
      %add3A_349 = arith.addf %add3A_338, %dot_general3A_348 : vector<256x256xf32>
      %get3A_350 = arith.constant 1792 : index
      %get3A_351 = arith.constant 0 : index
      %get3A_352 = vector.load %arg11[%get3A_350, %get3A_351] : memref<4096x128xf32, #tpu.memory_space<vmem>>, vector<256x128xf32>
      %get3A_353 = arith.constant 1 : index
      %get3A_354 = arith.constant 896 : index
      %get3A_355 = arith.constant 0 : index
      %get3A_356 = vector.load %arg9[%get3A_353, %get3A_354, %get3A_355] : memref<2x2048x256xf32, #tpu.memory_space<vmem>>, vector<1x128x256xf32>
      %get3A_357 = vector.shape_cast %get3A_356 : vector<1x128x256xf32> to vector<128x256xf32>
      %dot_general3A_358 = arith.constant dense<0.000000e+00> : vector<256x256xf32>
      %dot_general3A_359 = tpu.matmul %get3A_352, %get3A_357, %dot_general3A_358 {dimension_numbers = #tpu.dot_dimension_numbers<[1], [0], [0], [1], [0, 0, 1, 1], [], []>, transpose_lhs_hint = false} : vector<256x128xf32>, vector<128x256xf32>, vector<256x256xf32> -> vector<256x256xf32>
      %add3A_360 = arith.addf %add3A_349, %dot_general3A_359 : vector<256x256xf32>
      %get3A_361 = arith.constant 2048 : index
      %get3A_362 = arith.constant 0 : index
      %get3A_363 = vector.load %arg11[%get3A_361, %get3A_362] : memref<4096x128xf32, #tpu.memory_space<vmem>>, vector<256x128xf32>
      %get3A_364 = arith.constant 1 : index
      %get3A_365 = arith.constant 1024 : index
      %get3A_366 = arith.constant 0 : index
      %get3A_367 = vector.load %arg9[%get3A_364, %get3A_365, %get3A_366] : memref<2x2048x256xf32, #tpu.memory_space<vmem>>, vector<1x128x256xf32>
      %get3A_368 = vector.shape_cast %get3A_367 : vector<1x128x256xf32> to vector<128x256xf32>
      %dot_general3A_369 = arith.constant dense<0.000000e+00> : vector<256x256xf32>
      %dot_general3A_370 = tpu.matmul %get3A_363, %get3A_368, %dot_general3A_369 {dimension_numbers = #tpu.dot_dimension_numbers<[1], [0], [0], [1], [0, 0, 1, 1], [], []>, transpose_lhs_hint = false} : vector<256x128xf32>, vector<128x256xf32>, vector<256x256xf32> -> vector<256x256xf32>
      %add3A_371 = arith.addf %add3A_360, %dot_general3A_370 : vector<256x256xf32>
      %get3A_372 = arith.constant 2304 : index
      %get3A_373 = arith.constant 0 : index
      %get3A_374 = vector.load %arg11[%get3A_372, %get3A_373] : memref<4096x128xf32, #tpu.memory_space<vmem>>, vector<256x128xf32>
      %get3A_375 = arith.constant 1 : index
      %get3A_376 = arith.constant 1152 : index
      %get3A_377 = arith.constant 0 : index
      %get3A_378 = vector.load %arg9[%get3A_375, %get3A_376, %get3A_377] : memref<2x2048x256xf32, #tpu.memory_space<vmem>>, vector<1x128x256xf32>
      %get3A_379 = vector.shape_cast %get3A_378 : vector<1x128x256xf32> to vector<128x256xf32>
      %dot_general3A_380 = arith.constant dense<0.000000e+00> : vector<256x256xf32>
      %dot_general3A_381 = tpu.matmul %get3A_374, %get3A_379, %dot_general3A_380 {dimension_numbers = #tpu.dot_dimension_numbers<[1], [0], [0], [1], [0, 0, 1, 1], [], []>, transpose_lhs_hint = false} : vector<256x128xf32>, vector<128x256xf32>, vector<256x256xf32> -> vector<256x256xf32>
      %add3A_382 = arith.addf %add3A_371, %dot_general3A_381 : vector<256x256xf32>
      %get3A_383 = arith.constant 2560 : index
      %get3A_384 = arith.constant 0 : index
      %get3A_385 = vector.load %arg11[%get3A_383, %get3A_384] : memref<4096x128xf32, #tpu.memory_space<vmem>>, vector<256x128xf32>
      %get3A_386 = arith.constant 1 : index
      %get3A_387 = arith.constant 1280 : index
      %get3A_388 = arith.constant 0 : index
      %get3A_389 = vector.load %arg9[%get3A_386, %get3A_387, %get3A_388] : memref<2x2048x256xf32, #tpu.memory_space<vmem>>, vector<1x128x256xf32>
      %get3A_390 = vector.shape_cast %get3A_389 : vector<1x128x256xf32> to vector<128x256xf32>
      %dot_general3A_391 = arith.constant dense<0.000000e+00> : vector<256x256xf32>
      %dot_general3A_392 = tpu.matmul %get3A_385, %get3A_390, %dot_general3A_391 {dimension_numbers = #tpu.dot_dimension_numbers<[1], [0], [0], [1], [0, 0, 1, 1], [], []>, transpose_lhs_hint = false} : vector<256x128xf32>, vector<128x256xf32>, vector<256x256xf32> -> vector<256x256xf32>
      %add3A_393 = arith.addf %add3A_382, %dot_general3A_392 : vector<256x256xf32>
      %get3A_394 = arith.constant 2816 : index
      %get3A_395 = arith.constant 0 : index
      %get3A_396 = vector.load %arg11[%get3A_394, %get3A_395] : memref<4096x128xf32, #tpu.memory_space<vmem>>, vector<256x128xf32>
      %get3A_397 = arith.constant 1 : index
      %get3A_398 = arith.constant 1408 : index
      %get3A_399 = arith.constant 0 : index
      %get3A_400 = vector.load %arg9[%get3A_397, %get3A_398, %get3A_399] : memref<2x2048x256xf32, #tpu.memory_space<vmem>>, vector<1x128x256xf32>
      %get3A_401 = vector.shape_cast %get3A_400 : vector<1x128x256xf32> to vector<128x256xf32>
      %dot_general3A_402 = arith.constant dense<0.000000e+00> : vector<256x256xf32>
      %dot_general3A_403 = tpu.matmul %get3A_396, %get3A_401, %dot_general3A_402 {dimension_numbers = #tpu.dot_dimension_numbers<[1], [0], [0], [1], [0, 0, 1, 1], [], []>, transpose_lhs_hint = false} : vector<256x128xf32>, vector<128x256xf32>, vector<256x256xf32> -> vector<256x256xf32>
      %add3A_404 = arith.addf %add3A_393, %dot_general3A_403 : vector<256x256xf32>
      %get3A_405 = arith.constant 3072 : index
      %get3A_406 = arith.constant 0 : index
      %get3A_407 = vector.load %arg11[%get3A_405, %get3A_406] : memref<4096x128xf32, #tpu.memory_space<vmem>>, vector<256x128xf32>
      %get3A_408 = arith.constant 1 : index
      %get3A_409 = arith.constant 1536 : index
      %get3A_410 = arith.constant 0 : index
      %get3A_411 = vector.load %arg9[%get3A_408, %get3A_409, %get3A_410] : memref<2x2048x256xf32, #tpu.memory_space<vmem>>, vector<1x128x256xf32>
      %get3A_412 = vector.shape_cast %get3A_411 : vector<1x128x256xf32> to vector<128x256xf32>
      %dot_general3A_413 = arith.constant dense<0.000000e+00> : vector<256x256xf32>
      %dot_general3A_414 = tpu.matmul %get3A_407, %get3A_412, %dot_general3A_413 {dimension_numbers = #tpu.dot_dimension_numbers<[1], [0], [0], [1], [0, 0, 1, 1], [], []>, transpose_lhs_hint = false} : vector<256x128xf32>, vector<128x256xf32>, vector<256x256xf32> -> vector<256x256xf32>
      %add3A_415 = arith.addf %add3A_404, %dot_general3A_414 : vector<256x256xf32>
      %get3A_416 = arith.constant 3328 : index
      %get3A_417 = arith.constant 0 : index
      %get3A_418 = vector.load %arg11[%get3A_416, %get3A_417] : memref<4096x128xf32, #tpu.memory_space<vmem>>, vector<256x128xf32>
      %get3A_419 = arith.constant 1 : index
      %get3A_420 = arith.constant 1664 : index
      %get3A_421 = arith.constant 0 : index
      %get3A_422 = vector.load %arg9[%get3A_419, %get3A_420, %get3A_421] : memref<2x2048x256xf32, #tpu.memory_space<vmem>>, vector<1x128x256xf32>
      %get3A_423 = vector.shape_cast %get3A_422 : vector<1x128x256xf32> to vector<128x256xf32>
      %dot_general3A_424 = arith.constant dense<0.000000e+00> : vector<256x256xf32>
      %dot_general3A_425 = tpu.matmul %get3A_418, %get3A_423, %dot_general3A_424 {dimension_numbers = #tpu.dot_dimension_numbers<[1], [0], [0], [1], [0, 0, 1, 1], [], []>, transpose_lhs_hint = false} : vector<256x128xf32>, vector<128x256xf32>, vector<256x256xf32> -> vector<256x256xf32>
      %add3A_426 = arith.addf %add3A_415, %dot_general3A_425 : vector<256x256xf32>
      %get3A_427 = arith.constant 3584 : index
      %get3A_428 = arith.constant 0 : index
      %get3A_429 = vector.load %arg11[%get3A_427, %get3A_428] : memref<4096x128xf32, #tpu.memory_space<vmem>>, vector<256x128xf32>
      %get3A_430 = arith.constant 1 : index
      %get3A_431 = arith.constant 1792 : index
      %get3A_432 = arith.constant 0 : index
      %get3A_433 = vector.load %arg9[%get3A_430, %get3A_431, %get3A_432] : memref<2x2048x256xf32, #tpu.memory_space<vmem>>, vector<1x128x256xf32>
      %get3A_434 = vector.shape_cast %get3A_433 : vector<1x128x256xf32> to vector<128x256xf32>
      %dot_general3A_435 = arith.constant dense<0.000000e+00> : vector<256x256xf32>
      %dot_general3A_436 = tpu.matmul %get3A_429, %get3A_434, %dot_general3A_435 {dimension_numbers = #tpu.dot_dimension_numbers<[1], [0], [0], [1], [0, 0, 1, 1], [], []>, transpose_lhs_hint = false} : vector<256x128xf32>, vector<128x256xf32>, vector<256x256xf32> -> vector<256x256xf32>
      %add3A_437 = arith.addf %add3A_426, %dot_general3A_436 : vector<256x256xf32>
      %get3A_438 = arith.constant 3840 : index
      %get3A_439 = arith.constant 0 : index
      %get3A_440 = vector.load %arg11[%get3A_438, %get3A_439] : memref<4096x128xf32, #tpu.memory_space<vmem>>, vector<256x128xf32>
      %get3A_441 = arith.constant 1 : index
      %get3A_442 = arith.constant 1920 : index
      %get3A_443 = arith.constant 0 : index
      %get3A_444 = vector.load %arg9[%get3A_441, %get3A_442, %get3A_443] : memref<2x2048x256xf32, #tpu.memory_space<vmem>>, vector<1x128x256xf32>
      %get3A_445 = vector.shape_cast %get3A_444 : vector<1x128x256xf32> to vector<128x256xf32>
      %dot_general3A_446 = arith.constant dense<0.000000e+00> : vector<256x256xf32>
      %dot_general3A_447 = tpu.matmul %get3A_440, %get3A_445, %dot_general3A_446 {dimension_numbers = #tpu.dot_dimension_numbers<[1], [0], [0], [1], [0, 0, 1, 1], [], []>, transpose_lhs_hint = false} : vector<256x128xf32>, vector<128x256xf32>, vector<256x256xf32> -> vector<256x256xf32>
      %add3A_448 = arith.addf %add3A_437, %dot_general3A_447 : vector<256x256xf32>
      %swap3A_449 = arith.constant 1 : index
      %swap3A_450 = arith.index_cast %multiple_of3A : i32 to index
      %swap3A_451 = arith.constant 0 : index
      %swap3A_452 = vector.load %arg10[%swap3A_449, %swap3A_450, %swap3A_451] : memref<2x2048x256xf32, #tpu.memory_space<vmem>>, vector<1x256x256xf32>
      %swap3A_453 = vector.shape_cast %swap3A_452 : vector<1x256x256xf32> to vector<256x256xf32>
      %swap3A_454 = vector.shape_cast %add3A_448 : vector<256x256xf32> to vector<1x256x256xf32>
      tpu.vector_store %arg10[%swap3A_449, %swap3A_450, %swap3A_451], %swap3A_454 {strides = array<i32>} : memref<2x2048x256xf32, #tpu.memory_space<vmem>>, vector<1x256x256xf32>,
    } else {
    }
    %eq3A_8 = arith.constant 2 : i32
    %eq3A_9 = arith.cmpi eq, %arg0, %eq3A_8 : i32
    %convert_element_type3A_10 = arith.extui %eq3A_9 : i1 to i32
    %cond3A_11 = arith.constant 0 : i32
    %cond3A_12 = arith.cmpi ne, %convert_element_type3A_10, %cond3A_11 : i32
    scf.if %cond3A_12 {
      %get3A = arith.constant 0 : index
      %get3A_13 = arith.constant 0 : index
      %get3A_14 = vector.load %arg3[%get3A, %get3A_13] : memref<4096x128xf32, #tpu.memory_space<vmem>>, vector<4096x128xf32>
      %get3A_15 = arith.constant 2 : index
      %get3A_16 = arith.constant 0 : index
      %get3A_17 = arith.constant 0 : index
      %get3A_18 = memref.load %arg2[%get3A_15, %get3A_16, %get3A_17] : memref<3x2x4xf32, #tpu.memory_space<smem>>
      %mul3A_19 = vector.broadcast %get3A_18 : f32 to vector<4096x128xf32>
      %mul3A_20 = arith.mulf %get3A_14, %mul3A_19 : vector<4096x128xf32>
      %get3A_21 = arith.constant 0 : index
      %get3A_22 = arith.constant 0 : index
      %get3A_23 = vector.load %arg4[%get3A_21, %get3A_22] : memref<4096x128xf32, #tpu.memory_space<vmem>>, vector<4096x128xf32>
      %get3A_24 = arith.constant 2 : index
      %get3A_25 = arith.constant 0 : index
      %get3A_26 = arith.constant 1 : index
      %get3A_27 = memref.load %arg2[%get3A_24, %get3A_25, %get3A_26] : memref<3x2x4xf32, #tpu.memory_space<smem>>
      %mul3A_28 = vector.broadcast %get3A_27 : f32 to vector<4096x128xf32>
      %mul3A_29 = arith.mulf %get3A_23, %mul3A_28 : vector<4096x128xf32>
      %add3A = arith.addf %mul3A_20, %mul3A_29 : vector<4096x128xf32>
      %get3A_30 = arith.constant 0 : index
      %get3A_31 = arith.constant 0 : index
      %get3A_32 = vector.load %arg5[%get3A_30, %get3A_31] : memref<4096x128xf32, #tpu.memory_space<vmem>>, vector<4096x128xf32>
      %get3A_33 = arith.constant 2 : index
      %get3A_34 = arith.constant 0 : index
      %get3A_35 = arith.constant 2 : index
      %get3A_36 = memref.load %arg2[%get3A_33, %get3A_34, %get3A_35] : memref<3x2x4xf32, #tpu.memory_space<smem>>
      %mul3A_37 = vector.broadcast %get3A_36 : f32 to vector<4096x128xf32>
      %mul3A_38 = arith.mulf %get3A_32, %mul3A_37 : vector<4096x128xf32>
      %add3A_39 = arith.addf %add3A, %mul3A_38 : vector<4096x128xf32>
      %get3A_40 = arith.constant 0 : index
      %get3A_41 = arith.constant 0 : index
      %get3A_42 = vector.load %arg6[%get3A_40, %get3A_41] : memref<4096x128xf32, #tpu.memory_space<vmem>>, vector<4096x128xf32>
      %get3A_43 = arith.constant 2 : index
      %get3A_44 = arith.constant 0 : index
      %get3A_45 = arith.constant 3 : index
      %get3A_46 = memref.load %arg2[%get3A_43, %get3A_44, %get3A_45] : memref<3x2x4xf32, #tpu.memory_space<smem>>
      %mul3A_47 = vector.broadcast %get3A_46 : f32 to vector<4096x128xf32>
      %mul3A_48 = arith.mulf %get3A_42, %mul3A_47 : vector<4096x128xf32>
      %add3A_49 = arith.addf %add3A_39, %mul3A_48 : vector<4096x128xf32>
      %swap3A = arith.constant 0 : index
      %swap3A_50 = arith.constant 0 : index
      %swap3A_51 = vector.load %arg11[%swap3A, %swap3A_50] : memref<4096x128xf32, #tpu.memory_space<vmem>>, vector<4096x128xf32>
      tpu.vector_store %arg11[%swap3A, %swap3A_50], %add3A_49 {strides = array<i32>} : memref<4096x128xf32, #tpu.memory_space<vmem>>, vector<4096x128xf32>,
      %get3A_52 = arith.constant 0 : index
      %get3A_53 = arith.constant 0 : index
      %get3A_54 = vector.load %arg11[%get3A_52, %get3A_53] : memref<4096x128xf32, #tpu.memory_space<vmem>>, vector<256x128xf32>
      %get3A_55 = arith.constant 0 : index
      %get3A_56 = arith.constant 0 : index
      %get3A_57 = arith.constant 0 : index
      %get3A_58 = vector.load %arg10[%get3A_55, %get3A_56, %get3A_57] : memref<2x2048x256xf32, #tpu.memory_space<vmem>>, vector<1x128x256xf32>
      %get3A_59 = vector.shape_cast %get3A_58 : vector<1x128x256xf32> to vector<128x256xf32>
      %dot_general3A = arith.constant dense<0.000000e+00> : vector<256x256xf32>
      %dot_general3A_60 = tpu.matmul %get3A_54, %get3A_59, %dot_general3A {dimension_numbers = #tpu.dot_dimension_numbers<[1], [0], [0], [1], [0, 0, 1, 1], [], []>, transpose_lhs_hint = false} : vector<256x128xf32>, vector<128x256xf32>, vector<256x256xf32> -> vector<256x256xf32>
      %get3A_61 = arith.constant 256 : index
      %get3A_62 = arith.constant 0 : index
      %get3A_63 = vector.load %arg11[%get3A_61, %get3A_62] : memref<4096x128xf32, #tpu.memory_space<vmem>>, vector<256x128xf32>
      %get3A_64 = arith.constant 0 : index
      %get3A_65 = arith.constant 128 : index
      %get3A_66 = arith.constant 0 : index
      %get3A_67 = vector.load %arg10[%get3A_64, %get3A_65, %get3A_66] : memref<2x2048x256xf32, #tpu.memory_space<vmem>>, vector<1x128x256xf32>
      %get3A_68 = vector.shape_cast %get3A_67 : vector<1x128x256xf32> to vector<128x256xf32>
      %dot_general3A_69 = arith.constant dense<0.000000e+00> : vector<256x256xf32>
      %dot_general3A_70 = tpu.matmul %get3A_63, %get3A_68, %dot_general3A_69 {dimension_numbers = #tpu.dot_dimension_numbers<[1], [0], [0], [1], [0, 0, 1, 1], [], []>, transpose_lhs_hint = false} : vector<256x128xf32>, vector<128x256xf32>, vector<256x256xf32> -> vector<256x256xf32>
      %add3A_71 = arith.addf %dot_general3A_60, %dot_general3A_70 : vector<256x256xf32>
      %get3A_72 = arith.constant 512 : index
      %get3A_73 = arith.constant 0 : index
      %get3A_74 = vector.load %arg11[%get3A_72, %get3A_73] : memref<4096x128xf32, #tpu.memory_space<vmem>>, vector<256x128xf32>
      %get3A_75 = arith.constant 0 : index
      %get3A_76 = arith.constant 256 : index
      %get3A_77 = arith.constant 0 : index
      %get3A_78 = vector.load %arg10[%get3A_75, %get3A_76, %get3A_77] : memref<2x2048x256xf32, #tpu.memory_space<vmem>>, vector<1x128x256xf32>
      %get3A_79 = vector.shape_cast %get3A_78 : vector<1x128x256xf32> to vector<128x256xf32>
      %dot_general3A_80 = arith.constant dense<0.000000e+00> : vector<256x256xf32>
      %dot_general3A_81 = tpu.matmul %get3A_74, %get3A_79, %dot_general3A_80 {dimension_numbers = #tpu.dot_dimension_numbers<[1], [0], [0], [1], [0, 0, 1, 1], [], []>, transpose_lhs_hint = false} : vector<256x128xf32>, vector<128x256xf32>, vector<256x256xf32> -> vector<256x256xf32>
      %add3A_82 = arith.addf %add3A_71, %dot_general3A_81 : vector<256x256xf32>
      %get3A_83 = arith.constant 768 : index
      %get3A_84 = arith.constant 0 : index
      %get3A_85 = vector.load %arg11[%get3A_83, %get3A_84] : memref<4096x128xf32, #tpu.memory_space<vmem>>, vector<256x128xf32>
      %get3A_86 = arith.constant 0 : index
      %get3A_87 = arith.constant 384 : index
      %get3A_88 = arith.constant 0 : index
      %get3A_89 = vector.load %arg10[%get3A_86, %get3A_87, %get3A_88] : memref<2x2048x256xf32, #tpu.memory_space<vmem>>, vector<1x128x256xf32>
      %get3A_90 = vector.shape_cast %get3A_89 : vector<1x128x256xf32> to vector<128x256xf32>
      %dot_general3A_91 = arith.constant dense<0.000000e+00> : vector<256x256xf32>
      %dot_general3A_92 = tpu.matmul %get3A_85, %get3A_90, %dot_general3A_91 {dimension_numbers = #tpu.dot_dimension_numbers<[1], [0], [0], [1], [0, 0, 1, 1], [], []>, transpose_lhs_hint = false} : vector<256x128xf32>, vector<128x256xf32>, vector<256x256xf32> -> vector<256x256xf32>
      %add3A_93 = arith.addf %add3A_82, %dot_general3A_92 : vector<256x256xf32>
      %get3A_94 = arith.constant 1024 : index
      %get3A_95 = arith.constant 0 : index
      %get3A_96 = vector.load %arg11[%get3A_94, %get3A_95] : memref<4096x128xf32, #tpu.memory_space<vmem>>, vector<256x128xf32>
      %get3A_97 = arith.constant 0 : index
      %get3A_98 = arith.constant 512 : index
      %get3A_99 = arith.constant 0 : index
      %get3A_100 = vector.load %arg10[%get3A_97, %get3A_98, %get3A_99] : memref<2x2048x256xf32, #tpu.memory_space<vmem>>, vector<1x128x256xf32>
      %get3A_101 = vector.shape_cast %get3A_100 : vector<1x128x256xf32> to vector<128x256xf32>
      %dot_general3A_102 = arith.constant dense<0.000000e+00> : vector<256x256xf32>
      %dot_general3A_103 = tpu.matmul %get3A_96, %get3A_101, %dot_general3A_102 {dimension_numbers = #tpu.dot_dimension_numbers<[1], [0], [0], [1], [0, 0, 1, 1], [], []>, transpose_lhs_hint = false} : vector<256x128xf32>, vector<128x256xf32>, vector<256x256xf32> -> vector<256x256xf32>
      %add3A_104 = arith.addf %add3A_93, %dot_general3A_103 : vector<256x256xf32>
      %get3A_105 = arith.constant 1280 : index
      %get3A_106 = arith.constant 0 : index
      %get3A_107 = vector.load %arg11[%get3A_105, %get3A_106] : memref<4096x128xf32, #tpu.memory_space<vmem>>, vector<256x128xf32>
      %get3A_108 = arith.constant 0 : index
      %get3A_109 = arith.constant 640 : index
      %get3A_110 = arith.constant 0 : index
      %get3A_111 = vector.load %arg10[%get3A_108, %get3A_109, %get3A_110] : memref<2x2048x256xf32, #tpu.memory_space<vmem>>, vector<1x128x256xf32>
      %get3A_112 = vector.shape_cast %get3A_111 : vector<1x128x256xf32> to vector<128x256xf32>
      %dot_general3A_113 = arith.constant dense<0.000000e+00> : vector<256x256xf32>
      %dot_general3A_114 = tpu.matmul %get3A_107, %get3A_112, %dot_general3A_113 {dimension_numbers = #tpu.dot_dimension_numbers<[1], [0], [0], [1], [0, 0, 1, 1], [], []>, transpose_lhs_hint = false} : vector<256x128xf32>, vector<128x256xf32>, vector<256x256xf32> -> vector<256x256xf32>
      %add3A_115 = arith.addf %add3A_104, %dot_general3A_114 : vector<256x256xf32>
      %get3A_116 = arith.constant 1536 : index
      %get3A_117 = arith.constant 0 : index
      %get3A_118 = vector.load %arg11[%get3A_116, %get3A_117] : memref<4096x128xf32, #tpu.memory_space<vmem>>, vector<256x128xf32>
      %get3A_119 = arith.constant 0 : index
      %get3A_120 = arith.constant 768 : index
      %get3A_121 = arith.constant 0 : index
      %get3A_122 = vector.load %arg10[%get3A_119, %get3A_120, %get3A_121] : memref<2x2048x256xf32, #tpu.memory_space<vmem>>, vector<1x128x256xf32>
      %get3A_123 = vector.shape_cast %get3A_122 : vector<1x128x256xf32> to vector<128x256xf32>
      %dot_general3A_124 = arith.constant dense<0.000000e+00> : vector<256x256xf32>
      %dot_general3A_125 = tpu.matmul %get3A_118, %get3A_123, %dot_general3A_124 {dimension_numbers = #tpu.dot_dimension_numbers<[1], [0], [0], [1], [0, 0, 1, 1], [], []>, transpose_lhs_hint = false} : vector<256x128xf32>, vector<128x256xf32>, vector<256x256xf32> -> vector<256x256xf32>
      %add3A_126 = arith.addf %add3A_115, %dot_general3A_125 : vector<256x256xf32>
      %get3A_127 = arith.constant 1792 : index
      %get3A_128 = arith.constant 0 : index
      %get3A_129 = vector.load %arg11[%get3A_127, %get3A_128] : memref<4096x128xf32, #tpu.memory_space<vmem>>, vector<256x128xf32>
      %get3A_130 = arith.constant 0 : index
      %get3A_131 = arith.constant 896 : index
      %get3A_132 = arith.constant 0 : index
      %get3A_133 = vector.load %arg10[%get3A_130, %get3A_131, %get3A_132] : memref<2x2048x256xf32, #tpu.memory_space<vmem>>, vector<1x128x256xf32>
      %get3A_134 = vector.shape_cast %get3A_133 : vector<1x128x256xf32> to vector<128x256xf32>
      %dot_general3A_135 = arith.constant dense<0.000000e+00> : vector<256x256xf32>
      %dot_general3A_136 = tpu.matmul %get3A_129, %get3A_134, %dot_general3A_135 {dimension_numbers = #tpu.dot_dimension_numbers<[1], [0], [0], [1], [0, 0, 1, 1], [], []>, transpose_lhs_hint = false} : vector<256x128xf32>, vector<128x256xf32>, vector<256x256xf32> -> vector<256x256xf32>
      %add3A_137 = arith.addf %add3A_126, %dot_general3A_136 : vector<256x256xf32>
      %get3A_138 = arith.constant 2048 : index
      %get3A_139 = arith.constant 0 : index
      %get3A_140 = vector.load %arg11[%get3A_138, %get3A_139] : memref<4096x128xf32, #tpu.memory_space<vmem>>, vector<256x128xf32>
      %get3A_141 = arith.constant 0 : index
      %get3A_142 = arith.constant 1024 : index
      %get3A_143 = arith.constant 0 : index
      %get3A_144 = vector.load %arg10[%get3A_141, %get3A_142, %get3A_143] : memref<2x2048x256xf32, #tpu.memory_space<vmem>>, vector<1x128x256xf32>
      %get3A_145 = vector.shape_cast %get3A_144 : vector<1x128x256xf32> to vector<128x256xf32>
      %dot_general3A_146 = arith.constant dense<0.000000e+00> : vector<256x256xf32>
      %dot_general3A_147 = tpu.matmul %get3A_140, %get3A_145, %dot_general3A_146 {dimension_numbers = #tpu.dot_dimension_numbers<[1], [0], [0], [1], [0, 0, 1, 1], [], []>, transpose_lhs_hint = false} : vector<256x128xf32>, vector<128x256xf32>, vector<256x256xf32> -> vector<256x256xf32>
      %add3A_148 = arith.addf %add3A_137, %dot_general3A_147 : vector<256x256xf32>
      %get3A_149 = arith.constant 2304 : index
      %get3A_150 = arith.constant 0 : index
      %get3A_151 = vector.load %arg11[%get3A_149, %get3A_150] : memref<4096x128xf32, #tpu.memory_space<vmem>>, vector<256x128xf32>
      %get3A_152 = arith.constant 0 : index
      %get3A_153 = arith.constant 1152 : index
      %get3A_154 = arith.constant 0 : index
      %get3A_155 = vector.load %arg10[%get3A_152, %get3A_153, %get3A_154] : memref<2x2048x256xf32, #tpu.memory_space<vmem>>, vector<1x128x256xf32>
      %get3A_156 = vector.shape_cast %get3A_155 : vector<1x128x256xf32> to vector<128x256xf32>
      %dot_general3A_157 = arith.constant dense<0.000000e+00> : vector<256x256xf32>
      %dot_general3A_158 = tpu.matmul %get3A_151, %get3A_156, %dot_general3A_157 {dimension_numbers = #tpu.dot_dimension_numbers<[1], [0], [0], [1], [0, 0, 1, 1], [], []>, transpose_lhs_hint = false} : vector<256x128xf32>, vector<128x256xf32>, vector<256x256xf32> -> vector<256x256xf32>
      %add3A_159 = arith.addf %add3A_148, %dot_general3A_158 : vector<256x256xf32>
      %get3A_160 = arith.constant 2560 : index
      %get3A_161 = arith.constant 0 : index
      %get3A_162 = vector.load %arg11[%get3A_160, %get3A_161] : memref<4096x128xf32, #tpu.memory_space<vmem>>, vector<256x128xf32>
      %get3A_163 = arith.constant 0 : index
      %get3A_164 = arith.constant 1280 : index
      %get3A_165 = arith.constant 0 : index
      %get3A_166 = vector.load %arg10[%get3A_163, %get3A_164, %get3A_165] : memref<2x2048x256xf32, #tpu.memory_space<vmem>>, vector<1x128x256xf32>
      %get3A_167 = vector.shape_cast %get3A_166 : vector<1x128x256xf32> to vector<128x256xf32>
      %dot_general3A_168 = arith.constant dense<0.000000e+00> : vector<256x256xf32>
      %dot_general3A_169 = tpu.matmul %get3A_162, %get3A_167, %dot_general3A_168 {dimension_numbers = #tpu.dot_dimension_numbers<[1], [0], [0], [1], [0, 0, 1, 1], [], []>, transpose_lhs_hint = false} : vector<256x128xf32>, vector<128x256xf32>, vector<256x256xf32> -> vector<256x256xf32>
      %add3A_170 = arith.addf %add3A_159, %dot_general3A_169 : vector<256x256xf32>
      %get3A_171 = arith.constant 2816 : index
      %get3A_172 = arith.constant 0 : index
      %get3A_173 = vector.load %arg11[%get3A_171, %get3A_172] : memref<4096x128xf32, #tpu.memory_space<vmem>>, vector<256x128xf32>
      %get3A_174 = arith.constant 0 : index
      %get3A_175 = arith.constant 1408 : index
      %get3A_176 = arith.constant 0 : index
      %get3A_177 = vector.load %arg10[%get3A_174, %get3A_175, %get3A_176] : memref<2x2048x256xf32, #tpu.memory_space<vmem>>, vector<1x128x256xf32>
      %get3A_178 = vector.shape_cast %get3A_177 : vector<1x128x256xf32> to vector<128x256xf32>
      %dot_general3A_179 = arith.constant dense<0.000000e+00> : vector<256x256xf32>
      %dot_general3A_180 = tpu.matmul %get3A_173, %get3A_178, %dot_general3A_179 {dimension_numbers = #tpu.dot_dimension_numbers<[1], [0], [0], [1], [0, 0, 1, 1], [], []>, transpose_lhs_hint = false} : vector<256x128xf32>, vector<128x256xf32>, vector<256x256xf32> -> vector<256x256xf32>
      %add3A_181 = arith.addf %add3A_170, %dot_general3A_180 : vector<256x256xf32>
      %get3A_182 = arith.constant 3072 : index
      %get3A_183 = arith.constant 0 : index
      %get3A_184 = vector.load %arg11[%get3A_182, %get3A_183] : memref<4096x128xf32, #tpu.memory_space<vmem>>, vector<256x128xf32>
      %get3A_185 = arith.constant 0 : index
      %get3A_186 = arith.constant 1536 : index
      %get3A_187 = arith.constant 0 : index
      %get3A_188 = vector.load %arg10[%get3A_185, %get3A_186, %get3A_187] : memref<2x2048x256xf32, #tpu.memory_space<vmem>>, vector<1x128x256xf32>
      %get3A_189 = vector.shape_cast %get3A_188 : vector<1x128x256xf32> to vector<128x256xf32>
      %dot_general3A_190 = arith.constant dense<0.000000e+00> : vector<256x256xf32>
      %dot_general3A_191 = tpu.matmul %get3A_184, %get3A_189, %dot_general3A_190 {dimension_numbers = #tpu.dot_dimension_numbers<[1], [0], [0], [1], [0, 0, 1, 1], [], []>, transpose_lhs_hint = false} : vector<256x128xf32>, vector<128x256xf32>, vector<256x256xf32> -> vector<256x256xf32>
      %add3A_192 = arith.addf %add3A_181, %dot_general3A_191 : vector<256x256xf32>
      %get3A_193 = arith.constant 3328 : index
      %get3A_194 = arith.constant 0 : index
      %get3A_195 = vector.load %arg11[%get3A_193, %get3A_194] : memref<4096x128xf32, #tpu.memory_space<vmem>>, vector<256x128xf32>
      %get3A_196 = arith.constant 0 : index
      %get3A_197 = arith.constant 1664 : index
      %get3A_198 = arith.constant 0 : index
      %get3A_199 = vector.load %arg10[%get3A_196, %get3A_197, %get3A_198] : memref<2x2048x256xf32, #tpu.memory_space<vmem>>, vector<1x128x256xf32>
      %get3A_200 = vector.shape_cast %get3A_199 : vector<1x128x256xf32> to vector<128x256xf32>
      %dot_general3A_201 = arith.constant dense<0.000000e+00> : vector<256x256xf32>
      %dot_general3A_202 = tpu.matmul %get3A_195, %get3A_200, %dot_general3A_201 {dimension_numbers = #tpu.dot_dimension_numbers<[1], [0], [0], [1], [0, 0, 1, 1], [], []>, transpose_lhs_hint = false} : vector<256x128xf32>, vector<128x256xf32>, vector<256x256xf32> -> vector<256x256xf32>
      %add3A_203 = arith.addf %add3A_192, %dot_general3A_202 : vector<256x256xf32>
      %get3A_204 = arith.constant 3584 : index
      %get3A_205 = arith.constant 0 : index
      %get3A_206 = vector.load %arg11[%get3A_204, %get3A_205] : memref<4096x128xf32, #tpu.memory_space<vmem>>, vector<256x128xf32>
      %get3A_207 = arith.constant 0 : index
      %get3A_208 = arith.constant 1792 : index
      %get3A_209 = arith.constant 0 : index
      %get3A_210 = vector.load %arg10[%get3A_207, %get3A_208, %get3A_209] : memref<2x2048x256xf32, #tpu.memory_space<vmem>>, vector<1x128x256xf32>
      %get3A_211 = vector.shape_cast %get3A_210 : vector<1x128x256xf32> to vector<128x256xf32>
      %dot_general3A_212 = arith.constant dense<0.000000e+00> : vector<256x256xf32>
      %dot_general3A_213 = tpu.matmul %get3A_206, %get3A_211, %dot_general3A_212 {dimension_numbers = #tpu.dot_dimension_numbers<[1], [0], [0], [1], [0, 0, 1, 1], [], []>, transpose_lhs_hint = false} : vector<256x128xf32>, vector<128x256xf32>, vector<256x256xf32> -> vector<256x256xf32>
      %add3A_214 = arith.addf %add3A_203, %dot_general3A_213 : vector<256x256xf32>
      %get3A_215 = arith.constant 3840 : index
      %get3A_216 = arith.constant 0 : index
      %get3A_217 = vector.load %arg11[%get3A_215, %get3A_216] : memref<4096x128xf32, #tpu.memory_space<vmem>>, vector<256x128xf32>
      %get3A_218 = arith.constant 0 : index
      %get3A_219 = arith.constant 1920 : index
      %get3A_220 = arith.constant 0 : index
      %get3A_221 = vector.load %arg10[%get3A_218, %get3A_219, %get3A_220] : memref<2x2048x256xf32, #tpu.memory_space<vmem>>, vector<1x128x256xf32>
      %get3A_222 = vector.shape_cast %get3A_221 : vector<1x128x256xf32> to vector<128x256xf32>
      %dot_general3A_223 = arith.constant dense<0.000000e+00> : vector<256x256xf32>
      %dot_general3A_224 = tpu.matmul %get3A_217, %get3A_222, %dot_general3A_223 {dimension_numbers = #tpu.dot_dimension_numbers<[1], [0], [0], [1], [0, 0, 1, 1], [], []>, transpose_lhs_hint = false} : vector<256x128xf32>, vector<128x256xf32>, vector<256x256xf32> -> vector<256x256xf32>
      %add3A_225 = arith.addf %add3A_214, %dot_general3A_224 : vector<256x256xf32>
      %swap3A_226 = arith.constant 0 : index
      %swap3A_227 = arith.index_cast %multiple_of3A : i32 to index
      %swap3A_228 = arith.constant 0 : index
      %swap3A_229 = vector.load %arg8[%swap3A_226, %swap3A_227, %swap3A_228] : memref<2x2048x256xf32, #tpu.memory_space<vmem>>, vector<1x256x256xf32>
      %swap3A_230 = vector.shape_cast %swap3A_229 : vector<1x256x256xf32> to vector<256x256xf32>
      %swap3A_231 = vector.shape_cast %add3A_225 : vector<256x256xf32> to vector<1x256x256xf32>
      tpu.vector_store %arg8[%swap3A_226, %swap3A_227, %swap3A_228], %swap3A_231 {strides = array<i32>} : memref<2x2048x256xf32, #tpu.memory_space<vmem>>, vector<1x256x256xf32>,
      %get3A_232 = arith.constant 0 : index
      %get3A_233 = arith.constant 0 : index
      %get3A_234 = vector.load %arg3[%get3A_232, %get3A_233] : memref<4096x128xf32, #tpu.memory_space<vmem>>, vector<4096x128xf32>
      %get3A_235 = arith.constant 2 : index
      %get3A_236 = arith.constant 1 : index
      %get3A_237 = arith.constant 0 : index
      %get3A_238 = memref.load %arg2[%get3A_235, %get3A_236, %get3A_237] : memref<3x2x4xf32, #tpu.memory_space<smem>>
      %mul3A_239 = vector.broadcast %get3A_238 : f32 to vector<4096x128xf32>
      %mul3A_240 = arith.mulf %get3A_234, %mul3A_239 : vector<4096x128xf32>
      %get3A_241 = arith.constant 0 : index
      %get3A_242 = arith.constant 0 : index
      %get3A_243 = vector.load %arg4[%get3A_241, %get3A_242] : memref<4096x128xf32, #tpu.memory_space<vmem>>, vector<4096x128xf32>
      %get3A_244 = arith.constant 2 : index
      %get3A_245 = arith.constant 1 : index
      %get3A_246 = arith.constant 1 : index
      %get3A_247 = memref.load %arg2[%get3A_244, %get3A_245, %get3A_246] : memref<3x2x4xf32, #tpu.memory_space<smem>>
      %mul3A_248 = vector.broadcast %get3A_247 : f32 to vector<4096x128xf32>
      %mul3A_249 = arith.mulf %get3A_243, %mul3A_248 : vector<4096x128xf32>
      %add3A_250 = arith.addf %mul3A_240, %mul3A_249 : vector<4096x128xf32>
      %get3A_251 = arith.constant 0 : index
      %get3A_252 = arith.constant 0 : index
      %get3A_253 = vector.load %arg5[%get3A_251, %get3A_252] : memref<4096x128xf32, #tpu.memory_space<vmem>>, vector<4096x128xf32>
      %get3A_254 = arith.constant 2 : index
      %get3A_255 = arith.constant 1 : index
      %get3A_256 = arith.constant 2 : index
      %get3A_257 = memref.load %arg2[%get3A_254, %get3A_255, %get3A_256] : memref<3x2x4xf32, #tpu.memory_space<smem>>
      %mul3A_258 = vector.broadcast %get3A_257 : f32 to vector<4096x128xf32>
      %mul3A_259 = arith.mulf %get3A_253, %mul3A_258 : vector<4096x128xf32>
      %add3A_260 = arith.addf %add3A_250, %mul3A_259 : vector<4096x128xf32>
      %get3A_261 = arith.constant 0 : index
      %get3A_262 = arith.constant 0 : index
      %get3A_263 = vector.load %arg6[%get3A_261, %get3A_262] : memref<4096x128xf32, #tpu.memory_space<vmem>>, vector<4096x128xf32>
      %get3A_264 = arith.constant 2 : index
      %get3A_265 = arith.constant 1 : index
      %get3A_266 = arith.constant 3 : index
      %get3A_267 = memref.load %arg2[%get3A_264, %get3A_265, %get3A_266] : memref<3x2x4xf32, #tpu.memory_space<smem>>
      %mul3A_268 = vector.broadcast %get3A_267 : f32 to vector<4096x128xf32>
      %mul3A_269 = arith.mulf %get3A_263, %mul3A_268 : vector<4096x128xf32>
      %add3A_270 = arith.addf %add3A_260, %mul3A_269 : vector<4096x128xf32>
      %swap3A_271 = arith.constant 0 : index
      %swap3A_272 = arith.constant 0 : index
      %swap3A_273 = vector.load %arg11[%swap3A_271, %swap3A_272] : memref<4096x128xf32, #tpu.memory_space<vmem>>, vector<4096x128xf32>
      tpu.vector_store %arg11[%swap3A_271, %swap3A_272], %add3A_270 {strides = array<i32>} : memref<4096x128xf32, #tpu.memory_space<vmem>>, vector<4096x128xf32>,
      %get3A_274 = arith.constant 0 : index
      %get3A_275 = arith.constant 0 : index
      %get3A_276 = vector.load %arg11[%get3A_274, %get3A_275] : memref<4096x128xf32, #tpu.memory_space<vmem>>, vector<256x128xf32>
      %get3A_277 = arith.constant 1 : index
      %get3A_278 = arith.constant 0 : index
      %get3A_279 = arith.constant 0 : index
      %get3A_280 = vector.load %arg10[%get3A_277, %get3A_278, %get3A_279] : memref<2x2048x256xf32, #tpu.memory_space<vmem>>, vector<1x128x256xf32>
      %get3A_281 = vector.shape_cast %get3A_280 : vector<1x128x256xf32> to vector<128x256xf32>
      %dot_general3A_282 = arith.constant dense<0.000000e+00> : vector<256x256xf32>
      %dot_general3A_283 = tpu.matmul %get3A_276, %get3A_281, %dot_general3A_282 {dimension_numbers = #tpu.dot_dimension_numbers<[1], [0], [0], [1], [0, 0, 1, 1], [], []>, transpose_lhs_hint = false} : vector<256x128xf32>, vector<128x256xf32>, vector<256x256xf32> -> vector<256x256xf32>
      %get3A_284 = arith.constant 256 : index
      %get3A_285 = arith.constant 0 : index
      %get3A_286 = vector.load %arg11[%get3A_284, %get3A_285] : memref<4096x128xf32, #tpu.memory_space<vmem>>, vector<256x128xf32>
      %get3A_287 = arith.constant 1 : index
      %get3A_288 = arith.constant 128 : index
      %get3A_289 = arith.constant 0 : index
      %get3A_290 = vector.load %arg10[%get3A_287, %get3A_288, %get3A_289] : memref<2x2048x256xf32, #tpu.memory_space<vmem>>, vector<1x128x256xf32>
      %get3A_291 = vector.shape_cast %get3A_290 : vector<1x128x256xf32> to vector<128x256xf32>
      %dot_general3A_292 = arith.constant dense<0.000000e+00> : vector<256x256xf32>
      %dot_general3A_293 = tpu.matmul %get3A_286, %get3A_291, %dot_general3A_292 {dimension_numbers = #tpu.dot_dimension_numbers<[1], [0], [0], [1], [0, 0, 1, 1], [], []>, transpose_lhs_hint = false} : vector<256x128xf32>, vector<128x256xf32>, vector<256x256xf32> -> vector<256x256xf32>
      %add3A_294 = arith.addf %dot_general3A_283, %dot_general3A_293 : vector<256x256xf32>
      %get3A_295 = arith.constant 512 : index
      %get3A_296 = arith.constant 0 : index
      %get3A_297 = vector.load %arg11[%get3A_295, %get3A_296] : memref<4096x128xf32, #tpu.memory_space<vmem>>, vector<256x128xf32>
      %get3A_298 = arith.constant 1 : index
      %get3A_299 = arith.constant 256 : index
      %get3A_300 = arith.constant 0 : index
      %get3A_301 = vector.load %arg10[%get3A_298, %get3A_299, %get3A_300] : memref<2x2048x256xf32, #tpu.memory_space<vmem>>, vector<1x128x256xf32>
      %get3A_302 = vector.shape_cast %get3A_301 : vector<1x128x256xf32> to vector<128x256xf32>
      %dot_general3A_303 = arith.constant dense<0.000000e+00> : vector<256x256xf32>
      %dot_general3A_304 = tpu.matmul %get3A_297, %get3A_302, %dot_general3A_303 {dimension_numbers = #tpu.dot_dimension_numbers<[1], [0], [0], [1], [0, 0, 1, 1], [], []>, transpose_lhs_hint = false} : vector<256x128xf32>, vector<128x256xf32>, vector<256x256xf32> -> vector<256x256xf32>
      %add3A_305 = arith.addf %add3A_294, %dot_general3A_304 : vector<256x256xf32>
      %get3A_306 = arith.constant 768 : index
      %get3A_307 = arith.constant 0 : index
      %get3A_308 = vector.load %arg11[%get3A_306, %get3A_307] : memref<4096x128xf32, #tpu.memory_space<vmem>>, vector<256x128xf32>
      %get3A_309 = arith.constant 1 : index
      %get3A_310 = arith.constant 384 : index
      %get3A_311 = arith.constant 0 : index
      %get3A_312 = vector.load %arg10[%get3A_309, %get3A_310, %get3A_311] : memref<2x2048x256xf32, #tpu.memory_space<vmem>>, vector<1x128x256xf32>
      %get3A_313 = vector.shape_cast %get3A_312 : vector<1x128x256xf32> to vector<128x256xf32>
      %dot_general3A_314 = arith.constant dense<0.000000e+00> : vector<256x256xf32>
      %dot_general3A_315 = tpu.matmul %get3A_308, %get3A_313, %dot_general3A_314 {dimension_numbers = #tpu.dot_dimension_numbers<[1], [0], [0], [1], [0, 0, 1, 1], [], []>, transpose_lhs_hint = false} : vector<256x128xf32>, vector<128x256xf32>, vector<256x256xf32> -> vector<256x256xf32>
      %add3A_316 = arith.addf %add3A_305, %dot_general3A_315 : vector<256x256xf32>
      %get3A_317 = arith.constant 1024 : index
      %get3A_318 = arith.constant 0 : index
      %get3A_319 = vector.load %arg11[%get3A_317, %get3A_318] : memref<4096x128xf32, #tpu.memory_space<vmem>>, vector<256x128xf32>
      %get3A_320 = arith.constant 1 : index
      %get3A_321 = arith.constant 512 : index
      %get3A_322 = arith.constant 0 : index
      %get3A_323 = vector.load %arg10[%get3A_320, %get3A_321, %get3A_322] : memref<2x2048x256xf32, #tpu.memory_space<vmem>>, vector<1x128x256xf32>
      %get3A_324 = vector.shape_cast %get3A_323 : vector<1x128x256xf32> to vector<128x256xf32>
      %dot_general3A_325 = arith.constant dense<0.000000e+00> : vector<256x256xf32>
      %dot_general3A_326 = tpu.matmul %get3A_319, %get3A_324, %dot_general3A_325 {dimension_numbers = #tpu.dot_dimension_numbers<[1], [0], [0], [1], [0, 0, 1, 1], [], []>, transpose_lhs_hint = false} : vector<256x128xf32>, vector<128x256xf32>, vector<256x256xf32> -> vector<256x256xf32>
      %add3A_327 = arith.addf %add3A_316, %dot_general3A_326 : vector<256x256xf32>
      %get3A_328 = arith.constant 1280 : index
      %get3A_329 = arith.constant 0 : index
      %get3A_330 = vector.load %arg11[%get3A_328, %get3A_329] : memref<4096x128xf32, #tpu.memory_space<vmem>>, vector<256x128xf32>
      %get3A_331 = arith.constant 1 : index
      %get3A_332 = arith.constant 640 : index
      %get3A_333 = arith.constant 0 : index
      %get3A_334 = vector.load %arg10[%get3A_331, %get3A_332, %get3A_333] : memref<2x2048x256xf32, #tpu.memory_space<vmem>>, vector<1x128x256xf32>
      %get3A_335 = vector.shape_cast %get3A_334 : vector<1x128x256xf32> to vector<128x256xf32>
      %dot_general3A_336 = arith.constant dense<0.000000e+00> : vector<256x256xf32>
      %dot_general3A_337 = tpu.matmul %get3A_330, %get3A_335, %dot_general3A_336 {dimension_numbers = #tpu.dot_dimension_numbers<[1], [0], [0], [1], [0, 0, 1, 1], [], []>, transpose_lhs_hint = false} : vector<256x128xf32>, vector<128x256xf32>, vector<256x256xf32> -> vector<256x256xf32>
      %add3A_338 = arith.addf %add3A_327, %dot_general3A_337 : vector<256x256xf32>
      %get3A_339 = arith.constant 1536 : index
      %get3A_340 = arith.constant 0 : index
      %get3A_341 = vector.load %arg11[%get3A_339, %get3A_340] : memref<4096x128xf32, #tpu.memory_space<vmem>>, vector<256x128xf32>
      %get3A_342 = arith.constant 1 : index
      %get3A_343 = arith.constant 768 : index
      %get3A_344 = arith.constant 0 : index
      %get3A_345 = vector.load %arg10[%get3A_342, %get3A_343, %get3A_344] : memref<2x2048x256xf32, #tpu.memory_space<vmem>>, vector<1x128x256xf32>
      %get3A_346 = vector.shape_cast %get3A_345 : vector<1x128x256xf32> to vector<128x256xf32>
      %dot_general3A_347 = arith.constant dense<0.000000e+00> : vector<256x256xf32>
      %dot_general3A_348 = tpu.matmul %get3A_341, %get3A_346, %dot_general3A_347 {dimension_numbers = #tpu.dot_dimension_numbers<[1], [0], [0], [1], [0, 0, 1, 1], [], []>, transpose_lhs_hint = false} : vector<256x128xf32>, vector<128x256xf32>, vector<256x256xf32> -> vector<256x256xf32>
      %add3A_349 = arith.addf %add3A_338, %dot_general3A_348 : vector<256x256xf32>
      %get3A_350 = arith.constant 1792 : index
      %get3A_351 = arith.constant 0 : index
      %get3A_352 = vector.load %arg11[%get3A_350, %get3A_351] : memref<4096x128xf32, #tpu.memory_space<vmem>>, vector<256x128xf32>
      %get3A_353 = arith.constant 1 : index
      %get3A_354 = arith.constant 896 : index
      %get3A_355 = arith.constant 0 : index
      %get3A_356 = vector.load %arg10[%get3A_353, %get3A_354, %get3A_355] : memref<2x2048x256xf32, #tpu.memory_space<vmem>>, vector<1x128x256xf32>
      %get3A_357 = vector.shape_cast %get3A_356 : vector<1x128x256xf32> to vector<128x256xf32>
      %dot_general3A_358 = arith.constant dense<0.000000e+00> : vector<256x256xf32>
      %dot_general3A_359 = tpu.matmul %get3A_352, %get3A_357, %dot_general3A_358 {dimension_numbers = #tpu.dot_dimension_numbers<[1], [0], [0], [1], [0, 0, 1, 1], [], []>, transpose_lhs_hint = false} : vector<256x128xf32>, vector<128x256xf32>, vector<256x256xf32> -> vector<256x256xf32>
      %add3A_360 = arith.addf %add3A_349, %dot_general3A_359 : vector<256x256xf32>
      %get3A_361 = arith.constant 2048 : index
      %get3A_362 = arith.constant 0 : index
      %get3A_363 = vector.load %arg11[%get3A_361, %get3A_362] : memref<4096x128xf32, #tpu.memory_space<vmem>>, vector<256x128xf32>
      %get3A_364 = arith.constant 1 : index
      %get3A_365 = arith.constant 1024 : index
      %get3A_366 = arith.constant 0 : index
      %get3A_367 = vector.load %arg10[%get3A_364, %get3A_365, %get3A_366] : memref<2x2048x256xf32, #tpu.memory_space<vmem>>, vector<1x128x256xf32>
      %get3A_368 = vector.shape_cast %get3A_367 : vector<1x128x256xf32> to vector<128x256xf32>
      %dot_general3A_369 = arith.constant dense<0.000000e+00> : vector<256x256xf32>
      %dot_general3A_370 = tpu.matmul %get3A_363, %get3A_368, %dot_general3A_369 {dimension_numbers = #tpu.dot_dimension_numbers<[1], [0], [0], [1], [0, 0, 1, 1], [], []>, transpose_lhs_hint = false} : vector<256x128xf32>, vector<128x256xf32>, vector<256x256xf32> -> vector<256x256xf32>
      %add3A_371 = arith.addf %add3A_360, %dot_general3A_370 : vector<256x256xf32>
      %get3A_372 = arith.constant 2304 : index
      %get3A_373 = arith.constant 0 : index
      %get3A_374 = vector.load %arg11[%get3A_372, %get3A_373] : memref<4096x128xf32, #tpu.memory_space<vmem>>, vector<256x128xf32>
      %get3A_375 = arith.constant 1 : index
      %get3A_376 = arith.constant 1152 : index
      %get3A_377 = arith.constant 0 : index
      %get3A_378 = vector.load %arg10[%get3A_375, %get3A_376, %get3A_377] : memref<2x2048x256xf32, #tpu.memory_space<vmem>>, vector<1x128x256xf32>
      %get3A_379 = vector.shape_cast %get3A_378 : vector<1x128x256xf32> to vector<128x256xf32>
      %dot_general3A_380 = arith.constant dense<0.000000e+00> : vector<256x256xf32>
      %dot_general3A_381 = tpu.matmul %get3A_374, %get3A_379, %dot_general3A_380 {dimension_numbers = #tpu.dot_dimension_numbers<[1], [0], [0], [1], [0, 0, 1, 1], [], []>, transpose_lhs_hint = false} : vector<256x128xf32>, vector<128x256xf32>, vector<256x256xf32> -> vector<256x256xf32>
      %add3A_382 = arith.addf %add3A_371, %dot_general3A_381 : vector<256x256xf32>
      %get3A_383 = arith.constant 2560 : index
      %get3A_384 = arith.constant 0 : index
      %get3A_385 = vector.load %arg11[%get3A_383, %get3A_384] : memref<4096x128xf32, #tpu.memory_space<vmem>>, vector<256x128xf32>
      %get3A_386 = arith.constant 1 : index
      %get3A_387 = arith.constant 1280 : index
      %get3A_388 = arith.constant 0 : index
      %get3A_389 = vector.load %arg10[%get3A_386, %get3A_387, %get3A_388] : memref<2x2048x256xf32, #tpu.memory_space<vmem>>, vector<1x128x256xf32>
      %get3A_390 = vector.shape_cast %get3A_389 : vector<1x128x256xf32> to vector<128x256xf32>
      %dot_general3A_391 = arith.constant dense<0.000000e+00> : vector<256x256xf32>
      %dot_general3A_392 = tpu.matmul %get3A_385, %get3A_390, %dot_general3A_391 {dimension_numbers = #tpu.dot_dimension_numbers<[1], [0], [0], [1], [0, 0, 1, 1], [], []>, transpose_lhs_hint = false} : vector<256x128xf32>, vector<128x256xf32>, vector<256x256xf32> -> vector<256x256xf32>
      %add3A_393 = arith.addf %add3A_382, %dot_general3A_392 : vector<256x256xf32>
      %get3A_394 = arith.constant 2816 : index
      %get3A_395 = arith.constant 0 : index
      %get3A_396 = vector.load %arg11[%get3A_394, %get3A_395] : memref<4096x128xf32, #tpu.memory_space<vmem>>, vector<256x128xf32>
      %get3A_397 = arith.constant 1 : index
      %get3A_398 = arith.constant 1408 : index
      %get3A_399 = arith.constant 0 : index
      %get3A_400 = vector.load %arg10[%get3A_397, %get3A_398, %get3A_399] : memref<2x2048x256xf32, #tpu.memory_space<vmem>>, vector<1x128x256xf32>
      %get3A_401 = vector.shape_cast %get3A_400 : vector<1x128x256xf32> to vector<128x256xf32>
      %dot_general3A_402 = arith.constant dense<0.000000e+00> : vector<256x256xf32>
      %dot_general3A_403 = tpu.matmul %get3A_396, %get3A_401, %dot_general3A_402 {dimension_numbers = #tpu.dot_dimension_numbers<[1], [0], [0], [1], [0, 0, 1, 1], [], []>, transpose_lhs_hint = false} : vector<256x128xf32>, vector<128x256xf32>, vector<256x256xf32> -> vector<256x256xf32>
      %add3A_404 = arith.addf %add3A_393, %dot_general3A_403 : vector<256x256xf32>
      %get3A_405 = arith.constant 3072 : index
      %get3A_406 = arith.constant 0 : index
      %get3A_407 = vector.load %arg11[%get3A_405, %get3A_406] : memref<4096x128xf32, #tpu.memory_space<vmem>>, vector<256x128xf32>
      %get3A_408 = arith.constant 1 : index
      %get3A_409 = arith.constant 1536 : index
      %get3A_410 = arith.constant 0 : index
      %get3A_411 = vector.load %arg10[%get3A_408, %get3A_409, %get3A_410] : memref<2x2048x256xf32, #tpu.memory_space<vmem>>, vector<1x128x256xf32>
      %get3A_412 = vector.shape_cast %get3A_411 : vector<1x128x256xf32> to vector<128x256xf32>
      %dot_general3A_413 = arith.constant dense<0.000000e+00> : vector<256x256xf32>
      %dot_general3A_414 = tpu.matmul %get3A_407, %get3A_412, %dot_general3A_413 {dimension_numbers = #tpu.dot_dimension_numbers<[1], [0], [0], [1], [0, 0, 1, 1], [], []>, transpose_lhs_hint = false} : vector<256x128xf32>, vector<128x256xf32>, vector<256x256xf32> -> vector<256x256xf32>
      %add3A_415 = arith.addf %add3A_404, %dot_general3A_414 : vector<256x256xf32>
      %get3A_416 = arith.constant 3328 : index
      %get3A_417 = arith.constant 0 : index
      %get3A_418 = vector.load %arg11[%get3A_416, %get3A_417] : memref<4096x128xf32, #tpu.memory_space<vmem>>, vector<256x128xf32>
      %get3A_419 = arith.constant 1 : index
      %get3A_420 = arith.constant 1664 : index
      %get3A_421 = arith.constant 0 : index
      %get3A_422 = vector.load %arg10[%get3A_419, %get3A_420, %get3A_421] : memref<2x2048x256xf32, #tpu.memory_space<vmem>>, vector<1x128x256xf32>
      %get3A_423 = vector.shape_cast %get3A_422 : vector<1x128x256xf32> to vector<128x256xf32>
      %dot_general3A_424 = arith.constant dense<0.000000e+00> : vector<256x256xf32>
      %dot_general3A_425 = tpu.matmul %get3A_418, %get3A_423, %dot_general3A_424 {dimension_numbers = #tpu.dot_dimension_numbers<[1], [0], [0], [1], [0, 0, 1, 1], [], []>, transpose_lhs_hint = false} : vector<256x128xf32>, vector<128x256xf32>, vector<256x256xf32> -> vector<256x256xf32>
      %add3A_426 = arith.addf %add3A_415, %dot_general3A_425 : vector<256x256xf32>
      %get3A_427 = arith.constant 3584 : index
      %get3A_428 = arith.constant 0 : index
      %get3A_429 = vector.load %arg11[%get3A_427, %get3A_428] : memref<4096x128xf32, #tpu.memory_space<vmem>>, vector<256x128xf32>
      %get3A_430 = arith.constant 1 : index
      %get3A_431 = arith.constant 1792 : index
      %get3A_432 = arith.constant 0 : index
      %get3A_433 = vector.load %arg10[%get3A_430, %get3A_431, %get3A_432] : memref<2x2048x256xf32, #tpu.memory_space<vmem>>, vector<1x128x256xf32>
      %get3A_434 = vector.shape_cast %get3A_433 : vector<1x128x256xf32> to vector<128x256xf32>
      %dot_general3A_435 = arith.constant dense<0.000000e+00> : vector<256x256xf32>
      %dot_general3A_436 = tpu.matmul %get3A_429, %get3A_434, %dot_general3A_435 {dimension_numbers = #tpu.dot_dimension_numbers<[1], [0], [0], [1], [0, 0, 1, 1], [], []>, transpose_lhs_hint = false} : vector<256x128xf32>, vector<128x256xf32>, vector<256x256xf32> -> vector<256x256xf32>
      %add3A_437 = arith.addf %add3A_426, %dot_general3A_436 : vector<256x256xf32>
      %get3A_438 = arith.constant 3840 : index
      %get3A_439 = arith.constant 0 : index
      %get3A_440 = vector.load %arg11[%get3A_438, %get3A_439] : memref<4096x128xf32, #tpu.memory_space<vmem>>, vector<256x128xf32>
      %get3A_441 = arith.constant 1 : index
      %get3A_442 = arith.constant 1920 : index
      %get3A_443 = arith.constant 0 : index
      %get3A_444 = vector.load %arg10[%get3A_441, %get3A_442, %get3A_443] : memref<2x2048x256xf32, #tpu.memory_space<vmem>>, vector<1x128x256xf32>
      %get3A_445 = vector.shape_cast %get3A_444 : vector<1x128x256xf32> to vector<128x256xf32>
      %dot_general3A_446 = arith.constant dense<0.000000e+00> : vector<256x256xf32>
      %dot_general3A_447 = tpu.matmul %get3A_440, %get3A_445, %dot_general3A_446 {dimension_numbers = #tpu.dot_dimension_numbers<[1], [0], [0], [1], [0, 0, 1, 1], [], []>, transpose_lhs_hint = false} : vector<256x128xf32>, vector<128x256xf32>, vector<256x256xf32> -> vector<256x256xf32>
      %add3A_448 = arith.addf %add3A_437, %dot_general3A_447 : vector<256x256xf32>
      %swap3A_449 = arith.constant 1 : index
      %swap3A_450 = arith.index_cast %multiple_of3A : i32 to index
      %swap3A_451 = arith.constant 0 : index
      %swap3A_452 = vector.load %arg8[%swap3A_449, %swap3A_450, %swap3A_451] : memref<2x2048x256xf32, #tpu.memory_space<vmem>>, vector<1x256x256xf32>
      %swap3A_453 = vector.shape_cast %swap3A_452 : vector<1x256x256xf32> to vector<256x256xf32>
      %swap3A_454 = vector.shape_cast %add3A_448 : vector<256x256xf32> to vector<1x256x256xf32>
      tpu.vector_store %arg8[%swap3A_449, %swap3A_450, %swap3A_451], %swap3A_454 {strides = array<i32>} : memref<2x2048x256xf32, #tpu.memory_space<vmem>>, vector<1x256x256xf32>,
    } else {
    }
    return
  }
  func.func @transform_0(%arg0: i32, %arg1: i32) -> (i32, i32, i32) {
    %c0_i32 = arith.constant 0 : i32
    %c0_i32_0 = arith.constant 0 : i32
    %c0_i32_1 = arith.constant 0 : i32
    %c0_i32_2 = arith.constant 0 : i32
    return %c0_i32, %c0_i32_0, %c0_i32_1 : i32, i32, i32
  }
  func.func @transform_1(%arg0: i32, %arg1: i32) -> (i32, i32) {
    %c0_i32 = arith.constant 0 : i32
    %c0_i32_0 = arith.constant 0 : i32
    return %arg1, %c0_i32 : i32, i32
  }
  func.func @transform_2(%arg0: i32, %arg1: i32) -> (i32, i32) {
    %c0_i32 = arith.constant 0 : i32
    %c0_i32_0 = arith.constant 0 : i32
    return %arg1, %c0_i32 : i32, i32
  }
  func.func @transform_3(%arg0: i32, %arg1: i32) -> (i32, i32) {
    %c0_i32 = arith.constant 0 : i32
    %c0_i32_0 = arith.constant 0 : i32
    return %arg1, %c0_i32 : i32, i32
  }
  func.func @transform_4(%arg0: i32, %arg1: i32) -> (i32, i32) {
    %c0_i32 = arith.constant 0 : i32
    %c0_i32_0 = arith.constant 0 : i32
    return %arg1, %c0_i32 : i32, i32
  }
  func.func @transform_5(%arg0: i32, %arg1: i32) -> (i32, i32) {
    %c0_i32 = arith.constant 0 : i32
    %c0_i32_0 = arith.constant 0 : i32
    %c0_i32_1 = arith.constant 0 : i32
    return %c0_i32, %c0_i32_0 : i32, i32
  }
  func.func @transform_6(%arg0: i32, %arg1: i32) -> (i32, i32, i32) {
    %c0_i32 = arith.constant 0 : i32
    %c0_i32_0 = arith.constant 0 : i32
    %c0_i32_1 = arith.constant 0 : i32
    %c0_i32_2 = arith.constant 0 : i32
    return %c0_i32, %c0_i32_0, %c0_i32_1 : i32, i32, i32
  }
}

</mosaic_0001>

<sc_bundles>
// kernel: kernel.6.cloned.1.call-start
scs
__scs_entry_jumppad:
0x0: {  	(pc) =	sbr.rel $0x88, $3  }
0x1: {  	(tag) =	ssettag $0x0;
	lr =	simm.s32 $0x1  }
0x2: {  	[smem:$0x3F98] =	sst lr;
	_ =	strace $0xD0000000  }
0x3: {  	_ = 	snop  }
0x4: {  	_ = 	snop  }
0x5: {  	_ = 	snop  }
0x6: {  	_ = 	snop  }
0x7: {  	_ = 	snop  }
__scs_overlays_trampoline_lowered:
0x8: {  	[smem:$0x3FA7] =	sst s0  }
0x9: {  	[smem:$0x3FA8] =	sst s1  }
0xa: {  	[smem:$0x3FA9] =	sst s2  }
0xb: {  	[smem:$0x3FAA] =	sst s3  }
0xc: {  	[smem:$0x3FAB] =	sst s4  }
0xd: {  	[smem:$0x3FAC] =	sst s5  }
0xe: {  	[smem:$0x3FAD] =	sst s6  }
0xf: {  	[smem:$0x3FAE] =	sst s7  }
0x10: {  	[smem:$0x3FAF] =	sst s8  }
0x11: {  	[smem:$0x3FB0] =	sst s9;
	s0 =	simm.s32 @!p0 $0x0  }
0x12: {  	s1 =	sld [smem:$0x3F96];
	s0 =	simm.s32 @p0 $0x1  }
0x13: {  	[smem:$0x3FB1] =	sst s0;
	s0 =	simm.s32 @!p1 $0x0  }
0x14: {  	s2 =	sld [smem:$0x3F95];
	s0 =	simm.s32 @p1 $0x1  }
0x15: {  	[smem:$0x3FB2] =	sst s0;
	s0 =	simm.s32 @!p2 $0x0  }
0x16: {  	s3 =	sld [smem:$0x3FDB];
	s0 =	simm.s32 @p2 $0x1  }
0x17: {  	s4 =	simm.s32 $0x1BF5;
	[smem:$0x3FB4] =	sst s0  }
0x18: {  	s0 =	sld [smem:$0x3F97];
	_ =	swait.ge [sflag:s4], $0x0  }
0x19: {  	s7 =	sld [smem:$0x3F98]  }
0x1a: {  	s8 =	sadd.s32 $0xFFFFE003, lr  }
0x1b: {  	s9 =	sadd.s32 $0xFFFFFEF7, lr;
	s5 =	simm.s32 $0xFFFFFFFF;
	p2 =	slt.u32 s8, $0xFFFFF086  }
0x1c: {  	p1 =	slt.u32 s9, $0xF7A;
	s5 =	simm.s32 @!p2 $0x0  }
0x1d: {  	s5 =	simm.s32 @p1 $0x1;
	p0 =	seq.s32 s7, s2  }
0x1e: {  	s7 =	smul.u32 @!p0 $0xF7A, s2;
	p2 =	seq.s32 @!p0 s5, $0x0  }
0x1f: {  	s9 =	smul.u32 $0xF7A, s1;
	s8 =	simm.s32 @!p0 $0x1BF5;
	p2 =	por !p2, p0  }
0x20: {  	[sflag:s8] =	ssyncset.s32 @!p0 $0xFFFFF086;
	s6 =	sadd.s32 @!p0 s3, s7;
	s7 =	simm.s32 @!p0 $0x108  }
0x21: {  	s3 =	sadd.s32 s3, s9;
	s6 =	sadd.s32 @!p0 $0x88, s6;
	s7 =	simm.s32 @p2 $0x1082  }
0x22: {  	[simem:s7], [sflag:s8] =	dma.local @!p0 [hbm:s6], $0xF7A  }
0x23: {  	s9 =	sor.u32 $0xD0000000, s2;
	s6 =	simm.s32 $0x108;
	_ =	swait.ge @!p0 [sflag:s8], $0x0  }
0x24: {  	s3 =	sadd.s32 $0x88, s3;
	s6 =	simm.s32 @!p1 $0x1082;
	[sflag:s4] =	ssyncset.s32 $0xFFFFF086  }
0x25: {  	[simem:s6], [sflag:s4] =	dma.local [hbm:s3], $0xF7A  }
0x26: {  	[smem:$0x3F98] =	sst s1;
	(tag) =	ssettag s2;
	_ =	strace s9  }
0x27: {  	s1 =	sld [smem:$0x3FA8]  }
0x28: {  	s2 =	sld [smem:$0x3FA9]  }
0x29: {  	s4 =	sld [smem:$0x3FAB]  }
0x2a: {  	p0 =	seq.s32 s5, $0x0;
	s5 =	sld [smem:$0x3FAC]  }
0x2b: {  	s6 =	sld [smem:$0x3FAD]  }
0x2c: {  	s7 =	sld [smem:$0x3FAE]  }
0x2d: {  	s3 =	simm.s32 $0x108;
	s8 =	sld [smem:$0x3FAF]  }
0x2e: {  	s3 =	simm.s32 @!p0 $0x1082;
	s9 =	sld [smem:$0x3FB0]  }
0x2f: {  	lr =	sadd.s32 s0, s3;
	s0 =	sld [smem:$0x3FA7]  }
0x30: {  	s3 =	sld [smem:$0x3FAA]  }
0x31: {  	[smem:$0x3FB3] =	sst s10  }
0x32: {  	s10 =	sld [smem:$0x3FB1];
	_ =	sdelay $0x3  }
0x33: {  	p0 =	seq.s32 s10, $0x1;
	s10 =	sld [smem:$0x3FB3];
	_ =	sdelay $0x3  }
0x34: {  	[smem:$0x3FB3] =	sst s10  }
0x35: {  	s10 =	sld [smem:$0x3FB2];
	_ =	sdelay $0x3  }
0x36: {  	p1 =	seq.s32 s10, $0x1;
	s10 =	sld [smem:$0x3FB3];
	_ =	sdelay $0x3  }
0x37: {  	[smem:$0x3FB3] =	sst s10  }
0x38: {  	s10 =	sld [smem:$0x3FB4]  }
0x39: {  	_ = 	snop;
	(pc) =	sbr.ind lr, $3  }
0x3a: {  	_ = 	snop  }
0x3b: {  	_ = 	snop  }
0x3c: {  	p2 =	seq.s32 s10, $0x1;
	s10 =	sld [smem:$0x3FB3]  }
0x3d: {  	_ =	shalt  }
0x3e: {  	_ =	shalt  }
0x3f: {  	_ =	shalt  }
0x40: {  	_ =	shalt  }
0x41: {  	_ =	shalt  }
0x42: {  	_ =	shalt  }
0x43: {  	_ =	shalt  }
0x44: {  	_ =	shalt  }
0x45: {  	_ =	shalt  }
0x46: {  	_ =	shalt  }
0x47: {  	_ =	shalt  }
0x48: {  	_ =	shalt  }
0x49: {  	_ =	shalt  }
0x4a: {  	_ =	shalt  }
0x4b: {  	_ =	shalt  }
0x4c: {  	_ =	shalt  }
0x4d: {  	_ =	shalt  }
0x4e: {  	_ =	shalt  }
0x4f: {  	_ =	shalt  }
0x50: {  	_ =	shalt  }
0x51: {  	_ =	shalt  }
0x52: {  	_ =	shalt  }
0x53: {  	_ =	shalt  }
0x54: {  	_ =	shalt  }
0x55: {  	_ =	shalt  }
0x56: {  	_ =	shalt  }
0x57: {  	_ =	shalt  }
0x58: {  	_ =	shalt  }
0x59: {  	_ =	shalt  }
0x5a: {  	_ =	shalt  }
0x5b: {  	_ =	shalt  }
0x5c: {  	_ =	shalt  }
0x5d: {  	_ =	shalt  }
0x5e: {  	_ =	shalt  }
0x5f: {  	_ =	shalt  }
0x60: {  	_ =	shalt  }
0x61: {  	_ =	shalt  }
0x62: {  	_ =	shalt  }
0x63: {  	_ =	shalt  }
0x64: {  	_ =	shalt  }
0x65: {  	_ =	shalt  }
0x66: {  	_ =	shalt  }
0x67: {  	_ =	shalt  }
0x68: {  	_ =	shalt  }
0x69: {  	_ =	shalt  }
0x6a: {  	_ =	shalt  }
0x6b: {  	_ =	shalt  }
0x6c: {  	_ =	shalt  }
0x6d: {  	_ =	shalt  }
0x6e: {  	_ =	shalt  }
0x6f: {  	_ =	shalt  }
0x70: {  	_ =	shalt  }
0x71: {  	_ =	shalt  }
0x72: {  	_ =	shalt  }
0x73: {  	_ =	shalt  }
0x74: {  	_ =	shalt  }
0x75: {  	_ =	shalt  }
0x76: {  	_ =	shalt  }
0x77: {  	_ =	shalt  }
0x78: {  	_ =	shalt  }
0x79: {  	_ =	shalt  }
0x7a: {  	_ =	shalt  }
0x7b: {  	_ =	shalt  }
0x7c: {  	_ =	shalt  }
0x7d: {  	_ =	shalt  }
0x7e: {  	_ =	shalt  }
0x7f: {  	_ =	shalt  }
0x80: {  	_ =	shalt  }
0x81: {  	_ =	shalt  }
0x82: {  	_ =	shalt  }
0x83: {  	_ =	shalt  }
0x84: {  	_ =	shalt  }
0x85: {  	_ =	shalt  }
0x86: {  	_ =	shalt  }
0x87: {  	_ =	shalt  }
.Lfunc_end0:
.L_simem_size_0:
called_computation_lowered:
.L_overlay_start_0:
0x88: {  	s2 =	sld [smem:$0x3FD9]  }
0x89: {  	s3 =	sld [smem:$0x3FFE];
	_ =	sdelay $0x1  }
0x8a: {  	s1 =	srdreg.scid  }
0x8b: {  	s0 =	sand.u32 $0x1, s1  }
0x8c: {  	s17 =	sshll.u32 s0, $0xA;
	s2 =	sadd.s32 s3, s2  }
0x8d: {  	s2 =	sadd.s32 s2, s17  }
0x8e: {  	[smem:$0x3FBF] =	sst s2  }
0x8f: {  	_ = 	snop  }
0x90: {  	s2 =	sld [smem:$0x3FC9]  }
0x91: {  	s18 =	sld [smem:$0x3FC8];
	(tm) =	ssettm $0x1  }
0x92: {  	s4 =	sld [smem:$0x3FFB];
	_ =	sdelay $0x3  }
0x93: {  	_ =	strace s4  }
0x94: {  	s4 =	sld [smem:$0x3FFC];
	_ =	sdelay $0x3  }
0x95: {  	_ =	strace s4  }
0x96: {  	s4 =	sld [smem:$0x3FFD];
	_ =	sdelay $0x3  }
0x97: {  	_ =	strace s4  }
0x98: {  	_ =	strace $0x8FFFFFFF  }
0x99: {  	s19 =	sld [smem:$0x3FDB];
	_ =	sdelay $0x1  }
0x9a: {  	s5 =	simm.s32 $_scs_section_size  }
0x9b: {  	s6 =	simm.s32 $_size__tile_overlayer_lowered;
	s7 =	simm.s32 $_tile_overlayer_lowered  }
0x9c: {  	s22 =	simm.s32 $0x1BFF;
	s21 =	sshll.u32 s7, $0x1;
	s4 =	sadd.s32 s5, s19  }
0x9d: {  	s8 =	simm.s32 $0x0;
	s20 =	sshll.u32 s6, $0x1;
	s6 =	sadd.s32 s21, s4  }
0x9e: {  	[timem:s8], [sflag:s22] =	dma.local [hbm:s6], s20  }
0x9f: {  	_ =	swait.ge [sflag:s22], s20  }
0xa0: {  	s5 =	ssub.s32 $0x0, s20;
	[sflag:s22] =	ssyncset.done $0x0  }
0xa1: {  	[sflag:s22] =	ssyncadd.s32 s5;
	_ =	sdelay $0x1  }
0xa2: {  	s23 =	simm.s32 $0x1B8B  }
0xa3: {  	_ =	swait.ge [sflag:s23], $0x1  }
0xa4: {  	[sflag:s23] =	ssyncset.done $0x0  }
0xa5: {  	s25 =	simm.s32 $0x1B8E;
	s24 =	sld [smem:$0x3FFE];
	[sflag:s23] =	ssyncadd.s32 $0xFFFFFFFF  }
0xa6: {  	s26 =	simm.s32 $execute0_lowered;
	[smem:$0x3FD2] =	sst s25  }
0xa7: {  	s6 =	sshll.u32 s26, $0x1;
	_ =	strace $0x80000046;
	[dreg:$0x1] =	wrdreg $0xFFFFFFFF  }
0xa8: {  	s28 =	simm.s32 $_size_execute0_lowered;
	s4 =	sadd.s32 s4, s6;
	[dreg:$0x0] =	wrdreg $0x0  }
0xa9: {  	s6 =	sshll.u32 s28, $0x1;
	[dreg:$0x2] =	wrdreg s4  }
0xaa: {  	[dreg:$0x3] =	wrdreg s6  }
0xab: {  	[dreg:$0x4] =	wrdreg $0xC0  }
0xac: {  	_ =	task [dreg:s8], $0x5FFFF  }
0xad: {  	[dreg:$0x1] =	wrdreg $0xFFFFFFFF  }
0xae: {  	[dreg:$0x0] =	wrdreg $0x60  }
0xaf: {  	[dreg:$0x2] =	wrdreg s2  }
0xb0: {  	[dreg:$0x3] =	wrdreg s18  }
0xb1: {  	[dreg:$0x4] =	wrdreg s24  }
0xb2: {  	[dreg:$0x5] =	wrdreg $0xA8000  }
0xb3: {  	[dreg:$0x6] =	wrdreg $0x9  }
0xb4: {  	_ =	task.clear_ibuf [dreg:s8], $0x7FFFF;
	_ =	strace $0x90000046  }
0xb5: {  	s29 =	simm.s32 $0x9;
	_ =	strace $0x80000048  }
0xb6: {  	_ =	swait.ge [sflag:s29], $0x1  }
0xb7: {  	[sflag:s29] =	ssyncadd.s32 $0xFFFFFFFF  }
0xb8: {  	_ =	strace $0x90000048  }
0xb9: {  	_ =	sfence  }
0xba: {  	s30 =	sld [smem:$0x0];
	_ =	sdelay $0x2  }
0xbb: {  	s31 =	sshll.u32 s1, $0xD;
	s1 =	sshrl.u32 s1, $0x2  }
0xbc: {  	s3 =	sand.u32 $0x4000, s31;
	s1 =	sadd.s32 s1, s30  }
0xbd: {  	s0 =	sor.u32 s3, s0;
	s1 =	sshll.u32 s1, $0x11  }
0xbe: {  	s0 =	sor.u32 s1, s0  }
0xbf: {  	s0 =	sadd.s32 $0x8F2B, s0  }
0xc0: {  	[sflag:s0] =	ssyncadd.remote.s32 $0x1  }
0xc1: {  	_ =	sfence.sel $0xFFFF  }
0xc2: {  	[dreg:$0x0] =	wrdreg $0xFFFFFFFF;
	(pc) =	sbr.abs _section_cstart, $3  }
0xc3: {  	[dreg:$0x1] =	wrdreg $0xFFFFFFFF  }
0xc4: {  	_ =	task.clear_ibuf [dreg:s8], $0x2FFFF;
	_ =	strace $0x9FFFFFFF  }
0xc5: {  	(tm) =	ssettm $0x7FFFFFFF  }
tec
execute0_lowered:
.L_overlay_start_1:
0x0: {  	(tag) =	ssettag $0x1  }
0x1: {  	s1 =	rddreg [dreg:$0x0]  }
0x2: {  	s3 =	rddreg [dreg:$0x1]  }
0x3: {  	s2 =	rddreg [dreg:$0x2]  }
0x4: {  	s0 =	simm.s32 $0x0;
	s4 =	srdreg.scid;
	s13 =	stileid.u32  }
0x5: {  	[smem:$0x7FF] =	sst s0;
	s5 =	sadd.s32 $0x800, s2;
	s6 =	sadd.s32 $0x80800, s2  }
0x6: {  	s4 =	sand.u32 $0x1, s4;
	s7 =	sadd.s32 $0x100800, s2;
	s10 =	sshll.u32 s13, $0xF  }
0x7: {  	s12 =	sadd.s32 $0x180800, s2;
	s23 =	sshll.u32 s13, $0x9;
	s24 =	sshll.u32 s13, $0xA  }
0x8: {  	s8 =	ssub.s32 $0x2, s4;
	s11 =	sshll.u32 s4, $0x13;
	s2 =	sadd.s32 s1, s23  }
0x9: {  	s3 =	sadd.s32 s3, s24;
	s1 =	sor.u32 $0x2, s4;
	s9 =	sshrl.u32 s8, $0x1  }
0xa: {  	s22 =	sor.u32 s10, s11;
	s11 =	sor.u32 $0x6, s4;
	s14 =	sshll.u32 s1, $0x13  }
0xb: {  	s28 =	sadd.s32 $0x10, s3;
	s29 =	sadd.s32 $0x4000, s2;
	s30 =	sadd.s32 $0x4010, s2  }
0xc: {  	s31 =	sadd.s32 $0x20, s3;
	s8 =	ssub.s32 s8, s9;
	s13 =	sshrl.u32 s22, $0x3  }
0xd: {  	s9 =	sor.u32 $0x4, s4;
	s16 =	sshll.u32 s11, $0x13;
	s14 =	sor.u32 s10, s14  }
0xe: {  	s25 =	sadd.s32 s5, s13;
	s15 =	sshll.u32 s9, $0x13;
	s16 =	sor.u32 s10, s16  }
0xf: {  	s14 =	sshrl.u32 s14, $0x3;
	s18 =	sadd.s32 s6, s13;
	[dreg:$0x5] =	wrdreg s25  }
0x10: {  	s22 =	sadd.s32 s7, s13;
	s9 =	sshll.u32 s9, $0x8;
	[dreg:$0x9] =	wrdreg s18  }
0x11: {  	s15 =	sor.u32 s10, s15;
	s17 =	sadd.s32 s5, s14;
	[dreg:$0xd] =	wrdreg s22  }
0x12: {  	s16 =	sshrl.u32 s16, $0x3;
	s19 =	sadd.s32 s6, s14;
	[dreg:$0x6] =	wrdreg s17  }
0x13: {  	s23 =	sadd.s32 s7, s14;
	s15 =	sshrl.u32 s15, $0x3;
	[dreg:$0xa] =	wrdreg s19  }
0x14: {  	s21 =	sadd.s32 s6, s16;
	[dreg:$0xe] =	wrdreg s23;
	s25 =	sadd.s32 s7, s16  }
0x15: {  	s17 =	rddreg [dreg:$0x3];
	s23 =	smax.u32 s8, $0x1;
	s8 =	simm.s32 $0x800  }
0x16: {  	s26 =	sadd.s32 s5, s15;
	s5 =	sadd.s32 s5, s16;
	[dreg:$0xc] =	wrdreg s21  }
0x17: {  	s20 =	sadd.s32 s6, s15;
	s24 =	sadd.s32 s7, s15;
	[dreg:$0x10] =	wrdreg s25  }
0x18: {  	s6 =	sadd.s32 s12, s14;
	s7 =	sadd.s32 s12, s15;
	[dreg:$0x7] =	wrdreg s26  }
0x19: {  	s14 =	sshll.u32 s4, $0x8;
	s22 =	sadd.s32 s10, s17;
	[dreg:$0x8] =	wrdreg s5  }
0x1a: {  	s15 =	sshll.u32 s1, $0x8;
	s25 =	sadd.s32 $0x2000, s2;
	[dreg:$0xb] =	wrdreg s20  }
0x1b: {  	s1 =	sadd.s32 $0x6010, s2;
	s4 =	sadd.s32 $0x30, s3;
	[dreg:$0xf] =	wrdreg s24  }
0x1c: {  	s10 =	simm.s32 $0x1000;
	s26 =	sadd.s32 s12, s13;
	[dreg:$0x12] =	wrdreg s6  }
0x1d: {  	[dreg:$0x13] =	wrdreg s7;
	s13 =	sadd.s32 s12, s16;
	s16 =	sshll.u32 s11, $0x8  }
0x1e: {  	s24 =	sadd.s32 $0x10, s2;
	s18 =	sadd.s32 $0x100, s14;
	s19 =	sadd.s32 $0x100, s15  }
0x1f: {  	s20 =	sadd.s32 $0x100, s9;
	s5 =	simm.s32 $0x80;
	s6 =	simm.s32 $0x100  }
0x20: {  	v4 =	vmov s9;
	s7 =	simm.s32 $0x2;
	s9 =	simm.s32 $0x200;
	s11 =	simm.s32 $0x2800  }
0x21: {  	v8 =	vimm.f32 $0.0e+00;
	v0 =	vmov s14;
	s12 =	simm.s32 $0x1800;
	s14 =	simm.s32 $0x2000;
	[dreg:$0x11] =	wrdreg s26  }
0x22: {  	v2 =	vmov s15;
	s15 =	simm.s32 $0x1;
	[dreg:$0x14] =	wrdreg s13;
	s21 =	sadd.s32 $0x100, s16;
	v1 =	vmov s18;
	v3 =	vmov s19  }
0x23: {  	s26 =	sadd.s32 $0x2010, s2;
	s13 =	sadd.s32 $0x6000, s2;
	v5 =	vmov s20;
	v6 =	vmov s16;
	_ =	strace $0x80000047;
	v7 =	vmov s21  }
.LBB2_1:
0x24: {  	s16 =	simm.s32 $0x40;
	s18 =	simm.s32 $0x0  }
.LBB2_2:
0x25: {  	p0 =	sne.s32 s16, $0x1FFC0;
	[tilespmem:s18+$0x2800] =	vst v8;
	s18 =	smov.u32 s16;
	s16 =	sadd.s32 $0x40, s16  }
.Ltmp0:
0x26: {  	(pc) =	sbr.rel @p0 .LBB2_2-.Ltmp0, $2  }
0x27: {  	_ =	sdelay $0x2  }
0x28: {  	s18 =	sshra.s32 s18, $0x2  }
0x29: {  	[tilespmem:s18+$0x2800] =	vst v8;
	s16 =	simm.s32 $0x0  }
0x2a: {  	[tilespmem:s16], [sflag:$0x2] =	stream.strided.gather [hbm4b:s2+s5], $0x800, s6, s5, $0x38;
	[tilespmem:$0x12800] =	vst v63  }
0x2b: {  	_ =	swait.ge [sflag:s7], $0x800  }
0x2c: {  	[sflag:s7] =	ssyncset.done $0x0  }
0x2d: {  	[sflag:s7] =	ssyncadd.s32 $0xFFFFF800  }
0x2e: {  	[tilespmem:s8], [sflag:$0x2] =	stream.strided.gather [hbm4b:s24+s5], $0x800, s6, s5, $0x38;
	[tilespmem:$0x12800] =	vst v63  }
0x2f: {  	_ =	swait.ge [sflag:s7], $0x800  }
0x30: {  	[sflag:s7] =	ssyncset.done $0x0  }
0x31: {  	[sflag:s7] =	ssyncadd.s32 $0xFFFFF800  }
0x32: {  	[tilespmem:s10], [sflag:$0x2] =	stream.strided.gather [hbm4b:s3+s5], $0x800, s9, s5, $0x38;
	[tilespmem:$0x12800] =	vst v63  }
0x33: {  	_ =	swait.ge [sflag:s7], $0x800  }
0x34: {  	[sflag:s7] =	ssyncset.done $0x0  }
0x35: {  	s16 =	simm.s32 $0x0;
	[sflag:s7] =	ssyncadd.s32 $0xFFFFF800  }
0x36: {  	v10 =	vld [tilespmem:s16+$0x0]  }
0x37: {  	v11 =	vld [tilespmem:s16+$0x800];
	_ =	sdelay $0x1  }
0x38: {  	v9 =	vld [tilespmem:s16+$0x1000]  }
0x39: {  	s18 =	simm.s32 $0x40  }
.LBB2_4:
0x3a: {  	s19 =	sshra.s32 s18, $0x2;
	p0 =	sne.s32 s18, $0x1FC0;
	s18 =	sadd.s32 $0x40, s18;
	vm0 =	vge.s32 v10, v0;
	vm1 =	vlt.s32 v10, v1;
	v12 =	vshll.u32 v10, $0x7  }
.Ltmp1:
0x3b: {  	v10 =	vld [tilespmem:s19+$0x0];
	v13 =	vshll.u32 v11, $0x8;
	v12 =	vand.u32 $0x7F80, v12;
	v14 =	vand.u32 $0x7F, v11;
	(pc) =	sbr.rel @p0 .LBB2_4-.Ltmp1, $4  }
0x3c: {  	vm0 =	vmand vm0, vm1;
	v11 =	vld [tilespmem:s19+$0x800];
	v13 =	vand.u32 $0xFFFF8000, v13;
	v12 =	vor.u32 v12, v14  }
0x3d: {  	v12 =	vor.u32 v13, v12;
	v13 =	vnsel vm0, $0x0, v9;
	v9 =	vld [tilespmem:s19+$0x1000]  }
0x3e: {  	[tilespmem:s16+$0x1800] =	vst v12  }
0x3f: {  	[tilespmem:s16+$0x2000] =	vst v13;
	s16 =	smov.u32 s19  }
0x40: {  	vm0 =	vge.s32 v10, v0  }
0x41: {  	v12 =	vshll.u32 v10, $0x7;
	vm1 =	vlt.s32 v10, v1;
	v13 =	vshll.u32 v11, $0x8  }
0x42: {  	v12 =	vand.u32 $0x7F80, v12;
	v11 =	vand.u32 $0x7F, v11;
	vm0 =	vmand vm0, vm1  }
0x43: {  	v10 =	vand.u32 $0xFFFF8000, v13;
	v11 =	vor.u32 v12, v11;
	v9 =	vnsel vm0, $0x0, v9  }
0x44: {  	v10 =	vor.u32 v10, v11;
	[tilespmem:s16+$0x2000] =	vst v9  }
0x45: {  	[tilespmem:s16+$0x1800] =	vst v10  }
0x46: {  	[spmem:s22] =	stream.linear.scatter [tilespmem:s11], [sflag:$0x2], $0x8000, $0x38;
	[tilespmem:$0x12800] =	vst v63  }
0x47: {  	_ =	swait.ge [sflag:s7], $0x8000  }
0x48: {  	[sflag:s7] =	ssyncset.done $0x0  }
0x49: {  	[sflag:s7] =	ssyncadd.s32 $0xFFFF8000  }
0x4a: {  	[bflag:$0x0] =	sbarrier.arrive $0xFFFF  }
0x4b: {  	[spmem:s17] =	stream.indirect.scatter.add.f32 [tilespmem:s14], [sflag:$0x2], $0x1, s12, s8, $0xb8;
	[tilespmem:$0x12800] =	vst v63  }
0x4c: {  	_ =	swait.ge [sflag:s7], $0x800  }
0x4d: {  	[sflag:s7] =	ssyncset.done $0x0  }
0x4e: {  	s21 =	stileid.u32;
	[sflag:s7] =	ssyncadd.s32 $0xFFFFF800  }
0x4f: {  	s16 =	sshll.u32 s21, $0x6;
	[bflag:$0x0] =	sbarrier.arrive $0xFFFF  }
0x50: {  	s18 =	sshrl.u32 s22, $0x3;
	s16 =	sor.u32 $0x1C01, s16;
	s19 =	rddreg [dreg:$0x5]  }
0x51: {  	[hbm:s19], [sflag:s16] =	dma.local [spmem:s18], $0x1000  }
0x52: {  	s19 =	simm.s32 $0x0  }
0x53: {  	v10 =	vld [tilespmem:s19+$0x0]  }
0x54: {  	v11 =	vld [tilespmem:s19+$0x800];
	_ =	sdelay $0x1  }
0x55: {  	v9 =	vld [tilespmem:s19+$0x1000]  }
0x56: {  	s20 =	simm.s32 $0x40  }
.LBB2_6:
0x57: {  	s21 =	sshra.s32 s20, $0x2;
	p0 =	sne.s32 s20, $0x1FC0;
	s20 =	sadd.s32 $0x40, s20;
	vm0 =	vge.s32 v10, v2;
	vm1 =	vlt.s32 v10, v3;
	v12 =	vshll.u32 v10, $0x7  }
.Ltmp2:
0x58: {  	v10 =	vld [tilespmem:s21+$0x0];
	v13 =	vshll.u32 v11, $0x8;
	v12 =	vand.u32 $0x7F80, v12;
	v14 =	vand.u32 $0x7F, v11;
	(pc) =	sbr.rel @p0 .LBB2_6-.Ltmp2, $4  }
0x59: {  	vm0 =	vmand vm0, vm1;
	v11 =	vld [tilespmem:s21+$0x800];
	v13 =	vand.u32 $0xFFFF8000, v13;
	v12 =	vor.u32 v12, v14  }
0x5a: {  	v12 =	vor.u32 v13, v12;
	v13 =	vnsel vm0, $0x0, v9;
	v9 =	vld [tilespmem:s21+$0x1000]  }
0x5b: {  	[tilespmem:s19+$0x1800] =	vst v12  }
0x5c: {  	[tilespmem:s19+$0x2000] =	vst v13;
	s19 =	smov.u32 s21  }
0x5d: {  	vm0 =	vge.s32 v10, v2  }
0x5e: {  	v12 =	vshll.u32 v10, $0x7;
	vm1 =	vlt.s32 v10, v3;
	v13 =	vshll.u32 v11, $0x8  }
0x5f: {  	v12 =	vand.u32 $0x7F80, v12;
	v11 =	vand.u32 $0x7F, v11;
	vm0 =	vmand vm0, vm1  }
0x60: {  	v10 =	vand.u32 $0xFFFF8000, v13;
	v11 =	vor.u32 v12, v11;
	v9 =	vnsel vm0, $0x0, v9  }
0x61: {  	v10 =	vor.u32 v10, v11;
	[tilespmem:s19+$0x2000] =	vst v9  }
0x62: {  	[tilespmem:s19+$0x1800] =	vst v10  }
0x63: {  	_ =	swait.ge [sflag:s15], $0x1000  }
0x64: {  	[sflag:s15] =	ssyncset.done $0x0  }
0x65: {  	[sflag:s15] =	ssyncadd.s32 $0xFFFFF000  }
0x66: {  	[spmem:s22] =	stream.linear.scatter [tilespmem:s11], [sflag:$0x2], $0x8000, $0x38;
	[tilespmem:$0x12800] =	vst v63  }
0x67: {  	_ =	swait.ge [sflag:s7], $0x8000  }
0x68: {  	[sflag:s7] =	ssyncset.done $0x0  }
0x69: {  	[sflag:s7] =	ssyncadd.s32 $0xFFFF8000  }
0x6a: {  	[bflag:$0x0] =	sbarrier.arrive $0xFFFF  }
0x6b: {  	[spmem:s17] =	stream.indirect.scatter.add.f32 [tilespmem:s14], [sflag:$0x2], $0x1, s12, s8, $0xb8;
	[tilespmem:$0x12800] =	vst v63  }
0x6c: {  	_ =	swait.ge [sflag:s7], $0x800  }
0x6d: {  	[sflag:s7] =	ssyncset.done $0x0  }
0x6e: {  	[sflag:s7] =	ssyncadd.s32 $0xFFFFF800  }
0x6f: {  	[bflag:$0x0] =	sbarrier.arrive $0xFFFF  }
0x70: {  	s19 =	simm.s32 $0x0;
	s21 =	rddreg [dreg:$0x6]  }
0x71: {  	[hbm:s21], [sflag:s16] =	dma.local [spmem:s18], $0x1000  }
0x72: {  	v10 =	vld [tilespmem:s19+$0x0]  }
0x73: {  	v11 =	vld [tilespmem:s19+$0x800];
	_ =	sdelay $0x1  }
0x74: {  	v9 =	vld [tilespmem:s19+$0x1000]  }
0x75: {  	s20 =	simm.s32 $0x40  }
.LBB2_8:
0x76: {  	s21 =	sshra.s32 s20, $0x2;
	p0 =	sne.s32 s20, $0x1FC0;
	s20 =	sadd.s32 $0x40, s20;
	vm0 =	vge.s32 v10, v4;
	vm1 =	vlt.s32 v10, v5;
	v12 =	vshll.u32 v10, $0x7  }
.Ltmp3:
0x77: {  	v10 =	vld [tilespmem:s21+$0x0];
	v13 =	vshll.u32 v11, $0x8;
	v12 =	vand.u32 $0x7F80, v12;
	v14 =	vand.u32 $0x7F, v11;
	(pc) =	sbr.rel @p0 .LBB2_8-.Ltmp3, $4  }
0x78: {  	vm0 =	vmand vm0, vm1;
	v11 =	vld [tilespmem:s21+$0x800];
	v13 =	vand.u32 $0xFFFF8000, v13;
	v12 =	vor.u32 v12, v14  }
0x79: {  	v12 =	vor.u32 v13, v12;
	v13 =	vnsel vm0, $0x0, v9;
	v9 =	vld [tilespmem:s21+$0x1000]  }
0x7a: {  	[tilespmem:s19+$0x1800] =	vst v12  }
0x7b: {  	[tilespmem:s19+$0x2000] =	vst v13;
	s19 =	smov.u32 s21  }
0x7c: {  	vm0 =	vge.s32 v10, v4  }
0x7d: {  	v12 =	vshll.u32 v10, $0x7;
	vm1 =	vlt.s32 v10, v5;
	v13 =	vshll.u32 v11, $0x8  }
0x7e: {  	v12 =	vand.u32 $0x7F80, v12;
	v11 =	vand.u32 $0x7F, v11;
	vm0 =	vmand vm0, vm1  }
0x7f: {  	v10 =	vand.u32 $0xFFFF8000, v13;
	v11 =	vor.u32 v12, v11;
	v9 =	vnsel vm0, $0x0, v9  }
0x80: {  	v10 =	vor.u32 v10, v11;
	[tilespmem:s19+$0x2000] =	vst v9  }
0x81: {  	[tilespmem:s19+$0x1800] =	vst v10  }
0x82: {  	_ =	swait.ge [sflag:s15], $0x1000  }
0x83: {  	[sflag:s15] =	ssyncset.done $0x0  }
0x84: {  	[sflag:s15] =	ssyncadd.s32 $0xFFFFF000  }
0x85: {  	[spmem:s22] =	stream.linear.scatter [tilespmem:s11], [sflag:$0x2], $0x8000, $0x38;
	[tilespmem:$0x12800] =	vst v63  }
0x86: {  	_ =	swait.ge [sflag:s7], $0x8000  }
0x87: {  	[sflag:s7] =	ssyncset.done $0x0  }
0x88: {  	[sflag:s7] =	ssyncadd.s32 $0xFFFF8000  }
0x89: {  	[bflag:$0x0] =	sbarrier.arrive $0xFFFF  }
0x8a: {  	[spmem:s17] =	stream.indirect.scatter.add.f32 [tilespmem:s14], [sflag:$0x2], $0x1, s12, s8, $0xb8;
	[tilespmem:$0x12800] =	vst v63  }
0x8b: {  	_ =	swait.ge [sflag:s7], $0x800  }
0x8c: {  	[sflag:s7] =	ssyncset.done $0x0  }
0x8d: {  	[sflag:s7] =	ssyncadd.s32 $0xFFFFF800  }
0x8e: {  	[bflag:$0x0] =	sbarrier.arrive $0xFFFF  }
0x8f: {  	s19 =	simm.s32 $0x0;
	s21 =	rddreg [dreg:$0x7]  }
0x90: {  	[hbm:s21], [sflag:s16] =	dma.local [spmem:s18], $0x1000  }
0x91: {  	v10 =	vld [tilespmem:s19+$0x0]  }
0x92: {  	v11 =	vld [tilespmem:s19+$0x800];
	_ =	sdelay $0x1  }
0x93: {  	v9 =	vld [tilespmem:s19+$0x1000]  }
0x94: {  	s20 =	simm.s32 $0x40  }
.LBB2_10:
0x95: {  	s21 =	sshra.s32 s20, $0x2;
	p0 =	sne.s32 s20, $0x1FC0;
	s20 =	sadd.s32 $0x40, s20;
	vm0 =	vge.s32 v10, v6;
	vm1 =	vlt.s32 v10, v7;
	v12 =	vshll.u32 v10, $0x7  }
.Ltmp4:
0x96: {  	v10 =	vld [tilespmem:s21+$0x0];
	v13 =	vshll.u32 v11, $0x8;
	v12 =	vand.u32 $0x7F80, v12;
	v14 =	vand.u32 $0x7F, v11;
	(pc) =	sbr.rel @p0 .LBB2_10-.Ltmp4, $4  }
0x97: {  	vm0 =	vmand vm0, vm1;
	v11 =	vld [tilespmem:s21+$0x800];
	v13 =	vand.u32 $0xFFFF8000, v13;
	v12 =	vor.u32 v12, v14  }
0x98: {  	v12 =	vor.u32 v13, v12;
	v13 =	vnsel vm0, $0x0, v9;
	v9 =	vld [tilespmem:s21+$0x1000]  }
0x99: {  	[tilespmem:s19+$0x1800] =	vst v12  }
0x9a: {  	[tilespmem:s19+$0x2000] =	vst v13;
	s19 =	smov.u32 s21  }
0x9b: {  	vm0 =	vge.s32 v10, v6  }
0x9c: {  	v12 =	vshll.u32 v10, $0x7;
	vm1 =	vlt.s32 v10, v7;
	v13 =	vshll.u32 v11, $0x8  }
0x9d: {  	v12 =	vand.u32 $0x7F80, v12;
	v11 =	vand.u32 $0x7F, v11;
	vm0 =	vmand vm0, vm1  }
0x9e: {  	v10 =	vand.u32 $0xFFFF8000, v13;
	v11 =	vor.u32 v12, v11;
	v9 =	vnsel vm0, $0x0, v9  }
0x9f: {  	v10 =	vor.u32 v10, v11;
	[tilespmem:s19+$0x2000] =	vst v9  }
0xa0: {  	[tilespmem:s19+$0x1800] =	vst v10  }
0xa1: {  	_ =	swait.ge [sflag:s15], $0x1000  }
0xa2: {  	[sflag:s15] =	ssyncset.done $0x0  }
0xa3: {  	[sflag:s15] =	ssyncadd.s32 $0xFFFFF000  }
0xa4: {  	[spmem:s22] =	stream.linear.scatter [tilespmem:s11], [sflag:$0x2], $0x8000, $0x38;
	[tilespmem:$0x12800] =	vst v63  }
0xa5: {  	_ =	swait.ge [sflag:s7], $0x8000  }
0xa6: {  	[sflag:s7] =	ssyncset.done $0x0  }
0xa7: {  	[sflag:s7] =	ssyncadd.s32 $0xFFFF8000  }
0xa8: {  	[bflag:$0x0] =	sbarrier.arrive $0xFFFF  }
0xa9: {  	[spmem:s17] =	stream.indirect.scatter.add.f32 [tilespmem:s14], [sflag:$0x2], $0x1, s12, s8, $0xb8;
	[tilespmem:$0x12800] =	vst v63  }
0xaa: {  	_ =	swait.ge [sflag:s7], $0x800  }
0xab: {  	[sflag:s7] =	ssyncset.done $0x0  }
0xac: {  	[sflag:s7] =	ssyncadd.s32 $0xFFFFF800  }
0xad: {  	[bflag:$0x0] =	sbarrier.arrive $0xFFFF  }
0xae: {  	s21 =	simm.s32 $0x0;
	s20 =	rddreg [dreg:$0x8]  }
0xaf: {  	[hbm:s20], [sflag:s16] =	dma.local [spmem:s18], $0x1000  }
0xb0: {  	[tilespmem:s21], [sflag:$0x2] =	stream.strided.gather [hbm4b:s25+s5], $0x800, s6, s5, $0x38;
	[tilespmem:$0x12800] =	vst v63  }
0xb1: {  	_ =	swait.ge [sflag:s7], $0x800  }
0xb2: {  	[sflag:s7] =	ssyncset.done $0x0  }
0xb3: {  	[sflag:s7] =	ssyncadd.s32 $0xFFFFF800  }
0xb4: {  	[tilespmem:s8], [sflag:$0x2] =	stream.strided.gather [hbm4b:s26+s5], $0x800, s6, s5, $0x38;
	[tilespmem:$0x12800] =	vst v63  }
0xb5: {  	_ =	swait.ge [sflag:s7], $0x800  }
0xb6: {  	[sflag:s7] =	ssyncset.done $0x0  }
0xb7: {  	[sflag:s7] =	ssyncadd.s32 $0xFFFFF800  }
0xb8: {  	[tilespmem:s10], [sflag:$0x2] =	stream.strided.gather [hbm4b:s28+s5], $0x800, s9, s5, $0x38;
	[tilespmem:$0x12800] =	vst v63  }
0xb9: {  	_ =	swait.ge [sflag:s7], $0x800  }
0xba: {  	[sflag:s7] =	ssyncset.done $0x0  }
0xbb: {  	s19 =	simm.s32 $0x0;
	[sflag:s7] =	ssyncadd.s32 $0xFFFFF800  }
0xbc: {  	v10 =	vld [tilespmem:s19+$0x0]  }
0xbd: {  	v11 =	vld [tilespmem:s19+$0x800];
	_ =	sdelay $0x1  }
0xbe: {  	v9 =	vld [tilespmem:s19+$0x1000]  }
0xbf: {  	s20 =	simm.s32 $0x40  }
.LBB2_12:
0xc0: {  	s21 =	sshra.s32 s20, $0x2;
	p0 =	sne.s32 s20, $0x1FC0;
	s20 =	sadd.s32 $0x40, s20;
	vm0 =	vge.s32 v10, v0;
	vm1 =	vlt.s32 v10, v1;
	v12 =	vshll.u32 v10, $0x7  }
.Ltmp5:
0xc1: {  	v10 =	vld [tilespmem:s21+$0x0];
	v13 =	vshll.u32 v11, $0x8;
	v12 =	vand.u32 $0x7F80, v12;
	v14 =	vand.u32 $0x7F, v11;
	(pc) =	sbr.rel @p0 .LBB2_12-.Ltmp5, $4  }
0xc2: {  	vm0 =	vmand vm0, vm1;
	v11 =	vld [tilespmem:s21+$0x800];
	v13 =	vand.u32 $0xFFFF8000, v13;
	v12 =	vor.u32 v12, v14  }
0xc3: {  	v12 =	vor.u32 v13, v12;
	v13 =	vnsel vm0, $0x0, v9;
	v9 =	vld [tilespmem:s21+$0x1000]  }
0xc4: {  	[tilespmem:s19+$0x1800] =	vst v12  }
0xc5: {  	[tilespmem:s19+$0x2000] =	vst v13;
	s19 =	smov.u32 s21  }
0xc6: {  	vm0 =	vge.s32 v10, v0  }
0xc7: {  	v12 =	vshll.u32 v10, $0x7;
	vm1 =	vlt.s32 v10, v1;
	v13 =	vshll.u32 v11, $0x8  }
0xc8: {  	v12 =	vand.u32 $0x7F80, v12;
	v11 =	vand.u32 $0x7F, v11;
	vm0 =	vmand vm0, vm1  }
0xc9: {  	v10 =	vand.u32 $0xFFFF8000, v13;
	v11 =	vor.u32 v12, v11;
	v9 =	vnsel vm0, $0x0, v9  }
0xca: {  	v10 =	vor.u32 v10, v11;
	[tilespmem:s19+$0x2000] =	vst v9  }
0xcb: {  	[tilespmem:s19+$0x1800] =	vst v10  }
0xcc: {  	_ =	swait.ge [sflag:s15], $0x1000  }
0xcd: {  	[sflag:s15] =	ssyncset.done $0x0  }
0xce: {  	[sflag:s15] =	ssyncadd.s32 $0xFFFFF000  }
0xcf: {  	[spmem:s22] =	stream.linear.scatter [tilespmem:s11], [sflag:$0x2], $0x8000, $0x38;
	[tilespmem:$0x12800] =	vst v63  }
0xd0: {  	_ =	swait.ge [sflag:s7], $0x8000  }
0xd1: {  	[sflag:s7] =	ssyncset.done $0x0  }
0xd2: {  	[sflag:s7] =	ssyncadd.s32 $0xFFFF8000  }
0xd3: {  	[bflag:$0x0] =	sbarrier.arrive $0xFFFF  }
0xd4: {  	[spmem:s17] =	stream.indirect.scatter.add.f32 [tilespmem:s14], [sflag:$0x2], $0x1, s12, s8, $0xb8;
	[tilespmem:$0x12800] =	vst v63  }
0xd5: {  	_ =	swait.ge [sflag:s7], $0x800  }
0xd6: {  	[sflag:s7] =	ssyncset.done $0x0  }
0xd7: {  	[sflag:s7] =	ssyncadd.s32 $0xFFFFF800  }
0xd8: {  	[bflag:$0x0] =	sbarrier.arrive $0xFFFF  }
0xd9: {  	s19 =	simm.s32 $0x0;
	s21 =	rddreg [dreg:$0x9]  }
0xda: {  	[hbm:s21], [sflag:s16] =	dma.local [spmem:s18], $0x1000  }
0xdb: {  	v10 =	vld [tilespmem:s19+$0x0]  }
0xdc: {  	v11 =	vld [tilespmem:s19+$0x800];
	_ =	sdelay $0x1  }
0xdd: {  	v9 =	vld [tilespmem:s19+$0x1000]  }
0xde: {  	s20 =	simm.s32 $0x40  }
.LBB2_14:
0xdf: {  	s21 =	sshra.s32 s20, $0x2;
	p0 =	sne.s32 s20, $0x1FC0;
	s20 =	sadd.s32 $0x40, s20;
	vm0 =	vge.s32 v10, v2;
	vm1 =	vlt.s32 v10, v3;
	v12 =	vshll.u32 v10, $0x7  }
.Ltmp6:
0xe0: {  	v10 =	vld [tilespmem:s21+$0x0];
	v13 =	vshll.u32 v11, $0x8;
	v12 =	vand.u32 $0x7F80, v12;
	v14 =	vand.u32 $0x7F, v11;
	(pc) =	sbr.rel @p0 .LBB2_14-.Ltmp6, $4  }
0xe1: {  	vm0 =	vmand vm0, vm1;
	v11 =	vld [tilespmem:s21+$0x800];
	v13 =	vand.u32 $0xFFFF8000, v13;
	v12 =	vor.u32 v12, v14  }
0xe2: {  	v12 =	vor.u32 v13, v12;
	v13 =	vnsel vm0, $0x0, v9;
	v9 =	vld [tilespmem:s21+$0x1000]  }
0xe3: {  	[tilespmem:s19+$0x1800] =	vst v12  }
0xe4: {  	[tilespmem:s19+$0x2000] =	vst v13;
	s19 =	smov.u32 s21  }
0xe5: {  	vm0 =	vge.s32 v10, v2  }
0xe6: {  	v12 =	vshll.u32 v10, $0x7;
	vm1 =	vlt.s32 v10, v3;
	v13 =	vshll.u32 v11, $0x8  }
0xe7: {  	v12 =	vand.u32 $0x7F80, v12;
	v11 =	vand.u32 $0x7F, v11;
	vm0 =	vmand vm0, vm1  }
0xe8: {  	v10 =	vand.u32 $0xFFFF8000, v13;
	v11 =	vor.u32 v12, v11;
	v9 =	vnsel vm0, $0x0, v9  }
0xe9: {  	v10 =	vor.u32 v10, v11;
	[tilespmem:s19+$0x2000] =	vst v9  }
0xea: {  	[tilespmem:s19+$0x1800] =	vst v10  }
0xeb: {  	_ =	swait.ge [sflag:s15], $0x1000  }
0xec: {  	[sflag:s15] =	ssyncset.done $0x0  }
0xed: {  	[sflag:s15] =	ssyncadd.s32 $0xFFFFF000  }
0xee: {  	[spmem:s22] =	stream.linear.scatter [tilespmem:s11], [sflag:$0x2], $0x8000, $0x38;
	[tilespmem:$0x12800] =	vst v63  }
0xef: {  	_ =	swait.ge [sflag:s7], $0x8000  }
0xf0: {  	[sflag:s7] =	ssyncset.done $0x0  }
0xf1: {  	[sflag:s7] =	ssyncadd.s32 $0xFFFF8000  }
0xf2: {  	[bflag:$0x0] =	sbarrier.arrive $0xFFFF  }
0xf3: {  	[spmem:s17] =	stream.indirect.scatter.add.f32 [tilespmem:s14], [sflag:$0x2], $0x1, s12, s8, $0xb8;
	[tilespmem:$0x12800] =	vst v63  }
0xf4: {  	_ =	swait.ge [sflag:s7], $0x800  }
0xf5: {  	[sflag:s7] =	ssyncset.done $0x0  }
0xf6: {  	[sflag:s7] =	ssyncadd.s32 $0xFFFFF800  }
0xf7: {  	[bflag:$0x0] =	sbarrier.arrive $0xFFFF  }
0xf8: {  	s19 =	simm.s32 $0x0;
	s21 =	rddreg [dreg:$0xa]  }
0xf9: {  	[hbm:s21], [sflag:s16] =	dma.local [spmem:s18], $0x1000  }
0xfa: {  	v10 =	vld [tilespmem:s19+$0x0]  }
0xfb: {  	v11 =	vld [tilespmem:s19+$0x800];
	_ =	sdelay $0x1  }
0xfc: {  	v9 =	vld [tilespmem:s19+$0x1000]  }
0xfd: {  	s20 =	simm.s32 $0x40  }
.LBB2_16:
0xfe: {  	s21 =	sshra.s32 s20, $0x2;
	p0 =	sne.s32 s20, $0x1FC0;
	s20 =	sadd.s32 $0x40, s20;
	vm0 =	vge.s32 v10, v4;
	vm1 =	vlt.s32 v10, v5;
	v12 =	vshll.u32 v10, $0x7  }
.Ltmp7:
0xff: {  	v10 =	vld [tilespmem:s21+$0x0];
	v13 =	vshll.u32 v11, $0x8;
	v12 =	vand.u32 $0x7F80, v12;
	v14 =	vand.u32 $0x7F, v11;
	(pc) =	sbr.rel @p0 .LBB2_16-.Ltmp7, $4  }
0x100: {  	vm0 =	vmand vm0, vm1;
	v11 =	vld [tilespmem:s21+$0x800];
	v13 =	vand.u32 $0xFFFF8000, v13;
	v12 =	vor.u32 v12, v14  }
0x101: {  	v12 =	vor.u32 v13, v12;
	v13 =	vnsel vm0, $0x0, v9;
	v9 =	vld [tilespmem:s21+$0x1000]  }
0x102: {  	[tilespmem:s19+$0x1800] =	vst v12  }
0x103: {  	[tilespmem:s19+$0x2000] =	vst v13;
	s19 =	smov.u32 s21  }
0x104: {  	vm0 =	vge.s32 v10, v4  }
0x105: {  	v12 =	vshll.u32 v10, $0x7;
	vm1 =	vlt.s32 v10, v5;
	v13 =	vshll.u32 v11, $0x8  }
0x106: {  	v12 =	vand.u32 $0x7F80, v12;
	v11 =	vand.u32 $0x7F, v11;
	vm0 =	vmand vm0, vm1  }
0x107: {  	v10 =	vand.u32 $0xFFFF8000, v13;
	v11 =	vor.u32 v12, v11;
	v9 =	vnsel vm0, $0x0, v9  }
0x108: {  	v10 =	vor.u32 v10, v11;
	[tilespmem:s19+$0x2000] =	vst v9  }
0x109: {  	[tilespmem:s19+$0x1800] =	vst v10  }
0x10a: {  	_ =	swait.ge [sflag:s15], $0x1000  }
0x10b: {  	[sflag:s15] =	ssyncset.done $0x0  }
0x10c: {  	[sflag:s15] =	ssyncadd.s32 $0xFFFFF000  }
0x10d: {  	[spmem:s22] =	stream.linear.scatter [tilespmem:s11], [sflag:$0x2], $0x8000, $0x38;
	[tilespmem:$0x12800] =	vst v63  }
0x10e: {  	_ =	swait.ge [sflag:s7], $0x8000  }
0x10f: {  	[sflag:s7] =	ssyncset.done $0x0  }
0x110: {  	[sflag:s7] =	ssyncadd.s32 $0xFFFF8000  }
0x111: {  	[bflag:$0x0] =	sbarrier.arrive $0xFFFF  }
0x112: {  	[spmem:s17] =	stream.indirect.scatter.add.f32 [tilespmem:s14], [sflag:$0x2], $0x1, s12, s8, $0xb8;
	[tilespmem:$0x12800] =	vst v63  }
0x113: {  	_ =	swait.ge [sflag:s7], $0x800  }
0x114: {  	[sflag:s7] =	ssyncset.done $0x0  }
0x115: {  	[sflag:s7] =	ssyncadd.s32 $0xFFFFF800  }
0x116: {  	[bflag:$0x0] =	sbarrier.arrive $0xFFFF  }
0x117: {  	s19 =	simm.s32 $0x0;
	s21 =	rddreg [dreg:$0xb]  }
0x118: {  	[hbm:s21], [sflag:s16] =	dma.local [spmem:s18], $0x1000  }
0x119: {  	v10 =	vld [tilespmem:s19+$0x0]  }
0x11a: {  	v11 =	vld [tilespmem:s19+$0x800];
	_ =	sdelay $0x1  }
0x11b: {  	v9 =	vld [tilespmem:s19+$0x1000]  }
0x11c: {  	s20 =	simm.s32 $0x40  }
.LBB2_18:
0x11d: {  	s21 =	sshra.s32 s20, $0x2;
	p0 =	sne.s32 s20, $0x1FC0;
	s20 =	sadd.s32 $0x40, s20;
	vm0 =	vge.s32 v10, v6;
	vm1 =	vlt.s32 v10, v7;
	v12 =	vshll.u32 v10, $0x7  }
.Ltmp8:
0x11e: {  	v10 =	vld [tilespmem:s21+$0x0];
	v13 =	vshll.u32 v11, $0x8;
	v12 =	vand.u32 $0x7F80, v12;
	v14 =	vand.u32 $0x7F, v11;
	(pc) =	sbr.rel @p0 .LBB2_18-.Ltmp8, $4  }
0x11f: {  	vm0 =	vmand vm0, vm1;
	v11 =	vld [tilespmem:s21+$0x800];
	v13 =	vand.u32 $0xFFFF8000, v13;
	v12 =	vor.u32 v12, v14  }
0x120: {  	v12 =	vor.u32 v13, v12;
	v13 =	vnsel vm0, $0x0, v9;
	v9 =	vld [tilespmem:s21+$0x1000]  }
0x121: {  	[tilespmem:s19+$0x1800] =	vst v12  }
0x122: {  	[tilespmem:s19+$0x2000] =	vst v13;
	s19 =	smov.u32 s21  }
0x123: {  	vm0 =	vge.s32 v10, v6  }
0x124: {  	v12 =	vshll.u32 v10, $0x7;
	vm1 =	vlt.s32 v10, v7;
	v13 =	vshll.u32 v11, $0x8  }
0x125: {  	v12 =	vand.u32 $0x7F80, v12;
	v11 =	vand.u32 $0x7F, v11;
	vm0 =	vmand vm0, vm1  }
0x126: {  	v10 =	vand.u32 $0xFFFF8000, v13;
	v11 =	vor.u32 v12, v11;
	v9 =	vnsel vm0, $0x0, v9  }
0x127: {  	v10 =	vor.u32 v10, v11;
	[tilespmem:s19+$0x2000] =	vst v9  }
0x128: {  	[tilespmem:s19+$0x1800] =	vst v10  }
0x129: {  	_ =	swait.ge [sflag:s15], $0x1000  }
0x12a: {  	[sflag:s15] =	ssyncset.done $0x0  }
0x12b: {  	[sflag:s15] =	ssyncadd.s32 $0xFFFFF000  }
0x12c: {  	[spmem:s22] =	stream.linear.scatter [tilespmem:s11], [sflag:$0x2], $0x8000, $0x38;
	[tilespmem:$0x12800] =	vst v63  }
0x12d: {  	_ =	swait.ge [sflag:s7], $0x8000  }
0x12e: {  	[sflag:s7] =	ssyncset.done $0x0  }
0x12f: {  	[sflag:s7] =	ssyncadd.s32 $0xFFFF8000  }
0x130: {  	[bflag:$0x0] =	sbarrier.arrive $0xFFFF  }
0x131: {  	[spmem:s17] =	stream.indirect.scatter.add.f32 [tilespmem:s14], [sflag:$0x2], $0x1, s12, s8, $0xb8;
	[tilespmem:$0x12800] =	vst v63  }
0x132: {  	_ =	swait.ge [sflag:s7], $0x800  }
0x133: {  	[sflag:s7] =	ssyncset.done $0x0  }
0x134: {  	[sflag:s7] =	ssyncadd.s32 $0xFFFFF800  }
0x135: {  	[bflag:$0x0] =	sbarrier.arrive $0xFFFF  }
0x136: {  	s21 =	simm.s32 $0x0;
	s20 =	rddreg [dreg:$0xc]  }
0x137: {  	[hbm:s20], [sflag:s16] =	dma.local [spmem:s18], $0x1000  }
0x138: {  	[tilespmem:s21], [sflag:$0x2] =	stream.strided.gather [hbm4b:s29+s5], $0x800, s6, s5, $0x38;
	[tilespmem:$0x12800] =	vst v63  }
0x139: {  	_ =	swait.ge [sflag:s7], $0x800  }
0x13a: {  	[sflag:s7] =	ssyncset.done $0x0  }
0x13b: {  	[sflag:s7] =	ssyncadd.s32 $0xFFFFF800  }
0x13c: {  	[tilespmem:s8], [sflag:$0x2] =	stream.strided.gather [hbm4b:s30+s5], $0x800, s6, s5, $0x38;
	[tilespmem:$0x12800] =	vst v63  }
0x13d: {  	_ =	swait.ge [sflag:s7], $0x800  }
0x13e: {  	[sflag:s7] =	ssyncset.done $0x0  }
0x13f: {  	[sflag:s7] =	ssyncadd.s32 $0xFFFFF800  }
0x140: {  	[tilespmem:s10], [sflag:$0x2] =	stream.strided.gather [hbm4b:s31+s5], $0x800, s9, s5, $0x38;
	[tilespmem:$0x12800] =	vst v63  }
0x141: {  	_ =	swait.ge [sflag:s7], $0x800  }
0x142: {  	[sflag:s7] =	ssyncset.done $0x0  }
0x143: {  	s19 =	simm.s32 $0x0;
	[sflag:s7] =	ssyncadd.s32 $0xFFFFF800  }
0x144: {  	v10 =	vld [tilespmem:s19+$0x0]  }
0x145: {  	v11 =	vld [tilespmem:s19+$0x800];
	_ =	sdelay $0x1  }
0x146: {  	v9 =	vld [tilespmem:s19+$0x1000]  }
0x147: {  	s20 =	simm.s32 $0x40  }
.LBB2_20:
0x148: {  	s21 =	sshra.s32 s20, $0x2;
	p0 =	sne.s32 s20, $0x1FC0;
	s20 =	sadd.s32 $0x40, s20;
	vm0 =	vge.s32 v10, v0;
	vm1 =	vlt.s32 v10, v1;
	v12 =	vshll.u32 v10, $0x7  }
.Ltmp9:
0x149: {  	v10 =	vld [tilespmem:s21+$0x0];
	v13 =	vshll.u32 v11, $0x8;
	v12 =	vand.u32 $0x7F80, v12;
	v14 =	vand.u32 $0x7F, v11;
	(pc) =	sbr.rel @p0 .LBB2_20-.Ltmp9, $4  }
0x14a: {  	vm0 =	vmand vm0, vm1;
	v11 =	vld [tilespmem:s21+$0x800];
	v13 =	vand.u32 $0xFFFF8000, v13;
	v12 =	vor.u32 v12, v14  }
0x14b: {  	v12 =	vor.u32 v13, v12;
	v13 =	vnsel vm0, $0x0, v9;
	v9 =	vld [tilespmem:s21+$0x1000]  }
0x14c: {  	[tilespmem:s19+$0x1800] =	vst v12  }
0x14d: {  	[tilespmem:s19+$0x2000] =	vst v13;
	s19 =	smov.u32 s21  }
0x14e: {  	vm0 =	vge.s32 v10, v0  }
0x14f: {  	v12 =	vshll.u32 v10, $0x7;
	vm1 =	vlt.s32 v10, v1;
	v13 =	vshll.u32 v11, $0x8  }
0x150: {  	v12 =	vand.u32 $0x7F80, v12;
	v11 =	vand.u32 $0x7F, v11;
	vm0 =	vmand vm0, vm1  }
0x151: {  	v10 =	vand.u32 $0xFFFF8000, v13;
	v11 =	vor.u32 v12, v11;
	v9 =	vnsel vm0, $0x0, v9  }
0x152: {  	v10 =	vor.u32 v10, v11;
	[tilespmem:s19+$0x2000] =	vst v9  }
0x153: {  	[tilespmem:s19+$0x1800] =	vst v10  }
0x154: {  	_ =	swait.ge [sflag:s15], $0x1000  }
0x155: {  	[sflag:s15] =	ssyncset.done $0x0  }
0x156: {  	[sflag:s15] =	ssyncadd.s32 $0xFFFFF000  }
0x157: {  	[spmem:s22] =	stream.linear.scatter [tilespmem:s11], [sflag:$0x2], $0x8000, $0x38;
	[tilespmem:$0x12800] =	vst v63  }
0x158: {  	_ =	swait.ge [sflag:s7], $0x8000  }
0x159: {  	[sflag:s7] =	ssyncset.done $0x0  }
0x15a: {  	[sflag:s7] =	ssyncadd.s32 $0xFFFF8000  }
0x15b: {  	[bflag:$0x0] =	sbarrier.arrive $0xFFFF  }
0x15c: {  	[spmem:s17] =	stream.indirect.scatter.add.f32 [tilespmem:s14], [sflag:$0x2], $0x1, s12, s8, $0xb8;
	[tilespmem:$0x12800] =	vst v63  }
0x15d: {  	_ =	swait.ge [sflag:s7], $0x800  }
0x15e: {  	[sflag:s7] =	ssyncset.done $0x0  }
0x15f: {  	[sflag:s7] =	ssyncadd.s32 $0xFFFFF800  }
0x160: {  	[bflag:$0x0] =	sbarrier.arrive $0xFFFF  }
0x161: {  	s19 =	simm.s32 $0x0;
	s21 =	rddreg [dreg:$0xd]  }
0x162: {  	[hbm:s21], [sflag:s16] =	dma.local [spmem:s18], $0x1000  }
0x163: {  	v10 =	vld [tilespmem:s19+$0x0]  }
0x164: {  	v11 =	vld [tilespmem:s19+$0x800];
	_ =	sdelay $0x1  }
0x165: {  	v9 =	vld [tilespmem:s19+$0x1000]  }
0x166: {  	s20 =	simm.s32 $0x40  }
.LBB2_22:
0x167: {  	s21 =	sshra.s32 s20, $0x2;
	p0 =	sne.s32 s20, $0x1FC0;
	s20 =	sadd.s32 $0x40, s20;
	vm0 =	vge.s32 v10, v2;
	vm1 =	vlt.s32 v10, v3;
	v12 =	vshll.u32 v10, $0x7  }
.Ltmp10:
0x168: {  	v10 =	vld [tilespmem:s21+$0x0];
	v13 =	vshll.u32 v11, $0x8;
	v12 =	vand.u32 $0x7F80, v12;
	v14 =	vand.u32 $0x7F, v11;
	(pc) =	sbr.rel @p0 .LBB2_22-.Ltmp10, $4  }
0x169: {  	vm0 =	vmand vm0, vm1;
	v11 =	vld [tilespmem:s21+$0x800];
	v13 =	vand.u32 $0xFFFF8000, v13;
	v12 =	vor.u32 v12, v14  }
0x16a: {  	v12 =	vor.u32 v13, v12;
	v13 =	vnsel vm0, $0x0, v9;
	v9 =	vld [tilespmem:s21+$0x1000]  }
0x16b: {  	[tilespmem:s19+$0x1800] =	vst v12  }
0x16c: {  	[tilespmem:s19+$0x2000] =	vst v13;
	s19 =	smov.u32 s21  }
0x16d: {  	vm0 =	vge.s32 v10, v2  }
0x16e: {  	v12 =	vshll.u32 v10, $0x7;
	vm1 =	vlt.s32 v10, v3;
	v13 =	vshll.u32 v11, $0x8  }
0x16f: {  	v12 =	vand.u32 $0x7F80, v12;
	v11 =	vand.u32 $0x7F, v11;
	vm0 =	vmand vm0, vm1  }
0x170: {  	v10 =	vand.u32 $0xFFFF8000, v13;
	v11 =	vor.u32 v12, v11;
	v9 =	vnsel vm0, $0x0, v9  }
0x171: {  	v10 =	vor.u32 v10, v11;
	[tilespmem:s19+$0x2000] =	vst v9  }
0x172: {  	[tilespmem:s19+$0x1800] =	vst v10  }
0x173: {  	_ =	swait.ge [sflag:s15], $0x1000  }
0x174: {  	[sflag:s15] =	ssyncset.done $0x0  }
0x175: {  	[sflag:s15] =	ssyncadd.s32 $0xFFFFF000  }
0x176: {  	[spmem:s22] =	stream.linear.scatter [tilespmem:s11], [sflag:$0x2], $0x8000, $0x38;
	[tilespmem:$0x12800] =	vst v63  }
0x177: {  	_ =	swait.ge [sflag:s7], $0x8000  }
0x178: {  	[sflag:s7] =	ssyncset.done $0x0  }
0x179: {  	[sflag:s7] =	ssyncadd.s32 $0xFFFF8000  }
0x17a: {  	[bflag:$0x0] =	sbarrier.arrive $0xFFFF  }
0x17b: {  	[spmem:s17] =	stream.indirect.scatter.add.f32 [tilespmem:s14], [sflag:$0x2], $0x1, s12, s8, $0xb8;
	[tilespmem:$0x12800] =	vst v63  }
0x17c: {  	_ =	swait.ge [sflag:s7], $0x800  }
0x17d: {  	[sflag:s7] =	ssyncset.done $0x0  }
0x17e: {  	[sflag:s7] =	ssyncadd.s32 $0xFFFFF800  }
0x17f: {  	[bflag:$0x0] =	sbarrier.arrive $0xFFFF  }
0x180: {  	s19 =	simm.s32 $0x0;
	s21 =	rddreg [dreg:$0xe]  }
0x181: {  	[hbm:s21], [sflag:s16] =	dma.local [spmem:s18], $0x1000  }
0x182: {  	v10 =	vld [tilespmem:s19+$0x0]  }
0x183: {  	v11 =	vld [tilespmem:s19+$0x800];
	_ =	sdelay $0x1  }
0x184: {  	v9 =	vld [tilespmem:s19+$0x1000]  }
0x185: {  	s20 =	simm.s32 $0x40  }
.LBB2_24:
0x186: {  	s21 =	sshra.s32 s20, $0x2;
	p0 =	sne.s32 s20, $0x1FC0;
	s20 =	sadd.s32 $0x40, s20;
	vm0 =	vge.s32 v10, v4;
	vm1 =	vlt.s32 v10, v5;
	v12 =	vshll.u32 v10, $0x7  }
.Ltmp11:
0x187: {  	v10 =	vld [tilespmem:s21+$0x0];
	v13 =	vshll.u32 v11, $0x8;
	v12 =	vand.u32 $0x7F80, v12;
	v14 =	vand.u32 $0x7F, v11;
	(pc) =	sbr.rel @p0 .LBB2_24-.Ltmp11, $4  }
0x188: {  	vm0 =	vmand vm0, vm1;
	v11 =	vld [tilespmem:s21+$0x800];
	v13 =	vand.u32 $0xFFFF8000, v13;
	v12 =	vor.u32 v12, v14  }
0x189: {  	v12 =	vor.u32 v13, v12;
	v13 =	vnsel vm0, $0x0, v9;
	v9 =	vld [tilespmem:s21+$0x1000]  }
0x18a: {  	[tilespmem:s19+$0x1800] =	vst v12  }
0x18b: {  	[tilespmem:s19+$0x2000] =	vst v13;
	s19 =	smov.u32 s21  }
0x18c: {  	vm0 =	vge.s32 v10, v4  }
0x18d: {  	v12 =	vshll.u32 v10, $0x7;
	vm1 =	vlt.s32 v10, v5;
	v13 =	vshll.u32 v11, $0x8  }
0x18e: {  	v12 =	vand.u32 $0x7F80, v12;
	v11 =	vand.u32 $0x7F, v11;
	vm0 =	vmand vm0, vm1  }
0x18f: {  	v10 =	vand.u32 $0xFFFF8000, v13;
	v11 =	vor.u32 v12, v11;
	v9 =	vnsel vm0, $0x0, v9  }
0x190: {  	v10 =	vor.u32 v10, v11;
	[tilespmem:s19+$0x2000] =	vst v9  }
0x191: {  	[tilespmem:s19+$0x1800] =	vst v10  }
0x192: {  	_ =	swait.ge [sflag:s15], $0x1000  }
0x193: {  	[sflag:s15] =	ssyncset.done $0x0  }
0x194: {  	[sflag:s15] =	ssyncadd.s32 $0xFFFFF000  }
0x195: {  	[spmem:s22] =	stream.linear.scatter [tilespmem:s11], [sflag:$0x2], $0x8000, $0x38;
	[tilespmem:$0x12800] =	vst v63  }
0x196: {  	_ =	swait.ge [sflag:s7], $0x8000  }
0x197: {  	[sflag:s7] =	ssyncset.done $0x0  }
0x198: {  	[sflag:s7] =	ssyncadd.s32 $0xFFFF8000  }
0x199: {  	[bflag:$0x0] =	sbarrier.arrive $0xFFFF  }
0x19a: {  	[spmem:s17] =	stream.indirect.scatter.add.f32 [tilespmem:s14], [sflag:$0x2], $0x1, s12, s8, $0xb8;
	[tilespmem:$0x12800] =	vst v63  }
0x19b: {  	_ =	swait.ge [sflag:s7], $0x800  }
0x19c: {  	[sflag:s7] =	ssyncset.done $0x0  }
0x19d: {  	[sflag:s7] =	ssyncadd.s32 $0xFFFFF800  }
0x19e: {  	[bflag:$0x0] =	sbarrier.arrive $0xFFFF  }
0x19f: {  	s19 =	simm.s32 $0x0;
	s21 =	rddreg [dreg:$0xf]  }
0x1a0: {  	[hbm:s21], [sflag:s16] =	dma.local [spmem:s18], $0x1000  }
0x1a1: {  	v10 =	vld [tilespmem:s19+$0x0]  }
0x1a2: {  	v11 =	vld [tilespmem:s19+$0x800];
	_ =	sdelay $0x1  }
0x1a3: {  	v9 =	vld [tilespmem:s19+$0x1000]  }
0x1a4: {  	s20 =	simm.s32 $0x40  }
.LBB2_26:
0x1a5: {  	s21 =	sshra.s32 s20, $0x2;
	p0 =	sne.s32 s20, $0x1FC0;
	s20 =	sadd.s32 $0x40, s20;
	vm0 =	vge.s32 v10, v6;
	vm1 =	vlt.s32 v10, v7;
	v12 =	vshll.u32 v10, $0x7  }
.Ltmp12:
0x1a6: {  	v10 =	vld [tilespmem:s21+$0x0];
	v13 =	vshll.u32 v11, $0x8;
	v12 =	vand.u32 $0x7F80, v12;
	v14 =	vand.u32 $0x7F, v11;
	(pc) =	sbr.rel @p0 .LBB2_26-.Ltmp12, $4  }
0x1a7: {  	vm0 =	vmand vm0, vm1;
	v11 =	vld [tilespmem:s21+$0x800];
	v13 =	vand.u32 $0xFFFF8000, v13;
	v12 =	vor.u32 v12, v14  }
0x1a8: {  	v12 =	vor.u32 v13, v12;
	v13 =	vnsel vm0, $0x0, v9;
	v9 =	vld [tilespmem:s21+$0x1000]  }
0x1a9: {  	[tilespmem:s19+$0x1800] =	vst v12  }
0x1aa: {  	[tilespmem:s19+$0x2000] =	vst v13;
	s19 =	smov.u32 s21  }
0x1ab: {  	vm0 =	vge.s32 v10, v6  }
0x1ac: {  	v12 =	vshll.u32 v10, $0x7;
	vm1 =	vlt.s32 v10, v7;
	v13 =	vshll.u32 v11, $0x8  }
0x1ad: {  	v12 =	vand.u32 $0x7F80, v12;
	v11 =	vand.u32 $0x7F, v11;
	vm0 =	vmand vm0, vm1  }
0x1ae: {  	v10 =	vand.u32 $0xFFFF8000, v13;
	v11 =	vor.u32 v12, v11;
	v9 =	vnsel vm0, $0x0, v9  }
0x1af: {  	v10 =	vor.u32 v10, v11;
	[tilespmem:s19+$0x2000] =	vst v9  }
0x1b0: {  	[tilespmem:s19+$0x1800] =	vst v10  }
0x1b1: {  	_ =	swait.ge [sflag:s15], $0x1000  }
0x1b2: {  	[sflag:s15] =	ssyncset.done $0x0  }
0x1b3: {  	[sflag:s15] =	ssyncadd.s32 $0xFFFFF000  }
0x1b4: {  	[spmem:s22] =	stream.linear.scatter [tilespmem:s11], [sflag:$0x2], $0x8000, $0x38;
	[tilespmem:$0x12800] =	vst v63  }
0x1b5: {  	_ =	swait.ge [sflag:s7], $0x8000  }
0x1b6: {  	[sflag:s7] =	ssyncset.done $0x0  }
0x1b7: {  	[sflag:s7] =	ssyncadd.s32 $0xFFFF8000  }
0x1b8: {  	[bflag:$0x0] =	sbarrier.arrive $0xFFFF  }
0x1b9: {  	[spmem:s17] =	stream.indirect.scatter.add.f32 [tilespmem:s14], [sflag:$0x2], $0x1, s12, s8, $0xb8;
	[tilespmem:$0x12800] =	vst v63  }
0x1ba: {  	_ =	swait.ge [sflag:s7], $0x800  }
0x1bb: {  	[sflag:s7] =	ssyncset.done $0x0  }
0x1bc: {  	[sflag:s7] =	ssyncadd.s32 $0xFFFFF800  }
0x1bd: {  	[bflag:$0x0] =	sbarrier.arrive $0xFFFF  }
0x1be: {  	s21 =	simm.s32 $0x0;
	s20 =	rddreg [dreg:$0x10]  }
0x1bf: {  	[hbm:s20], [sflag:s16] =	dma.local [spmem:s18], $0x1000  }
0x1c0: {  	[tilespmem:s21], [sflag:$0x2] =	stream.strided.gather [hbm4b:s13+s5], $0x800, s6, s5, $0x38;
	[tilespmem:$0x12800] =	vst v63  }
0x1c1: {  	_ =	swait.ge [sflag:s7], $0x800  }
0x1c2: {  	[sflag:s7] =	ssyncset.done $0x0  }
0x1c3: {  	[sflag:s7] =	ssyncadd.s32 $0xFFFFF800  }
0x1c4: {  	[tilespmem:s8], [sflag:$0x2] =	stream.strided.gather [hbm4b:s1+s5], $0x800, s6, s5, $0x38;
	[tilespmem:$0x12800] =	vst v63  }
0x1c5: {  	_ =	swait.ge [sflag:s7], $0x800  }
0x1c6: {  	[sflag:s7] =	ssyncset.done $0x0  }
0x1c7: {  	[sflag:s7] =	ssyncadd.s32 $0xFFFFF800  }
0x1c8: {  	[tilespmem:s10], [sflag:$0x2] =	stream.strided.gather [hbm4b:s4+s5], $0x800, s9, s5, $0x38;
	[tilespmem:$0x12800] =	vst v63  }
0x1c9: {  	_ =	swait.ge [sflag:s7], $0x800  }
0x1ca: {  	[sflag:s7] =	ssyncset.done $0x0  }
0x1cb: {  	s19 =	simm.s32 $0x0;
	[sflag:s7] =	ssyncadd.s32 $0xFFFFF800  }
0x1cc: {  	v10 =	vld [tilespmem:s19+$0x0]  }
0x1cd: {  	v11 =	vld [tilespmem:s19+$0x800];
	_ =	sdelay $0x1  }
0x1ce: {  	v9 =	vld [tilespmem:s19+$0x1000]  }
0x1cf: {  	s20 =	simm.s32 $0x40  }
.LBB2_28:
0x1d0: {  	s21 =	sshra.s32 s20, $0x2;
	p0 =	sne.s32 s20, $0x1FC0;
	s20 =	sadd.s32 $0x40, s20;
	vm0 =	vge.s32 v10, v0;
	vm1 =	vlt.s32 v10, v1;
	v12 =	vshll.u32 v10, $0x7  }
.Ltmp13:
0x1d1: {  	v10 =	vld [tilespmem:s21+$0x0];
	v13 =	vshll.u32 v11, $0x8;
	v12 =	vand.u32 $0x7F80, v12;
	v14 =	vand.u32 $0x7F, v11;
	(pc) =	sbr.rel @p0 .LBB2_28-.Ltmp13, $4  }
0x1d2: {  	vm0 =	vmand vm0, vm1;
	v11 =	vld [tilespmem:s21+$0x800];
	v13 =	vand.u32 $0xFFFF8000, v13;
	v12 =	vor.u32 v12, v14  }
0x1d3: {  	v12 =	vor.u32 v13, v12;
	v13 =	vnsel vm0, $0x0, v9;
	v9 =	vld [tilespmem:s21+$0x1000]  }
0x1d4: {  	[tilespmem:s19+$0x1800] =	vst v12  }
0x1d5: {  	[tilespmem:s19+$0x2000] =	vst v13;
	s19 =	smov.u32 s21  }
0x1d6: {  	vm0 =	vge.s32 v10, v0  }
0x1d7: {  	v12 =	vshll.u32 v10, $0x7;
	vm1 =	vlt.s32 v10, v1;
	v13 =	vshll.u32 v11, $0x8  }
0x1d8: {  	v12 =	vand.u32 $0x7F80, v12;
	v11 =	vand.u32 $0x7F, v11;
	vm0 =	vmand vm0, vm1  }
0x1d9: {  	v10 =	vand.u32 $0xFFFF8000, v13;
	v11 =	vor.u32 v12, v11;
	v9 =	vnsel vm0, $0x0, v9  }
0x1da: {  	v10 =	vor.u32 v10, v11;
	[tilespmem:s19+$0x2000] =	vst v9  }
0x1db: {  	[tilespmem:s19+$0x1800] =	vst v10  }
0x1dc: {  	_ =	swait.ge [sflag:s15], $0x1000  }
0x1dd: {  	[sflag:s15] =	ssyncset.done $0x0  }
0x1de: {  	[sflag:s15] =	ssyncadd.s32 $0xFFFFF000  }
0x1df: {  	[spmem:s22] =	stream.linear.scatter [tilespmem:s11], [sflag:$0x2], $0x8000, $0x38;
	[tilespmem:$0x12800] =	vst v63  }
0x1e0: {  	_ =	swait.ge [sflag:s7], $0x8000  }
0x1e1: {  	[sflag:s7] =	ssyncset.done $0x0  }
0x1e2: {  	[sflag:s7] =	ssyncadd.s32 $0xFFFF8000  }
0x1e3: {  	[bflag:$0x0] =	sbarrier.arrive $0xFFFF  }
0x1e4: {  	[spmem:s17] =	stream.indirect.scatter.add.f32 [tilespmem:s14], [sflag:$0x2], $0x1, s12, s8, $0xb8;
	[tilespmem:$0x12800] =	vst v63  }
0x1e5: {  	_ =	swait.ge [sflag:s7], $0x800  }
0x1e6: {  	[sflag:s7] =	ssyncset.done $0x0  }
0x1e7: {  	[sflag:s7] =	ssyncadd.s32 $0xFFFFF800  }
0x1e8: {  	[bflag:$0x0] =	sbarrier.arrive $0xFFFF  }
0x1e9: {  	s19 =	simm.s32 $0x0;
	s21 =	rddreg [dreg:$0x11]  }
0x1ea: {  	[hbm:s21], [sflag:s16] =	dma.local [spmem:s18], $0x1000  }
0x1eb: {  	v10 =	vld [tilespmem:s19+$0x0]  }
0x1ec: {  	v11 =	vld [tilespmem:s19+$0x800];
	_ =	sdelay $0x1  }
0x1ed: {  	v9 =	vld [tilespmem:s19+$0x1000]  }
0x1ee: {  	s20 =	simm.s32 $0x40  }
.LBB2_30:
0x1ef: {  	s21 =	sshra.s32 s20, $0x2;
	p0 =	sne.s32 s20, $0x1FC0;
	s20 =	sadd.s32 $0x40, s20;
	vm0 =	vge.s32 v10, v2;
	vm1 =	vlt.s32 v10, v3;
	v12 =	vshll.u32 v10, $0x7  }
.Ltmp14:
0x1f0: {  	v10 =	vld [tilespmem:s21+$0x0];
	v13 =	vshll.u32 v11, $0x8;
	v12 =	vand.u32 $0x7F80, v12;
	v14 =	vand.u32 $0x7F, v11;
	(pc) =	sbr.rel @p0 .LBB2_30-.Ltmp14, $4  }
0x1f1: {  	vm0 =	vmand vm0, vm1;
	v11 =	vld [tilespmem:s21+$0x800];
	v13 =	vand.u32 $0xFFFF8000, v13;
	v12 =	vor.u32 v12, v14  }
0x1f2: {  	v12 =	vor.u32 v13, v12;
	v13 =	vnsel vm0, $0x0, v9;
	v9 =	vld [tilespmem:s21+$0x1000]  }
0x1f3: {  	[tilespmem:s19+$0x1800] =	vst v12  }
0x1f4: {  	[tilespmem:s19+$0x2000] =	vst v13;
	s19 =	smov.u32 s21  }
0x1f5: {  	vm0 =	vge.s32 v10, v2  }
0x1f6: {  	v12 =	vshll.u32 v10, $0x7;
	vm1 =	vlt.s32 v10, v3;
	v13 =	vshll.u32 v11, $0x8  }
0x1f7: {  	v12 =	vand.u32 $0x7F80, v12;
	v11 =	vand.u32 $0x7F, v11;
	vm0 =	vmand vm0, vm1  }
0x1f8: {  	v10 =	vand.u32 $0xFFFF8000, v13;
	v11 =	vor.u32 v12, v11;
	v9 =	vnsel vm0, $0x0, v9  }
0x1f9: {  	v10 =	vor.u32 v10, v11;
	[tilespmem:s19+$0x2000] =	vst v9  }
0x1fa: {  	[tilespmem:s19+$0x1800] =	vst v10  }
0x1fb: {  	_ =	swait.ge [sflag:s15], $0x1000  }
0x1fc: {  	[sflag:s15] =	ssyncset.done $0x0  }
0x1fd: {  	[sflag:s15] =	ssyncadd.s32 $0xFFFFF000  }
0x1fe: {  	[spmem:s22] =	stream.linear.scatter [tilespmem:s11], [sflag:$0x2], $0x8000, $0x38;
	[tilespmem:$0x12800] =	vst v63  }
0x1ff: {  	_ =	swait.ge [sflag:s7], $0x8000  }
0x200: {  	[sflag:s7] =	ssyncset.done $0x0  }
0x201: {  	[sflag:s7] =	ssyncadd.s32 $0xFFFF8000  }
0x202: {  	[bflag:$0x0] =	sbarrier.arrive $0xFFFF  }
0x203: {  	[spmem:s17] =	stream.indirect.scatter.add.f32 [tilespmem:s14], [sflag:$0x2], $0x1, s12, s8, $0xb8;
	[tilespmem:$0x12800] =	vst v63  }
0x204: {  	_ =	swait.ge [sflag:s7], $0x800  }
0x205: {  	[sflag:s7] =	ssyncset.done $0x0  }
0x206: {  	[sflag:s7] =	ssyncadd.s32 $0xFFFFF800  }
0x207: {  	[bflag:$0x0] =	sbarrier.arrive $0xFFFF  }
0x208: {  	s19 =	simm.s32 $0x0;
	s21 =	rddreg [dreg:$0x12]  }
0x209: {  	[hbm:s21], [sflag:s16] =	dma.local [spmem:s18], $0x1000  }
0x20a: {  	v10 =	vld [tilespmem:s19+$0x0]  }
0x20b: {  	v11 =	vld [tilespmem:s19+$0x800];
	_ =	sdelay $0x1  }
0x20c: {  	v9 =	vld [tilespmem:s19+$0x1000]  }
0x20d: {  	s20 =	simm.s32 $0x40  }
.LBB2_32:
0x20e: {  	s21 =	sshra.s32 s20, $0x2;
	p0 =	sne.s32 s20, $0x1FC0;
	s20 =	sadd.s32 $0x40, s20;
	vm0 =	vge.s32 v10, v4;
	vm1 =	vlt.s32 v10, v5;
	v12 =	vshll.u32 v10, $0x7  }
.Ltmp15:
0x20f: {  	v10 =	vld [tilespmem:s21+$0x0];
	v13 =	vshll.u32 v11, $0x8;
	v12 =	vand.u32 $0x7F80, v12;
	v14 =	vand.u32 $0x7F, v11;
	(pc) =	sbr.rel @p0 .LBB2_32-.Ltmp15, $4  }
0x210: {  	vm0 =	vmand vm0, vm1;
	v11 =	vld [tilespmem:s21+$0x800];
	v13 =	vand.u32 $0xFFFF8000, v13;
	v12 =	vor.u32 v12, v14  }
0x211: {  	v12 =	vor.u32 v13, v12;
	v13 =	vnsel vm0, $0x0, v9;
	v9 =	vld [tilespmem:s21+$0x1000]  }
0x212: {  	[tilespmem:s19+$0x1800] =	vst v12  }
0x213: {  	[tilespmem:s19+$0x2000] =	vst v13;
	s19 =	smov.u32 s21  }
0x214: {  	vm0 =	vge.s32 v10, v4  }
0x215: {  	v12 =	vshll.u32 v10, $0x7;
	vm1 =	vlt.s32 v10, v5;
	v13 =	vshll.u32 v11, $0x8  }
0x216: {  	v12 =	vand.u32 $0x7F80, v12;
	v11 =	vand.u32 $0x7F, v11;
	vm0 =	vmand vm0, vm1  }
0x217: {  	v10 =	vand.u32 $0xFFFF8000, v13;
	v11 =	vor.u32 v12, v11;
	v9 =	vnsel vm0, $0x0, v9  }
0x218: {  	v10 =	vor.u32 v10, v11;
	[tilespmem:s19+$0x2000] =	vst v9  }
0x219: {  	[tilespmem:s19+$0x1800] =	vst v10  }
0x21a: {  	_ =	swait.ge [sflag:s15], $0x1000  }
0x21b: {  	[sflag:s15] =	ssyncset.done $0x0  }
0x21c: {  	[sflag:s15] =	ssyncadd.s32 $0xFFFFF000  }
0x21d: {  	[spmem:s22] =	stream.linear.scatter [tilespmem:s11], [sflag:$0x2], $0x8000, $0x38;
	[tilespmem:$0x12800] =	vst v63  }
0x21e: {  	_ =	swait.ge [sflag:s7], $0x8000  }
0x21f: {  	[sflag:s7] =	ssyncset.done $0x0  }
0x220: {  	[sflag:s7] =	ssyncadd.s32 $0xFFFF8000  }
0x221: {  	[bflag:$0x0] =	sbarrier.arrive $0xFFFF  }
0x222: {  	[spmem:s17] =	stream.indirect.scatter.add.f32 [tilespmem:s14], [sflag:$0x2], $0x1, s12, s8, $0xb8;
	[tilespmem:$0x12800] =	vst v63  }
0x223: {  	_ =	swait.ge [sflag:s7], $0x800  }
0x224: {  	[sflag:s7] =	ssyncset.done $0x0  }
0x225: {  	[sflag:s7] =	ssyncadd.s32 $0xFFFFF800  }
0x226: {  	[bflag:$0x0] =	sbarrier.arrive $0xFFFF  }
0x227: {  	s19 =	simm.s32 $0x0;
	s21 =	rddreg [dreg:$0x13]  }
0x228: {  	[hbm:s21], [sflag:s16] =	dma.local [spmem:s18], $0x1000  }
0x229: {  	v10 =	vld [tilespmem:s19+$0x0]  }
0x22a: {  	v11 =	vld [tilespmem:s19+$0x800];
	_ =	sdelay $0x1  }
0x22b: {  	v9 =	vld [tilespmem:s19+$0x1000]  }
0x22c: {  	s20 =	simm.s32 $0x40  }
.LBB2_34:
0x22d: {  	s21 =	sshra.s32 s20, $0x2;
	p0 =	sne.s32 s20, $0x1FC0;
	s20 =	sadd.s32 $0x40, s20;
	vm0 =	vge.s32 v10, v6;
	vm1 =	vlt.s32 v10, v7;
	v12 =	vshll.u32 v10, $0x7  }
.Ltmp16:
0x22e: {  	v10 =	vld [tilespmem:s21+$0x0];
	v13 =	vshll.u32 v11, $0x8;
	v12 =	vand.u32 $0x7F80, v12;
	v14 =	vand.u32 $0x7F, v11;
	(pc) =	sbr.rel @p0 .LBB2_34-.Ltmp16, $4  }
0x22f: {  	vm0 =	vmand vm0, vm1;
	v11 =	vld [tilespmem:s21+$0x800];
	v13 =	vand.u32 $0xFFFF8000, v13;
	v12 =	vor.u32 v12, v14  }
0x230: {  	v12 =	vor.u32 v13, v12;
	v13 =	vnsel vm0, $0x0, v9;
	v9 =	vld [tilespmem:s21+$0x1000]  }
0x231: {  	[tilespmem:s19+$0x1800] =	vst v12  }
0x232: {  	[tilespmem:s19+$0x2000] =	vst v13;
	s19 =	smov.u32 s21  }
0x233: {  	vm0 =	vge.s32 v10, v6  }
0x234: {  	v12 =	vshll.u32 v10, $0x7;
	vm1 =	vlt.s32 v10, v7;
	v13 =	vshll.u32 v11, $0x8  }
0x235: {  	v12 =	vand.u32 $0x7F80, v12;
	v11 =	vand.u32 $0x7F, v11;
	vm0 =	vmand vm0, vm1  }
0x236: {  	v10 =	vand.u32 $0xFFFF8000, v13;
	v11 =	vor.u32 v12, v11;
	v9 =	vnsel vm0, $0x0, v9  }
0x237: {  	v10 =	vor.u32 v10, v11;
	[tilespmem:s19+$0x2000] =	vst v9  }
0x238: {  	[tilespmem:s19+$0x1800] =	vst v10  }
0x239: {  	_ =	swait.ge [sflag:s15], $0x1000  }
0x23a: {  	[sflag:s15] =	ssyncset.done $0x0  }
0x23b: {  	[sflag:s15] =	ssyncadd.s32 $0xFFFFF000  }
0x23c: {  	[spmem:s22] =	stream.linear.scatter [tilespmem:s11], [sflag:$0x2], $0x8000, $0x38;
	[tilespmem:$0x12800] =	vst v63  }
0x23d: {  	_ =	swait.ge [sflag:s7], $0x8000  }
0x23e: {  	[sflag:s7] =	ssyncset.done $0x0  }
0x23f: {  	[sflag:s7] =	ssyncadd.s32 $0xFFFF8000  }
0x240: {  	[bflag:$0x0] =	sbarrier.arrive $0xFFFF  }
0x241: {  	[spmem:s17] =	stream.indirect.scatter.add.f32 [tilespmem:s14], [sflag:$0x2], $0x1, s12, s8, $0xb8;
	[tilespmem:$0x12800] =	vst v63  }
0x242: {  	_ =	swait.ge [sflag:s7], $0x800  }
0x243: {  	[sflag:s7] =	ssyncset.done $0x0  }
0x244: {  	s0 =	sadd.s32 $0x1, s0;
	[sflag:s7] =	ssyncadd.s32 $0xFFFFF800  }
0x245: {  	p0 =	sne.s32 s0, s23;
	[bflag:$0x0] =	sbarrier.arrive $0xFFFF  }
.Ltmp17:
0x246: {  	s21 =	rddreg [dreg:$0x14];
	(pc) =	sbr.rel @p0 .LBB2_1-.Ltmp17, $4  }
0x247: {  	[hbm:s21], [sflag:s16] =	dma.local [spmem:s18], $0x1000  }
0x248: {  	_ =	swait.ge [sflag:s15], $0x1000  }
0x249: {  	[sflag:s15] =	ssyncset.done $0x0  }
0x24a: {  	[sflag:s15] =	ssyncadd.s32 $0xFFFFF000  }
0x24b: {  	_ =	sfence.sel $0x180000  }
0x24c: {  	[bflag:$0x0] =	sbarrier.arrive $0xFFFF  }
0x24d: {  	_ =	strace $0x90000047  }
0x24e: {  	s0 =	stileid.u32;
	[bflag:$0x2] =	sbarrier.arrive $0xFFFF  }
0x24f: {  	p0 =	sne.s32 s0, $0x0;
	s0 =	rddreg [dreg:$0x4]  }
0x250: {  	s0 =	sadd.s32 @!p0 $0x100000, s0  }
0x251: {  	[sflag:s0] =	ssyncadd.tile.s32 @!p0 $0x1;
	_ =	shalt  }
.Lfunc_end2:
_tile_overlayer_lowered:
.L_overlay_start_2:
0x252: {  	(tag) =	ssettag $0x2  }
0x253: {  	s0 =	rddreg [dreg:$0x0];
	s2 =	stileid.u32  }
0x254: {  	s1 =	rddreg [dreg:$0x1];
	p0 =	sne.s32 s2, $0x0  }
0x255: {  	s3 =	rddreg [dreg:$0x2];
	[bflag:$0x3] =	sbarrier.arrive $0xFFFF;
	s2 =	simm.s32 @!p0 $0x1C02  }
0x256: {  	[timem:s3], [sflag:s2] =	dma.local @!p0 [hbm:s0], s1  }
0x257: {  	s0 =	simm.s32 @!p0 $0x2  }
0x258: {  	_ =	swait.ge @!p0 [sflag:s0], s1  }
0x259: {  	s1 =	ssub.s32 @!p0 $0x0, s1;
	[sflag:s0] =	ssyncset.done @!p0 $0x0  }
0x25a: {  	[sflag:s0] =	ssyncadd.s32 @!p0 s1  }
0x25b: {  	[bflag:$0x3] =	sbarrier.arrive $0xFFFF  }
0x25c: {  	_ =	shalt  }

</sc_bundles>
